<compile_context>
chip_gen: v7x
topology: tpu7x:2x2x1
jax: 0.10.2.dev20260603
libtpu: 0.0.44.dev20260713+nightly
codegen_flags: <defaults>
</compile_context>

<pallas_src>
import functools

import jax
import jax.numpy as jnp
from jax import lax
from jax.experimental import pallas as pl
from jax.experimental.pallas import tpu as pltpu
from jax.experimental.pallas import tpu_sc as plsc

N = 10000
E = 160000
D_IN = 256
D_OUT = 256
HALF = D_OUT // 2

NC = 2
NS = 16
L = 16

CHUNK = 128
NCHUNKS = E // CHUNK
ROWS_PER_TILE = N // NS
WB_BLK = 125


def _matmul_body(x_ref, w_ref, o_ref):
    o_ref[0] = jnp.dot(x_ref[...], w_ref[...],
                       preferred_element_type=jnp.float32)


def _support_halves(inputs, weight):
    br = 1000
    return pl.pallas_call(
        _matmul_body,
        grid=(NC, N // br),
        in_specs=[
            pl.BlockSpec((br, D_IN), lambda c, r: (r, 0)),
            pl.BlockSpec((D_IN, HALF), lambda c, r: (0, c)),
        ],
        out_specs=pl.BlockSpec((1, br, HALF), lambda c, r: (c, r, 0)),
        out_shape=jax.ShapeDtypeStruct((NC, N, HALF), jnp.float32),
    )(inputs, weight)


def _sc_scatter_kernel():
    mesh = plsc.VectorSubcoreMesh(core_axis_name="c", subcore_axis_name="s")

    @functools.partial(
        pl.kernel,
        mesh=mesh,
        out_type=jax.ShapeDtypeStruct((N, NC, HALF), jnp.float32),
        scratch_types=[
            pltpu.VMEM((CHUNK,), jnp.int32),
            pltpu.VMEM((CHUNK,), jnp.int32),
            pltpu.VMEM((CHUNK,), jnp.float32),
            pltpu.VMEM((CHUNK, HALF), jnp.float32),
            pltpu.VMEM((HALF,), jnp.float32),
            pltpu.VMEM((WB_BLK, HALF), jnp.float32),
            pltpu.VMEM_SHARED((N, HALF), jnp.float32),
            pltpu.SemaphoreType.DMA,
        ],
    )
    def sc_scatter(support_hbm, src_hbm, dst_hbm, w_hbm, bias_hbm, out_hbm,
                   src_v, dst_v, w_v, rows_v, bias_v, init_v, acc, sem):
        c = lax.axis_index("c")
        s = lax.axis_index("s")
        row_base = s * ROWS_PER_TILE

        pltpu.sync_copy(bias_hbm.at[c], bias_v)
        bregs = [bias_v[pl.ds(j * L, L)] for j in range(HALF // L)]

        def init_row(r, _):
            for j in range(HALF // L):
                init_v[r, pl.ds(j * L, L)] = bregs[j]
            return 0

        lax.fori_loop(0, WB_BLK, init_row, 0)
        for k in range(ROWS_PER_TILE // WB_BLK):
            pltpu.sync_copy(init_v,
                            acc.at[pl.ds(row_base + k * WB_BLK, WB_BLK)])
        plsc.subcore_barrier()

        nchunks = jnp.where(s < (NCHUNKS % NS), NCHUNKS // NS + 1,
                            NCHUNKS // NS)

        def chunk_body(i, _):
            base = (s + i * NS) * CHUNK
            pltpu.sync_copy(src_hbm.at[pl.ds(base, CHUNK)], src_v)
            pltpu.sync_copy(dst_hbm.at[pl.ds(base, CHUNK)], dst_v)
            pltpu.sync_copy(w_hbm.at[pl.ds(base, CHUNK)], w_v)
            off = c * N
            for j in range(CHUNK // L):
                src_v[pl.ds(j * L, L)] = src_v[pl.ds(j * L, L)] + off
            pltpu.async_copy(support_hbm.at[src_v], rows_v, sem).wait()

            gdn = lax.GatherDimensionNumbers(
                offset_dims=(), collapsed_slice_dims=(0,),
                start_index_map=(0,))

            def group_body(g, _):
                wv = w_v[pl.ds(g * L, L)]
                for k in range(L):
                    w_splat = lax.gather(
                        wv, jnp.full((L, 1), k, jnp.int32), gdn,
                        slice_sizes=(1,),
                        mode=lax.GatherScatterMode.PROMISE_IN_BOUNDS)
                    e = g * L + k
                    for j in range(HALF // L):
                        rows_v[e, pl.ds(j * L, L)] = (
                            rows_v[e, pl.ds(j * L, L)] * w_splat)
                return 0

            lax.fori_loop(0, CHUNK // L, group_body, 0)
            pltpu.sync_copy(rows_v, acc.at[dst_v], add=True)
            return 0

        lax.fori_loop(0, nchunks, chunk_body, 0)
        plsc.subcore_barrier()

        for k in range(ROWS_PER_TILE // WB_BLK):
            rb = row_base + k * WB_BLK
            pltpu.sync_copy(acc.at[pl.ds(rb, WB_BLK)],
                            out_hbm.at[pl.ds(rb, WB_BLK), c])

    return sc_scatter


def kernel(edge_index, edge_weight, inputs, weight, bias):
    support2 = _support_halves(inputs, weight)
    support_flat = support2.reshape(NC * N, HALF)
    dst = edge_index[0].astype(jnp.int32)
    src = edge_index[1].astype(jnp.int32)
    bias2 = bias.reshape(NC, HALF)
    out = _sc_scatter_kernel()(support_flat, src, dst, edge_weight, bias2)
    return out.reshape(N, D_OUT)

# --- scband reference (transcript-rebuilt; emitter-appended) ---
"""Pipeline reference for scband-graph-convolution-54477365183264 (READ-ONLY COPY).

The authoritative reference and input builder live on the scoring server;
editing this copy changes nothing except your own understanding.
"""

import jax, jax.numpy as jnp
import numpy as np

N = 10000
E = 160000
D_IN = 256
D_OUT = 256


def setup_inputs(seed: int = 0) -> dict:
    key = jax.random.key(seed)
    k1, k2, k3, k4 = jax.random.split(key, 4)
    # adjacency in COO form: row 0 = dst (row index), row 1 = src (col index)
    edge_index = jax.random.randint(k1, (2, E), 0, N)
    edge_weight = jax.random.uniform(k2, (E,), dtype=jnp.float32)
    inputs = jax.random.normal(k3, (N, D_IN), dtype=jnp.float32)
    # kaiming_uniform-style init for weight [D_IN, D_OUT]
    bound = float(np.sqrt(6.0 / D_IN))
    weight = jax.random.uniform(k4, (D_IN, D_OUT), minval=-bound, maxval=bound, dtype=jnp.float32)
    bias = jnp.zeros((D_OUT,), dtype=jnp.float32)
    return {
        "edge_index": edge_index,
        "edge_weight": edge_weight,
        "inputs": inputs,
        "weight": weight,
        "bias": bias,
    }


def reference(edge_index, edge_weight, inputs, weight, bias):
    # support = inputs @ W
    support = inputs @ weight
    # output = sparse_adjacency @ support, i.e. out[dst] += w_e * support[src]
    dst = edge_index[0]
    src = edge_index[1]
    msg = edge_weight[:, None] * jnp.take(support, src, axis=0)
    output = jnp.zeros((N, D_OUT), dtype=support.dtype).at[dst].add(msg)
    output = output + bias
    return output

if __name__ == "__main__":
    import jax
    _d = setup_inputs()
    print(jax.jit(kernel)(*tuple(_d.values())))

</pallas_src>

<mosaic_0001>
#map = affine_map<(d0, d1) -> (0, 0)>
#map1 = affine_map<(d0, d1) -> (0)>
#map2 = affine_map<(d0, d1) -> (0, 0, 0)>
module attributes {stable_mosaic.version = 14 : i64} {
  func.func @sc_scatter(%arg0: i32, %arg1: i32, %arg2: memref<20000x128xf32, #tpu.memory_space<hbm>>, %arg3: memref<160000xi32, #tpu.memory_space<hbm>>, %arg4: memref<160000xi32, #tpu.memory_space<hbm>>, %arg5: memref<160000xf32, #tpu.memory_space<hbm>>, %arg6: memref<2x128xf32, #tpu.memory_space<hbm>>, %arg7: memref<10000x2x128xf32, #tpu.memory_space<hbm>>, %arg8: memref<128xi32, #tpu.memory_space<vmem>>, %arg9: memref<128xi32, #tpu.memory_space<vmem>>, %arg10: memref<128xf32, #tpu.memory_space<vmem>>, %arg11: memref<128x128xf32, #tpu.memory_space<vmem>>, %arg12: memref<128xf32, #tpu.memory_space<vmem>>, %arg13: memref<125x128xf32, #tpu.memory_space<vmem>>, %arg14: memref<10000x128xf32, #tpu.memory_space<vmem_shared>>, %arg15: memref<!tpu.dma_semaphore, #tpu.memory_space<semaphore_mem>>) attributes {dimension_semantics = [#tpu.dimension_semantics<core_parallel>, #tpu.dimension_semantics<subcore_parallel>], iteration_bounds = array<i64: 2, 16>, scalar_prefetch = 0 : i64, scratch_operands = 8 : i64, tpu.core_type = #tpu.core_type<sc_vector_subcore>, window_params = [{transform_indices = #map}, {transform_indices = #map1}, {transform_indices = #map1}, {transform_indices = #map1}, {transform_indices = #map}, {transform_indices = #map2}]} {
    %mul3A = arith.constant 625 : i32
    %mul3A_0 = arith.muli %arg1, %mul3A : i32
    "tpu.region"() ({
      %run_scoped3A = tpu.sem_alloc : memref<!tpu.dma_semaphore, #tpu.memory_space<semaphore_mem>>
      %dma_start3A = arith.constant 0 : i32
      %dma_start3A_63 = tpu.memref_slice %arg6[%arg0, %dma_start3A] : memref<2x128xf32, #tpu.memory_space<hbm>> -> memref<1x128xf32, #tpu.memory_space<hbm>>
      %dma_start3A_64 = tpu.memref_squeeze %dma_start3A_63 : memref<1x128xf32, #tpu.memory_space<hbm>> -> memref<128xf32, #tpu.memory_space<hbm>>
      %dma_start3A_65 = arith.constant 0 : i32
      %dma_start3A_66 = tpu.memref_slice %arg6[%arg0, %dma_start3A_65] : memref<2x128xf32, #tpu.memory_space<hbm>> -> memref<1x128xf32, #tpu.memory_space<hbm>>
      %dma_start3A_67 = tpu.memref_squeeze %dma_start3A_66 : memref<1x128xf32, #tpu.memory_space<hbm>> -> memref<128xf32, #tpu.memory_space<hbm>>
      tpu.enqueue_dma source(%dma_start3A_67 : memref<128xf32, #tpu.memory_space<hbm>>) target(%arg12 : memref<128xf32, #tpu.memory_space<vmem>>) target_semaphore(%run_scoped3A : memref<!tpu.dma_semaphore, #tpu.memory_space<semaphore_mem>>)
      %dma_wait3A = arith.constant 0 : i32
      %dma_wait3A_68 = tpu.memref_slice %arg6[%arg0, %dma_wait3A] : memref<2x128xf32, #tpu.memory_space<hbm>> -> memref<1x128xf32, #tpu.memory_space<hbm>>
      %dma_wait3A_69 = tpu.memref_squeeze %dma_wait3A_68 : memref<1x128xf32, #tpu.memory_space<hbm>> -> memref<128xf32, #tpu.memory_space<hbm>>
      %dma_wait3A_70 = arith.constant 0 : i32
      %dma_wait3A_71 = tpu.memref_slice %arg6[%arg0, %dma_wait3A_70] : memref<2x128xf32, #tpu.memory_space<hbm>> -> memref<1x128xf32, #tpu.memory_space<hbm>>
      %dma_wait3A_72 = tpu.memref_squeeze %dma_wait3A_71 : memref<1x128xf32, #tpu.memory_space<hbm>> -> memref<128xf32, #tpu.memory_space<hbm>>
      tpu.wait_dma2 semaphore(%run_scoped3A : memref<!tpu.dma_semaphore, #tpu.memory_space<semaphore_mem>>) src(%dma_wait3A_72 : memref<128xf32, #tpu.memory_space<hbm>>) dst(%arg12 : memref<128xf32, #tpu.memory_space<vmem>>)
      tpu.yield
    }) : () -> ()
    %get3A = arith.constant 0 : index
    %get3A_1 = tpu.vector_load %arg12[%get3A] {strides = array<i32>} : memref<128xf32, #tpu.memory_space<vmem>>, vector<16xf32>,
    %get3A_2 = vector.shape_cast %get3A_1 : vector<16xf32> to vector<16xf32>
    %get3A_3 = arith.constant 16 : index
    %get3A_4 = tpu.vector_load %arg12[%get3A_3] {strides = array<i32>} : memref<128xf32, #tpu.memory_space<vmem>>, vector<16xf32>,
    %get3A_5 = vector.shape_cast %get3A_4 : vector<16xf32> to vector<16xf32>
    %get3A_6 = arith.constant 32 : index
    %get3A_7 = tpu.vector_load %arg12[%get3A_6] {strides = array<i32>} : memref<128xf32, #tpu.memory_space<vmem>>, vector<16xf32>,
    %get3A_8 = vector.shape_cast %get3A_7 : vector<16xf32> to vector<16xf32>
    %get3A_9 = arith.constant 48 : index
    %get3A_10 = tpu.vector_load %arg12[%get3A_9] {strides = array<i32>} : memref<128xf32, #tpu.memory_space<vmem>>, vector<16xf32>,
    %get3A_11 = vector.shape_cast %get3A_10 : vector<16xf32> to vector<16xf32>
    %get3A_12 = arith.constant 64 : index
    %get3A_13 = tpu.vector_load %arg12[%get3A_12] {strides = array<i32>} : memref<128xf32, #tpu.memory_space<vmem>>, vector<16xf32>,
    %get3A_14 = vector.shape_cast %get3A_13 : vector<16xf32> to vector<16xf32>
    %get3A_15 = arith.constant 80 : index
    %get3A_16 = tpu.vector_load %arg12[%get3A_15] {strides = array<i32>} : memref<128xf32, #tpu.memory_space<vmem>>, vector<16xf32>,
    %get3A_17 = vector.shape_cast %get3A_16 : vector<16xf32> to vector<16xf32>
    %get3A_18 = arith.constant 96 : index
    %get3A_19 = tpu.vector_load %arg12[%get3A_18] {strides = array<i32>} : memref<128xf32, #tpu.memory_space<vmem>>, vector<16xf32>,
    %get3A_20 = vector.shape_cast %get3A_19 : vector<16xf32> to vector<16xf32>
    %get3A_21 = arith.constant 112 : index
    %get3A_22 = tpu.vector_load %arg12[%get3A_21] {strides = array<i32>} : memref<128xf32, #tpu.memory_space<vmem>>, vector<16xf32>,
    %get3A_23 = vector.shape_cast %get3A_22 : vector<16xf32> to vector<16xf32>
    %scan3A = arith.constant 0 : i32
    %scan3A_24 = arith.constant 0 : i32
    %scan3A_25 = arith.constant 125 : i32
    %scan3A_26 = arith.addi %scan3A_24, %scan3A_25 : i32
    %scan3A_27 = arith.constant 1 : i32
    %scan3A_28 = scf.for %scan3A_63 = %scan3A_24 to %scan3A_26 step %scan3A_27 iter_args(%scan3A_64 = %scan3A) -> (i32)  : i32 {
      %swap3A = arith.index_cast %scan3A_63 : i32 to index
      %swap3A_65 = arith.constant 0 : index
      %swap3A_66 = tpu.vector_load %arg13[%swap3A, %swap3A_65] {strides = array<i32>} : memref<125x128xf32, #tpu.memory_space<vmem>>, vector<1x16xf32>,
      %swap3A_67 = vector.shape_cast %swap3A_66 : vector<1x16xf32> to vector<16xf32>
      %swap3A_68 = vector.shape_cast %get3A_2 : vector<16xf32> to vector<1x16xf32>
      tpu.vector_store %arg13[%swap3A, %swap3A_65], %swap3A_68 {strides = array<i32>} : memref<125x128xf32, #tpu.memory_space<vmem>>, vector<1x16xf32>,
      %swap3A_69 = arith.index_cast %scan3A_63 : i32 to index
      %swap3A_70 = arith.constant 16 : index
      %swap3A_71 = tpu.vector_load %arg13[%swap3A_69, %swap3A_70] {strides = array<i32>} : memref<125x128xf32, #tpu.memory_space<vmem>>, vector<1x16xf32>,
      %swap3A_72 = vector.shape_cast %swap3A_71 : vector<1x16xf32> to vector<16xf32>
      %swap3A_73 = vector.shape_cast %get3A_5 : vector<16xf32> to vector<1x16xf32>
      tpu.vector_store %arg13[%swap3A_69, %swap3A_70], %swap3A_73 {strides = array<i32>} : memref<125x128xf32, #tpu.memory_space<vmem>>, vector<1x16xf32>,
      %swap3A_74 = arith.index_cast %scan3A_63 : i32 to index
      %swap3A_75 = arith.constant 32 : index
      %swap3A_76 = tpu.vector_load %arg13[%swap3A_74, %swap3A_75] {strides = array<i32>} : memref<125x128xf32, #tpu.memory_space<vmem>>, vector<1x16xf32>,
      %swap3A_77 = vector.shape_cast %swap3A_76 : vector<1x16xf32> to vector<16xf32>
      %swap3A_78 = vector.shape_cast %get3A_8 : vector<16xf32> to vector<1x16xf32>
      tpu.vector_store %arg13[%swap3A_74, %swap3A_75], %swap3A_78 {strides = array<i32>} : memref<125x128xf32, #tpu.memory_space<vmem>>, vector<1x16xf32>,
      %swap3A_79 = arith.index_cast %scan3A_63 : i32 to index
      %swap3A_80 = arith.constant 48 : index
      %swap3A_81 = tpu.vector_load %arg13[%swap3A_79, %swap3A_80] {strides = array<i32>} : memref<125x128xf32, #tpu.memory_space<vmem>>, vector<1x16xf32>,
      %swap3A_82 = vector.shape_cast %swap3A_81 : vector<1x16xf32> to vector<16xf32>
      %swap3A_83 = vector.shape_cast %get3A_11 : vector<16xf32> to vector<1x16xf32>
      tpu.vector_store %arg13[%swap3A_79, %swap3A_80], %swap3A_83 {strides = array<i32>} : memref<125x128xf32, #tpu.memory_space<vmem>>, vector<1x16xf32>,
      %swap3A_84 = arith.index_cast %scan3A_63 : i32 to index
      %swap3A_85 = arith.constant 64 : index
      %swap3A_86 = tpu.vector_load %arg13[%swap3A_84, %swap3A_85] {strides = array<i32>} : memref<125x128xf32, #tpu.memory_space<vmem>>, vector<1x16xf32>,
      %swap3A_87 = vector.shape_cast %swap3A_86 : vector<1x16xf32> to vector<16xf32>
      %swap3A_88 = vector.shape_cast %get3A_14 : vector<16xf32> to vector<1x16xf32>
      tpu.vector_store %arg13[%swap3A_84, %swap3A_85], %swap3A_88 {strides = array<i32>} : memref<125x128xf32, #tpu.memory_space<vmem>>, vector<1x16xf32>,
      %swap3A_89 = arith.index_cast %scan3A_63 : i32 to index
      %swap3A_90 = arith.constant 80 : index
      %swap3A_91 = tpu.vector_load %arg13[%swap3A_89, %swap3A_90] {strides = array<i32>} : memref<125x128xf32, #tpu.memory_space<vmem>>, vector<1x16xf32>,
      %swap3A_92 = vector.shape_cast %swap3A_91 : vector<1x16xf32> to vector<16xf32>
      %swap3A_93 = vector.shape_cast %get3A_17 : vector<16xf32> to vector<1x16xf32>
      tpu.vector_store %arg13[%swap3A_89, %swap3A_90], %swap3A_93 {strides = array<i32>} : memref<125x128xf32, #tpu.memory_space<vmem>>, vector<1x16xf32>,
      %swap3A_94 = arith.index_cast %scan3A_63 : i32 to index
      %swap3A_95 = arith.constant 96 : index
      %swap3A_96 = tpu.vector_load %arg13[%swap3A_94, %swap3A_95] {strides = array<i32>} : memref<125x128xf32, #tpu.memory_space<vmem>>, vector<1x16xf32>,
      %swap3A_97 = vector.shape_cast %swap3A_96 : vector<1x16xf32> to vector<16xf32>
      %swap3A_98 = vector.shape_cast %get3A_20 : vector<16xf32> to vector<1x16xf32>
      tpu.vector_store %arg13[%swap3A_94, %swap3A_95], %swap3A_98 {strides = array<i32>} : memref<125x128xf32, #tpu.memory_space<vmem>>, vector<1x16xf32>,
      %swap3A_99 = arith.index_cast %scan3A_63 : i32 to index
      %swap3A_100 = arith.constant 112 : index
      %swap3A_101 = tpu.vector_load %arg13[%swap3A_99, %swap3A_100] {strides = array<i32>} : memref<125x128xf32, #tpu.memory_space<vmem>>, vector<1x16xf32>,
      %swap3A_102 = vector.shape_cast %swap3A_101 : vector<1x16xf32> to vector<16xf32>
      %swap3A_103 = vector.shape_cast %get3A_23 : vector<16xf32> to vector<1x16xf32>
      tpu.vector_store %arg13[%swap3A_99, %swap3A_100], %swap3A_103 {strides = array<i32>} : memref<125x128xf32, #tpu.memory_space<vmem>>, vector<1x16xf32>,
      %scan3A_104 = arith.constant 0 : i32
      scf.yield %scan3A_104 : i32
    }
    %scan3A_29 = arith.constant 125 : i32
    %add3A = arith.constant 0 : i32
    %add3A_30 = arith.addi %mul3A_0, %add3A : i32
    "tpu.region"() ({
      %run_scoped3A = tpu.sem_alloc : memref<!tpu.dma_semaphore, #tpu.memory_space<semaphore_mem>>
      %dma_start3A = arith.constant 0 : i32
      %dma_start3A_63 = tpu.memref_slice %arg14[%add3A_30, %dma_start3A] : memref<10000x128xf32, #tpu.memory_space<vmem_shared>> -> memref<125x128xf32, #tpu.memory_space<vmem_shared>>
      %dma_start3A_64 = arith.constant 0 : i32
      %dma_start3A_65 = tpu.memref_slice %arg14[%add3A_30, %dma_start3A_64] : memref<10000x128xf32, #tpu.memory_space<vmem_shared>> -> memref<125x128xf32, #tpu.memory_space<vmem_shared>>
      tpu.enqueue_dma source(%arg13 : memref<125x128xf32, #tpu.memory_space<vmem>>) target(%dma_start3A_65 : memref<125x128xf32, #tpu.memory_space<vmem_shared>>) target_semaphore(%run_scoped3A : memref<!tpu.dma_semaphore, #tpu.memory_space<semaphore_mem>>)
      %dma_wait3A = arith.constant 0 : i32
      %dma_wait3A_66 = tpu.memref_slice %arg14[%add3A_30, %dma_wait3A] : memref<10000x128xf32, #tpu.memory_space<vmem_shared>> -> memref<125x128xf32, #tpu.memory_space<vmem_shared>>
      %dma_wait3A_67 = arith.constant 0 : i32
      %dma_wait3A_68 = tpu.memref_slice %arg14[%add3A_30, %dma_wait3A_67] : memref<10000x128xf32, #tpu.memory_space<vmem_shared>> -> memref<125x128xf32, #tpu.memory_space<vmem_shared>>
      tpu.wait_dma2 semaphore(%run_scoped3A : memref<!tpu.dma_semaphore, #tpu.memory_space<semaphore_mem>>) src(%arg13 : memref<125x128xf32, #tpu.memory_space<vmem>>) dst(%dma_wait3A_68 : memref<125x128xf32, #tpu.memory_space<vmem_shared>>)
      tpu.yield
    }) : () -> ()
    %add3A_31 = arith.constant 125 : i32
    %add3A_32 = arith.addi %mul3A_0, %add3A_31 : i32
    "tpu.region"() ({
      %run_scoped3A = tpu.sem_alloc : memref<!tpu.dma_semaphore, #tpu.memory_space<semaphore_mem>>
      %dma_start3A = arith.constant 0 : i32
      %dma_start3A_63 = tpu.memref_slice %arg14[%add3A_32, %dma_start3A] : memref<10000x128xf32, #tpu.memory_space<vmem_shared>> -> memref<125x128xf32, #tpu.memory_space<vmem_shared>>
      %dma_start3A_64 = arith.constant 0 : i32
      %dma_start3A_65 = tpu.memref_slice %arg14[%add3A_32, %dma_start3A_64] : memref<10000x128xf32, #tpu.memory_space<vmem_shared>> -> memref<125x128xf32, #tpu.memory_space<vmem_shared>>
      tpu.enqueue_dma source(%arg13 : memref<125x128xf32, #tpu.memory_space<vmem>>) target(%dma_start3A_65 : memref<125x128xf32, #tpu.memory_space<vmem_shared>>) target_semaphore(%run_scoped3A : memref<!tpu.dma_semaphore, #tpu.memory_space<semaphore_mem>>)
      %dma_wait3A = arith.constant 0 : i32
      %dma_wait3A_66 = tpu.memref_slice %arg14[%add3A_32, %dma_wait3A] : memref<10000x128xf32, #tpu.memory_space<vmem_shared>> -> memref<125x128xf32, #tpu.memory_space<vmem_shared>>
      %dma_wait3A_67 = arith.constant 0 : i32
      %dma_wait3A_68 = tpu.memref_slice %arg14[%add3A_32, %dma_wait3A_67] : memref<10000x128xf32, #tpu.memory_space<vmem_shared>> -> memref<125x128xf32, #tpu.memory_space<vmem_shared>>
      tpu.wait_dma2 semaphore(%run_scoped3A : memref<!tpu.dma_semaphore, #tpu.memory_space<semaphore_mem>>) src(%arg13 : memref<125x128xf32, #tpu.memory_space<vmem>>) dst(%dma_wait3A_68 : memref<125x128xf32, #tpu.memory_space<vmem_shared>>)
      tpu.yield
    }) : () -> ()
    %add3A_33 = arith.constant 250 : i32
    %add3A_34 = arith.addi %mul3A_0, %add3A_33 : i32
    "tpu.region"() ({
      %run_scoped3A = tpu.sem_alloc : memref<!tpu.dma_semaphore, #tpu.memory_space<semaphore_mem>>
      %dma_start3A = arith.constant 0 : i32
      %dma_start3A_63 = tpu.memref_slice %arg14[%add3A_34, %dma_start3A] : memref<10000x128xf32, #tpu.memory_space<vmem_shared>> -> memref<125x128xf32, #tpu.memory_space<vmem_shared>>
      %dma_start3A_64 = arith.constant 0 : i32
      %dma_start3A_65 = tpu.memref_slice %arg14[%add3A_34, %dma_start3A_64] : memref<10000x128xf32, #tpu.memory_space<vmem_shared>> -> memref<125x128xf32, #tpu.memory_space<vmem_shared>>
      tpu.enqueue_dma source(%arg13 : memref<125x128xf32, #tpu.memory_space<vmem>>) target(%dma_start3A_65 : memref<125x128xf32, #tpu.memory_space<vmem_shared>>) target_semaphore(%run_scoped3A : memref<!tpu.dma_semaphore, #tpu.memory_space<semaphore_mem>>)
      %dma_wait3A = arith.constant 0 : i32
      %dma_wait3A_66 = tpu.memref_slice %arg14[%add3A_34, %dma_wait3A] : memref<10000x128xf32, #tpu.memory_space<vmem_shared>> -> memref<125x128xf32, #tpu.memory_space<vmem_shared>>
      %dma_wait3A_67 = arith.constant 0 : i32
      %dma_wait3A_68 = tpu.memref_slice %arg14[%add3A_34, %dma_wait3A_67] : memref<10000x128xf32, #tpu.memory_space<vmem_shared>> -> memref<125x128xf32, #tpu.memory_space<vmem_shared>>
      tpu.wait_dma2 semaphore(%run_scoped3A : memref<!tpu.dma_semaphore, #tpu.memory_space<semaphore_mem>>) src(%arg13 : memref<125x128xf32, #tpu.memory_space<vmem>>) dst(%dma_wait3A_68 : memref<125x128xf32, #tpu.memory_space<vmem_shared>>)
      tpu.yield
    }) : () -> ()
    %add3A_35 = arith.constant 375 : i32
    %add3A_36 = arith.addi %mul3A_0, %add3A_35 : i32
    "tpu.region"() ({
      %run_scoped3A = tpu.sem_alloc : memref<!tpu.dma_semaphore, #tpu.memory_space<semaphore_mem>>
      %dma_start3A = arith.constant 0 : i32
      %dma_start3A_63 = tpu.memref_slice %arg14[%add3A_36, %dma_start3A] : memref<10000x128xf32, #tpu.memory_space<vmem_shared>> -> memref<125x128xf32, #tpu.memory_space<vmem_shared>>
      %dma_start3A_64 = arith.constant 0 : i32
      %dma_start3A_65 = tpu.memref_slice %arg14[%add3A_36, %dma_start3A_64] : memref<10000x128xf32, #tpu.memory_space<vmem_shared>> -> memref<125x128xf32, #tpu.memory_space<vmem_shared>>
      tpu.enqueue_dma source(%arg13 : memref<125x128xf32, #tpu.memory_space<vmem>>) target(%dma_start3A_65 : memref<125x128xf32, #tpu.memory_space<vmem_shared>>) target_semaphore(%run_scoped3A : memref<!tpu.dma_semaphore, #tpu.memory_space<semaphore_mem>>)
      %dma_wait3A = arith.constant 0 : i32
      %dma_wait3A_66 = tpu.memref_slice %arg14[%add3A_36, %dma_wait3A] : memref<10000x128xf32, #tpu.memory_space<vmem_shared>> -> memref<125x128xf32, #tpu.memory_space<vmem_shared>>
      %dma_wait3A_67 = arith.constant 0 : i32
      %dma_wait3A_68 = tpu.memref_slice %arg14[%add3A_36, %dma_wait3A_67] : memref<10000x128xf32, #tpu.memory_space<vmem_shared>> -> memref<125x128xf32, #tpu.memory_space<vmem_shared>>
      tpu.wait_dma2 semaphore(%run_scoped3A : memref<!tpu.dma_semaphore, #tpu.memory_space<semaphore_mem>>) src(%arg13 : memref<125x128xf32, #tpu.memory_space<vmem>>) dst(%dma_wait3A_68 : memref<125x128xf32, #tpu.memory_space<vmem_shared>>)
      tpu.yield
    }) : () -> ()
    %add3A_37 = arith.constant 500 : i32
    %add3A_38 = arith.addi %mul3A_0, %add3A_37 : i32
    "tpu.region"() ({
      %run_scoped3A = tpu.sem_alloc : memref<!tpu.dma_semaphore, #tpu.memory_space<semaphore_mem>>
      %dma_start3A = arith.constant 0 : i32
      %dma_start3A_63 = tpu.memref_slice %arg14[%add3A_38, %dma_start3A] : memref<10000x128xf32, #tpu.memory_space<vmem_shared>> -> memref<125x128xf32, #tpu.memory_space<vmem_shared>>
      %dma_start3A_64 = arith.constant 0 : i32
      %dma_start3A_65 = tpu.memref_slice %arg14[%add3A_38, %dma_start3A_64] : memref<10000x128xf32, #tpu.memory_space<vmem_shared>> -> memref<125x128xf32, #tpu.memory_space<vmem_shared>>
      tpu.enqueue_dma source(%arg13 : memref<125x128xf32, #tpu.memory_space<vmem>>) target(%dma_start3A_65 : memref<125x128xf32, #tpu.memory_space<vmem_shared>>) target_semaphore(%run_scoped3A : memref<!tpu.dma_semaphore, #tpu.memory_space<semaphore_mem>>)
      %dma_wait3A = arith.constant 0 : i32
      %dma_wait3A_66 = tpu.memref_slice %arg14[%add3A_38, %dma_wait3A] : memref<10000x128xf32, #tpu.memory_space<vmem_shared>> -> memref<125x128xf32, #tpu.memory_space<vmem_shared>>
      %dma_wait3A_67 = arith.constant 0 : i32
      %dma_wait3A_68 = tpu.memref_slice %arg14[%add3A_38, %dma_wait3A_67] : memref<10000x128xf32, #tpu.memory_space<vmem_shared>> -> memref<125x128xf32, #tpu.memory_space<vmem_shared>>
      tpu.wait_dma2 semaphore(%run_scoped3A : memref<!tpu.dma_semaphore, #tpu.memory_space<semaphore_mem>>) src(%arg13 : memref<125x128xf32, #tpu.memory_space<vmem>>) dst(%dma_wait3A_68 : memref<125x128xf32, #tpu.memory_space<vmem_shared>>)
      tpu.yield
    }) : () -> ()
    %barrier3A = arith.constant 0 : index
    tpu.barrier barrier_id(%barrier3A)
    %lt3A = arith.constant 2 : i32
    %lt3A_39 = arith.cmpi slt, %arg1, %lt3A : i32
    %jit3A = arith.constant 79 : i32
    %jit3A_40 = arith.constant 78 : i32
    %select_n3A = arith.select %lt3A_39, %jit3A, %jit3A_40 : i32
    %while3A = arith.constant 0 : i32
    %while3A_41 = arith.constant 0 : i32
    %while3A_42 = arith.subi %select_n3A, %while3A : i32
    %while3A_43 = arith.addi %while3A, %while3A_42 : i32
    %while3A_44 = arith.constant 1 : i32
    %while3A_45 = arith.divsi %while3A_42, %while3A_44 : i32
    %while3A_46 = arith.muli %while3A_45, %while3A_44 : i32
    %while3A_47 = arith.addi %while3A, %while3A_46 : i32
    %while3A_48 = arith.constant 1 : i32
    %while3A_49 = scf.for %while3A_63 = %while3A to %while3A_47 step %while3A_48 iter_args(%while3A_64 = %while3A_41) -> (i32)  : i32 {
      %mul3A_65 = arith.constant 16 : i32
      %mul3A_66 = arith.muli %while3A_63, %mul3A_65 : i32
      %add3A_67 = arith.addi %arg1, %mul3A_66 : i32
      %mul3A_68 = arith.constant 128 : i32
      %mul3A_69 = arith.muli %add3A_67, %mul3A_68 : i32
      "tpu.region"() ({
        %run_scoped3A = tpu.sem_alloc : memref<!tpu.dma_semaphore, #tpu.memory_space<semaphore_mem>>
        %dma_start3A_155 = tpu.memref_slice %arg3[%mul3A_69] : memref<160000xi32, #tpu.memory_space<hbm>> -> memref<128xi32, #tpu.memory_space<hbm>>
        %dma_start3A_156 = tpu.memref_slice %arg3[%mul3A_69] : memref<160000xi32, #tpu.memory_space<hbm>> -> memref<128xi32, #tpu.memory_space<hbm>>
        tpu.enqueue_dma source(%dma_start3A_156 : memref<128xi32, #tpu.memory_space<hbm>>) target(%arg8 : memref<128xi32, #tpu.memory_space<vmem>>) target_semaphore(%run_scoped3A : memref<!tpu.dma_semaphore, #tpu.memory_space<semaphore_mem>>)
        %dma_wait3A_157 = tpu.memref_slice %arg3[%mul3A_69] : memref<160000xi32, #tpu.memory_space<hbm>> -> memref<128xi32, #tpu.memory_space<hbm>>
        %dma_wait3A_158 = tpu.memref_slice %arg3[%mul3A_69] : memref<160000xi32, #tpu.memory_space<hbm>> -> memref<128xi32, #tpu.memory_space<hbm>>
        tpu.wait_dma2 semaphore(%run_scoped3A : memref<!tpu.dma_semaphore, #tpu.memory_space<semaphore_mem>>) src(%dma_wait3A_158 : memref<128xi32, #tpu.memory_space<hbm>>) dst(%arg8 : memref<128xi32, #tpu.memory_space<vmem>>)
        tpu.yield
      }) : () -> ()
      "tpu.region"() ({
        %run_scoped3A = tpu.sem_alloc : memref<!tpu.dma_semaphore, #tpu.memory_space<semaphore_mem>>
        %dma_start3A_155 = tpu.memref_slice %arg4[%mul3A_69] : memref<160000xi32, #tpu.memory_space<hbm>> -> memref<128xi32, #tpu.memory_space<hbm>>
        %dma_start3A_156 = tpu.memref_slice %arg4[%mul3A_69] : memref<160000xi32, #tpu.memory_space<hbm>> -> memref<128xi32, #tpu.memory_space<hbm>>
        tpu.enqueue_dma source(%dma_start3A_156 : memref<128xi32, #tpu.memory_space<hbm>>) target(%arg9 : memref<128xi32, #tpu.memory_space<vmem>>) target_semaphore(%run_scoped3A : memref<!tpu.dma_semaphore, #tpu.memory_space<semaphore_mem>>)
        %dma_wait3A_157 = tpu.memref_slice %arg4[%mul3A_69] : memref<160000xi32, #tpu.memory_space<hbm>> -> memref<128xi32, #tpu.memory_space<hbm>>
        %dma_wait3A_158 = tpu.memref_slice %arg4[%mul3A_69] : memref<160000xi32, #tpu.memory_space<hbm>> -> memref<128xi32, #tpu.memory_space<hbm>>
        tpu.wait_dma2 semaphore(%run_scoped3A : memref<!tpu.dma_semaphore, #tpu.memory_space<semaphore_mem>>) src(%dma_wait3A_158 : memref<128xi32, #tpu.memory_space<hbm>>) dst(%arg9 : memref<128xi32, #tpu.memory_space<vmem>>)
        tpu.yield
      }) : () -> ()
      "tpu.region"() ({
        %run_scoped3A = tpu.sem_alloc : memref<!tpu.dma_semaphore, #tpu.memory_space<semaphore_mem>>
        %dma_start3A_155 = tpu.memref_slice %arg5[%mul3A_69] : memref<160000xf32, #tpu.memory_space<hbm>> -> memref<128xf32, #tpu.memory_space<hbm>>
        %dma_start3A_156 = tpu.memref_slice %arg5[%mul3A_69] : memref<160000xf32, #tpu.memory_space<hbm>> -> memref<128xf32, #tpu.memory_space<hbm>>
        tpu.enqueue_dma source(%dma_start3A_156 : memref<128xf32, #tpu.memory_space<hbm>>) target(%arg10 : memref<128xf32, #tpu.memory_space<vmem>>) target_semaphore(%run_scoped3A : memref<!tpu.dma_semaphore, #tpu.memory_space<semaphore_mem>>)
        %dma_wait3A_157 = tpu.memref_slice %arg5[%mul3A_69] : memref<160000xf32, #tpu.memory_space<hbm>> -> memref<128xf32, #tpu.memory_space<hbm>>
        %dma_wait3A_158 = tpu.memref_slice %arg5[%mul3A_69] : memref<160000xf32, #tpu.memory_space<hbm>> -> memref<128xf32, #tpu.memory_space<hbm>>
        tpu.wait_dma2 semaphore(%run_scoped3A : memref<!tpu.dma_semaphore, #tpu.memory_space<semaphore_mem>>) src(%dma_wait3A_158 : memref<128xf32, #tpu.memory_space<hbm>>) dst(%arg10 : memref<128xf32, #tpu.memory_space<vmem>>)
        tpu.yield
      }) : () -> ()
      %mul3A_70 = arith.constant 10000 : i32
      %mul3A_71 = arith.muli %arg0, %mul3A_70 : i32
      %get3A_72 = arith.constant 0 : index
      %get3A_73 = tpu.vector_load %arg8[%get3A_72] {strides = array<i32>} : memref<128xi32, #tpu.memory_space<vmem>>, vector<16xi32>,
      %get3A_74 = vector.shape_cast %get3A_73 : vector<16xi32> to vector<16xi32>
      %add3A_75 = vector.broadcast %mul3A_71 : i32 to vector<16xi32>
      %add3A_76 = arith.addi %get3A_74, %add3A_75 : vector<16xi32>
      %swap3A = arith.constant 0 : index
      %swap3A_77 = tpu.vector_load %arg8[%swap3A] {strides = array<i32>} : memref<128xi32, #tpu.memory_space<vmem>>, vector<16xi32>,
      %swap3A_78 = vector.shape_cast %swap3A_77 : vector<16xi32> to vector<16xi32>
      %swap3A_79 = vector.shape_cast %add3A_76 : vector<16xi32> to vector<16xi32>
      tpu.vector_store %arg8[%swap3A], %swap3A_79 {strides = array<i32>} : memref<128xi32, #tpu.memory_space<vmem>>, vector<16xi32>,
      %get3A_80 = arith.constant 16 : index
      %get3A_81 = tpu.vector_load %arg8[%get3A_80] {strides = array<i32>} : memref<128xi32, #tpu.memory_space<vmem>>, vector<16xi32>,
      %get3A_82 = vector.shape_cast %get3A_81 : vector<16xi32> to vector<16xi32>
      %add3A_83 = vector.broadcast %mul3A_71 : i32 to vector<16xi32>
      %add3A_84 = arith.addi %get3A_82, %add3A_83 : vector<16xi32>
      %swap3A_85 = arith.constant 16 : index
      %swap3A_86 = tpu.vector_load %arg8[%swap3A_85] {strides = array<i32>} : memref<128xi32, #tpu.memory_space<vmem>>, vector<16xi32>,
      %swap3A_87 = vector.shape_cast %swap3A_86 : vector<16xi32> to vector<16xi32>
      %swap3A_88 = vector.shape_cast %add3A_84 : vector<16xi32> to vector<16xi32>
      tpu.vector_store %arg8[%swap3A_85], %swap3A_88 {strides = array<i32>} : memref<128xi32, #tpu.memory_space<vmem>>, vector<16xi32>,
      %get3A_89 = arith.constant 32 : index
      %get3A_90 = tpu.vector_load %arg8[%get3A_89] {strides = array<i32>} : memref<128xi32, #tpu.memory_space<vmem>>, vector<16xi32>,
      %get3A_91 = vector.shape_cast %get3A_90 : vector<16xi32> to vector<16xi32>
      %add3A_92 = vector.broadcast %mul3A_71 : i32 to vector<16xi32>
      %add3A_93 = arith.addi %get3A_91, %add3A_92 : vector<16xi32>
      %swap3A_94 = arith.constant 32 : index
      %swap3A_95 = tpu.vector_load %arg8[%swap3A_94] {strides = array<i32>} : memref<128xi32, #tpu.memory_space<vmem>>, vector<16xi32>,
      %swap3A_96 = vector.shape_cast %swap3A_95 : vector<16xi32> to vector<16xi32>
      %swap3A_97 = vector.shape_cast %add3A_93 : vector<16xi32> to vector<16xi32>
      tpu.vector_store %arg8[%swap3A_94], %swap3A_97 {strides = array<i32>} : memref<128xi32, #tpu.memory_space<vmem>>, vector<16xi32>,
      %get3A_98 = arith.constant 48 : index
      %get3A_99 = tpu.vector_load %arg8[%get3A_98] {strides = array<i32>} : memref<128xi32, #tpu.memory_space<vmem>>, vector<16xi32>,
      %get3A_100 = vector.shape_cast %get3A_99 : vector<16xi32> to vector<16xi32>
      %add3A_101 = vector.broadcast %mul3A_71 : i32 to vector<16xi32>
      %add3A_102 = arith.addi %get3A_100, %add3A_101 : vector<16xi32>
      %swap3A_103 = arith.constant 48 : index
      %swap3A_104 = tpu.vector_load %arg8[%swap3A_103] {strides = array<i32>} : memref<128xi32, #tpu.memory_space<vmem>>, vector<16xi32>,
      %swap3A_105 = vector.shape_cast %swap3A_104 : vector<16xi32> to vector<16xi32>
      %swap3A_106 = vector.shape_cast %add3A_102 : vector<16xi32> to vector<16xi32>
      tpu.vector_store %arg8[%swap3A_103], %swap3A_106 {strides = array<i32>} : memref<128xi32, #tpu.memory_space<vmem>>, vector<16xi32>,
      %get3A_107 = arith.constant 64 : index
      %get3A_108 = tpu.vector_load %arg8[%get3A_107] {strides = array<i32>} : memref<128xi32, #tpu.memory_space<vmem>>, vector<16xi32>,
      %get3A_109 = vector.shape_cast %get3A_108 : vector<16xi32> to vector<16xi32>
      %add3A_110 = vector.broadcast %mul3A_71 : i32 to vector<16xi32>
      %add3A_111 = arith.addi %get3A_109, %add3A_110 : vector<16xi32>
      %swap3A_112 = arith.constant 64 : index
      %swap3A_113 = tpu.vector_load %arg8[%swap3A_112] {strides = array<i32>} : memref<128xi32, #tpu.memory_space<vmem>>, vector<16xi32>,
      %swap3A_114 = vector.shape_cast %swap3A_113 : vector<16xi32> to vector<16xi32>
      %swap3A_115 = vector.shape_cast %add3A_111 : vector<16xi32> to vector<16xi32>
      tpu.vector_store %arg8[%swap3A_112], %swap3A_115 {strides = array<i32>} : memref<128xi32, #tpu.memory_space<vmem>>, vector<16xi32>,
      %get3A_116 = arith.constant 80 : index
      %get3A_117 = tpu.vector_load %arg8[%get3A_116] {strides = array<i32>} : memref<128xi32, #tpu.memory_space<vmem>>, vector<16xi32>,
      %get3A_118 = vector.shape_cast %get3A_117 : vector<16xi32> to vector<16xi32>
      %add3A_119 = vector.broadcast %mul3A_71 : i32 to vector<16xi32>
      %add3A_120 = arith.addi %get3A_118, %add3A_119 : vector<16xi32>
      %swap3A_121 = arith.constant 80 : index
      %swap3A_122 = tpu.vector_load %arg8[%swap3A_121] {strides = array<i32>} : memref<128xi32, #tpu.memory_space<vmem>>, vector<16xi32>,
      %swap3A_123 = vector.shape_cast %swap3A_122 : vector<16xi32> to vector<16xi32>
      %swap3A_124 = vector.shape_cast %add3A_120 : vector<16xi32> to vector<16xi32>
      tpu.vector_store %arg8[%swap3A_121], %swap3A_124 {strides = array<i32>} : memref<128xi32, #tpu.memory_space<vmem>>, vector<16xi32>,
      %get3A_125 = arith.constant 96 : index
      %get3A_126 = tpu.vector_load %arg8[%get3A_125] {strides = array<i32>} : memref<128xi32, #tpu.memory_space<vmem>>, vector<16xi32>,
      %get3A_127 = vector.shape_cast %get3A_126 : vector<16xi32> to vector<16xi32>
      %add3A_128 = vector.broadcast %mul3A_71 : i32 to vector<16xi32>
      %add3A_129 = arith.addi %get3A_127, %add3A_128 : vector<16xi32>
      %swap3A_130 = arith.constant 96 : index
      %swap3A_131 = tpu.vector_load %arg8[%swap3A_130] {strides = array<i32>} : memref<128xi32, #tpu.memory_space<vmem>>, vector<16xi32>,
      %swap3A_132 = vector.shape_cast %swap3A_131 : vector<16xi32> to vector<16xi32>
      %swap3A_133 = vector.shape_cast %add3A_129 : vector<16xi32> to vector<16xi32>
      tpu.vector_store %arg8[%swap3A_130], %swap3A_133 {strides = array<i32>} : memref<128xi32, #tpu.memory_space<vmem>>, vector<16xi32>,
      %get3A_134 = arith.constant 112 : index
      %get3A_135 = tpu.vector_load %arg8[%get3A_134] {strides = array<i32>} : memref<128xi32, #tpu.memory_space<vmem>>, vector<16xi32>,
      %get3A_136 = vector.shape_cast %get3A_135 : vector<16xi32> to vector<16xi32>
      %add3A_137 = vector.broadcast %mul3A_71 : i32 to vector<16xi32>
      %add3A_138 = arith.addi %get3A_136, %add3A_137 : vector<16xi32>
      %swap3A_139 = arith.constant 112 : index
      %swap3A_140 = tpu.vector_load %arg8[%swap3A_139] {strides = array<i32>} : memref<128xi32, #tpu.memory_space<vmem>>, vector<16xi32>,
      %swap3A_141 = vector.shape_cast %swap3A_140 : vector<16xi32> to vector<16xi32>
      %swap3A_142 = vector.shape_cast %add3A_138 : vector<16xi32> to vector<16xi32>
      tpu.vector_store %arg8[%swap3A_139], %swap3A_142 {strides = array<i32>} : memref<128xi32, #tpu.memory_space<vmem>>, vector<16xi32>,
      %dma_start3A = arith.constant 0 : i32
      %dma_start3A_143 = arith.constant 0 : i32
      %dma_start3A_144 = tpu.memref_slice %arg2[%dma_start3A, %dma_start3A_143] : memref<20000x128xf32, #tpu.memory_space<hbm>> -> memref<20000x128xf32, #tpu.memory_space<hbm>>
      tpu.enqueue_indirect_dma source(%dma_start3A_144 : memref<20000x128xf32, #tpu.memory_space<hbm>>) target(%arg11 : memref<128x128xf32, #tpu.memory_space<vmem>>) offsets(%arg8 : memref<128xi32, #tpu.memory_space<vmem>>) semaphore(%arg15 : memref<!tpu.dma_semaphore, #tpu.memory_space<semaphore_mem>>)
      %dma_wait3A = arith.constant 0 : i32
      %dma_wait3A_145 = arith.constant 0 : i32
      %dma_wait3A_146 = tpu.memref_slice %arg2[%dma_wait3A, %dma_wait3A_145] : memref<20000x128xf32, #tpu.memory_space<hbm>> -> memref<20000x128xf32, #tpu.memory_space<hbm>>
      tpu.wait_indirect_dma semaphore(%arg15 : memref<!tpu.dma_semaphore, #tpu.memory_space<semaphore_mem>>) src(%dma_wait3A_146 : memref<20000x128xf32, #tpu.memory_space<hbm>>) dst(%arg11 : memref<128x128xf32, #tpu.memory_space<vmem>>)
      %scan3A_147 = arith.constant 0 : i32
      %scan3A_148 = arith.constant 0 : i32
      %scan3A_149 = arith.constant 8 : i32
      %scan3A_150 = arith.addi %scan3A_148, %scan3A_149 : i32
      %scan3A_151 = arith.constant 1 : i32
      %scan3A_152 = scf.for %scan3A_155 = %scan3A_148 to %scan3A_150 step %scan3A_151 iter_args(%scan3A_156 = %scan3A_147) -> (i32)  : i32 {
        %mul3A_157 = arith.constant 16 : i32
        %mul3A_158 = arith.muli %scan3A_155, %mul3A_157 : i32
        %get3A_159 = arith.index_cast %mul3A_158 : i32 to index
        %get3A_160 = tpu.vector_load %arg10[%get3A_159] {strides = array<i32>} : memref<128xf32, #tpu.memory_space<vmem>>, vector<16xf32>,
        %get3A_161 = vector.shape_cast %get3A_160 : vector<16xf32> to vector<16xf32>
        %broadcast_in_dim3A = arith.constant 0 : i32
        %broadcast_in_dim3A_162 = vector.broadcast %broadcast_in_dim3A : i32 to vector<16x1xi32>
        %gather3A = vector.shape_cast %broadcast_in_dim3A_162 : vector<16x1xi32> to vector<16xi32>
        %gather3A_163 = tpu.dynamic_gather %get3A_161[%gather3A] in [0] : vector<16xf32>, vector<16xi32> -> vector<16xf32>
        %mul3A_164 = arith.constant 16 : i32
        %mul3A_165 = arith.muli %scan3A_155, %mul3A_164 : i32
        %add3A_166 = arith.constant 0 : i32
        %add3A_167 = arith.addi %mul3A_165, %add3A_166 : i32
        %get3A_168 = arith.index_cast %add3A_167 : i32 to index
        %get3A_169 = arith.constant 0 : index
        %get3A_170 = tpu.vector_load %arg11[%get3A_168, %get3A_169] {strides = array<i32>} : memref<128x128xf32, #tpu.memory_space<vmem>>, vector<1x16xf32>,
        %get3A_171 = vector.shape_cast %get3A_170 : vector<1x16xf32> to vector<16xf32>
        %mul3A_172 = arith.mulf %get3A_171, %gather3A_163 : vector<16xf32>
        %swap3A_173 = arith.index_cast %add3A_167 : i32 to index
        %swap3A_174 = arith.constant 0 : index
        %swap3A_175 = tpu.vector_load %arg11[%swap3A_173, %swap3A_174] {strides = array<i32>} : memref<128x128xf32, #tpu.memory_space<vmem>>, vector<1x16xf32>,
        %swap3A_176 = vector.shape_cast %swap3A_175 : vector<1x16xf32> to vector<16xf32>
        %swap3A_177 = vector.shape_cast %mul3A_172 : vector<16xf32> to vector<1x16xf32>
        tpu.vector_store %arg11[%swap3A_173, %swap3A_174], %swap3A_177 {strides = array<i32>} : memref<128x128xf32, #tpu.memory_space<vmem>>, vector<1x16xf32>,
        %get3A_178 = arith.index_cast %add3A_167 : i32 to index
        %get3A_179 = arith.constant 16 : index
        %get3A_180 = tpu.vector_load %arg11[%get3A_178, %get3A_179] {strides = array<i32>} : memref<128x128xf32, #tpu.memory_space<vmem>>, vector<1x16xf32>,
        %get3A_181 = vector.shape_cast %get3A_180 : vector<1x16xf32> to vector<16xf32>
        %mul3A_182 = arith.mulf %get3A_181, %gather3A_163 : vector<16xf32>
        %swap3A_183 = arith.index_cast %add3A_167 : i32 to index
        %swap3A_184 = arith.constant 16 : index
        %swap3A_185 = tpu.vector_load %arg11[%swap3A_183, %swap3A_184] {strides = array<i32>} : memref<128x128xf32, #tpu.memory_space<vmem>>, vector<1x16xf32>,
        %swap3A_186 = vector.shape_cast %swap3A_185 : vector<1x16xf32> to vector<16xf32>
        %swap3A_187 = vector.shape_cast %mul3A_182 : vector<16xf32> to vector<1x16xf32>
        tpu.vector_store %arg11[%swap3A_183, %swap3A_184], %swap3A_187 {strides = array<i32>} : memref<128x128xf32, #tpu.memory_space<vmem>>, vector<1x16xf32>,
        %get3A_188 = arith.index_cast %add3A_167 : i32 to index
        %get3A_189 = arith.constant 32 : index
        %get3A_190 = tpu.vector_load %arg11[%get3A_188, %get3A_189] {strides = array<i32>} : memref<128x128xf32, #tpu.memory_space<vmem>>, vector<1x16xf32>,
        %get3A_191 = vector.shape_cast %get3A_190 : vector<1x16xf32> to vector<16xf32>
        %mul3A_192 = arith.mulf %get3A_191, %gather3A_163 : vector<16xf32>
        %swap3A_193 = arith.index_cast %add3A_167 : i32 to index
        %swap3A_194 = arith.constant 32 : index
        %swap3A_195 = tpu.vector_load %arg11[%swap3A_193, %swap3A_194] {strides = array<i32>} : memref<128x128xf32, #tpu.memory_space<vmem>>, vector<1x16xf32>,
        %swap3A_196 = vector.shape_cast %swap3A_195 : vector<1x16xf32> to vector<16xf32>
        %swap3A_197 = vector.shape_cast %mul3A_192 : vector<16xf32> to vector<1x16xf32>
        tpu.vector_store %arg11[%swap3A_193, %swap3A_194], %swap3A_197 {strides = array<i32>} : memref<128x128xf32, #tpu.memory_space<vmem>>, vector<1x16xf32>,
        %get3A_198 = arith.index_cast %add3A_167 : i32 to index
        %get3A_199 = arith.constant 48 : index
        %get3A_200 = tpu.vector_load %arg11[%get3A_198, %get3A_199] {strides = array<i32>} : memref<128x128xf32, #tpu.memory_space<vmem>>, vector<1x16xf32>,
        %get3A_201 = vector.shape_cast %get3A_200 : vector<1x16xf32> to vector<16xf32>
        %mul3A_202 = arith.mulf %get3A_201, %gather3A_163 : vector<16xf32>
        %swap3A_203 = arith.index_cast %add3A_167 : i32 to index
        %swap3A_204 = arith.constant 48 : index
        %swap3A_205 = tpu.vector_load %arg11[%swap3A_203, %swap3A_204] {strides = array<i32>} : memref<128x128xf32, #tpu.memory_space<vmem>>, vector<1x16xf32>,
        %swap3A_206 = vector.shape_cast %swap3A_205 : vector<1x16xf32> to vector<16xf32>
        %swap3A_207 = vector.shape_cast %mul3A_202 : vector<16xf32> to vector<1x16xf32>
        tpu.vector_store %arg11[%swap3A_203, %swap3A_204], %swap3A_207 {strides = array<i32>} : memref<128x128xf32, #tpu.memory_space<vmem>>, vector<1x16xf32>,
        %get3A_208 = arith.index_cast %add3A_167 : i32 to index
        %get3A_209 = arith.constant 64 : index
        %get3A_210 = tpu.vector_load %arg11[%get3A_208, %get3A_209] {strides = array<i32>} : memref<128x128xf32, #tpu.memory_space<vmem>>, vector<1x16xf32>,
        %get3A_211 = vector.shape_cast %get3A_210 : vector<1x16xf32> to vector<16xf32>
        %mul3A_212 = arith.mulf %get3A_211, %gather3A_163 : vector<16xf32>
        %swap3A_213 = arith.index_cast %add3A_167 : i32 to index
        %swap3A_214 = arith.constant 64 : index
        %swap3A_215 = tpu.vector_load %arg11[%swap3A_213, %swap3A_214] {strides = array<i32>} : memref<128x128xf32, #tpu.memory_space<vmem>>, vector<1x16xf32>,
        %swap3A_216 = vector.shape_cast %swap3A_215 : vector<1x16xf32> to vector<16xf32>
        %swap3A_217 = vector.shape_cast %mul3A_212 : vector<16xf32> to vector<1x16xf32>
        tpu.vector_store %arg11[%swap3A_213, %swap3A_214], %swap3A_217 {strides = array<i32>} : memref<128x128xf32, #tpu.memory_space<vmem>>, vector<1x16xf32>,
        %get3A_218 = arith.index_cast %add3A_167 : i32 to index
        %get3A_219 = arith.constant 80 : index
        %get3A_220 = tpu.vector_load %arg11[%get3A_218, %get3A_219] {strides = array<i32>} : memref<128x128xf32, #tpu.memory_space<vmem>>, vector<1x16xf32>,
        %get3A_221 = vector.shape_cast %get3A_220 : vector<1x16xf32> to vector<16xf32>
        %mul3A_222 = arith.mulf %get3A_221, %gather3A_163 : vector<16xf32>
        %swap3A_223 = arith.index_cast %add3A_167 : i32 to index
        %swap3A_224 = arith.constant 80 : index
        %swap3A_225 = tpu.vector_load %arg11[%swap3A_223, %swap3A_224] {strides = array<i32>} : memref<128x128xf32, #tpu.memory_space<vmem>>, vector<1x16xf32>,
        %swap3A_226 = vector.shape_cast %swap3A_225 : vector<1x16xf32> to vector<16xf32>
        %swap3A_227 = vector.shape_cast %mul3A_222 : vector<16xf32> to vector<1x16xf32>
        tpu.vector_store %arg11[%swap3A_223, %swap3A_224], %swap3A_227 {strides = array<i32>} : memref<128x128xf32, #tpu.memory_space<vmem>>, vector<1x16xf32>,
        %get3A_228 = arith.index_cast %add3A_167 : i32 to index
        %get3A_229 = arith.constant 96 : index
        %get3A_230 = tpu.vector_load %arg11[%get3A_228, %get3A_229] {strides = array<i32>} : memref<128x128xf32, #tpu.memory_space<vmem>>, vector<1x16xf32>,
        %get3A_231 = vector.shape_cast %get3A_230 : vector<1x16xf32> to vector<16xf32>
        %mul3A_232 = arith.mulf %get3A_231, %gather3A_163 : vector<16xf32>
        %swap3A_233 = arith.index_cast %add3A_167 : i32 to index
        %swap3A_234 = arith.constant 96 : index
        %swap3A_235 = tpu.vector_load %arg11[%swap3A_233, %swap3A_234] {strides = array<i32>} : memref<128x128xf32, #tpu.memory_space<vmem>>, vector<1x16xf32>,
        %swap3A_236 = vector.shape_cast %swap3A_235 : vector<1x16xf32> to vector<16xf32>
        %swap3A_237 = vector.shape_cast %mul3A_232 : vector<16xf32> to vector<1x16xf32>
        tpu.vector_store %arg11[%swap3A_233, %swap3A_234], %swap3A_237 {strides = array<i32>} : memref<128x128xf32, #tpu.memory_space<vmem>>, vector<1x16xf32>,
        %get3A_238 = arith.index_cast %add3A_167 : i32 to index
        %get3A_239 = arith.constant 112 : index
        %get3A_240 = tpu.vector_load %arg11[%get3A_238, %get3A_239] {strides = array<i32>} : memref<128x128xf32, #tpu.memory_space<vmem>>, vector<1x16xf32>,
        %get3A_241 = vector.shape_cast %get3A_240 : vector<1x16xf32> to vector<16xf32>
        %mul3A_242 = arith.mulf %get3A_241, %gather3A_163 : vector<16xf32>
        %swap3A_243 = arith.index_cast %add3A_167 : i32 to index
        %swap3A_244 = arith.constant 112 : index
        %swap3A_245 = tpu.vector_load %arg11[%swap3A_243, %swap3A_244] {strides = array<i32>} : memref<128x128xf32, #tpu.memory_space<vmem>>, vector<1x16xf32>,
        %swap3A_246 = vector.shape_cast %swap3A_245 : vector<1x16xf32> to vector<16xf32>
        %swap3A_247 = vector.shape_cast %mul3A_242 : vector<16xf32> to vector<1x16xf32>
        tpu.vector_store %arg11[%swap3A_243, %swap3A_244], %swap3A_247 {strides = array<i32>} : memref<128x128xf32, #tpu.memory_space<vmem>>, vector<1x16xf32>,
        %broadcast_in_dim3A_248 = arith.constant 1 : i32
        %broadcast_in_dim3A_249 = vector.broadcast %broadcast_in_dim3A_248 : i32 to vector<16x1xi32>
        %gather3A_250 = vector.shape_cast %broadcast_in_dim3A_249 : vector<16x1xi32> to vector<16xi32>
        %gather3A_251 = tpu.dynamic_gather %get3A_161[%gather3A_250] in [0] : vector<16xf32>, vector<16xi32> -> vector<16xf32>
        %mul3A_252 = arith.constant 16 : i32
        %mul3A_253 = arith.muli %scan3A_155, %mul3A_252 : i32
        %add3A_254 = arith.constant 1 : i32
        %add3A_255 = arith.addi %mul3A_253, %add3A_254 : i32
        %get3A_256 = arith.index_cast %add3A_255 : i32 to index
        %get3A_257 = arith.constant 0 : index
        %get3A_258 = tpu.vector_load %arg11[%get3A_256, %get3A_257] {strides = array<i32>} : memref<128x128xf32, #tpu.memory_space<vmem>>, vector<1x16xf32>,
        %get3A_259 = vector.shape_cast %get3A_258 : vector<1x16xf32> to vector<16xf32>
        %mul3A_260 = arith.mulf %get3A_259, %gather3A_251 : vector<16xf32>
        %swap3A_261 = arith.index_cast %add3A_255 : i32 to index
        %swap3A_262 = arith.constant 0 : index
        %swap3A_263 = tpu.vector_load %arg11[%swap3A_261, %swap3A_262] {strides = array<i32>} : memref<128x128xf32, #tpu.memory_space<vmem>>, vector<1x16xf32>,
        %swap3A_264 = vector.shape_cast %swap3A_263 : vector<1x16xf32> to vector<16xf32>
        %swap3A_265 = vector.shape_cast %mul3A_260 : vector<16xf32> to vector<1x16xf32>
        tpu.vector_store %arg11[%swap3A_261, %swap3A_262], %swap3A_265 {strides = array<i32>} : memref<128x128xf32, #tpu.memory_space<vmem>>, vector<1x16xf32>,
        %get3A_266 = arith.index_cast %add3A_255 : i32 to index
        %get3A_267 = arith.constant 16 : index
        %get3A_268 = tpu.vector_load %arg11[%get3A_266, %get3A_267] {strides = array<i32>} : memref<128x128xf32, #tpu.memory_space<vmem>>, vector<1x16xf32>,
        %get3A_269 = vector.shape_cast %get3A_268 : vector<1x16xf32> to vector<16xf32>
        %mul3A_270 = arith.mulf %get3A_269, %gather3A_251 : vector<16xf32>
        %swap3A_271 = arith.index_cast %add3A_255 : i32 to index
        %swap3A_272 = arith.constant 16 : index
        %swap3A_273 = tpu.vector_load %arg11[%swap3A_271, %swap3A_272] {strides = array<i32>} : memref<128x128xf32, #tpu.memory_space<vmem>>, vector<1x16xf32>,
        %swap3A_274 = vector.shape_cast %swap3A_273 : vector<1x16xf32> to vector<16xf32>
        %swap3A_275 = vector.shape_cast %mul3A_270 : vector<16xf32> to vector<1x16xf32>
        tpu.vector_store %arg11[%swap3A_271, %swap3A_272], %swap3A_275 {strides = array<i32>} : memref<128x128xf32, #tpu.memory_space<vmem>>, vector<1x16xf32>,
        %get3A_276 = arith.index_cast %add3A_255 : i32 to index
        %get3A_277 = arith.constant 32 : index
        %get3A_278 = tpu.vector_load %arg11[%get3A_276, %get3A_277] {strides = array<i32>} : memref<128x128xf32, #tpu.memory_space<vmem>>, vector<1x16xf32>,
        %get3A_279 = vector.shape_cast %get3A_278 : vector<1x16xf32> to vector<16xf32>
        %mul3A_280 = arith.mulf %get3A_279, %gather3A_251 : vector<16xf32>
        %swap3A_281 = arith.index_cast %add3A_255 : i32 to index
        %swap3A_282 = arith.constant 32 : index
        %swap3A_283 = tpu.vector_load %arg11[%swap3A_281, %swap3A_282] {strides = array<i32>} : memref<128x128xf32, #tpu.memory_space<vmem>>, vector<1x16xf32>,
        %swap3A_284 = vector.shape_cast %swap3A_283 : vector<1x16xf32> to vector<16xf32>
        %swap3A_285 = vector.shape_cast %mul3A_280 : vector<16xf32> to vector<1x16xf32>
        tpu.vector_store %arg11[%swap3A_281, %swap3A_282], %swap3A_285 {strides = array<i32>} : memref<128x128xf32, #tpu.memory_space<vmem>>, vector<1x16xf32>,
        %get3A_286 = arith.index_cast %add3A_255 : i32 to index
        %get3A_287 = arith.constant 48 : index
        %get3A_288 = tpu.vector_load %arg11[%get3A_286, %get3A_287] {strides = array<i32>} : memref<128x128xf32, #tpu.memory_space<vmem>>, vector<1x16xf32>,
        %get3A_289 = vector.shape_cast %get3A_288 : vector<1x16xf32> to vector<16xf32>
        %mul3A_290 = arith.mulf %get3A_289, %gather3A_251 : vector<16xf32>
        %swap3A_291 = arith.index_cast %add3A_255 : i32 to index
        %swap3A_292 = arith.constant 48 : index
        %swap3A_293 = tpu.vector_load %arg11[%swap3A_291, %swap3A_292] {strides = array<i32>} : memref<128x128xf32, #tpu.memory_space<vmem>>, vector<1x16xf32>,
        %swap3A_294 = vector.shape_cast %swap3A_293 : vector<1x16xf32> to vector<16xf32>
        %swap3A_295 = vector.shape_cast %mul3A_290 : vector<16xf32> to vector<1x16xf32>
        tpu.vector_store %arg11[%swap3A_291, %swap3A_292], %swap3A_295 {strides = array<i32>} : memref<128x128xf32, #tpu.memory_space<vmem>>, vector<1x16xf32>,
        %get3A_296 = arith.index_cast %add3A_255 : i32 to index
        %get3A_297 = arith.constant 64 : index
        %get3A_298 = tpu.vector_load %arg11[%get3A_296, %get3A_297] {strides = array<i32>} : memref<128x128xf32, #tpu.memory_space<vmem>>, vector<1x16xf32>,
        %get3A_299 = vector.shape_cast %get3A_298 : vector<1x16xf32> to vector<16xf32>
        %mul3A_300 = arith.mulf %get3A_299, %gather3A_251 : vector<16xf32>
        %swap3A_301 = arith.index_cast %add3A_255 : i32 to index
        %swap3A_302 = arith.constant 64 : index
        %swap3A_303 = tpu.vector_load %arg11[%swap3A_301, %swap3A_302] {strides = array<i32>} : memref<128x128xf32, #tpu.memory_space<vmem>>, vector<1x16xf32>,
        %swap3A_304 = vector.shape_cast %swap3A_303 : vector<1x16xf32> to vector<16xf32>
        %swap3A_305 = vector.shape_cast %mul3A_300 : vector<16xf32> to vector<1x16xf32>
        tpu.vector_store %arg11[%swap3A_301, %swap3A_302], %swap3A_305 {strides = array<i32>} : memref<128x128xf32, #tpu.memory_space<vmem>>, vector<1x16xf32>,
        %get3A_306 = arith.index_cast %add3A_255 : i32 to index
        %get3A_307 = arith.constant 80 : index
        %get3A_308 = tpu.vector_load %arg11[%get3A_306, %get3A_307] {strides = array<i32>} : memref<128x128xf32, #tpu.memory_space<vmem>>, vector<1x16xf32>,
        %get3A_309 = vector.shape_cast %get3A_308 : vector<1x16xf32> to vector<16xf32>
        %mul3A_310 = arith.mulf %get3A_309, %gather3A_251 : vector<16xf32>
        %swap3A_311 = arith.index_cast %add3A_255 : i32 to index
        %swap3A_312 = arith.constant 80 : index
        %swap3A_313 = tpu.vector_load %arg11[%swap3A_311, %swap3A_312] {strides = array<i32>} : memref<128x128xf32, #tpu.memory_space<vmem>>, vector<1x16xf32>,
        %swap3A_314 = vector.shape_cast %swap3A_313 : vector<1x16xf32> to vector<16xf32>
        %swap3A_315 = vector.shape_cast %mul3A_310 : vector<16xf32> to vector<1x16xf32>
        tpu.vector_store %arg11[%swap3A_311, %swap3A_312], %swap3A_315 {strides = array<i32>} : memref<128x128xf32, #tpu.memory_space<vmem>>, vector<1x16xf32>,
        %get3A_316 = arith.index_cast %add3A_255 : i32 to index
        %get3A_317 = arith.constant 96 : index
        %get3A_318 = tpu.vector_load %arg11[%get3A_316, %get3A_317] {strides = array<i32>} : memref<128x128xf32, #tpu.memory_space<vmem>>, vector<1x16xf32>,
        %get3A_319 = vector.shape_cast %get3A_318 : vector<1x16xf32> to vector<16xf32>
        %mul3A_320 = arith.mulf %get3A_319, %gather3A_251 : vector<16xf32>
        %swap3A_321 = arith.index_cast %add3A_255 : i32 to index
        %swap3A_322 = arith.constant 96 : index
        %swap3A_323 = tpu.vector_load %arg11[%swap3A_321, %swap3A_322] {strides = array<i32>} : memref<128x128xf32, #tpu.memory_space<vmem>>, vector<1x16xf32>,
        %swap3A_324 = vector.shape_cast %swap3A_323 : vector<1x16xf32> to vector<16xf32>
        %swap3A_325 = vector.shape_cast %mul3A_320 : vector<16xf32> to vector<1x16xf32>
        tpu.vector_store %arg11[%swap3A_321, %swap3A_322], %swap3A_325 {strides = array<i32>} : memref<128x128xf32, #tpu.memory_space<vmem>>, vector<1x16xf32>,
        %get3A_326 = arith.index_cast %add3A_255 : i32 to index
        %get3A_327 = arith.constant 112 : index
        %get3A_328 = tpu.vector_load %arg11[%get3A_326, %get3A_327] {strides = array<i32>} : memref<128x128xf32, #tpu.memory_space<vmem>>, vector<1x16xf32>,
        %get3A_329 = vector.shape_cast %get3A_328 : vector<1x16xf32> to vector<16xf32>
        %mul3A_330 = arith.mulf %get3A_329, %gather3A_251 : vector<16xf32>
        %swap3A_331 = arith.index_cast %add3A_255 : i32 to index
        %swap3A_332 = arith.constant 112 : index
        %swap3A_333 = tpu.vector_load %arg11[%swap3A_331, %swap3A_332] {strides = array<i32>} : memref<128x128xf32, #tpu.memory_space<vmem>>, vector<1x16xf32>,
        %swap3A_334 = vector.shape_cast %swap3A_333 : vector<1x16xf32> to vector<16xf32>
        %swap3A_335 = vector.shape_cast %mul3A_330 : vector<16xf32> to vector<1x16xf32>
        tpu.vector_store %arg11[%swap3A_331, %swap3A_332], %swap3A_335 {strides = array<i32>} : memref<128x128xf32, #tpu.memory_space<vmem>>, vector<1x16xf32>,
        %broadcast_in_dim3A_336 = arith.constant 2 : i32
        %broadcast_in_dim3A_337 = vector.broadcast %broadcast_in_dim3A_336 : i32 to vector<16x1xi32>
        %gather3A_338 = vector.shape_cast %broadcast_in_dim3A_337 : vector<16x1xi32> to vector<16xi32>
        %gather3A_339 = tpu.dynamic_gather %get3A_161[%gather3A_338] in [0] : vector<16xf32>, vector<16xi32> -> vector<16xf32>
        %mul3A_340 = arith.constant 16 : i32
        %mul3A_341 = arith.muli %scan3A_155, %mul3A_340 : i32
        %add3A_342 = arith.constant 2 : i32
        %add3A_343 = arith.addi %mul3A_341, %add3A_342 : i32
        %get3A_344 = arith.index_cast %add3A_343 : i32 to index
        %get3A_345 = arith.constant 0 : index
        %get3A_346 = tpu.vector_load %arg11[%get3A_344, %get3A_345] {strides = array<i32>} : memref<128x128xf32, #tpu.memory_space<vmem>>, vector<1x16xf32>,
        %get3A_347 = vector.shape_cast %get3A_346 : vector<1x16xf32> to vector<16xf32>
        %mul3A_348 = arith.mulf %get3A_347, %gather3A_339 : vector<16xf32>
        %swap3A_349 = arith.index_cast %add3A_343 : i32 to index
        %swap3A_350 = arith.constant 0 : index
        %swap3A_351 = tpu.vector_load %arg11[%swap3A_349, %swap3A_350] {strides = array<i32>} : memref<128x128xf32, #tpu.memory_space<vmem>>, vector<1x16xf32>,
        %swap3A_352 = vector.shape_cast %swap3A_351 : vector<1x16xf32> to vector<16xf32>
        %swap3A_353 = vector.shape_cast %mul3A_348 : vector<16xf32> to vector<1x16xf32>
        tpu.vector_store %arg11[%swap3A_349, %swap3A_350], %swap3A_353 {strides = array<i32>} : memref<128x128xf32, #tpu.memory_space<vmem>>, vector<1x16xf32>,
        %get3A_354 = arith.index_cast %add3A_343 : i32 to index
        %get3A_355 = arith.constant 16 : index
        %get3A_356 = tpu.vector_load %arg11[%get3A_354, %get3A_355] {strides = array<i32>} : memref<128x128xf32, #tpu.memory_space<vmem>>, vector<1x16xf32>,
        %get3A_357 = vector.shape_cast %get3A_356 : vector<1x16xf32> to vector<16xf32>
        %mul3A_358 = arith.mulf %get3A_357, %gather3A_339 : vector<16xf32>
        %swap3A_359 = arith.index_cast %add3A_343 : i32 to index
        %swap3A_360 = arith.constant 16 : index
        %swap3A_361 = tpu.vector_load %arg11[%swap3A_359, %swap3A_360] {strides = array<i32>} : memref<128x128xf32, #tpu.memory_space<vmem>>, vector<1x16xf32>,
        %swap3A_362 = vector.shape_cast %swap3A_361 : vector<1x16xf32> to vector<16xf32>
        %swap3A_363 = vector.shape_cast %mul3A_358 : vector<16xf32> to vector<1x16xf32>
        tpu.vector_store %arg11[%swap3A_359, %swap3A_360], %swap3A_363 {strides = array<i32>} : memref<128x128xf32, #tpu.memory_space<vmem>>, vector<1x16xf32>,
        %get3A_364 = arith.index_cast %add3A_343 : i32 to index
        %get3A_365 = arith.constant 32 : index
        %get3A_366 = tpu.vector_load %arg11[%get3A_364, %get3A_365] {strides = array<i32>} : memref<128x128xf32, #tpu.memory_space<vmem>>, vector<1x16xf32>,
        %get3A_367 = vector.shape_cast %get3A_366 : vector<1x16xf32> to vector<16xf32>
        %mul3A_368 = arith.mulf %get3A_367, %gather3A_339 : vector<16xf32>
        %swap3A_369 = arith.index_cast %add3A_343 : i32 to index
        %swap3A_370 = arith.constant 32 : index
        %swap3A_371 = tpu.vector_load %arg11[%swap3A_369, %swap3A_370] {strides = array<i32>} : memref<128x128xf32, #tpu.memory_space<vmem>>, vector<1x16xf32>,
        %swap3A_372 = vector.shape_cast %swap3A_371 : vector<1x16xf32> to vector<16xf32>
        %swap3A_373 = vector.shape_cast %mul3A_368 : vector<16xf32> to vector<1x16xf32>
        tpu.vector_store %arg11[%swap3A_369, %swap3A_370], %swap3A_373 {strides = array<i32>} : memref<128x128xf32, #tpu.memory_space<vmem>>, vector<1x16xf32>,
        %get3A_374 = arith.index_cast %add3A_343 : i32 to index
        %get3A_375 = arith.constant 48 : index
        %get3A_376 = tpu.vector_load %arg11[%get3A_374, %get3A_375] {strides = array<i32>} : memref<128x128xf32, #tpu.memory_space<vmem>>, vector<1x16xf32>,
        %get3A_377 = vector.shape_cast %get3A_376 : vector<1x16xf32> to vector<16xf32>
        %mul3A_378 = arith.mulf %get3A_377, %gather3A_339 : vector<16xf32>
        %swap3A_379 = arith.index_cast %add3A_343 : i32 to index
        %swap3A_380 = arith.constant 48 : index
        %swap3A_381 = tpu.vector_load %arg11[%swap3A_379, %swap3A_380] {strides = array<i32>} : memref<128x128xf32, #tpu.memory_space<vmem>>, vector<1x16xf32>,
        %swap3A_382 = vector.shape_cast %swap3A_381 : vector<1x16xf32> to vector<16xf32>
        %swap3A_383 = vector.shape_cast %mul3A_378 : vector<16xf32> to vector<1x16xf32>
        tpu.vector_store %arg11[%swap3A_379, %swap3A_380], %swap3A_383 {strides = array<i32>} : memref<128x128xf32, #tpu.memory_space<vmem>>, vector<1x16xf32>,
        %get3A_384 = arith.index_cast %add3A_343 : i32 to index
        %get3A_385 = arith.constant 64 : index
        %get3A_386 = tpu.vector_load %arg11[%get3A_384, %get3A_385] {strides = array<i32>} : memref<128x128xf32, #tpu.memory_space<vmem>>, vector<1x16xf32>,
        %get3A_387 = vector.shape_cast %get3A_386 : vector<1x16xf32> to vector<16xf32>
        %mul3A_388 = arith.mulf %get3A_387, %gather3A_339 : vector<16xf32>
        %swap3A_389 = arith.index_cast %add3A_343 : i32 to index
        %swap3A_390 = arith.constant 64 : index
        %swap3A_391 = tpu.vector_load %arg11[%swap3A_389, %swap3A_390] {strides = array<i32>} : memref<128x128xf32, #tpu.memory_space<vmem>>, vector<1x16xf32>,
        %swap3A_392 = vector.shape_cast %swap3A_391 : vector<1x16xf32> to vector<16xf32>
        %swap3A_393 = vector.shape_cast %mul3A_388 : vector<16xf32> to vector<1x16xf32>
        tpu.vector_store %arg11[%swap3A_389, %swap3A_390], %swap3A_393 {strides = array<i32>} : memref<128x128xf32, #tpu.memory_space<vmem>>, vector<1x16xf32>,
        %get3A_394 = arith.index_cast %add3A_343 : i32 to index
        %get3A_395 = arith.constant 80 : index
        %get3A_396 = tpu.vector_load %arg11[%get3A_394, %get3A_395] {strides = array<i32>} : memref<128x128xf32, #tpu.memory_space<vmem>>, vector<1x16xf32>,
        %get3A_397 = vector.shape_cast %get3A_396 : vector<1x16xf32> to vector<16xf32>
        %mul3A_398 = arith.mulf %get3A_397, %gather3A_339 : vector<16xf32>
        %swap3A_399 = arith.index_cast %add3A_343 : i32 to index
        %swap3A_400 = arith.constant 80 : index
        %swap3A_401 = tpu.vector_load %arg11[%swap3A_399, %swap3A_400] {strides = array<i32>} : memref<128x128xf32, #tpu.memory_space<vmem>>, vector<1x16xf32>,
        %swap3A_402 = vector.shape_cast %swap3A_401 : vector<1x16xf32> to vector<16xf32>
        %swap3A_403 = vector.shape_cast %mul3A_398 : vector<16xf32> to vector<1x16xf32>
        tpu.vector_store %arg11[%swap3A_399, %swap3A_400], %swap3A_403 {strides = array<i32>} : memref<128x128xf32, #tpu.memory_space<vmem>>, vector<1x16xf32>,
        %get3A_404 = arith.index_cast %add3A_343 : i32 to index
        %get3A_405 = arith.constant 96 : index
        %get3A_406 = tpu.vector_load %arg11[%get3A_404, %get3A_405] {strides = array<i32>} : memref<128x128xf32, #tpu.memory_space<vmem>>, vector<1x16xf32>,
        %get3A_407 = vector.shape_cast %get3A_406 : vector<1x16xf32> to vector<16xf32>
        %mul3A_408 = arith.mulf %get3A_407, %gather3A_339 : vector<16xf32>
        %swap3A_409 = arith.index_cast %add3A_343 : i32 to index
        %swap3A_410 = arith.constant 96 : index
        %swap3A_411 = tpu.vector_load %arg11[%swap3A_409, %swap3A_410] {strides = array<i32>} : memref<128x128xf32, #tpu.memory_space<vmem>>, vector<1x16xf32>,
        %swap3A_412 = vector.shape_cast %swap3A_411 : vector<1x16xf32> to vector<16xf32>
        %swap3A_413 = vector.shape_cast %mul3A_408 : vector<16xf32> to vector<1x16xf32>
        tpu.vector_store %arg11[%swap3A_409, %swap3A_410], %swap3A_413 {strides = array<i32>} : memref<128x128xf32, #tpu.memory_space<vmem>>, vector<1x16xf32>,
        %get3A_414 = arith.index_cast %add3A_343 : i32 to index
        %get3A_415 = arith.constant 112 : index
        %get3A_416 = tpu.vector_load %arg11[%get3A_414, %get3A_415] {strides = array<i32>} : memref<128x128xf32, #tpu.memory_space<vmem>>, vector<1x16xf32>,
        %get3A_417 = vector.shape_cast %get3A_416 : vector<1x16xf32> to vector<16xf32>
        %mul3A_418 = arith.mulf %get3A_417, %gather3A_339 : vector<16xf32>
        %swap3A_419 = arith.index_cast %add3A_343 : i32 to index
        %swap3A_420 = arith.constant 112 : index
        %swap3A_421 = tpu.vector_load %arg11[%swap3A_419, %swap3A_420] {strides = array<i32>} : memref<128x128xf32, #tpu.memory_space<vmem>>, vector<1x16xf32>,
        %swap3A_422 = vector.shape_cast %swap3A_421 : vector<1x16xf32> to vector<16xf32>
        %swap3A_423 = vector.shape_cast %mul3A_418 : vector<16xf32> to vector<1x16xf32>
        tpu.vector_store %arg11[%swap3A_419, %swap3A_420], %swap3A_423 {strides = array<i32>} : memref<128x128xf32, #tpu.memory_space<vmem>>, vector<1x16xf32>,
        %broadcast_in_dim3A_424 = arith.constant 3 : i32
        %broadcast_in_dim3A_425 = vector.broadcast %broadcast_in_dim3A_424 : i32 to vector<16x1xi32>
        %gather3A_426 = vector.shape_cast %broadcast_in_dim3A_425 : vector<16x1xi32> to vector<16xi32>
        %gather3A_427 = tpu.dynamic_gather %get3A_161[%gather3A_426] in [0] : vector<16xf32>, vector<16xi32> -> vector<16xf32>
        %mul3A_428 = arith.constant 16 : i32
        %mul3A_429 = arith.muli %scan3A_155, %mul3A_428 : i32
        %add3A_430 = arith.constant 3 : i32
        %add3A_431 = arith.addi %mul3A_429, %add3A_430 : i32
        %get3A_432 = arith.index_cast %add3A_431 : i32 to index
        %get3A_433 = arith.constant 0 : index
        %get3A_434 = tpu.vector_load %arg11[%get3A_432, %get3A_433] {strides = array<i32>} : memref<128x128xf32, #tpu.memory_space<vmem>>, vector<1x16xf32>,
        %get3A_435 = vector.shape_cast %get3A_434 : vector<1x16xf32> to vector<16xf32>
        %mul3A_436 = arith.mulf %get3A_435, %gather3A_427 : vector<16xf32>
        %swap3A_437 = arith.index_cast %add3A_431 : i32 to index
        %swap3A_438 = arith.constant 0 : index
        %swap3A_439 = tpu.vector_load %arg11[%swap3A_437, %swap3A_438] {strides = array<i32>} : memref<128x128xf32, #tpu.memory_space<vmem>>, vector<1x16xf32>,
        %swap3A_440 = vector.shape_cast %swap3A_439 : vector<1x16xf32> to vector<16xf32>
        %swap3A_441 = vector.shape_cast %mul3A_436 : vector<16xf32> to vector<1x16xf32>
        tpu.vector_store %arg11[%swap3A_437, %swap3A_438], %swap3A_441 {strides = array<i32>} : memref<128x128xf32, #tpu.memory_space<vmem>>, vector<1x16xf32>,
        %get3A_442 = arith.index_cast %add3A_431 : i32 to index
        %get3A_443 = arith.constant 16 : index
        %get3A_444 = tpu.vector_load %arg11[%get3A_442, %get3A_443] {strides = array<i32>} : memref<128x128xf32, #tpu.memory_space<vmem>>, vector<1x16xf32>,
        %get3A_445 = vector.shape_cast %get3A_444 : vector<1x16xf32> to vector<16xf32>
        %mul3A_446 = arith.mulf %get3A_445, %gather3A_427 : vector<16xf32>
        %swap3A_447 = arith.index_cast %add3A_431 : i32 to index
        %swap3A_448 = arith.constant 16 : index
        %swap3A_449 = tpu.vector_load %arg11[%swap3A_447, %swap3A_448] {strides = array<i32>} : memref<128x128xf32, #tpu.memory_space<vmem>>, vector<1x16xf32>,
        %swap3A_450 = vector.shape_cast %swap3A_449 : vector<1x16xf32> to vector<16xf32>
        %swap3A_451 = vector.shape_cast %mul3A_446 : vector<16xf32> to vector<1x16xf32>
        tpu.vector_store %arg11[%swap3A_447, %swap3A_448], %swap3A_451 {strides = array<i32>} : memref<128x128xf32, #tpu.memory_space<vmem>>, vector<1x16xf32>,
        %get3A_452 = arith.index_cast %add3A_431 : i32 to index
        %get3A_453 = arith.constant 32 : index
        %get3A_454 = tpu.vector_load %arg11[%get3A_452, %get3A_453] {strides = array<i32>} : memref<128x128xf32, #tpu.memory_space<vmem>>, vector<1x16xf32>,
        %get3A_455 = vector.shape_cast %get3A_454 : vector<1x16xf32> to vector<16xf32>
        %mul3A_456 = arith.mulf %get3A_455, %gather3A_427 : vector<16xf32>
        %swap3A_457 = arith.index_cast %add3A_431 : i32 to index
        %swap3A_458 = arith.constant 32 : index
        %swap3A_459 = tpu.vector_load %arg11[%swap3A_457, %swap3A_458] {strides = array<i32>} : memref<128x128xf32, #tpu.memory_space<vmem>>, vector<1x16xf32>,
        %swap3A_460 = vector.shape_cast %swap3A_459 : vector<1x16xf32> to vector<16xf32>
        %swap3A_461 = vector.shape_cast %mul3A_456 : vector<16xf32> to vector<1x16xf32>
        tpu.vector_store %arg11[%swap3A_457, %swap3A_458], %swap3A_461 {strides = array<i32>} : memref<128x128xf32, #tpu.memory_space<vmem>>, vector<1x16xf32>,
        %get3A_462 = arith.index_cast %add3A_431 : i32 to index
        %get3A_463 = arith.constant 48 : index
        %get3A_464 = tpu.vector_load %arg11[%get3A_462, %get3A_463] {strides = array<i32>} : memref<128x128xf32, #tpu.memory_space<vmem>>, vector<1x16xf32>,
        %get3A_465 = vector.shape_cast %get3A_464 : vector<1x16xf32> to vector<16xf32>
        %mul3A_466 = arith.mulf %get3A_465, %gather3A_427 : vector<16xf32>
        %swap3A_467 = arith.index_cast %add3A_431 : i32 to index
        %swap3A_468 = arith.constant 48 : index
        %swap3A_469 = tpu.vector_load %arg11[%swap3A_467, %swap3A_468] {strides = array<i32>} : memref<128x128xf32, #tpu.memory_space<vmem>>, vector<1x16xf32>,
        %swap3A_470 = vector.shape_cast %swap3A_469 : vector<1x16xf32> to vector<16xf32>
        %swap3A_471 = vector.shape_cast %mul3A_466 : vector<16xf32> to vector<1x16xf32>
        tpu.vector_store %arg11[%swap3A_467, %swap3A_468], %swap3A_471 {strides = array<i32>} : memref<128x128xf32, #tpu.memory_space<vmem>>, vector<1x16xf32>,
        %get3A_472 = arith.index_cast %add3A_431 : i32 to index
        %get3A_473 = arith.constant 64 : index
        %get3A_474 = tpu.vector_load %arg11[%get3A_472, %get3A_473] {strides = array<i32>} : memref<128x128xf32, #tpu.memory_space<vmem>>, vector<1x16xf32>,
        %get3A_475 = vector.shape_cast %get3A_474 : vector<1x16xf32> to vector<16xf32>
        %mul3A_476 = arith.mulf %get3A_475, %gather3A_427 : vector<16xf32>
        %swap3A_477 = arith.index_cast %add3A_431 : i32 to index
        %swap3A_478 = arith.constant 64 : index
        %swap3A_479 = tpu.vector_load %arg11[%swap3A_477, %swap3A_478] {strides = array<i32>} : memref<128x128xf32, #tpu.memory_space<vmem>>, vector<1x16xf32>,
        %swap3A_480 = vector.shape_cast %swap3A_479 : vector<1x16xf32> to vector<16xf32>
        %swap3A_481 = vector.shape_cast %mul3A_476 : vector<16xf32> to vector<1x16xf32>
        tpu.vector_store %arg11[%swap3A_477, %swap3A_478], %swap3A_481 {strides = array<i32>} : memref<128x128xf32, #tpu.memory_space<vmem>>, vector<1x16xf32>,
        %get3A_482 = arith.index_cast %add3A_431 : i32 to index
        %get3A_483 = arith.constant 80 : index
        %get3A_484 = tpu.vector_load %arg11[%get3A_482, %get3A_483] {strides = array<i32>} : memref<128x128xf32, #tpu.memory_space<vmem>>, vector<1x16xf32>,
        %get3A_485 = vector.shape_cast %get3A_484 : vector<1x16xf32> to vector<16xf32>
        %mul3A_486 = arith.mulf %get3A_485, %gather3A_427 : vector<16xf32>
        %swap3A_487 = arith.index_cast %add3A_431 : i32 to index
        %swap3A_488 = arith.constant 80 : index
        %swap3A_489 = tpu.vector_load %arg11[%swap3A_487, %swap3A_488] {strides = array<i32>} : memref<128x128xf32, #tpu.memory_space<vmem>>, vector<1x16xf32>,
        %swap3A_490 = vector.shape_cast %swap3A_489 : vector<1x16xf32> to vector<16xf32>
        %swap3A_491 = vector.shape_cast %mul3A_486 : vector<16xf32> to vector<1x16xf32>
        tpu.vector_store %arg11[%swap3A_487, %swap3A_488], %swap3A_491 {strides = array<i32>} : memref<128x128xf32, #tpu.memory_space<vmem>>, vector<1x16xf32>,
        %get3A_492 = arith.index_cast %add3A_431 : i32 to index
        %get3A_493 = arith.constant 96 : index
        %get3A_494 = tpu.vector_load %arg11[%get3A_492, %get3A_493] {strides = array<i32>} : memref<128x128xf32, #tpu.memory_space<vmem>>, vector<1x16xf32>,
        %get3A_495 = vector.shape_cast %get3A_494 : vector<1x16xf32> to vector<16xf32>
        %mul3A_496 = arith.mulf %get3A_495, %gather3A_427 : vector<16xf32>
        %swap3A_497 = arith.index_cast %add3A_431 : i32 to index
        %swap3A_498 = arith.constant 96 : index
        %swap3A_499 = tpu.vector_load %arg11[%swap3A_497, %swap3A_498] {strides = array<i32>} : memref<128x128xf32, #tpu.memory_space<vmem>>, vector<1x16xf32>,
        %swap3A_500 = vector.shape_cast %swap3A_499 : vector<1x16xf32> to vector<16xf32>
        %swap3A_501 = vector.shape_cast %mul3A_496 : vector<16xf32> to vector<1x16xf32>
        tpu.vector_store %arg11[%swap3A_497, %swap3A_498], %swap3A_501 {strides = array<i32>} : memref<128x128xf32, #tpu.memory_space<vmem>>, vector<1x16xf32>,
        %get3A_502 = arith.index_cast %add3A_431 : i32 to index
        %get3A_503 = arith.constant 112 : index
        %get3A_504 = tpu.vector_load %arg11[%get3A_502, %get3A_503] {strides = array<i32>} : memref<128x128xf32, #tpu.memory_space<vmem>>, vector<1x16xf32>,
        %get3A_505 = vector.shape_cast %get3A_504 : vector<1x16xf32> to vector<16xf32>
        %mul3A_506 = arith.mulf %get3A_505, %gather3A_427 : vector<16xf32>
        %swap3A_507 = arith.index_cast %add3A_431 : i32 to index
        %swap3A_508 = arith.constant 112 : index
        %swap3A_509 = tpu.vector_load %arg11[%swap3A_507, %swap3A_508] {strides = array<i32>} : memref<128x128xf32, #tpu.memory_space<vmem>>, vector<1x16xf32>,
        %swap3A_510 = vector.shape_cast %swap3A_509 : vector<1x16xf32> to vector<16xf32>
        %swap3A_511 = vector.shape_cast %mul3A_506 : vector<16xf32> to vector<1x16xf32>
        tpu.vector_store %arg11[%swap3A_507, %swap3A_508], %swap3A_511 {strides = array<i32>} : memref<128x128xf32, #tpu.memory_space<vmem>>, vector<1x16xf32>,
        %broadcast_in_dim3A_512 = arith.constant 4 : i32
        %broadcast_in_dim3A_513 = vector.broadcast %broadcast_in_dim3A_512 : i32 to vector<16x1xi32>
        %gather3A_514 = vector.shape_cast %broadcast_in_dim3A_513 : vector<16x1xi32> to vector<16xi32>
        %gather3A_515 = tpu.dynamic_gather %get3A_161[%gather3A_514] in [0] : vector<16xf32>, vector<16xi32> -> vector<16xf32>
        %mul3A_516 = arith.constant 16 : i32
        %mul3A_517 = arith.muli %scan3A_155, %mul3A_516 : i32
        %add3A_518 = arith.constant 4 : i32
        %add3A_519 = arith.addi %mul3A_517, %add3A_518 : i32
        %get3A_520 = arith.index_cast %add3A_519 : i32 to index
        %get3A_521 = arith.constant 0 : index
        %get3A_522 = tpu.vector_load %arg11[%get3A_520, %get3A_521] {strides = array<i32>} : memref<128x128xf32, #tpu.memory_space<vmem>>, vector<1x16xf32>,
        %get3A_523 = vector.shape_cast %get3A_522 : vector<1x16xf32> to vector<16xf32>
        %mul3A_524 = arith.mulf %get3A_523, %gather3A_515 : vector<16xf32>
        %swap3A_525 = arith.index_cast %add3A_519 : i32 to index
        %swap3A_526 = arith.constant 0 : index
        %swap3A_527 = tpu.vector_load %arg11[%swap3A_525, %swap3A_526] {strides = array<i32>} : memref<128x128xf32, #tpu.memory_space<vmem>>, vector<1x16xf32>,
        %swap3A_528 = vector.shape_cast %swap3A_527 : vector<1x16xf32> to vector<16xf32>
        %swap3A_529 = vector.shape_cast %mul3A_524 : vector<16xf32> to vector<1x16xf32>
        tpu.vector_store %arg11[%swap3A_525, %swap3A_526], %swap3A_529 {strides = array<i32>} : memref<128x128xf32, #tpu.memory_space<vmem>>, vector<1x16xf32>,
        %get3A_530 = arith.index_cast %add3A_519 : i32 to index
        %get3A_531 = arith.constant 16 : index
        %get3A_532 = tpu.vector_load %arg11[%get3A_530, %get3A_531] {strides = array<i32>} : memref<128x128xf32, #tpu.memory_space<vmem>>, vector<1x16xf32>,
        %get3A_533 = vector.shape_cast %get3A_532 : vector<1x16xf32> to vector<16xf32>
        %mul3A_534 = arith.mulf %get3A_533, %gather3A_515 : vector<16xf32>
        %swap3A_535 = arith.index_cast %add3A_519 : i32 to index
        %swap3A_536 = arith.constant 16 : index
        %swap3A_537 = tpu.vector_load %arg11[%swap3A_535, %swap3A_536] {strides = array<i32>} : memref<128x128xf32, #tpu.memory_space<vmem>>, vector<1x16xf32>,
        %swap3A_538 = vector.shape_cast %swap3A_537 : vector<1x16xf32> to vector<16xf32>
        %swap3A_539 = vector.shape_cast %mul3A_534 : vector<16xf32> to vector<1x16xf32>
        tpu.vector_store %arg11[%swap3A_535, %swap3A_536], %swap3A_539 {strides = array<i32>} : memref<128x128xf32, #tpu.memory_space<vmem>>, vector<1x16xf32>,
        %get3A_540 = arith.index_cast %add3A_519 : i32 to index
        %get3A_541 = arith.constant 32 : index
        %get3A_542 = tpu.vector_load %arg11[%get3A_540, %get3A_541] {strides = array<i32>} : memref<128x128xf32, #tpu.memory_space<vmem>>, vector<1x16xf32>,
        %get3A_543 = vector.shape_cast %get3A_542 : vector<1x16xf32> to vector<16xf32>
        %mul3A_544 = arith.mulf %get3A_543, %gather3A_515 : vector<16xf32>
        %swap3A_545 = arith.index_cast %add3A_519 : i32 to index
        %swap3A_546 = arith.constant 32 : index
        %swap3A_547 = tpu.vector_load %arg11[%swap3A_545, %swap3A_546] {strides = array<i32>} : memref<128x128xf32, #tpu.memory_space<vmem>>, vector<1x16xf32>,
        %swap3A_548 = vector.shape_cast %swap3A_547 : vector<1x16xf32> to vector<16xf32>
        %swap3A_549 = vector.shape_cast %mul3A_544 : vector<16xf32> to vector<1x16xf32>
        tpu.vector_store %arg11[%swap3A_545, %swap3A_546], %swap3A_549 {strides = array<i32>} : memref<128x128xf32, #tpu.memory_space<vmem>>, vector<1x16xf32>,
        %get3A_550 = arith.index_cast %add3A_519 : i32 to index
        %get3A_551 = arith.constant 48 : index
        %get3A_552 = tpu.vector_load %arg11[%get3A_550, %get3A_551] {strides = array<i32>} : memref<128x128xf32, #tpu.memory_space<vmem>>, vector<1x16xf32>,
        %get3A_553 = vector.shape_cast %get3A_552 : vector<1x16xf32> to vector<16xf32>
        %mul3A_554 = arith.mulf %get3A_553, %gather3A_515 : vector<16xf32>
        %swap3A_555 = arith.index_cast %add3A_519 : i32 to index
        %swap3A_556 = arith.constant 48 : index
        %swap3A_557 = tpu.vector_load %arg11[%swap3A_555, %swap3A_556] {strides = array<i32>} : memref<128x128xf32, #tpu.memory_space<vmem>>, vector<1x16xf32>,
        %swap3A_558 = vector.shape_cast %swap3A_557 : vector<1x16xf32> to vector<16xf32>
        %swap3A_559 = vector.shape_cast %mul3A_554 : vector<16xf32> to vector<1x16xf32>
        tpu.vector_store %arg11[%swap3A_555, %swap3A_556], %swap3A_559 {strides = array<i32>} : memref<128x128xf32, #tpu.memory_space<vmem>>, vector<1x16xf32>,
        %get3A_560 = arith.index_cast %add3A_519 : i32 to index
        %get3A_561 = arith.constant 64 : index
        %get3A_562 = tpu.vector_load %arg11[%get3A_560, %get3A_561] {strides = array<i32>} : memref<128x128xf32, #tpu.memory_space<vmem>>, vector<1x16xf32>,
        %get3A_563 = vector.shape_cast %get3A_562 : vector<1x16xf32> to vector<16xf32>
        %mul3A_564 = arith.mulf %get3A_563, %gather3A_515 : vector<16xf32>
        %swap3A_565 = arith.index_cast %add3A_519 : i32 to index
        %swap3A_566 = arith.constant 64 : index
        %swap3A_567 = tpu.vector_load %arg11[%swap3A_565, %swap3A_566] {strides = array<i32>} : memref<128x128xf32, #tpu.memory_space<vmem>>, vector<1x16xf32>,
        %swap3A_568 = vector.shape_cast %swap3A_567 : vector<1x16xf32> to vector<16xf32>
        %swap3A_569 = vector.shape_cast %mul3A_564 : vector<16xf32> to vector<1x16xf32>
        tpu.vector_store %arg11[%swap3A_565, %swap3A_566], %swap3A_569 {strides = array<i32>} : memref<128x128xf32, #tpu.memory_space<vmem>>, vector<1x16xf32>,
        %get3A_570 = arith.index_cast %add3A_519 : i32 to index
        %get3A_571 = arith.constant 80 : index
        %get3A_572 = tpu.vector_load %arg11[%get3A_570, %get3A_571] {strides = array<i32>} : memref<128x128xf32, #tpu.memory_space<vmem>>, vector<1x16xf32>,
        %get3A_573 = vector.shape_cast %get3A_572 : vector<1x16xf32> to vector<16xf32>
        %mul3A_574 = arith.mulf %get3A_573, %gather3A_515 : vector<16xf32>
        %swap3A_575 = arith.index_cast %add3A_519 : i32 to index
        %swap3A_576 = arith.constant 80 : index
        %swap3A_577 = tpu.vector_load %arg11[%swap3A_575, %swap3A_576] {strides = array<i32>} : memref<128x128xf32, #tpu.memory_space<vmem>>, vector<1x16xf32>,
        %swap3A_578 = vector.shape_cast %swap3A_577 : vector<1x16xf32> to vector<16xf32>
        %swap3A_579 = vector.shape_cast %mul3A_574 : vector<16xf32> to vector<1x16xf32>
        tpu.vector_store %arg11[%swap3A_575, %swap3A_576], %swap3A_579 {strides = array<i32>} : memref<128x128xf32, #tpu.memory_space<vmem>>, vector<1x16xf32>,
        %get3A_580 = arith.index_cast %add3A_519 : i32 to index
        %get3A_581 = arith.constant 96 : index
        %get3A_582 = tpu.vector_load %arg11[%get3A_580, %get3A_581] {strides = array<i32>} : memref<128x128xf32, #tpu.memory_space<vmem>>, vector<1x16xf32>,
        %get3A_583 = vector.shape_cast %get3A_582 : vector<1x16xf32> to vector<16xf32>
        %mul3A_584 = arith.mulf %get3A_583, %gather3A_515 : vector<16xf32>
        %swap3A_585 = arith.index_cast %add3A_519 : i32 to index
        %swap3A_586 = arith.constant 96 : index
        %swap3A_587 = tpu.vector_load %arg11[%swap3A_585, %swap3A_586] {strides = array<i32>} : memref<128x128xf32, #tpu.memory_space<vmem>>, vector<1x16xf32>,
        %swap3A_588 = vector.shape_cast %swap3A_587 : vector<1x16xf32> to vector<16xf32>
        %swap3A_589 = vector.shape_cast %mul3A_584 : vector<16xf32> to vector<1x16xf32>
        tpu.vector_store %arg11[%swap3A_585, %swap3A_586], %swap3A_589 {strides = array<i32>} : memref<128x128xf32, #tpu.memory_space<vmem>>, vector<1x16xf32>,
        %get3A_590 = arith.index_cast %add3A_519 : i32 to index
        %get3A_591 = arith.constant 112 : index
        %get3A_592 = tpu.vector_load %arg11[%get3A_590, %get3A_591] {strides = array<i32>} : memref<128x128xf32, #tpu.memory_space<vmem>>, vector<1x16xf32>,
        %get3A_593 = vector.shape_cast %get3A_592 : vector<1x16xf32> to vector<16xf32>
        %mul3A_594 = arith.mulf %get3A_593, %gather3A_515 : vector<16xf32>
        %swap3A_595 = arith.index_cast %add3A_519 : i32 to index
        %swap3A_596 = arith.constant 112 : index
        %swap3A_597 = tpu.vector_load %arg11[%swap3A_595, %swap3A_596] {strides = array<i32>} : memref<128x128xf32, #tpu.memory_space<vmem>>, vector<1x16xf32>,
        %swap3A_598 = vector.shape_cast %swap3A_597 : vector<1x16xf32> to vector<16xf32>
        %swap3A_599 = vector.shape_cast %mul3A_594 : vector<16xf32> to vector<1x16xf32>
        tpu.vector_store %arg11[%swap3A_595, %swap3A_596], %swap3A_599 {strides = array<i32>} : memref<128x128xf32, #tpu.memory_space<vmem>>, vector<1x16xf32>,
        %broadcast_in_dim3A_600 = arith.constant 5 : i32
        %broadcast_in_dim3A_601 = vector.broadcast %broadcast_in_dim3A_600 : i32 to vector<16x1xi32>
        %gather3A_602 = vector.shape_cast %broadcast_in_dim3A_601 : vector<16x1xi32> to vector<16xi32>
        %gather3A_603 = tpu.dynamic_gather %get3A_161[%gather3A_602] in [0] : vector<16xf32>, vector<16xi32> -> vector<16xf32>
        %mul3A_604 = arith.constant 16 : i32
        %mul3A_605 = arith.muli %scan3A_155, %mul3A_604 : i32
        %add3A_606 = arith.constant 5 : i32
        %add3A_607 = arith.addi %mul3A_605, %add3A_606 : i32
        %get3A_608 = arith.index_cast %add3A_607 : i32 to index
        %get3A_609 = arith.constant 0 : index
        %get3A_610 = tpu.vector_load %arg11[%get3A_608, %get3A_609] {strides = array<i32>} : memref<128x128xf32, #tpu.memory_space<vmem>>, vector<1x16xf32>,
        %get3A_611 = vector.shape_cast %get3A_610 : vector<1x16xf32> to vector<16xf32>
        %mul3A_612 = arith.mulf %get3A_611, %gather3A_603 : vector<16xf32>
        %swap3A_613 = arith.index_cast %add3A_607 : i32 to index
        %swap3A_614 = arith.constant 0 : index
        %swap3A_615 = tpu.vector_load %arg11[%swap3A_613, %swap3A_614] {strides = array<i32>} : memref<128x128xf32, #tpu.memory_space<vmem>>, vector<1x16xf32>,
        %swap3A_616 = vector.shape_cast %swap3A_615 : vector<1x16xf32> to vector<16xf32>
        %swap3A_617 = vector.shape_cast %mul3A_612 : vector<16xf32> to vector<1x16xf32>
        tpu.vector_store %arg11[%swap3A_613, %swap3A_614], %swap3A_617 {strides = array<i32>} : memref<128x128xf32, #tpu.memory_space<vmem>>, vector<1x16xf32>,
        %get3A_618 = arith.index_cast %add3A_607 : i32 to index
        %get3A_619 = arith.constant 16 : index
        %get3A_620 = tpu.vector_load %arg11[%get3A_618, %get3A_619] {strides = array<i32>} : memref<128x128xf32, #tpu.memory_space<vmem>>, vector<1x16xf32>,
        %get3A_621 = vector.shape_cast %get3A_620 : vector<1x16xf32> to vector<16xf32>
        %mul3A_622 = arith.mulf %get3A_621, %gather3A_603 : vector<16xf32>
        %swap3A_623 = arith.index_cast %add3A_607 : i32 to index
        %swap3A_624 = arith.constant 16 : index
        %swap3A_625 = tpu.vector_load %arg11[%swap3A_623, %swap3A_624] {strides = array<i32>} : memref<128x128xf32, #tpu.memory_space<vmem>>, vector<1x16xf32>,
        %swap3A_626 = vector.shape_cast %swap3A_625 : vector<1x16xf32> to vector<16xf32>
        %swap3A_627 = vector.shape_cast %mul3A_622 : vector<16xf32> to vector<1x16xf32>
        tpu.vector_store %arg11[%swap3A_623, %swap3A_624], %swap3A_627 {strides = array<i32>} : memref<128x128xf32, #tpu.memory_space<vmem>>, vector<1x16xf32>,
        %get3A_628 = arith.index_cast %add3A_607 : i32 to index
        %get3A_629 = arith.constant 32 : index
        %get3A_630 = tpu.vector_load %arg11[%get3A_628, %get3A_629] {strides = array<i32>} : memref<128x128xf32, #tpu.memory_space<vmem>>, vector<1x16xf32>,
        %get3A_631 = vector.shape_cast %get3A_630 : vector<1x16xf32> to vector<16xf32>
        %mul3A_632 = arith.mulf %get3A_631, %gather3A_603 : vector<16xf32>
        %swap3A_633 = arith.index_cast %add3A_607 : i32 to index
        %swap3A_634 = arith.constant 32 : index
        %swap3A_635 = tpu.vector_load %arg11[%swap3A_633, %swap3A_634] {strides = array<i32>} : memref<128x128xf32, #tpu.memory_space<vmem>>, vector<1x16xf32>,
        %swap3A_636 = vector.shape_cast %swap3A_635 : vector<1x16xf32> to vector<16xf32>
        %swap3A_637 = vector.shape_cast %mul3A_632 : vector<16xf32> to vector<1x16xf32>
        tpu.vector_store %arg11[%swap3A_633, %swap3A_634], %swap3A_637 {strides = array<i32>} : memref<128x128xf32, #tpu.memory_space<vmem>>, vector<1x16xf32>,
        %get3A_638 = arith.index_cast %add3A_607 : i32 to index
        %get3A_639 = arith.constant 48 : index
        %get3A_640 = tpu.vector_load %arg11[%get3A_638, %get3A_639] {strides = array<i32>} : memref<128x128xf32, #tpu.memory_space<vmem>>, vector<1x16xf32>,
        %get3A_641 = vector.shape_cast %get3A_640 : vector<1x16xf32> to vector<16xf32>
        %mul3A_642 = arith.mulf %get3A_641, %gather3A_603 : vector<16xf32>
        %swap3A_643 = arith.index_cast %add3A_607 : i32 to index
        %swap3A_644 = arith.constant 48 : index
        %swap3A_645 = tpu.vector_load %arg11[%swap3A_643, %swap3A_644] {strides = array<i32>} : memref<128x128xf32, #tpu.memory_space<vmem>>, vector<1x16xf32>,
        %swap3A_646 = vector.shape_cast %swap3A_645 : vector<1x16xf32> to vector<16xf32>
        %swap3A_647 = vector.shape_cast %mul3A_642 : vector<16xf32> to vector<1x16xf32>
        tpu.vector_store %arg11[%swap3A_643, %swap3A_644], %swap3A_647 {strides = array<i32>} : memref<128x128xf32, #tpu.memory_space<vmem>>, vector<1x16xf32>,
        %get3A_648 = arith.index_cast %add3A_607 : i32 to index
        %get3A_649 = arith.constant 64 : index
        %get3A_650 = tpu.vector_load %arg11[%get3A_648, %get3A_649] {strides = array<i32>} : memref<128x128xf32, #tpu.memory_space<vmem>>, vector<1x16xf32>,
        %get3A_651 = vector.shape_cast %get3A_650 : vector<1x16xf32> to vector<16xf32>
        %mul3A_652 = arith.mulf %get3A_651, %gather3A_603 : vector<16xf32>
        %swap3A_653 = arith.index_cast %add3A_607 : i32 to index
        %swap3A_654 = arith.constant 64 : index
        %swap3A_655 = tpu.vector_load %arg11[%swap3A_653, %swap3A_654] {strides = array<i32>} : memref<128x128xf32, #tpu.memory_space<vmem>>, vector<1x16xf32>,
        %swap3A_656 = vector.shape_cast %swap3A_655 : vector<1x16xf32> to vector<16xf32>
        %swap3A_657 = vector.shape_cast %mul3A_652 : vector<16xf32> to vector<1x16xf32>
        tpu.vector_store %arg11[%swap3A_653, %swap3A_654], %swap3A_657 {strides = array<i32>} : memref<128x128xf32, #tpu.memory_space<vmem>>, vector<1x16xf32>,
        %get3A_658 = arith.index_cast %add3A_607 : i32 to index
        %get3A_659 = arith.constant 80 : index
        %get3A_660 = tpu.vector_load %arg11[%get3A_658, %get3A_659] {strides = array<i32>} : memref<128x128xf32, #tpu.memory_space<vmem>>, vector<1x16xf32>,
        %get3A_661 = vector.shape_cast %get3A_660 : vector<1x16xf32> to vector<16xf32>
        %mul3A_662 = arith.mulf %get3A_661, %gather3A_603 : vector<16xf32>
        %swap3A_663 = arith.index_cast %add3A_607 : i32 to index
        %swap3A_664 = arith.constant 80 : index
        %swap3A_665 = tpu.vector_load %arg11[%swap3A_663, %swap3A_664] {strides = array<i32>} : memref<128x128xf32, #tpu.memory_space<vmem>>, vector<1x16xf32>,
        %swap3A_666 = vector.shape_cast %swap3A_665 : vector<1x16xf32> to vector<16xf32>
        %swap3A_667 = vector.shape_cast %mul3A_662 : vector<16xf32> to vector<1x16xf32>
        tpu.vector_store %arg11[%swap3A_663, %swap3A_664], %swap3A_667 {strides = array<i32>} : memref<128x128xf32, #tpu.memory_space<vmem>>, vector<1x16xf32>,
        %get3A_668 = arith.index_cast %add3A_607 : i32 to index
        %get3A_669 = arith.constant 96 : index
        %get3A_670 = tpu.vector_load %arg11[%get3A_668, %get3A_669] {strides = array<i32>} : memref<128x128xf32, #tpu.memory_space<vmem>>, vector<1x16xf32>,
        %get3A_671 = vector.shape_cast %get3A_670 : vector<1x16xf32> to vector<16xf32>
        %mul3A_672 = arith.mulf %get3A_671, %gather3A_603 : vector<16xf32>
        %swap3A_673 = arith.index_cast %add3A_607 : i32 to index
        %swap3A_674 = arith.constant 96 : index
        %swap3A_675 = tpu.vector_load %arg11[%swap3A_673, %swap3A_674] {strides = array<i32>} : memref<128x128xf32, #tpu.memory_space<vmem>>, vector<1x16xf32>,
        %swap3A_676 = vector.shape_cast %swap3A_675 : vector<1x16xf32> to vector<16xf32>
        %swap3A_677 = vector.shape_cast %mul3A_672 : vector<16xf32> to vector<1x16xf32>
        tpu.vector_store %arg11[%swap3A_673, %swap3A_674], %swap3A_677 {strides = array<i32>} : memref<128x128xf32, #tpu.memory_space<vmem>>, vector<1x16xf32>,
        %get3A_678 = arith.index_cast %add3A_607 : i32 to index
        %get3A_679 = arith.constant 112 : index
        %get3A_680 = tpu.vector_load %arg11[%get3A_678, %get3A_679] {strides = array<i32>} : memref<128x128xf32, #tpu.memory_space<vmem>>, vector<1x16xf32>,
        %get3A_681 = vector.shape_cast %get3A_680 : vector<1x16xf32> to vector<16xf32>
        %mul3A_682 = arith.mulf %get3A_681, %gather3A_603 : vector<16xf32>
        %swap3A_683 = arith.index_cast %add3A_607 : i32 to index
        %swap3A_684 = arith.constant 112 : index
        %swap3A_685 = tpu.vector_load %arg11[%swap3A_683, %swap3A_684] {strides = array<i32>} : memref<128x128xf32, #tpu.memory_space<vmem>>, vector<1x16xf32>,
        %swap3A_686 = vector.shape_cast %swap3A_685 : vector<1x16xf32> to vector<16xf32>
        %swap3A_687 = vector.shape_cast %mul3A_682 : vector<16xf32> to vector<1x16xf32>
        tpu.vector_store %arg11[%swap3A_683, %swap3A_684], %swap3A_687 {strides = array<i32>} : memref<128x128xf32, #tpu.memory_space<vmem>>, vector<1x16xf32>,
        %broadcast_in_dim3A_688 = arith.constant 6 : i32
        %broadcast_in_dim3A_689 = vector.broadcast %broadcast_in_dim3A_688 : i32 to vector<16x1xi32>
        %gather3A_690 = vector.shape_cast %broadcast_in_dim3A_689 : vector<16x1xi32> to vector<16xi32>
        %gather3A_691 = tpu.dynamic_gather %get3A_161[%gather3A_690] in [0] : vector<16xf32>, vector<16xi32> -> vector<16xf32>
        %mul3A_692 = arith.constant 16 : i32
        %mul3A_693 = arith.muli %scan3A_155, %mul3A_692 : i32
        %add3A_694 = arith.constant 6 : i32
        %add3A_695 = arith.addi %mul3A_693, %add3A_694 : i32
        %get3A_696 = arith.index_cast %add3A_695 : i32 to index
        %get3A_697 = arith.constant 0 : index
        %get3A_698 = tpu.vector_load %arg11[%get3A_696, %get3A_697] {strides = array<i32>} : memref<128x128xf32, #tpu.memory_space<vmem>>, vector<1x16xf32>,
        %get3A_699 = vector.shape_cast %get3A_698 : vector<1x16xf32> to vector<16xf32>
        %mul3A_700 = arith.mulf %get3A_699, %gather3A_691 : vector<16xf32>
        %swap3A_701 = arith.index_cast %add3A_695 : i32 to index
        %swap3A_702 = arith.constant 0 : index
        %swap3A_703 = tpu.vector_load %arg11[%swap3A_701, %swap3A_702] {strides = array<i32>} : memref<128x128xf32, #tpu.memory_space<vmem>>, vector<1x16xf32>,
        %swap3A_704 = vector.shape_cast %swap3A_703 : vector<1x16xf32> to vector<16xf32>
        %swap3A_705 = vector.shape_cast %mul3A_700 : vector<16xf32> to vector<1x16xf32>
        tpu.vector_store %arg11[%swap3A_701, %swap3A_702], %swap3A_705 {strides = array<i32>} : memref<128x128xf32, #tpu.memory_space<vmem>>, vector<1x16xf32>,
        %get3A_706 = arith.index_cast %add3A_695 : i32 to index
        %get3A_707 = arith.constant 16 : index
        %get3A_708 = tpu.vector_load %arg11[%get3A_706, %get3A_707] {strides = array<i32>} : memref<128x128xf32, #tpu.memory_space<vmem>>, vector<1x16xf32>,
        %get3A_709 = vector.shape_cast %get3A_708 : vector<1x16xf32> to vector<16xf32>
        %mul3A_710 = arith.mulf %get3A_709, %gather3A_691 : vector<16xf32>
        %swap3A_711 = arith.index_cast %add3A_695 : i32 to index
        %swap3A_712 = arith.constant 16 : index
        %swap3A_713 = tpu.vector_load %arg11[%swap3A_711, %swap3A_712] {strides = array<i32>} : memref<128x128xf32, #tpu.memory_space<vmem>>, vector<1x16xf32>,
        %swap3A_714 = vector.shape_cast %swap3A_713 : vector<1x16xf32> to vector<16xf32>
        %swap3A_715 = vector.shape_cast %mul3A_710 : vector<16xf32> to vector<1x16xf32>
        tpu.vector_store %arg11[%swap3A_711, %swap3A_712], %swap3A_715 {strides = array<i32>} : memref<128x128xf32, #tpu.memory_space<vmem>>, vector<1x16xf32>,
        %get3A_716 = arith.index_cast %add3A_695 : i32 to index
        %get3A_717 = arith.constant 32 : index
        %get3A_718 = tpu.vector_load %arg11[%get3A_716, %get3A_717] {strides = array<i32>} : memref<128x128xf32, #tpu.memory_space<vmem>>, vector<1x16xf32>,
        %get3A_719 = vector.shape_cast %get3A_718 : vector<1x16xf32> to vector<16xf32>
        %mul3A_720 = arith.mulf %get3A_719, %gather3A_691 : vector<16xf32>
        %swap3A_721 = arith.index_cast %add3A_695 : i32 to index
        %swap3A_722 = arith.constant 32 : index
        %swap3A_723 = tpu.vector_load %arg11[%swap3A_721, %swap3A_722] {strides = array<i32>} : memref<128x128xf32, #tpu.memory_space<vmem>>, vector<1x16xf32>,
        %swap3A_724 = vector.shape_cast %swap3A_723 : vector<1x16xf32> to vector<16xf32>
        %swap3A_725 = vector.shape_cast %mul3A_720 : vector<16xf32> to vector<1x16xf32>
        tpu.vector_store %arg11[%swap3A_721, %swap3A_722], %swap3A_725 {strides = array<i32>} : memref<128x128xf32, #tpu.memory_space<vmem>>, vector<1x16xf32>,
        %get3A_726 = arith.index_cast %add3A_695 : i32 to index
        %get3A_727 = arith.constant 48 : index
        %get3A_728 = tpu.vector_load %arg11[%get3A_726, %get3A_727] {strides = array<i32>} : memref<128x128xf32, #tpu.memory_space<vmem>>, vector<1x16xf32>,
        %get3A_729 = vector.shape_cast %get3A_728 : vector<1x16xf32> to vector<16xf32>
        %mul3A_730 = arith.mulf %get3A_729, %gather3A_691 : vector<16xf32>
        %swap3A_731 = arith.index_cast %add3A_695 : i32 to index
        %swap3A_732 = arith.constant 48 : index
        %swap3A_733 = tpu.vector_load %arg11[%swap3A_731, %swap3A_732] {strides = array<i32>} : memref<128x128xf32, #tpu.memory_space<vmem>>, vector<1x16xf32>,
        %swap3A_734 = vector.shape_cast %swap3A_733 : vector<1x16xf32> to vector<16xf32>
        %swap3A_735 = vector.shape_cast %mul3A_730 : vector<16xf32> to vector<1x16xf32>
        tpu.vector_store %arg11[%swap3A_731, %swap3A_732], %swap3A_735 {strides = array<i32>} : memref<128x128xf32, #tpu.memory_space<vmem>>, vector<1x16xf32>,
        %get3A_736 = arith.index_cast %add3A_695 : i32 to index
        %get3A_737 = arith.constant 64 : index
        %get3A_738 = tpu.vector_load %arg11[%get3A_736, %get3A_737] {strides = array<i32>} : memref<128x128xf32, #tpu.memory_space<vmem>>, vector<1x16xf32>,
        %get3A_739 = vector.shape_cast %get3A_738 : vector<1x16xf32> to vector<16xf32>
        %mul3A_740 = arith.mulf %get3A_739, %gather3A_691 : vector<16xf32>
        %swap3A_741 = arith.index_cast %add3A_695 : i32 to index
        %swap3A_742 = arith.constant 64 : index
        %swap3A_743 = tpu.vector_load %arg11[%swap3A_741, %swap3A_742] {strides = array<i32>} : memref<128x128xf32, #tpu.memory_space<vmem>>, vector<1x16xf32>,
        %swap3A_744 = vector.shape_cast %swap3A_743 : vector<1x16xf32> to vector<16xf32>
        %swap3A_745 = vector.shape_cast %mul3A_740 : vector<16xf32> to vector<1x16xf32>
        tpu.vector_store %arg11[%swap3A_741, %swap3A_742], %swap3A_745 {strides = array<i32>} : memref<128x128xf32, #tpu.memory_space<vmem>>, vector<1x16xf32>,
        %get3A_746 = arith.index_cast %add3A_695 : i32 to index
        %get3A_747 = arith.constant 80 : index
        %get3A_748 = tpu.vector_load %arg11[%get3A_746, %get3A_747] {strides = array<i32>} : memref<128x128xf32, #tpu.memory_space<vmem>>, vector<1x16xf32>,
        %get3A_749 = vector.shape_cast %get3A_748 : vector<1x16xf32> to vector<16xf32>
        %mul3A_750 = arith.mulf %get3A_749, %gather3A_691 : vector<16xf32>
        %swap3A_751 = arith.index_cast %add3A_695 : i32 to index
        %swap3A_752 = arith.constant 80 : index
        %swap3A_753 = tpu.vector_load %arg11[%swap3A_751, %swap3A_752] {strides = array<i32>} : memref<128x128xf32, #tpu.memory_space<vmem>>, vector<1x16xf32>,
        %swap3A_754 = vector.shape_cast %swap3A_753 : vector<1x16xf32> to vector<16xf32>
        %swap3A_755 = vector.shape_cast %mul3A_750 : vector<16xf32> to vector<1x16xf32>
        tpu.vector_store %arg11[%swap3A_751, %swap3A_752], %swap3A_755 {strides = array<i32>} : memref<128x128xf32, #tpu.memory_space<vmem>>, vector<1x16xf32>,
        %get3A_756 = arith.index_cast %add3A_695 : i32 to index
        %get3A_757 = arith.constant 96 : index
        %get3A_758 = tpu.vector_load %arg11[%get3A_756, %get3A_757] {strides = array<i32>} : memref<128x128xf32, #tpu.memory_space<vmem>>, vector<1x16xf32>,
        %get3A_759 = vector.shape_cast %get3A_758 : vector<1x16xf32> to vector<16xf32>
        %mul3A_760 = arith.mulf %get3A_759, %gather3A_691 : vector<16xf32>
        %swap3A_761 = arith.index_cast %add3A_695 : i32 to index
        %swap3A_762 = arith.constant 96 : index
        %swap3A_763 = tpu.vector_load %arg11[%swap3A_761, %swap3A_762] {strides = array<i32>} : memref<128x128xf32, #tpu.memory_space<vmem>>, vector<1x16xf32>,
        %swap3A_764 = vector.shape_cast %swap3A_763 : vector<1x16xf32> to vector<16xf32>
        %swap3A_765 = vector.shape_cast %mul3A_760 : vector<16xf32> to vector<1x16xf32>
        tpu.vector_store %arg11[%swap3A_761, %swap3A_762], %swap3A_765 {strides = array<i32>} : memref<128x128xf32, #tpu.memory_space<vmem>>, vector<1x16xf32>,
        %get3A_766 = arith.index_cast %add3A_695 : i32 to index
        %get3A_767 = arith.constant 112 : index
        %get3A_768 = tpu.vector_load %arg11[%get3A_766, %get3A_767] {strides = array<i32>} : memref<128x128xf32, #tpu.memory_space<vmem>>, vector<1x16xf32>,
        %get3A_769 = vector.shape_cast %get3A_768 : vector<1x16xf32> to vector<16xf32>
        %mul3A_770 = arith.mulf %get3A_769, %gather3A_691 : vector<16xf32>
        %swap3A_771 = arith.index_cast %add3A_695 : i32 to index
        %swap3A_772 = arith.constant 112 : index
        %swap3A_773 = tpu.vector_load %arg11[%swap3A_771, %swap3A_772] {strides = array<i32>} : memref<128x128xf32, #tpu.memory_space<vmem>>, vector<1x16xf32>,
        %swap3A_774 = vector.shape_cast %swap3A_773 : vector<1x16xf32> to vector<16xf32>
        %swap3A_775 = vector.shape_cast %mul3A_770 : vector<16xf32> to vector<1x16xf32>
        tpu.vector_store %arg11[%swap3A_771, %swap3A_772], %swap3A_775 {strides = array<i32>} : memref<128x128xf32, #tpu.memory_space<vmem>>, vector<1x16xf32>,
        %broadcast_in_dim3A_776 = arith.constant 7 : i32
        %broadcast_in_dim3A_777 = vector.broadcast %broadcast_in_dim3A_776 : i32 to vector<16x1xi32>
        %gather3A_778 = vector.shape_cast %broadcast_in_dim3A_777 : vector<16x1xi32> to vector<16xi32>
        %gather3A_779 = tpu.dynamic_gather %get3A_161[%gather3A_778] in [0] : vector<16xf32>, vector<16xi32> -> vector<16xf32>
        %mul3A_780 = arith.constant 16 : i32
        %mul3A_781 = arith.muli %scan3A_155, %mul3A_780 : i32
        %add3A_782 = arith.constant 7 : i32
        %add3A_783 = arith.addi %mul3A_781, %add3A_782 : i32
        %get3A_784 = arith.index_cast %add3A_783 : i32 to index
        %get3A_785 = arith.constant 0 : index
        %get3A_786 = tpu.vector_load %arg11[%get3A_784, %get3A_785] {strides = array<i32>} : memref<128x128xf32, #tpu.memory_space<vmem>>, vector<1x16xf32>,
        %get3A_787 = vector.shape_cast %get3A_786 : vector<1x16xf32> to vector<16xf32>
        %mul3A_788 = arith.mulf %get3A_787, %gather3A_779 : vector<16xf32>
        %swap3A_789 = arith.index_cast %add3A_783 : i32 to index
        %swap3A_790 = arith.constant 0 : index
        %swap3A_791 = tpu.vector_load %arg11[%swap3A_789, %swap3A_790] {strides = array<i32>} : memref<128x128xf32, #tpu.memory_space<vmem>>, vector<1x16xf32>,
        %swap3A_792 = vector.shape_cast %swap3A_791 : vector<1x16xf32> to vector<16xf32>
        %swap3A_793 = vector.shape_cast %mul3A_788 : vector<16xf32> to vector<1x16xf32>
        tpu.vector_store %arg11[%swap3A_789, %swap3A_790], %swap3A_793 {strides = array<i32>} : memref<128x128xf32, #tpu.memory_space<vmem>>, vector<1x16xf32>,
        %get3A_794 = arith.index_cast %add3A_783 : i32 to index
        %get3A_795 = arith.constant 16 : index
        %get3A_796 = tpu.vector_load %arg11[%get3A_794, %get3A_795] {strides = array<i32>} : memref<128x128xf32, #tpu.memory_space<vmem>>, vector<1x16xf32>,
        %get3A_797 = vector.shape_cast %get3A_796 : vector<1x16xf32> to vector<16xf32>
        %mul3A_798 = arith.mulf %get3A_797, %gather3A_779 : vector<16xf32>
        %swap3A_799 = arith.index_cast %add3A_783 : i32 to index
        %swap3A_800 = arith.constant 16 : index
        %swap3A_801 = tpu.vector_load %arg11[%swap3A_799, %swap3A_800] {strides = array<i32>} : memref<128x128xf32, #tpu.memory_space<vmem>>, vector<1x16xf32>,
        %swap3A_802 = vector.shape_cast %swap3A_801 : vector<1x16xf32> to vector<16xf32>
        %swap3A_803 = vector.shape_cast %mul3A_798 : vector<16xf32> to vector<1x16xf32>
        tpu.vector_store %arg11[%swap3A_799, %swap3A_800], %swap3A_803 {strides = array<i32>} : memref<128x128xf32, #tpu.memory_space<vmem>>, vector<1x16xf32>,
        %get3A_804 = arith.index_cast %add3A_783 : i32 to index
        %get3A_805 = arith.constant 32 : index
        %get3A_806 = tpu.vector_load %arg11[%get3A_804, %get3A_805] {strides = array<i32>} : memref<128x128xf32, #tpu.memory_space<vmem>>, vector<1x16xf32>,
        %get3A_807 = vector.shape_cast %get3A_806 : vector<1x16xf32> to vector<16xf32>
        %mul3A_808 = arith.mulf %get3A_807, %gather3A_779 : vector<16xf32>
        %swap3A_809 = arith.index_cast %add3A_783 : i32 to index
        %swap3A_810 = arith.constant 32 : index
        %swap3A_811 = tpu.vector_load %arg11[%swap3A_809, %swap3A_810] {strides = array<i32>} : memref<128x128xf32, #tpu.memory_space<vmem>>, vector<1x16xf32>,
        %swap3A_812 = vector.shape_cast %swap3A_811 : vector<1x16xf32> to vector<16xf32>
        %swap3A_813 = vector.shape_cast %mul3A_808 : vector<16xf32> to vector<1x16xf32>
        tpu.vector_store %arg11[%swap3A_809, %swap3A_810], %swap3A_813 {strides = array<i32>} : memref<128x128xf32, #tpu.memory_space<vmem>>, vector<1x16xf32>,
        %get3A_814 = arith.index_cast %add3A_783 : i32 to index
        %get3A_815 = arith.constant 48 : index
        %get3A_816 = tpu.vector_load %arg11[%get3A_814, %get3A_815] {strides = array<i32>} : memref<128x128xf32, #tpu.memory_space<vmem>>, vector<1x16xf32>,
        %get3A_817 = vector.shape_cast %get3A_816 : vector<1x16xf32> to vector<16xf32>
        %mul3A_818 = arith.mulf %get3A_817, %gather3A_779 : vector<16xf32>
        %swap3A_819 = arith.index_cast %add3A_783 : i32 to index
        %swap3A_820 = arith.constant 48 : index
        %swap3A_821 = tpu.vector_load %arg11[%swap3A_819, %swap3A_820] {strides = array<i32>} : memref<128x128xf32, #tpu.memory_space<vmem>>, vector<1x16xf32>,
        %swap3A_822 = vector.shape_cast %swap3A_821 : vector<1x16xf32> to vector<16xf32>
        %swap3A_823 = vector.shape_cast %mul3A_818 : vector<16xf32> to vector<1x16xf32>
        tpu.vector_store %arg11[%swap3A_819, %swap3A_820], %swap3A_823 {strides = array<i32>} : memref<128x128xf32, #tpu.memory_space<vmem>>, vector<1x16xf32>,
        %get3A_824 = arith.index_cast %add3A_783 : i32 to index
        %get3A_825 = arith.constant 64 : index
        %get3A_826 = tpu.vector_load %arg11[%get3A_824, %get3A_825] {strides = array<i32>} : memref<128x128xf32, #tpu.memory_space<vmem>>, vector<1x16xf32>,
        %get3A_827 = vector.shape_cast %get3A_826 : vector<1x16xf32> to vector<16xf32>
        %mul3A_828 = arith.mulf %get3A_827, %gather3A_779 : vector<16xf32>
        %swap3A_829 = arith.index_cast %add3A_783 : i32 to index
        %swap3A_830 = arith.constant 64 : index
        %swap3A_831 = tpu.vector_load %arg11[%swap3A_829, %swap3A_830] {strides = array<i32>} : memref<128x128xf32, #tpu.memory_space<vmem>>, vector<1x16xf32>,
        %swap3A_832 = vector.shape_cast %swap3A_831 : vector<1x16xf32> to vector<16xf32>
        %swap3A_833 = vector.shape_cast %mul3A_828 : vector<16xf32> to vector<1x16xf32>
        tpu.vector_store %arg11[%swap3A_829, %swap3A_830], %swap3A_833 {strides = array<i32>} : memref<128x128xf32, #tpu.memory_space<vmem>>, vector<1x16xf32>,
        %get3A_834 = arith.index_cast %add3A_783 : i32 to index
        %get3A_835 = arith.constant 80 : index
        %get3A_836 = tpu.vector_load %arg11[%get3A_834, %get3A_835] {strides = array<i32>} : memref<128x128xf32, #tpu.memory_space<vmem>>, vector<1x16xf32>,
        %get3A_837 = vector.shape_cast %get3A_836 : vector<1x16xf32> to vector<16xf32>
        %mul3A_838 = arith.mulf %get3A_837, %gather3A_779 : vector<16xf32>
        %swap3A_839 = arith.index_cast %add3A_783 : i32 to index
        %swap3A_840 = arith.constant 80 : index
        %swap3A_841 = tpu.vector_load %arg11[%swap3A_839, %swap3A_840] {strides = array<i32>} : memref<128x128xf32, #tpu.memory_space<vmem>>, vector<1x16xf32>,
        %swap3A_842 = vector.shape_cast %swap3A_841 : vector<1x16xf32> to vector<16xf32>
        %swap3A_843 = vector.shape_cast %mul3A_838 : vector<16xf32> to vector<1x16xf32>
        tpu.vector_store %arg11[%swap3A_839, %swap3A_840], %swap3A_843 {strides = array<i32>} : memref<128x128xf32, #tpu.memory_space<vmem>>, vector<1x16xf32>,
        %get3A_844 = arith.index_cast %add3A_783 : i32 to index
        %get3A_845 = arith.constant 96 : index
        %get3A_846 = tpu.vector_load %arg11[%get3A_844, %get3A_845] {strides = array<i32>} : memref<128x128xf32, #tpu.memory_space<vmem>>, vector<1x16xf32>,
        %get3A_847 = vector.shape_cast %get3A_846 : vector<1x16xf32> to vector<16xf32>
        %mul3A_848 = arith.mulf %get3A_847, %gather3A_779 : vector<16xf32>
        %swap3A_849 = arith.index_cast %add3A_783 : i32 to index
        %swap3A_850 = arith.constant 96 : index
        %swap3A_851 = tpu.vector_load %arg11[%swap3A_849, %swap3A_850] {strides = array<i32>} : memref<128x128xf32, #tpu.memory_space<vmem>>, vector<1x16xf32>,
        %swap3A_852 = vector.shape_cast %swap3A_851 : vector<1x16xf32> to vector<16xf32>
        %swap3A_853 = vector.shape_cast %mul3A_848 : vector<16xf32> to vector<1x16xf32>
        tpu.vector_store %arg11[%swap3A_849, %swap3A_850], %swap3A_853 {strides = array<i32>} : memref<128x128xf32, #tpu.memory_space<vmem>>, vector<1x16xf32>,
        %get3A_854 = arith.index_cast %add3A_783 : i32 to index
        %get3A_855 = arith.constant 112 : index
        %get3A_856 = tpu.vector_load %arg11[%get3A_854, %get3A_855] {strides = array<i32>} : memref<128x128xf32, #tpu.memory_space<vmem>>, vector<1x16xf32>,
        %get3A_857 = vector.shape_cast %get3A_856 : vector<1x16xf32> to vector<16xf32>
        %mul3A_858 = arith.mulf %get3A_857, %gather3A_779 : vector<16xf32>
        %swap3A_859 = arith.index_cast %add3A_783 : i32 to index
        %swap3A_860 = arith.constant 112 : index
        %swap3A_861 = tpu.vector_load %arg11[%swap3A_859, %swap3A_860] {strides = array<i32>} : memref<128x128xf32, #tpu.memory_space<vmem>>, vector<1x16xf32>,
        %swap3A_862 = vector.shape_cast %swap3A_861 : vector<1x16xf32> to vector<16xf32>
        %swap3A_863 = vector.shape_cast %mul3A_858 : vector<16xf32> to vector<1x16xf32>
        tpu.vector_store %arg11[%swap3A_859, %swap3A_860], %swap3A_863 {strides = array<i32>} : memref<128x128xf32, #tpu.memory_space<vmem>>, vector<1x16xf32>,
        %broadcast_in_dim3A_864 = arith.constant 8 : i32
        %broadcast_in_dim3A_865 = vector.broadcast %broadcast_in_dim3A_864 : i32 to vector<16x1xi32>
        %gather3A_866 = vector.shape_cast %broadcast_in_dim3A_865 : vector<16x1xi32> to vector<16xi32>
        %gather3A_867 = tpu.dynamic_gather %get3A_161[%gather3A_866] in [0] : vector<16xf32>, vector<16xi32> -> vector<16xf32>
        %mul3A_868 = arith.constant 16 : i32
        %mul3A_869 = arith.muli %scan3A_155, %mul3A_868 : i32
        %add3A_870 = arith.constant 8 : i32
        %add3A_871 = arith.addi %mul3A_869, %add3A_870 : i32
        %get3A_872 = arith.index_cast %add3A_871 : i32 to index
        %get3A_873 = arith.constant 0 : index
        %get3A_874 = tpu.vector_load %arg11[%get3A_872, %get3A_873] {strides = array<i32>} : memref<128x128xf32, #tpu.memory_space<vmem>>, vector<1x16xf32>,
        %get3A_875 = vector.shape_cast %get3A_874 : vector<1x16xf32> to vector<16xf32>
        %mul3A_876 = arith.mulf %get3A_875, %gather3A_867 : vector<16xf32>
        %swap3A_877 = arith.index_cast %add3A_871 : i32 to index
        %swap3A_878 = arith.constant 0 : index
        %swap3A_879 = tpu.vector_load %arg11[%swap3A_877, %swap3A_878] {strides = array<i32>} : memref<128x128xf32, #tpu.memory_space<vmem>>, vector<1x16xf32>,
        %swap3A_880 = vector.shape_cast %swap3A_879 : vector<1x16xf32> to vector<16xf32>
        %swap3A_881 = vector.shape_cast %mul3A_876 : vector<16xf32> to vector<1x16xf32>
        tpu.vector_store %arg11[%swap3A_877, %swap3A_878], %swap3A_881 {strides = array<i32>} : memref<128x128xf32, #tpu.memory_space<vmem>>, vector<1x16xf32>,
        %get3A_882 = arith.index_cast %add3A_871 : i32 to index
        %get3A_883 = arith.constant 16 : index
        %get3A_884 = tpu.vector_load %arg11[%get3A_882, %get3A_883] {strides = array<i32>} : memref<128x128xf32, #tpu.memory_space<vmem>>, vector<1x16xf32>,
        %get3A_885 = vector.shape_cast %get3A_884 : vector<1x16xf32> to vector<16xf32>
        %mul3A_886 = arith.mulf %get3A_885, %gather3A_867 : vector<16xf32>
        %swap3A_887 = arith.index_cast %add3A_871 : i32 to index
        %swap3A_888 = arith.constant 16 : index
        %swap3A_889 = tpu.vector_load %arg11[%swap3A_887, %swap3A_888] {strides = array<i32>} : memref<128x128xf32, #tpu.memory_space<vmem>>, vector<1x16xf32>,
        %swap3A_890 = vector.shape_cast %swap3A_889 : vector<1x16xf32> to vector<16xf32>
        %swap3A_891 = vector.shape_cast %mul3A_886 : vector<16xf32> to vector<1x16xf32>
        tpu.vector_store %arg11[%swap3A_887, %swap3A_888], %swap3A_891 {strides = array<i32>} : memref<128x128xf32, #tpu.memory_space<vmem>>, vector<1x16xf32>,
        %get3A_892 = arith.index_cast %add3A_871 : i32 to index
        %get3A_893 = arith.constant 32 : index
        %get3A_894 = tpu.vector_load %arg11[%get3A_892, %get3A_893] {strides = array<i32>} : memref<128x128xf32, #tpu.memory_space<vmem>>, vector<1x16xf32>,
        %get3A_895 = vector.shape_cast %get3A_894 : vector<1x16xf32> to vector<16xf32>
        %mul3A_896 = arith.mulf %get3A_895, %gather3A_867 : vector<16xf32>
        %swap3A_897 = arith.index_cast %add3A_871 : i32 to index
        %swap3A_898 = arith.constant 32 : index
        %swap3A_899 = tpu.vector_load %arg11[%swap3A_897, %swap3A_898] {strides = array<i32>} : memref<128x128xf32, #tpu.memory_space<vmem>>, vector<1x16xf32>,
        %swap3A_900 = vector.shape_cast %swap3A_899 : vector<1x16xf32> to vector<16xf32>
        %swap3A_901 = vector.shape_cast %mul3A_896 : vector<16xf32> to vector<1x16xf32>
        tpu.vector_store %arg11[%swap3A_897, %swap3A_898], %swap3A_901 {strides = array<i32>} : memref<128x128xf32, #tpu.memory_space<vmem>>, vector<1x16xf32>,
        %get3A_902 = arith.index_cast %add3A_871 : i32 to index
        %get3A_903 = arith.constant 48 : index
        %get3A_904 = tpu.vector_load %arg11[%get3A_902, %get3A_903] {strides = array<i32>} : memref<128x128xf32, #tpu.memory_space<vmem>>, vector<1x16xf32>,
        %get3A_905 = vector.shape_cast %get3A_904 : vector<1x16xf32> to vector<16xf32>
        %mul3A_906 = arith.mulf %get3A_905, %gather3A_867 : vector<16xf32>
        %swap3A_907 = arith.index_cast %add3A_871 : i32 to index
        %swap3A_908 = arith.constant 48 : index
        %swap3A_909 = tpu.vector_load %arg11[%swap3A_907, %swap3A_908] {strides = array<i32>} : memref<128x128xf32, #tpu.memory_space<vmem>>, vector<1x16xf32>,
        %swap3A_910 = vector.shape_cast %swap3A_909 : vector<1x16xf32> to vector<16xf32>
        %swap3A_911 = vector.shape_cast %mul3A_906 : vector<16xf32> to vector<1x16xf32>
        tpu.vector_store %arg11[%swap3A_907, %swap3A_908], %swap3A_911 {strides = array<i32>} : memref<128x128xf32, #tpu.memory_space<vmem>>, vector<1x16xf32>,
        %get3A_912 = arith.index_cast %add3A_871 : i32 to index
        %get3A_913 = arith.constant 64 : index
        %get3A_914 = tpu.vector_load %arg11[%get3A_912, %get3A_913] {strides = array<i32>} : memref<128x128xf32, #tpu.memory_space<vmem>>, vector<1x16xf32>,
        %get3A_915 = vector.shape_cast %get3A_914 : vector<1x16xf32> to vector<16xf32>
        %mul3A_916 = arith.mulf %get3A_915, %gather3A_867 : vector<16xf32>
        %swap3A_917 = arith.index_cast %add3A_871 : i32 to index
        %swap3A_918 = arith.constant 64 : index
        %swap3A_919 = tpu.vector_load %arg11[%swap3A_917, %swap3A_918] {strides = array<i32>} : memref<128x128xf32, #tpu.memory_space<vmem>>, vector<1x16xf32>,
        %swap3A_920 = vector.shape_cast %swap3A_919 : vector<1x16xf32> to vector<16xf32>
        %swap3A_921 = vector.shape_cast %mul3A_916 : vector<16xf32> to vector<1x16xf32>
        tpu.vector_store %arg11[%swap3A_917, %swap3A_918], %swap3A_921 {strides = array<i32>} : memref<128x128xf32, #tpu.memory_space<vmem>>, vector<1x16xf32>,
        %get3A_922 = arith.index_cast %add3A_871 : i32 to index
        %get3A_923 = arith.constant 80 : index
        %get3A_924 = tpu.vector_load %arg11[%get3A_922, %get3A_923] {strides = array<i32>} : memref<128x128xf32, #tpu.memory_space<vmem>>, vector<1x16xf32>,
        %get3A_925 = vector.shape_cast %get3A_924 : vector<1x16xf32> to vector<16xf32>
        %mul3A_926 = arith.mulf %get3A_925, %gather3A_867 : vector<16xf32>
        %swap3A_927 = arith.index_cast %add3A_871 : i32 to index
        %swap3A_928 = arith.constant 80 : index
        %swap3A_929 = tpu.vector_load %arg11[%swap3A_927, %swap3A_928] {strides = array<i32>} : memref<128x128xf32, #tpu.memory_space<vmem>>, vector<1x16xf32>,
        %swap3A_930 = vector.shape_cast %swap3A_929 : vector<1x16xf32> to vector<16xf32>
        %swap3A_931 = vector.shape_cast %mul3A_926 : vector<16xf32> to vector<1x16xf32>
        tpu.vector_store %arg11[%swap3A_927, %swap3A_928], %swap3A_931 {strides = array<i32>} : memref<128x128xf32, #tpu.memory_space<vmem>>, vector<1x16xf32>,
        %get3A_932 = arith.index_cast %add3A_871 : i32 to index
        %get3A_933 = arith.constant 96 : index
        %get3A_934 = tpu.vector_load %arg11[%get3A_932, %get3A_933] {strides = array<i32>} : memref<128x128xf32, #tpu.memory_space<vmem>>, vector<1x16xf32>,
        %get3A_935 = vector.shape_cast %get3A_934 : vector<1x16xf32> to vector<16xf32>
        %mul3A_936 = arith.mulf %get3A_935, %gather3A_867 : vector<16xf32>
        %swap3A_937 = arith.index_cast %add3A_871 : i32 to index
        %swap3A_938 = arith.constant 96 : index
        %swap3A_939 = tpu.vector_load %arg11[%swap3A_937, %swap3A_938] {strides = array<i32>} : memref<128x128xf32, #tpu.memory_space<vmem>>, vector<1x16xf32>,
        %swap3A_940 = vector.shape_cast %swap3A_939 : vector<1x16xf32> to vector<16xf32>
        %swap3A_941 = vector.shape_cast %mul3A_936 : vector<16xf32> to vector<1x16xf32>
        tpu.vector_store %arg11[%swap3A_937, %swap3A_938], %swap3A_941 {strides = array<i32>} : memref<128x128xf32, #tpu.memory_space<vmem>>, vector<1x16xf32>,
        %get3A_942 = arith.index_cast %add3A_871 : i32 to index
        %get3A_943 = arith.constant 112 : index
        %get3A_944 = tpu.vector_load %arg11[%get3A_942, %get3A_943] {strides = array<i32>} : memref<128x128xf32, #tpu.memory_space<vmem>>, vector<1x16xf32>,
        %get3A_945 = vector.shape_cast %get3A_944 : vector<1x16xf32> to vector<16xf32>
        %mul3A_946 = arith.mulf %get3A_945, %gather3A_867 : vector<16xf32>
        %swap3A_947 = arith.index_cast %add3A_871 : i32 to index
        %swap3A_948 = arith.constant 112 : index
        %swap3A_949 = tpu.vector_load %arg11[%swap3A_947, %swap3A_948] {strides = array<i32>} : memref<128x128xf32, #tpu.memory_space<vmem>>, vector<1x16xf32>,
        %swap3A_950 = vector.shape_cast %swap3A_949 : vector<1x16xf32> to vector<16xf32>
        %swap3A_951 = vector.shape_cast %mul3A_946 : vector<16xf32> to vector<1x16xf32>
        tpu.vector_store %arg11[%swap3A_947, %swap3A_948], %swap3A_951 {strides = array<i32>} : memref<128x128xf32, #tpu.memory_space<vmem>>, vector<1x16xf32>,
        %broadcast_in_dim3A_952 = arith.constant 9 : i32
        %broadcast_in_dim3A_953 = vector.broadcast %broadcast_in_dim3A_952 : i32 to vector<16x1xi32>
        %gather3A_954 = vector.shape_cast %broadcast_in_dim3A_953 : vector<16x1xi32> to vector<16xi32>
        %gather3A_955 = tpu.dynamic_gather %get3A_161[%gather3A_954] in [0] : vector<16xf32>, vector<16xi32> -> vector<16xf32>
        %mul3A_956 = arith.constant 16 : i32
        %mul3A_957 = arith.muli %scan3A_155, %mul3A_956 : i32
        %add3A_958 = arith.constant 9 : i32
        %add3A_959 = arith.addi %mul3A_957, %add3A_958 : i32
        %get3A_960 = arith.index_cast %add3A_959 : i32 to index
        %get3A_961 = arith.constant 0 : index
        %get3A_962 = tpu.vector_load %arg11[%get3A_960, %get3A_961] {strides = array<i32>} : memref<128x128xf32, #tpu.memory_space<vmem>>, vector<1x16xf32>,
        %get3A_963 = vector.shape_cast %get3A_962 : vector<1x16xf32> to vector<16xf32>
        %mul3A_964 = arith.mulf %get3A_963, %gather3A_955 : vector<16xf32>
        %swap3A_965 = arith.index_cast %add3A_959 : i32 to index
        %swap3A_966 = arith.constant 0 : index
        %swap3A_967 = tpu.vector_load %arg11[%swap3A_965, %swap3A_966] {strides = array<i32>} : memref<128x128xf32, #tpu.memory_space<vmem>>, vector<1x16xf32>,
        %swap3A_968 = vector.shape_cast %swap3A_967 : vector<1x16xf32> to vector<16xf32>
        %swap3A_969 = vector.shape_cast %mul3A_964 : vector<16xf32> to vector<1x16xf32>
        tpu.vector_store %arg11[%swap3A_965, %swap3A_966], %swap3A_969 {strides = array<i32>} : memref<128x128xf32, #tpu.memory_space<vmem>>, vector<1x16xf32>,
        %get3A_970 = arith.index_cast %add3A_959 : i32 to index
        %get3A_971 = arith.constant 16 : index
        %get3A_972 = tpu.vector_load %arg11[%get3A_970, %get3A_971] {strides = array<i32>} : memref<128x128xf32, #tpu.memory_space<vmem>>, vector<1x16xf32>,
        %get3A_973 = vector.shape_cast %get3A_972 : vector<1x16xf32> to vector<16xf32>
        %mul3A_974 = arith.mulf %get3A_973, %gather3A_955 : vector<16xf32>
        %swap3A_975 = arith.index_cast %add3A_959 : i32 to index
        %swap3A_976 = arith.constant 16 : index
        %swap3A_977 = tpu.vector_load %arg11[%swap3A_975, %swap3A_976] {strides = array<i32>} : memref<128x128xf32, #tpu.memory_space<vmem>>, vector<1x16xf32>,
        %swap3A_978 = vector.shape_cast %swap3A_977 : vector<1x16xf32> to vector<16xf32>
        %swap3A_979 = vector.shape_cast %mul3A_974 : vector<16xf32> to vector<1x16xf32>
        tpu.vector_store %arg11[%swap3A_975, %swap3A_976], %swap3A_979 {strides = array<i32>} : memref<128x128xf32, #tpu.memory_space<vmem>>, vector<1x16xf32>,
        %get3A_980 = arith.index_cast %add3A_959 : i32 to index
        %get3A_981 = arith.constant 32 : index
        %get3A_982 = tpu.vector_load %arg11[%get3A_980, %get3A_981] {strides = array<i32>} : memref<128x128xf32, #tpu.memory_space<vmem>>, vector<1x16xf32>,
        %get3A_983 = vector.shape_cast %get3A_982 : vector<1x16xf32> to vector<16xf32>
        %mul3A_984 = arith.mulf %get3A_983, %gather3A_955 : vector<16xf32>
        %swap3A_985 = arith.index_cast %add3A_959 : i32 to index
        %swap3A_986 = arith.constant 32 : index
        %swap3A_987 = tpu.vector_load %arg11[%swap3A_985, %swap3A_986] {strides = array<i32>} : memref<128x128xf32, #tpu.memory_space<vmem>>, vector<1x16xf32>,
        %swap3A_988 = vector.shape_cast %swap3A_987 : vector<1x16xf32> to vector<16xf32>
        %swap3A_989 = vector.shape_cast %mul3A_984 : vector<16xf32> to vector<1x16xf32>
        tpu.vector_store %arg11[%swap3A_985, %swap3A_986], %swap3A_989 {strides = array<i32>} : memref<128x128xf32, #tpu.memory_space<vmem>>, vector<1x16xf32>,
        %get3A_990 = arith.index_cast %add3A_959 : i32 to index
        %get3A_991 = arith.constant 48 : index
        %get3A_992 = tpu.vector_load %arg11[%get3A_990, %get3A_991] {strides = array<i32>} : memref<128x128xf32, #tpu.memory_space<vmem>>, vector<1x16xf32>,
        %get3A_993 = vector.shape_cast %get3A_992 : vector<1x16xf32> to vector<16xf32>
        %mul3A_994 = arith.mulf %get3A_993, %gather3A_955 : vector<16xf32>
        %swap3A_995 = arith.index_cast %add3A_959 : i32 to index
        %swap3A_996 = arith.constant 48 : index
        %swap3A_997 = tpu.vector_load %arg11[%swap3A_995, %swap3A_996] {strides = array<i32>} : memref<128x128xf32, #tpu.memory_space<vmem>>, vector<1x16xf32>,
        %swap3A_998 = vector.shape_cast %swap3A_997 : vector<1x16xf32> to vector<16xf32>
        %swap3A_999 = vector.shape_cast %mul3A_994 : vector<16xf32> to vector<1x16xf32>
        tpu.vector_store %arg11[%swap3A_995, %swap3A_996], %swap3A_999 {strides = array<i32>} : memref<128x128xf32, #tpu.memory_space<vmem>>, vector<1x16xf32>,
        %get3A_1000 = arith.index_cast %add3A_959 : i32 to index
        %get3A_1001 = arith.constant 64 : index
        %get3A_1002 = tpu.vector_load %arg11[%get3A_1000, %get3A_1001] {strides = array<i32>} : memref<128x128xf32, #tpu.memory_space<vmem>>, vector<1x16xf32>,
        %get3A_1003 = vector.shape_cast %get3A_1002 : vector<1x16xf32> to vector<16xf32>
        %mul3A_1004 = arith.mulf %get3A_1003, %gather3A_955 : vector<16xf32>
        %swap3A_1005 = arith.index_cast %add3A_959 : i32 to index
        %swap3A_1006 = arith.constant 64 : index
        %swap3A_1007 = tpu.vector_load %arg11[%swap3A_1005, %swap3A_1006] {strides = array<i32>} : memref<128x128xf32, #tpu.memory_space<vmem>>, vector<1x16xf32>,
        %swap3A_1008 = vector.shape_cast %swap3A_1007 : vector<1x16xf32> to vector<16xf32>
        %swap3A_1009 = vector.shape_cast %mul3A_1004 : vector<16xf32> to vector<1x16xf32>
        tpu.vector_store %arg11[%swap3A_1005, %swap3A_1006], %swap3A_1009 {strides = array<i32>} : memref<128x128xf32, #tpu.memory_space<vmem>>, vector<1x16xf32>,
        %get3A_1010 = arith.index_cast %add3A_959 : i32 to index
        %get3A_1011 = arith.constant 80 : index
        %get3A_1012 = tpu.vector_load %arg11[%get3A_1010, %get3A_1011] {strides = array<i32>} : memref<128x128xf32, #tpu.memory_space<vmem>>, vector<1x16xf32>,
        %get3A_1013 = vector.shape_cast %get3A_1012 : vector<1x16xf32> to vector<16xf32>
        %mul3A_1014 = arith.mulf %get3A_1013, %gather3A_955 : vector<16xf32>
        %swap3A_1015 = arith.index_cast %add3A_959 : i32 to index
        %swap3A_1016 = arith.constant 80 : index
        %swap3A_1017 = tpu.vector_load %arg11[%swap3A_1015, %swap3A_1016] {strides = array<i32>} : memref<128x128xf32, #tpu.memory_space<vmem>>, vector<1x16xf32>,
        %swap3A_1018 = vector.shape_cast %swap3A_1017 : vector<1x16xf32> to vector<16xf32>
        %swap3A_1019 = vector.shape_cast %mul3A_1014 : vector<16xf32> to vector<1x16xf32>
        tpu.vector_store %arg11[%swap3A_1015, %swap3A_1016], %swap3A_1019 {strides = array<i32>} : memref<128x128xf32, #tpu.memory_space<vmem>>, vector<1x16xf32>,
        %get3A_1020 = arith.index_cast %add3A_959 : i32 to index
        %get3A_1021 = arith.constant 96 : index
        %get3A_1022 = tpu.vector_load %arg11[%get3A_1020, %get3A_1021] {strides = array<i32>} : memref<128x128xf32, #tpu.memory_space<vmem>>, vector<1x16xf32>,
        %get3A_1023 = vector.shape_cast %get3A_1022 : vector<1x16xf32> to vector<16xf32>
        %mul3A_1024 = arith.mulf %get3A_1023, %gather3A_955 : vector<16xf32>
        %swap3A_1025 = arith.index_cast %add3A_959 : i32 to index
        %swap3A_1026 = arith.constant 96 : index
        %swap3A_1027 = tpu.vector_load %arg11[%swap3A_1025, %swap3A_1026] {strides = array<i32>} : memref<128x128xf32, #tpu.memory_space<vmem>>, vector<1x16xf32>,
        %swap3A_1028 = vector.shape_cast %swap3A_1027 : vector<1x16xf32> to vector<16xf32>
        %swap3A_1029 = vector.shape_cast %mul3A_1024 : vector<16xf32> to vector<1x16xf32>
        tpu.vector_store %arg11[%swap3A_1025, %swap3A_1026], %swap3A_1029 {strides = array<i32>} : memref<128x128xf32, #tpu.memory_space<vmem>>, vector<1x16xf32>,
        %get3A_1030 = arith.index_cast %add3A_959 : i32 to index
        %get3A_1031 = arith.constant 112 : index
        %get3A_1032 = tpu.vector_load %arg11[%get3A_1030, %get3A_1031] {strides = array<i32>} : memref<128x128xf32, #tpu.memory_space<vmem>>, vector<1x16xf32>,
        %get3A_1033 = vector.shape_cast %get3A_1032 : vector<1x16xf32> to vector<16xf32>
        %mul3A_1034 = arith.mulf %get3A_1033, %gather3A_955 : vector<16xf32>
        %swap3A_1035 = arith.index_cast %add3A_959 : i32 to index
        %swap3A_1036 = arith.constant 112 : index
        %swap3A_1037 = tpu.vector_load %arg11[%swap3A_1035, %swap3A_1036] {strides = array<i32>} : memref<128x128xf32, #tpu.memory_space<vmem>>, vector<1x16xf32>,
        %swap3A_1038 = vector.shape_cast %swap3A_1037 : vector<1x16xf32> to vector<16xf32>
        %swap3A_1039 = vector.shape_cast %mul3A_1034 : vector<16xf32> to vector<1x16xf32>
        tpu.vector_store %arg11[%swap3A_1035, %swap3A_1036], %swap3A_1039 {strides = array<i32>} : memref<128x128xf32, #tpu.memory_space<vmem>>, vector<1x16xf32>,
        %broadcast_in_dim3A_1040 = arith.constant 10 : i32
        %broadcast_in_dim3A_1041 = vector.broadcast %broadcast_in_dim3A_1040 : i32 to vector<16x1xi32>
        %gather3A_1042 = vector.shape_cast %broadcast_in_dim3A_1041 : vector<16x1xi32> to vector<16xi32>
        %gather3A_1043 = tpu.dynamic_gather %get3A_161[%gather3A_1042] in [0] : vector<16xf32>, vector<16xi32> -> vector<16xf32>
        %mul3A_1044 = arith.constant 16 : i32
        %mul3A_1045 = arith.muli %scan3A_155, %mul3A_1044 : i32
        %add3A_1046 = arith.constant 10 : i32
        %add3A_1047 = arith.addi %mul3A_1045, %add3A_1046 : i32
        %get3A_1048 = arith.index_cast %add3A_1047 : i32 to index
        %get3A_1049 = arith.constant 0 : index
        %get3A_1050 = tpu.vector_load %arg11[%get3A_1048, %get3A_1049] {strides = array<i32>} : memref<128x128xf32, #tpu.memory_space<vmem>>, vector<1x16xf32>,
        %get3A_1051 = vector.shape_cast %get3A_1050 : vector<1x16xf32> to vector<16xf32>
        %mul3A_1052 = arith.mulf %get3A_1051, %gather3A_1043 : vector<16xf32>
        %swap3A_1053 = arith.index_cast %add3A_1047 : i32 to index
        %swap3A_1054 = arith.constant 0 : index
        %swap3A_1055 = tpu.vector_load %arg11[%swap3A_1053, %swap3A_1054] {strides = array<i32>} : memref<128x128xf32, #tpu.memory_space<vmem>>, vector<1x16xf32>,
        %swap3A_1056 = vector.shape_cast %swap3A_1055 : vector<1x16xf32> to vector<16xf32>
        %swap3A_1057 = vector.shape_cast %mul3A_1052 : vector<16xf32> to vector<1x16xf32>
        tpu.vector_store %arg11[%swap3A_1053, %swap3A_1054], %swap3A_1057 {strides = array<i32>} : memref<128x128xf32, #tpu.memory_space<vmem>>, vector<1x16xf32>,
        %get3A_1058 = arith.index_cast %add3A_1047 : i32 to index
        %get3A_1059 = arith.constant 16 : index
        %get3A_1060 = tpu.vector_load %arg11[%get3A_1058, %get3A_1059] {strides = array<i32>} : memref<128x128xf32, #tpu.memory_space<vmem>>, vector<1x16xf32>,
        %get3A_1061 = vector.shape_cast %get3A_1060 : vector<1x16xf32> to vector<16xf32>
        %mul3A_1062 = arith.mulf %get3A_1061, %gather3A_1043 : vector<16xf32>
        %swap3A_1063 = arith.index_cast %add3A_1047 : i32 to index
        %swap3A_1064 = arith.constant 16 : index
        %swap3A_1065 = tpu.vector_load %arg11[%swap3A_1063, %swap3A_1064] {strides = array<i32>} : memref<128x128xf32, #tpu.memory_space<vmem>>, vector<1x16xf32>,
        %swap3A_1066 = vector.shape_cast %swap3A_1065 : vector<1x16xf32> to vector<16xf32>
        %swap3A_1067 = vector.shape_cast %mul3A_1062 : vector<16xf32> to vector<1x16xf32>
        tpu.vector_store %arg11[%swap3A_1063, %swap3A_1064], %swap3A_1067 {strides = array<i32>} : memref<128x128xf32, #tpu.memory_space<vmem>>, vector<1x16xf32>,
        %get3A_1068 = arith.index_cast %add3A_1047 : i32 to index
        %get3A_1069 = arith.constant 32 : index
        %get3A_1070 = tpu.vector_load %arg11[%get3A_1068, %get3A_1069] {strides = array<i32>} : memref<128x128xf32, #tpu.memory_space<vmem>>, vector<1x16xf32>,
        %get3A_1071 = vector.shape_cast %get3A_1070 : vector<1x16xf32> to vector<16xf32>
        %mul3A_1072 = arith.mulf %get3A_1071, %gather3A_1043 : vector<16xf32>
        %swap3A_1073 = arith.index_cast %add3A_1047 : i32 to index
        %swap3A_1074 = arith.constant 32 : index
        %swap3A_1075 = tpu.vector_load %arg11[%swap3A_1073, %swap3A_1074] {strides = array<i32>} : memref<128x128xf32, #tpu.memory_space<vmem>>, vector<1x16xf32>,
        %swap3A_1076 = vector.shape_cast %swap3A_1075 : vector<1x16xf32> to vector<16xf32>
        %swap3A_1077 = vector.shape_cast %mul3A_1072 : vector<16xf32> to vector<1x16xf32>
        tpu.vector_store %arg11[%swap3A_1073, %swap3A_1074], %swap3A_1077 {strides = array<i32>} : memref<128x128xf32, #tpu.memory_space<vmem>>, vector<1x16xf32>,
        %get3A_1078 = arith.index_cast %add3A_1047 : i32 to index
        %get3A_1079 = arith.constant 48 : index
        %get3A_1080 = tpu.vector_load %arg11[%get3A_1078, %get3A_1079] {strides = array<i32>} : memref<128x128xf32, #tpu.memory_space<vmem>>, vector<1x16xf32>,
        %get3A_1081 = vector.shape_cast %get3A_1080 : vector<1x16xf32> to vector<16xf32>
        %mul3A_1082 = arith.mulf %get3A_1081, %gather3A_1043 : vector<16xf32>
        %swap3A_1083 = arith.index_cast %add3A_1047 : i32 to index
        %swap3A_1084 = arith.constant 48 : index
        %swap3A_1085 = tpu.vector_load %arg11[%swap3A_1083, %swap3A_1084] {strides = array<i32>} : memref<128x128xf32, #tpu.memory_space<vmem>>, vector<1x16xf32>,
        %swap3A_1086 = vector.shape_cast %swap3A_1085 : vector<1x16xf32> to vector<16xf32>
        %swap3A_1087 = vector.shape_cast %mul3A_1082 : vector<16xf32> to vector<1x16xf32>
        tpu.vector_store %arg11[%swap3A_1083, %swap3A_1084], %swap3A_1087 {strides = array<i32>} : memref<128x128xf32, #tpu.memory_space<vmem>>, vector<1x16xf32>,
        %get3A_1088 = arith.index_cast %add3A_1047 : i32 to index
        %get3A_1089 = arith.constant 64 : index
        %get3A_1090 = tpu.vector_load %arg11[%get3A_1088, %get3A_1089] {strides = array<i32>} : memref<128x128xf32, #tpu.memory_space<vmem>>, vector<1x16xf32>,
        %get3A_1091 = vector.shape_cast %get3A_1090 : vector<1x16xf32> to vector<16xf32>
        %mul3A_1092 = arith.mulf %get3A_1091, %gather3A_1043 : vector<16xf32>
        %swap3A_1093 = arith.index_cast %add3A_1047 : i32 to index
        %swap3A_1094 = arith.constant 64 : index
        %swap3A_1095 = tpu.vector_load %arg11[%swap3A_1093, %swap3A_1094] {strides = array<i32>} : memref<128x128xf32, #tpu.memory_space<vmem>>, vector<1x16xf32>,
        %swap3A_1096 = vector.shape_cast %swap3A_1095 : vector<1x16xf32> to vector<16xf32>
        %swap3A_1097 = vector.shape_cast %mul3A_1092 : vector<16xf32> to vector<1x16xf32>
        tpu.vector_store %arg11[%swap3A_1093, %swap3A_1094], %swap3A_1097 {strides = array<i32>} : memref<128x128xf32, #tpu.memory_space<vmem>>, vector<1x16xf32>,
        %get3A_1098 = arith.index_cast %add3A_1047 : i32 to index
        %get3A_1099 = arith.constant 80 : index
        %get3A_1100 = tpu.vector_load %arg11[%get3A_1098, %get3A_1099] {strides = array<i32>} : memref<128x128xf32, #tpu.memory_space<vmem>>, vector<1x16xf32>,
        %get3A_1101 = vector.shape_cast %get3A_1100 : vector<1x16xf32> to vector<16xf32>
        %mul3A_1102 = arith.mulf %get3A_1101, %gather3A_1043 : vector<16xf32>
        %swap3A_1103 = arith.index_cast %add3A_1047 : i32 to index
        %swap3A_1104 = arith.constant 80 : index
        %swap3A_1105 = tpu.vector_load %arg11[%swap3A_1103, %swap3A_1104] {strides = array<i32>} : memref<128x128xf32, #tpu.memory_space<vmem>>, vector<1x16xf32>,
        %swap3A_1106 = vector.shape_cast %swap3A_1105 : vector<1x16xf32> to vector<16xf32>
        %swap3A_1107 = vector.shape_cast %mul3A_1102 : vector<16xf32> to vector<1x16xf32>
        tpu.vector_store %arg11[%swap3A_1103, %swap3A_1104], %swap3A_1107 {strides = array<i32>} : memref<128x128xf32, #tpu.memory_space<vmem>>, vector<1x16xf32>,
        %get3A_1108 = arith.index_cast %add3A_1047 : i32 to index
        %get3A_1109 = arith.constant 96 : index
        %get3A_1110 = tpu.vector_load %arg11[%get3A_1108, %get3A_1109] {strides = array<i32>} : memref<128x128xf32, #tpu.memory_space<vmem>>, vector<1x16xf32>,
        %get3A_1111 = vector.shape_cast %get3A_1110 : vector<1x16xf32> to vector<16xf32>
        %mul3A_1112 = arith.mulf %get3A_1111, %gather3A_1043 : vector<16xf32>
        %swap3A_1113 = arith.index_cast %add3A_1047 : i32 to index
        %swap3A_1114 = arith.constant 96 : index
        %swap3A_1115 = tpu.vector_load %arg11[%swap3A_1113, %swap3A_1114] {strides = array<i32>} : memref<128x128xf32, #tpu.memory_space<vmem>>, vector<1x16xf32>,
        %swap3A_1116 = vector.shape_cast %swap3A_1115 : vector<1x16xf32> to vector<16xf32>
        %swap3A_1117 = vector.shape_cast %mul3A_1112 : vector<16xf32> to vector<1x16xf32>
        tpu.vector_store %arg11[%swap3A_1113, %swap3A_1114], %swap3A_1117 {strides = array<i32>} : memref<128x128xf32, #tpu.memory_space<vmem>>, vector<1x16xf32>,
        %get3A_1118 = arith.index_cast %add3A_1047 : i32 to index
        %get3A_1119 = arith.constant 112 : index
        %get3A_1120 = tpu.vector_load %arg11[%get3A_1118, %get3A_1119] {strides = array<i32>} : memref<128x128xf32, #tpu.memory_space<vmem>>, vector<1x16xf32>,
        %get3A_1121 = vector.shape_cast %get3A_1120 : vector<1x16xf32> to vector<16xf32>
        %mul3A_1122 = arith.mulf %get3A_1121, %gather3A_1043 : vector<16xf32>
        %swap3A_1123 = arith.index_cast %add3A_1047 : i32 to index
        %swap3A_1124 = arith.constant 112 : index
        %swap3A_1125 = tpu.vector_load %arg11[%swap3A_1123, %swap3A_1124] {strides = array<i32>} : memref<128x128xf32, #tpu.memory_space<vmem>>, vector<1x16xf32>,
        %swap3A_1126 = vector.shape_cast %swap3A_1125 : vector<1x16xf32> to vector<16xf32>
        %swap3A_1127 = vector.shape_cast %mul3A_1122 : vector<16xf32> to vector<1x16xf32>
        tpu.vector_store %arg11[%swap3A_1123, %swap3A_1124], %swap3A_1127 {strides = array<i32>} : memref<128x128xf32, #tpu.memory_space<vmem>>, vector<1x16xf32>,
        %broadcast_in_dim3A_1128 = arith.constant 11 : i32
        %broadcast_in_dim3A_1129 = vector.broadcast %broadcast_in_dim3A_1128 : i32 to vector<16x1xi32>
        %gather3A_1130 = vector.shape_cast %broadcast_in_dim3A_1129 : vector<16x1xi32> to vector<16xi32>
        %gather3A_1131 = tpu.dynamic_gather %get3A_161[%gather3A_1130] in [0] : vector<16xf32>, vector<16xi32> -> vector<16xf32>
        %mul3A_1132 = arith.constant 16 : i32
        %mul3A_1133 = arith.muli %scan3A_155, %mul3A_1132 : i32
        %add3A_1134 = arith.constant 11 : i32
        %add3A_1135 = arith.addi %mul3A_1133, %add3A_1134 : i32
        %get3A_1136 = arith.index_cast %add3A_1135 : i32 to index
        %get3A_1137 = arith.constant 0 : index
        %get3A_1138 = tpu.vector_load %arg11[%get3A_1136, %get3A_1137] {strides = array<i32>} : memref<128x128xf32, #tpu.memory_space<vmem>>, vector<1x16xf32>,
        %get3A_1139 = vector.shape_cast %get3A_1138 : vector<1x16xf32> to vector<16xf32>
        %mul3A_1140 = arith.mulf %get3A_1139, %gather3A_1131 : vector<16xf32>
        %swap3A_1141 = arith.index_cast %add3A_1135 : i32 to index
        %swap3A_1142 = arith.constant 0 : index
        %swap3A_1143 = tpu.vector_load %arg11[%swap3A_1141, %swap3A_1142] {strides = array<i32>} : memref<128x128xf32, #tpu.memory_space<vmem>>, vector<1x16xf32>,
        %swap3A_1144 = vector.shape_cast %swap3A_1143 : vector<1x16xf32> to vector<16xf32>
        %swap3A_1145 = vector.shape_cast %mul3A_1140 : vector<16xf32> to vector<1x16xf32>
        tpu.vector_store %arg11[%swap3A_1141, %swap3A_1142], %swap3A_1145 {strides = array<i32>} : memref<128x128xf32, #tpu.memory_space<vmem>>, vector<1x16xf32>,
        %get3A_1146 = arith.index_cast %add3A_1135 : i32 to index
        %get3A_1147 = arith.constant 16 : index
        %get3A_1148 = tpu.vector_load %arg11[%get3A_1146, %get3A_1147] {strides = array<i32>} : memref<128x128xf32, #tpu.memory_space<vmem>>, vector<1x16xf32>,
        %get3A_1149 = vector.shape_cast %get3A_1148 : vector<1x16xf32> to vector<16xf32>
        %mul3A_1150 = arith.mulf %get3A_1149, %gather3A_1131 : vector<16xf32>
        %swap3A_1151 = arith.index_cast %add3A_1135 : i32 to index
        %swap3A_1152 = arith.constant 16 : index
        %swap3A_1153 = tpu.vector_load %arg11[%swap3A_1151, %swap3A_1152] {strides = array<i32>} : memref<128x128xf32, #tpu.memory_space<vmem>>, vector<1x16xf32>,
        %swap3A_1154 = vector.shape_cast %swap3A_1153 : vector<1x16xf32> to vector<16xf32>
        %swap3A_1155 = vector.shape_cast %mul3A_1150 : vector<16xf32> to vector<1x16xf32>
        tpu.vector_store %arg11[%swap3A_1151, %swap3A_1152], %swap3A_1155 {strides = array<i32>} : memref<128x128xf32, #tpu.memory_space<vmem>>, vector<1x16xf32>,
        %get3A_1156 = arith.index_cast %add3A_1135 : i32 to index
        %get3A_1157 = arith.constant 32 : index
        %get3A_1158 = tpu.vector_load %arg11[%get3A_1156, %get3A_1157] {strides = array<i32>} : memref<128x128xf32, #tpu.memory_space<vmem>>, vector<1x16xf32>,
        %get3A_1159 = vector.shape_cast %get3A_1158 : vector<1x16xf32> to vector<16xf32>
        %mul3A_1160 = arith.mulf %get3A_1159, %gather3A_1131 : vector<16xf32>
        %swap3A_1161 = arith.index_cast %add3A_1135 : i32 to index
        %swap3A_1162 = arith.constant 32 : index
        %swap3A_1163 = tpu.vector_load %arg11[%swap3A_1161, %swap3A_1162] {strides = array<i32>} : memref<128x128xf32, #tpu.memory_space<vmem>>, vector<1x16xf32>,
        %swap3A_1164 = vector.shape_cast %swap3A_1163 : vector<1x16xf32> to vector<16xf32>
        %swap3A_1165 = vector.shape_cast %mul3A_1160 : vector<16xf32> to vector<1x16xf32>
        tpu.vector_store %arg11[%swap3A_1161, %swap3A_1162], %swap3A_1165 {strides = array<i32>} : memref<128x128xf32, #tpu.memory_space<vmem>>, vector<1x16xf32>,
        %get3A_1166 = arith.index_cast %add3A_1135 : i32 to index
        %get3A_1167 = arith.constant 48 : index
        %get3A_1168 = tpu.vector_load %arg11[%get3A_1166, %get3A_1167] {strides = array<i32>} : memref<128x128xf32, #tpu.memory_space<vmem>>, vector<1x16xf32>,
        %get3A_1169 = vector.shape_cast %get3A_1168 : vector<1x16xf32> to vector<16xf32>
        %mul3A_1170 = arith.mulf %get3A_1169, %gather3A_1131 : vector<16xf32>
        %swap3A_1171 = arith.index_cast %add3A_1135 : i32 to index
        %swap3A_1172 = arith.constant 48 : index
        %swap3A_1173 = tpu.vector_load %arg11[%swap3A_1171, %swap3A_1172] {strides = array<i32>} : memref<128x128xf32, #tpu.memory_space<vmem>>, vector<1x16xf32>,
        %swap3A_1174 = vector.shape_cast %swap3A_1173 : vector<1x16xf32> to vector<16xf32>
        %swap3A_1175 = vector.shape_cast %mul3A_1170 : vector<16xf32> to vector<1x16xf32>
        tpu.vector_store %arg11[%swap3A_1171, %swap3A_1172], %swap3A_1175 {strides = array<i32>} : memref<128x128xf32, #tpu.memory_space<vmem>>, vector<1x16xf32>,
        %get3A_1176 = arith.index_cast %add3A_1135 : i32 to index
        %get3A_1177 = arith.constant 64 : index
        %get3A_1178 = tpu.vector_load %arg11[%get3A_1176, %get3A_1177] {strides = array<i32>} : memref<128x128xf32, #tpu.memory_space<vmem>>, vector<1x16xf32>,
        %get3A_1179 = vector.shape_cast %get3A_1178 : vector<1x16xf32> to vector<16xf32>
        %mul3A_1180 = arith.mulf %get3A_1179, %gather3A_1131 : vector<16xf32>
        %swap3A_1181 = arith.index_cast %add3A_1135 : i32 to index
        %swap3A_1182 = arith.constant 64 : index
        %swap3A_1183 = tpu.vector_load %arg11[%swap3A_1181, %swap3A_1182] {strides = array<i32>} : memref<128x128xf32, #tpu.memory_space<vmem>>, vector<1x16xf32>,
        %swap3A_1184 = vector.shape_cast %swap3A_1183 : vector<1x16xf32> to vector<16xf32>
        %swap3A_1185 = vector.shape_cast %mul3A_1180 : vector<16xf32> to vector<1x16xf32>
        tpu.vector_store %arg11[%swap3A_1181, %swap3A_1182], %swap3A_1185 {strides = array<i32>} : memref<128x128xf32, #tpu.memory_space<vmem>>, vector<1x16xf32>,
        %get3A_1186 = arith.index_cast %add3A_1135 : i32 to index
        %get3A_1187 = arith.constant 80 : index
        %get3A_1188 = tpu.vector_load %arg11[%get3A_1186, %get3A_1187] {strides = array<i32>} : memref<128x128xf32, #tpu.memory_space<vmem>>, vector<1x16xf32>,
        %get3A_1189 = vector.shape_cast %get3A_1188 : vector<1x16xf32> to vector<16xf32>
        %mul3A_1190 = arith.mulf %get3A_1189, %gather3A_1131 : vector<16xf32>
        %swap3A_1191 = arith.index_cast %add3A_1135 : i32 to index
        %swap3A_1192 = arith.constant 80 : index
        %swap3A_1193 = tpu.vector_load %arg11[%swap3A_1191, %swap3A_1192] {strides = array<i32>} : memref<128x128xf32, #tpu.memory_space<vmem>>, vector<1x16xf32>,
        %swap3A_1194 = vector.shape_cast %swap3A_1193 : vector<1x16xf32> to vector<16xf32>
        %swap3A_1195 = vector.shape_cast %mul3A_1190 : vector<16xf32> to vector<1x16xf32>
        tpu.vector_store %arg11[%swap3A_1191, %swap3A_1192], %swap3A_1195 {strides = array<i32>} : memref<128x128xf32, #tpu.memory_space<vmem>>, vector<1x16xf32>,
        %get3A_1196 = arith.index_cast %add3A_1135 : i32 to index
        %get3A_1197 = arith.constant 96 : index
        %get3A_1198 = tpu.vector_load %arg11[%get3A_1196, %get3A_1197] {strides = array<i32>} : memref<128x128xf32, #tpu.memory_space<vmem>>, vector<1x16xf32>,
        %get3A_1199 = vector.shape_cast %get3A_1198 : vector<1x16xf32> to vector<16xf32>
        %mul3A_1200 = arith.mulf %get3A_1199, %gather3A_1131 : vector<16xf32>
        %swap3A_1201 = arith.index_cast %add3A_1135 : i32 to index
        %swap3A_1202 = arith.constant 96 : index
        %swap3A_1203 = tpu.vector_load %arg11[%swap3A_1201, %swap3A_1202] {strides = array<i32>} : memref<128x128xf32, #tpu.memory_space<vmem>>, vector<1x16xf32>,
        %swap3A_1204 = vector.shape_cast %swap3A_1203 : vector<1x16xf32> to vector<16xf32>
        %swap3A_1205 = vector.shape_cast %mul3A_1200 : vector<16xf32> to vector<1x16xf32>
        tpu.vector_store %arg11[%swap3A_1201, %swap3A_1202], %swap3A_1205 {strides = array<i32>} : memref<128x128xf32, #tpu.memory_space<vmem>>, vector<1x16xf32>,
        %get3A_1206 = arith.index_cast %add3A_1135 : i32 to index
        %get3A_1207 = arith.constant 112 : index
        %get3A_1208 = tpu.vector_load %arg11[%get3A_1206, %get3A_1207] {strides = array<i32>} : memref<128x128xf32, #tpu.memory_space<vmem>>, vector<1x16xf32>,
        %get3A_1209 = vector.shape_cast %get3A_1208 : vector<1x16xf32> to vector<16xf32>
        %mul3A_1210 = arith.mulf %get3A_1209, %gather3A_1131 : vector<16xf32>
        %swap3A_1211 = arith.index_cast %add3A_1135 : i32 to index
        %swap3A_1212 = arith.constant 112 : index
        %swap3A_1213 = tpu.vector_load %arg11[%swap3A_1211, %swap3A_1212] {strides = array<i32>} : memref<128x128xf32, #tpu.memory_space<vmem>>, vector<1x16xf32>,
        %swap3A_1214 = vector.shape_cast %swap3A_1213 : vector<1x16xf32> to vector<16xf32>
        %swap3A_1215 = vector.shape_cast %mul3A_1210 : vector<16xf32> to vector<1x16xf32>
        tpu.vector_store %arg11[%swap3A_1211, %swap3A_1212], %swap3A_1215 {strides = array<i32>} : memref<128x128xf32, #tpu.memory_space<vmem>>, vector<1x16xf32>,
        %broadcast_in_dim3A_1216 = arith.constant 12 : i32
        %broadcast_in_dim3A_1217 = vector.broadcast %broadcast_in_dim3A_1216 : i32 to vector<16x1xi32>
        %gather3A_1218 = vector.shape_cast %broadcast_in_dim3A_1217 : vector<16x1xi32> to vector<16xi32>
        %gather3A_1219 = tpu.dynamic_gather %get3A_161[%gather3A_1218] in [0] : vector<16xf32>, vector<16xi32> -> vector<16xf32>
        %mul3A_1220 = arith.constant 16 : i32
        %mul3A_1221 = arith.muli %scan3A_155, %mul3A_1220 : i32
        %add3A_1222 = arith.constant 12 : i32
        %add3A_1223 = arith.addi %mul3A_1221, %add3A_1222 : i32
        %get3A_1224 = arith.index_cast %add3A_1223 : i32 to index
        %get3A_1225 = arith.constant 0 : index
        %get3A_1226 = tpu.vector_load %arg11[%get3A_1224, %get3A_1225] {strides = array<i32>} : memref<128x128xf32, #tpu.memory_space<vmem>>, vector<1x16xf32>,
        %get3A_1227 = vector.shape_cast %get3A_1226 : vector<1x16xf32> to vector<16xf32>
        %mul3A_1228 = arith.mulf %get3A_1227, %gather3A_1219 : vector<16xf32>
        %swap3A_1229 = arith.index_cast %add3A_1223 : i32 to index
        %swap3A_1230 = arith.constant 0 : index
        %swap3A_1231 = tpu.vector_load %arg11[%swap3A_1229, %swap3A_1230] {strides = array<i32>} : memref<128x128xf32, #tpu.memory_space<vmem>>, vector<1x16xf32>,
        %swap3A_1232 = vector.shape_cast %swap3A_1231 : vector<1x16xf32> to vector<16xf32>
        %swap3A_1233 = vector.shape_cast %mul3A_1228 : vector<16xf32> to vector<1x16xf32>
        tpu.vector_store %arg11[%swap3A_1229, %swap3A_1230], %swap3A_1233 {strides = array<i32>} : memref<128x128xf32, #tpu.memory_space<vmem>>, vector<1x16xf32>,
        %get3A_1234 = arith.index_cast %add3A_1223 : i32 to index
        %get3A_1235 = arith.constant 16 : index
        %get3A_1236 = tpu.vector_load %arg11[%get3A_1234, %get3A_1235] {strides = array<i32>} : memref<128x128xf32, #tpu.memory_space<vmem>>, vector<1x16xf32>,
        %get3A_1237 = vector.shape_cast %get3A_1236 : vector<1x16xf32> to vector<16xf32>
        %mul3A_1238 = arith.mulf %get3A_1237, %gather3A_1219 : vector<16xf32>
        %swap3A_1239 = arith.index_cast %add3A_1223 : i32 to index
        %swap3A_1240 = arith.constant 16 : index
        %swap3A_1241 = tpu.vector_load %arg11[%swap3A_1239, %swap3A_1240] {strides = array<i32>} : memref<128x128xf32, #tpu.memory_space<vmem>>, vector<1x16xf32>,
        %swap3A_1242 = vector.shape_cast %swap3A_1241 : vector<1x16xf32> to vector<16xf32>
        %swap3A_1243 = vector.shape_cast %mul3A_1238 : vector<16xf32> to vector<1x16xf32>
        tpu.vector_store %arg11[%swap3A_1239, %swap3A_1240], %swap3A_1243 {strides = array<i32>} : memref<128x128xf32, #tpu.memory_space<vmem>>, vector<1x16xf32>,
        %get3A_1244 = arith.index_cast %add3A_1223 : i32 to index
        %get3A_1245 = arith.constant 32 : index
        %get3A_1246 = tpu.vector_load %arg11[%get3A_1244, %get3A_1245] {strides = array<i32>} : memref<128x128xf32, #tpu.memory_space<vmem>>, vector<1x16xf32>,
        %get3A_1247 = vector.shape_cast %get3A_1246 : vector<1x16xf32> to vector<16xf32>
        %mul3A_1248 = arith.mulf %get3A_1247, %gather3A_1219 : vector<16xf32>
        %swap3A_1249 = arith.index_cast %add3A_1223 : i32 to index
        %swap3A_1250 = arith.constant 32 : index
        %swap3A_1251 = tpu.vector_load %arg11[%swap3A_1249, %swap3A_1250] {strides = array<i32>} : memref<128x128xf32, #tpu.memory_space<vmem>>, vector<1x16xf32>,
        %swap3A_1252 = vector.shape_cast %swap3A_1251 : vector<1x16xf32> to vector<16xf32>
        %swap3A_1253 = vector.shape_cast %mul3A_1248 : vector<16xf32> to vector<1x16xf32>
        tpu.vector_store %arg11[%swap3A_1249, %swap3A_1250], %swap3A_1253 {strides = array<i32>} : memref<128x128xf32, #tpu.memory_space<vmem>>, vector<1x16xf32>,
        %get3A_1254 = arith.index_cast %add3A_1223 : i32 to index
        %get3A_1255 = arith.constant 48 : index
        %get3A_1256 = tpu.vector_load %arg11[%get3A_1254, %get3A_1255] {strides = array<i32>} : memref<128x128xf32, #tpu.memory_space<vmem>>, vector<1x16xf32>,
        %get3A_1257 = vector.shape_cast %get3A_1256 : vector<1x16xf32> to vector<16xf32>
        %mul3A_1258 = arith.mulf %get3A_1257, %gather3A_1219 : vector<16xf32>
        %swap3A_1259 = arith.index_cast %add3A_1223 : i32 to index
        %swap3A_1260 = arith.constant 48 : index
        %swap3A_1261 = tpu.vector_load %arg11[%swap3A_1259, %swap3A_1260] {strides = array<i32>} : memref<128x128xf32, #tpu.memory_space<vmem>>, vector<1x16xf32>,
        %swap3A_1262 = vector.shape_cast %swap3A_1261 : vector<1x16xf32> to vector<16xf32>
        %swap3A_1263 = vector.shape_cast %mul3A_1258 : vector<16xf32> to vector<1x16xf32>
        tpu.vector_store %arg11[%swap3A_1259, %swap3A_1260], %swap3A_1263 {strides = array<i32>} : memref<128x128xf32, #tpu.memory_space<vmem>>, vector<1x16xf32>,
        %get3A_1264 = arith.index_cast %add3A_1223 : i32 to index
        %get3A_1265 = arith.constant 64 : index
        %get3A_1266 = tpu.vector_load %arg11[%get3A_1264, %get3A_1265] {strides = array<i32>} : memref<128x128xf32, #tpu.memory_space<vmem>>, vector<1x16xf32>,
        %get3A_1267 = vector.shape_cast %get3A_1266 : vector<1x16xf32> to vector<16xf32>
        %mul3A_1268 = arith.mulf %get3A_1267, %gather3A_1219 : vector<16xf32>
        %swap3A_1269 = arith.index_cast %add3A_1223 : i32 to index
        %swap3A_1270 = arith.constant 64 : index
        %swap3A_1271 = tpu.vector_load %arg11[%swap3A_1269, %swap3A_1270] {strides = array<i32>} : memref<128x128xf32, #tpu.memory_space<vmem>>, vector<1x16xf32>,
        %swap3A_1272 = vector.shape_cast %swap3A_1271 : vector<1x16xf32> to vector<16xf32>
        %swap3A_1273 = vector.shape_cast %mul3A_1268 : vector<16xf32> to vector<1x16xf32>
        tpu.vector_store %arg11[%swap3A_1269, %swap3A_1270], %swap3A_1273 {strides = array<i32>} : memref<128x128xf32, #tpu.memory_space<vmem>>, vector<1x16xf32>,
        %get3A_1274 = arith.index_cast %add3A_1223 : i32 to index
        %get3A_1275 = arith.constant 80 : index
        %get3A_1276 = tpu.vector_load %arg11[%get3A_1274, %get3A_1275] {strides = array<i32>} : memref<128x128xf32, #tpu.memory_space<vmem>>, vector<1x16xf32>,
        %get3A_1277 = vector.shape_cast %get3A_1276 : vector<1x16xf32> to vector<16xf32>
        %mul3A_1278 = arith.mulf %get3A_1277, %gather3A_1219 : vector<16xf32>
        %swap3A_1279 = arith.index_cast %add3A_1223 : i32 to index
        %swap3A_1280 = arith.constant 80 : index
        %swap3A_1281 = tpu.vector_load %arg11[%swap3A_1279, %swap3A_1280] {strides = array<i32>} : memref<128x128xf32, #tpu.memory_space<vmem>>, vector<1x16xf32>,
        %swap3A_1282 = vector.shape_cast %swap3A_1281 : vector<1x16xf32> to vector<16xf32>
        %swap3A_1283 = vector.shape_cast %mul3A_1278 : vector<16xf32> to vector<1x16xf32>
        tpu.vector_store %arg11[%swap3A_1279, %swap3A_1280], %swap3A_1283 {strides = array<i32>} : memref<128x128xf32, #tpu.memory_space<vmem>>, vector<1x16xf32>,
        %get3A_1284 = arith.index_cast %add3A_1223 : i32 to index
        %get3A_1285 = arith.constant 96 : index
        %get3A_1286 = tpu.vector_load %arg11[%get3A_1284, %get3A_1285] {strides = array<i32>} : memref<128x128xf32, #tpu.memory_space<vmem>>, vector<1x16xf32>,
        %get3A_1287 = vector.shape_cast %get3A_1286 : vector<1x16xf32> to vector<16xf32>
        %mul3A_1288 = arith.mulf %get3A_1287, %gather3A_1219 : vector<16xf32>
        %swap3A_1289 = arith.index_cast %add3A_1223 : i32 to index
        %swap3A_1290 = arith.constant 96 : index
        %swap3A_1291 = tpu.vector_load %arg11[%swap3A_1289, %swap3A_1290] {strides = array<i32>} : memref<128x128xf32, #tpu.memory_space<vmem>>, vector<1x16xf32>,
        %swap3A_1292 = vector.shape_cast %swap3A_1291 : vector<1x16xf32> to vector<16xf32>
        %swap3A_1293 = vector.shape_cast %mul3A_1288 : vector<16xf32> to vector<1x16xf32>
        tpu.vector_store %arg11[%swap3A_1289, %swap3A_1290], %swap3A_1293 {strides = array<i32>} : memref<128x128xf32, #tpu.memory_space<vmem>>, vector<1x16xf32>,
        %get3A_1294 = arith.index_cast %add3A_1223 : i32 to index
        %get3A_1295 = arith.constant 112 : index
        %get3A_1296 = tpu.vector_load %arg11[%get3A_1294, %get3A_1295] {strides = array<i32>} : memref<128x128xf32, #tpu.memory_space<vmem>>, vector<1x16xf32>,
        %get3A_1297 = vector.shape_cast %get3A_1296 : vector<1x16xf32> to vector<16xf32>
        %mul3A_1298 = arith.mulf %get3A_1297, %gather3A_1219 : vector<16xf32>
        %swap3A_1299 = arith.index_cast %add3A_1223 : i32 to index
        %swap3A_1300 = arith.constant 112 : index
        %swap3A_1301 = tpu.vector_load %arg11[%swap3A_1299, %swap3A_1300] {strides = array<i32>} : memref<128x128xf32, #tpu.memory_space<vmem>>, vector<1x16xf32>,
        %swap3A_1302 = vector.shape_cast %swap3A_1301 : vector<1x16xf32> to vector<16xf32>
        %swap3A_1303 = vector.shape_cast %mul3A_1298 : vector<16xf32> to vector<1x16xf32>
        tpu.vector_store %arg11[%swap3A_1299, %swap3A_1300], %swap3A_1303 {strides = array<i32>} : memref<128x128xf32, #tpu.memory_space<vmem>>, vector<1x16xf32>,
        %broadcast_in_dim3A_1304 = arith.constant 13 : i32
        %broadcast_in_dim3A_1305 = vector.broadcast %broadcast_in_dim3A_1304 : i32 to vector<16x1xi32>
        %gather3A_1306 = vector.shape_cast %broadcast_in_dim3A_1305 : vector<16x1xi32> to vector<16xi32>
        %gather3A_1307 = tpu.dynamic_gather %get3A_161[%gather3A_1306] in [0] : vector<16xf32>, vector<16xi32> -> vector<16xf32>
        %mul3A_1308 = arith.constant 16 : i32
        %mul3A_1309 = arith.muli %scan3A_155, %mul3A_1308 : i32
        %add3A_1310 = arith.constant 13 : i32
        %add3A_1311 = arith.addi %mul3A_1309, %add3A_1310 : i32
        %get3A_1312 = arith.index_cast %add3A_1311 : i32 to index
        %get3A_1313 = arith.constant 0 : index
        %get3A_1314 = tpu.vector_load %arg11[%get3A_1312, %get3A_1313] {strides = array<i32>} : memref<128x128xf32, #tpu.memory_space<vmem>>, vector<1x16xf32>,
        %get3A_1315 = vector.shape_cast %get3A_1314 : vector<1x16xf32> to vector<16xf32>
        %mul3A_1316 = arith.mulf %get3A_1315, %gather3A_1307 : vector<16xf32>
        %swap3A_1317 = arith.index_cast %add3A_1311 : i32 to index
        %swap3A_1318 = arith.constant 0 : index
        %swap3A_1319 = tpu.vector_load %arg11[%swap3A_1317, %swap3A_1318] {strides = array<i32>} : memref<128x128xf32, #tpu.memory_space<vmem>>, vector<1x16xf32>,
        %swap3A_1320 = vector.shape_cast %swap3A_1319 : vector<1x16xf32> to vector<16xf32>
        %swap3A_1321 = vector.shape_cast %mul3A_1316 : vector<16xf32> to vector<1x16xf32>
        tpu.vector_store %arg11[%swap3A_1317, %swap3A_1318], %swap3A_1321 {strides = array<i32>} : memref<128x128xf32, #tpu.memory_space<vmem>>, vector<1x16xf32>,
        %get3A_1322 = arith.index_cast %add3A_1311 : i32 to index
        %get3A_1323 = arith.constant 16 : index
        %get3A_1324 = tpu.vector_load %arg11[%get3A_1322, %get3A_1323] {strides = array<i32>} : memref<128x128xf32, #tpu.memory_space<vmem>>, vector<1x16xf32>,
        %get3A_1325 = vector.shape_cast %get3A_1324 : vector<1x16xf32> to vector<16xf32>
        %mul3A_1326 = arith.mulf %get3A_1325, %gather3A_1307 : vector<16xf32>
        %swap3A_1327 = arith.index_cast %add3A_1311 : i32 to index
        %swap3A_1328 = arith.constant 16 : index
        %swap3A_1329 = tpu.vector_load %arg11[%swap3A_1327, %swap3A_1328] {strides = array<i32>} : memref<128x128xf32, #tpu.memory_space<vmem>>, vector<1x16xf32>,
        %swap3A_1330 = vector.shape_cast %swap3A_1329 : vector<1x16xf32> to vector<16xf32>
        %swap3A_1331 = vector.shape_cast %mul3A_1326 : vector<16xf32> to vector<1x16xf32>
        tpu.vector_store %arg11[%swap3A_1327, %swap3A_1328], %swap3A_1331 {strides = array<i32>} : memref<128x128xf32, #tpu.memory_space<vmem>>, vector<1x16xf32>,
        %get3A_1332 = arith.index_cast %add3A_1311 : i32 to index
        %get3A_1333 = arith.constant 32 : index
        %get3A_1334 = tpu.vector_load %arg11[%get3A_1332, %get3A_1333] {strides = array<i32>} : memref<128x128xf32, #tpu.memory_space<vmem>>, vector<1x16xf32>,
        %get3A_1335 = vector.shape_cast %get3A_1334 : vector<1x16xf32> to vector<16xf32>
        %mul3A_1336 = arith.mulf %get3A_1335, %gather3A_1307 : vector<16xf32>
        %swap3A_1337 = arith.index_cast %add3A_1311 : i32 to index
        %swap3A_1338 = arith.constant 32 : index
        %swap3A_1339 = tpu.vector_load %arg11[%swap3A_1337, %swap3A_1338] {strides = array<i32>} : memref<128x128xf32, #tpu.memory_space<vmem>>, vector<1x16xf32>,
        %swap3A_1340 = vector.shape_cast %swap3A_1339 : vector<1x16xf32> to vector<16xf32>
        %swap3A_1341 = vector.shape_cast %mul3A_1336 : vector<16xf32> to vector<1x16xf32>
        tpu.vector_store %arg11[%swap3A_1337, %swap3A_1338], %swap3A_1341 {strides = array<i32>} : memref<128x128xf32, #tpu.memory_space<vmem>>, vector<1x16xf32>,
        %get3A_1342 = arith.index_cast %add3A_1311 : i32 to index
        %get3A_1343 = arith.constant 48 : index
        %get3A_1344 = tpu.vector_load %arg11[%get3A_1342, %get3A_1343] {strides = array<i32>} : memref<128x128xf32, #tpu.memory_space<vmem>>, vector<1x16xf32>,
        %get3A_1345 = vector.shape_cast %get3A_1344 : vector<1x16xf32> to vector<16xf32>
        %mul3A_1346 = arith.mulf %get3A_1345, %gather3A_1307 : vector<16xf32>
        %swap3A_1347 = arith.index_cast %add3A_1311 : i32 to index
        %swap3A_1348 = arith.constant 48 : index
        %swap3A_1349 = tpu.vector_load %arg11[%swap3A_1347, %swap3A_1348] {strides = array<i32>} : memref<128x128xf32, #tpu.memory_space<vmem>>, vector<1x16xf32>,
        %swap3A_1350 = vector.shape_cast %swap3A_1349 : vector<1x16xf32> to vector<16xf32>
        %swap3A_1351 = vector.shape_cast %mul3A_1346 : vector<16xf32> to vector<1x16xf32>
        tpu.vector_store %arg11[%swap3A_1347, %swap3A_1348], %swap3A_1351 {strides = array<i32>} : memref<128x128xf32, #tpu.memory_space<vmem>>, vector<1x16xf32>,
        %get3A_1352 = arith.index_cast %add3A_1311 : i32 to index
        %get3A_1353 = arith.constant 64 : index
        %get3A_1354 = tpu.vector_load %arg11[%get3A_1352, %get3A_1353] {strides = array<i32>} : memref<128x128xf32, #tpu.memory_space<vmem>>, vector<1x16xf32>,
        %get3A_1355 = vector.shape_cast %get3A_1354 : vector<1x16xf32> to vector<16xf32>
        %mul3A_1356 = arith.mulf %get3A_1355, %gather3A_1307 : vector<16xf32>
        %swap3A_1357 = arith.index_cast %add3A_1311 : i32 to index
        %swap3A_1358 = arith.constant 64 : index
        %swap3A_1359 = tpu.vector_load %arg11[%swap3A_1357, %swap3A_1358] {strides = array<i32>} : memref<128x128xf32, #tpu.memory_space<vmem>>, vector<1x16xf32>,
        %swap3A_1360 = vector.shape_cast %swap3A_1359 : vector<1x16xf32> to vector<16xf32>
        %swap3A_1361 = vector.shape_cast %mul3A_1356 : vector<16xf32> to vector<1x16xf32>
        tpu.vector_store %arg11[%swap3A_1357, %swap3A_1358], %swap3A_1361 {strides = array<i32>} : memref<128x128xf32, #tpu.memory_space<vmem>>, vector<1x16xf32>,
        %get3A_1362 = arith.index_cast %add3A_1311 : i32 to index
        %get3A_1363 = arith.constant 80 : index
        %get3A_1364 = tpu.vector_load %arg11[%get3A_1362, %get3A_1363] {strides = array<i32>} : memref<128x128xf32, #tpu.memory_space<vmem>>, vector<1x16xf32>,
        %get3A_1365 = vector.shape_cast %get3A_1364 : vector<1x16xf32> to vector<16xf32>
        %mul3A_1366 = arith.mulf %get3A_1365, %gather3A_1307 : vector<16xf32>
        %swap3A_1367 = arith.index_cast %add3A_1311 : i32 to index
        %swap3A_1368 = arith.constant 80 : index
        %swap3A_1369 = tpu.vector_load %arg11[%swap3A_1367, %swap3A_1368] {strides = array<i32>} : memref<128x128xf32, #tpu.memory_space<vmem>>, vector<1x16xf32>,
        %swap3A_1370 = vector.shape_cast %swap3A_1369 : vector<1x16xf32> to vector<16xf32>
        %swap3A_1371 = vector.shape_cast %mul3A_1366 : vector<16xf32> to vector<1x16xf32>
        tpu.vector_store %arg11[%swap3A_1367, %swap3A_1368], %swap3A_1371 {strides = array<i32>} : memref<128x128xf32, #tpu.memory_space<vmem>>, vector<1x16xf32>,
        %get3A_1372 = arith.index_cast %add3A_1311 : i32 to index
        %get3A_1373 = arith.constant 96 : index
        %get3A_1374 = tpu.vector_load %arg11[%get3A_1372, %get3A_1373] {strides = array<i32>} : memref<128x128xf32, #tpu.memory_space<vmem>>, vector<1x16xf32>,
        %get3A_1375 = vector.shape_cast %get3A_1374 : vector<1x16xf32> to vector<16xf32>
        %mul3A_1376 = arith.mulf %get3A_1375, %gather3A_1307 : vector<16xf32>
        %swap3A_1377 = arith.index_cast %add3A_1311 : i32 to index
        %swap3A_1378 = arith.constant 96 : index
        %swap3A_1379 = tpu.vector_load %arg11[%swap3A_1377, %swap3A_1378] {strides = array<i32>} : memref<128x128xf32, #tpu.memory_space<vmem>>, vector<1x16xf32>,
        %swap3A_1380 = vector.shape_cast %swap3A_1379 : vector<1x16xf32> to vector<16xf32>
        %swap3A_1381 = vector.shape_cast %mul3A_1376 : vector<16xf32> to vector<1x16xf32>
        tpu.vector_store %arg11[%swap3A_1377, %swap3A_1378], %swap3A_1381 {strides = array<i32>} : memref<128x128xf32, #tpu.memory_space<vmem>>, vector<1x16xf32>,
        %get3A_1382 = arith.index_cast %add3A_1311 : i32 to index
        %get3A_1383 = arith.constant 112 : index
        %get3A_1384 = tpu.vector_load %arg11[%get3A_1382, %get3A_1383] {strides = array<i32>} : memref<128x128xf32, #tpu.memory_space<vmem>>, vector<1x16xf32>,
        %get3A_1385 = vector.shape_cast %get3A_1384 : vector<1x16xf32> to vector<16xf32>
        %mul3A_1386 = arith.mulf %get3A_1385, %gather3A_1307 : vector<16xf32>
        %swap3A_1387 = arith.index_cast %add3A_1311 : i32 to index
        %swap3A_1388 = arith.constant 112 : index
        %swap3A_1389 = tpu.vector_load %arg11[%swap3A_1387, %swap3A_1388] {strides = array<i32>} : memref<128x128xf32, #tpu.memory_space<vmem>>, vector<1x16xf32>,
        %swap3A_1390 = vector.shape_cast %swap3A_1389 : vector<1x16xf32> to vector<16xf32>
        %swap3A_1391 = vector.shape_cast %mul3A_1386 : vector<16xf32> to vector<1x16xf32>
        tpu.vector_store %arg11[%swap3A_1387, %swap3A_1388], %swap3A_1391 {strides = array<i32>} : memref<128x128xf32, #tpu.memory_space<vmem>>, vector<1x16xf32>,
        %broadcast_in_dim3A_1392 = arith.constant 14 : i32
        %broadcast_in_dim3A_1393 = vector.broadcast %broadcast_in_dim3A_1392 : i32 to vector<16x1xi32>
        %gather3A_1394 = vector.shape_cast %broadcast_in_dim3A_1393 : vector<16x1xi32> to vector<16xi32>
        %gather3A_1395 = tpu.dynamic_gather %get3A_161[%gather3A_1394] in [0] : vector<16xf32>, vector<16xi32> -> vector<16xf32>
        %mul3A_1396 = arith.constant 16 : i32
        %mul3A_1397 = arith.muli %scan3A_155, %mul3A_1396 : i32
        %add3A_1398 = arith.constant 14 : i32
        %add3A_1399 = arith.addi %mul3A_1397, %add3A_1398 : i32
        %get3A_1400 = arith.index_cast %add3A_1399 : i32 to index
        %get3A_1401 = arith.constant 0 : index
        %get3A_1402 = tpu.vector_load %arg11[%get3A_1400, %get3A_1401] {strides = array<i32>} : memref<128x128xf32, #tpu.memory_space<vmem>>, vector<1x16xf32>,
        %get3A_1403 = vector.shape_cast %get3A_1402 : vector<1x16xf32> to vector<16xf32>
        %mul3A_1404 = arith.mulf %get3A_1403, %gather3A_1395 : vector<16xf32>
        %swap3A_1405 = arith.index_cast %add3A_1399 : i32 to index
        %swap3A_1406 = arith.constant 0 : index
        %swap3A_1407 = tpu.vector_load %arg11[%swap3A_1405, %swap3A_1406] {strides = array<i32>} : memref<128x128xf32, #tpu.memory_space<vmem>>, vector<1x16xf32>,
        %swap3A_1408 = vector.shape_cast %swap3A_1407 : vector<1x16xf32> to vector<16xf32>
        %swap3A_1409 = vector.shape_cast %mul3A_1404 : vector<16xf32> to vector<1x16xf32>
        tpu.vector_store %arg11[%swap3A_1405, %swap3A_1406], %swap3A_1409 {strides = array<i32>} : memref<128x128xf32, #tpu.memory_space<vmem>>, vector<1x16xf32>,
        %get3A_1410 = arith.index_cast %add3A_1399 : i32 to index
        %get3A_1411 = arith.constant 16 : index
        %get3A_1412 = tpu.vector_load %arg11[%get3A_1410, %get3A_1411] {strides = array<i32>} : memref<128x128xf32, #tpu.memory_space<vmem>>, vector<1x16xf32>,
        %get3A_1413 = vector.shape_cast %get3A_1412 : vector<1x16xf32> to vector<16xf32>
        %mul3A_1414 = arith.mulf %get3A_1413, %gather3A_1395 : vector<16xf32>
        %swap3A_1415 = arith.index_cast %add3A_1399 : i32 to index
        %swap3A_1416 = arith.constant 16 : index
        %swap3A_1417 = tpu.vector_load %arg11[%swap3A_1415, %swap3A_1416] {strides = array<i32>} : memref<128x128xf32, #tpu.memory_space<vmem>>, vector<1x16xf32>,
        %swap3A_1418 = vector.shape_cast %swap3A_1417 : vector<1x16xf32> to vector<16xf32>
        %swap3A_1419 = vector.shape_cast %mul3A_1414 : vector<16xf32> to vector<1x16xf32>
        tpu.vector_store %arg11[%swap3A_1415, %swap3A_1416], %swap3A_1419 {strides = array<i32>} : memref<128x128xf32, #tpu.memory_space<vmem>>, vector<1x16xf32>,
        %get3A_1420 = arith.index_cast %add3A_1399 : i32 to index
        %get3A_1421 = arith.constant 32 : index
        %get3A_1422 = tpu.vector_load %arg11[%get3A_1420, %get3A_1421] {strides = array<i32>} : memref<128x128xf32, #tpu.memory_space<vmem>>, vector<1x16xf32>,
        %get3A_1423 = vector.shape_cast %get3A_1422 : vector<1x16xf32> to vector<16xf32>
        %mul3A_1424 = arith.mulf %get3A_1423, %gather3A_1395 : vector<16xf32>
        %swap3A_1425 = arith.index_cast %add3A_1399 : i32 to index
        %swap3A_1426 = arith.constant 32 : index
        %swap3A_1427 = tpu.vector_load %arg11[%swap3A_1425, %swap3A_1426] {strides = array<i32>} : memref<128x128xf32, #tpu.memory_space<vmem>>, vector<1x16xf32>,
        %swap3A_1428 = vector.shape_cast %swap3A_1427 : vector<1x16xf32> to vector<16xf32>
        %swap3A_1429 = vector.shape_cast %mul3A_1424 : vector<16xf32> to vector<1x16xf32>
        tpu.vector_store %arg11[%swap3A_1425, %swap3A_1426], %swap3A_1429 {strides = array<i32>} : memref<128x128xf32, #tpu.memory_space<vmem>>, vector<1x16xf32>,
        %get3A_1430 = arith.index_cast %add3A_1399 : i32 to index
        %get3A_1431 = arith.constant 48 : index
        %get3A_1432 = tpu.vector_load %arg11[%get3A_1430, %get3A_1431] {strides = array<i32>} : memref<128x128xf32, #tpu.memory_space<vmem>>, vector<1x16xf32>,
        %get3A_1433 = vector.shape_cast %get3A_1432 : vector<1x16xf32> to vector<16xf32>
        %mul3A_1434 = arith.mulf %get3A_1433, %gather3A_1395 : vector<16xf32>
        %swap3A_1435 = arith.index_cast %add3A_1399 : i32 to index
        %swap3A_1436 = arith.constant 48 : index
        %swap3A_1437 = tpu.vector_load %arg11[%swap3A_1435, %swap3A_1436] {strides = array<i32>} : memref<128x128xf32, #tpu.memory_space<vmem>>, vector<1x16xf32>,
        %swap3A_1438 = vector.shape_cast %swap3A_1437 : vector<1x16xf32> to vector<16xf32>
        %swap3A_1439 = vector.shape_cast %mul3A_1434 : vector<16xf32> to vector<1x16xf32>
        tpu.vector_store %arg11[%swap3A_1435, %swap3A_1436], %swap3A_1439 {strides = array<i32>} : memref<128x128xf32, #tpu.memory_space<vmem>>, vector<1x16xf32>,
        %get3A_1440 = arith.index_cast %add3A_1399 : i32 to index
        %get3A_1441 = arith.constant 64 : index
        %get3A_1442 = tpu.vector_load %arg11[%get3A_1440, %get3A_1441] {strides = array<i32>} : memref<128x128xf32, #tpu.memory_space<vmem>>, vector<1x16xf32>,
        %get3A_1443 = vector.shape_cast %get3A_1442 : vector<1x16xf32> to vector<16xf32>
        %mul3A_1444 = arith.mulf %get3A_1443, %gather3A_1395 : vector<16xf32>
        %swap3A_1445 = arith.index_cast %add3A_1399 : i32 to index
        %swap3A_1446 = arith.constant 64 : index
        %swap3A_1447 = tpu.vector_load %arg11[%swap3A_1445, %swap3A_1446] {strides = array<i32>} : memref<128x128xf32, #tpu.memory_space<vmem>>, vector<1x16xf32>,
        %swap3A_1448 = vector.shape_cast %swap3A_1447 : vector<1x16xf32> to vector<16xf32>
        %swap3A_1449 = vector.shape_cast %mul3A_1444 : vector<16xf32> to vector<1x16xf32>
        tpu.vector_store %arg11[%swap3A_1445, %swap3A_1446], %swap3A_1449 {strides = array<i32>} : memref<128x128xf32, #tpu.memory_space<vmem>>, vector<1x16xf32>,
        %get3A_1450 = arith.index_cast %add3A_1399 : i32 to index
        %get3A_1451 = arith.constant 80 : index
        %get3A_1452 = tpu.vector_load %arg11[%get3A_1450, %get3A_1451] {strides = array<i32>} : memref<128x128xf32, #tpu.memory_space<vmem>>, vector<1x16xf32>,
        %get3A_1453 = vector.shape_cast %get3A_1452 : vector<1x16xf32> to vector<16xf32>
        %mul3A_1454 = arith.mulf %get3A_1453, %gather3A_1395 : vector<16xf32>
        %swap3A_1455 = arith.index_cast %add3A_1399 : i32 to index
        %swap3A_1456 = arith.constant 80 : index
        %swap3A_1457 = tpu.vector_load %arg11[%swap3A_1455, %swap3A_1456] {strides = array<i32>} : memref<128x128xf32, #tpu.memory_space<vmem>>, vector<1x16xf32>,
        %swap3A_1458 = vector.shape_cast %swap3A_1457 : vector<1x16xf32> to vector<16xf32>
        %swap3A_1459 = vector.shape_cast %mul3A_1454 : vector<16xf32> to vector<1x16xf32>
        tpu.vector_store %arg11[%swap3A_1455, %swap3A_1456], %swap3A_1459 {strides = array<i32>} : memref<128x128xf32, #tpu.memory_space<vmem>>, vector<1x16xf32>,
        %get3A_1460 = arith.index_cast %add3A_1399 : i32 to index
        %get3A_1461 = arith.constant 96 : index
        %get3A_1462 = tpu.vector_load %arg11[%get3A_1460, %get3A_1461] {strides = array<i32>} : memref<128x128xf32, #tpu.memory_space<vmem>>, vector<1x16xf32>,
        %get3A_1463 = vector.shape_cast %get3A_1462 : vector<1x16xf32> to vector<16xf32>
        %mul3A_1464 = arith.mulf %get3A_1463, %gather3A_1395 : vector<16xf32>
        %swap3A_1465 = arith.index_cast %add3A_1399 : i32 to index
        %swap3A_1466 = arith.constant 96 : index
        %swap3A_1467 = tpu.vector_load %arg11[%swap3A_1465, %swap3A_1466] {strides = array<i32>} : memref<128x128xf32, #tpu.memory_space<vmem>>, vector<1x16xf32>,
        %swap3A_1468 = vector.shape_cast %swap3A_1467 : vector<1x16xf32> to vector<16xf32>
        %swap3A_1469 = vector.shape_cast %mul3A_1464 : vector<16xf32> to vector<1x16xf32>
        tpu.vector_store %arg11[%swap3A_1465, %swap3A_1466], %swap3A_1469 {strides = array<i32>} : memref<128x128xf32, #tpu.memory_space<vmem>>, vector<1x16xf32>,
        %get3A_1470 = arith.index_cast %add3A_1399 : i32 to index
        %get3A_1471 = arith.constant 112 : index
        %get3A_1472 = tpu.vector_load %arg11[%get3A_1470, %get3A_1471] {strides = array<i32>} : memref<128x128xf32, #tpu.memory_space<vmem>>, vector<1x16xf32>,
        %get3A_1473 = vector.shape_cast %get3A_1472 : vector<1x16xf32> to vector<16xf32>
        %mul3A_1474 = arith.mulf %get3A_1473, %gather3A_1395 : vector<16xf32>
        %swap3A_1475 = arith.index_cast %add3A_1399 : i32 to index
        %swap3A_1476 = arith.constant 112 : index
        %swap3A_1477 = tpu.vector_load %arg11[%swap3A_1475, %swap3A_1476] {strides = array<i32>} : memref<128x128xf32, #tpu.memory_space<vmem>>, vector<1x16xf32>,
        %swap3A_1478 = vector.shape_cast %swap3A_1477 : vector<1x16xf32> to vector<16xf32>
        %swap3A_1479 = vector.shape_cast %mul3A_1474 : vector<16xf32> to vector<1x16xf32>
        tpu.vector_store %arg11[%swap3A_1475, %swap3A_1476], %swap3A_1479 {strides = array<i32>} : memref<128x128xf32, #tpu.memory_space<vmem>>, vector<1x16xf32>,
        %broadcast_in_dim3A_1480 = arith.constant 15 : i32
        %broadcast_in_dim3A_1481 = vector.broadcast %broadcast_in_dim3A_1480 : i32 to vector<16x1xi32>
        %gather3A_1482 = vector.shape_cast %broadcast_in_dim3A_1481 : vector<16x1xi32> to vector<16xi32>
        %gather3A_1483 = tpu.dynamic_gather %get3A_161[%gather3A_1482] in [0] : vector<16xf32>, vector<16xi32> -> vector<16xf32>
        %mul3A_1484 = arith.constant 16 : i32
        %mul3A_1485 = arith.muli %scan3A_155, %mul3A_1484 : i32
        %add3A_1486 = arith.constant 15 : i32
        %add3A_1487 = arith.addi %mul3A_1485, %add3A_1486 : i32
        %get3A_1488 = arith.index_cast %add3A_1487 : i32 to index
        %get3A_1489 = arith.constant 0 : index
        %get3A_1490 = tpu.vector_load %arg11[%get3A_1488, %get3A_1489] {strides = array<i32>} : memref<128x128xf32, #tpu.memory_space<vmem>>, vector<1x16xf32>,
        %get3A_1491 = vector.shape_cast %get3A_1490 : vector<1x16xf32> to vector<16xf32>
        %mul3A_1492 = arith.mulf %get3A_1491, %gather3A_1483 : vector<16xf32>
        %swap3A_1493 = arith.index_cast %add3A_1487 : i32 to index
        %swap3A_1494 = arith.constant 0 : index
        %swap3A_1495 = tpu.vector_load %arg11[%swap3A_1493, %swap3A_1494] {strides = array<i32>} : memref<128x128xf32, #tpu.memory_space<vmem>>, vector<1x16xf32>,
        %swap3A_1496 = vector.shape_cast %swap3A_1495 : vector<1x16xf32> to vector<16xf32>
        %swap3A_1497 = vector.shape_cast %mul3A_1492 : vector<16xf32> to vector<1x16xf32>
        tpu.vector_store %arg11[%swap3A_1493, %swap3A_1494], %swap3A_1497 {strides = array<i32>} : memref<128x128xf32, #tpu.memory_space<vmem>>, vector<1x16xf32>,
        %get3A_1498 = arith.index_cast %add3A_1487 : i32 to index
        %get3A_1499 = arith.constant 16 : index
        %get3A_1500 = tpu.vector_load %arg11[%get3A_1498, %get3A_1499] {strides = array<i32>} : memref<128x128xf32, #tpu.memory_space<vmem>>, vector<1x16xf32>,
        %get3A_1501 = vector.shape_cast %get3A_1500 : vector<1x16xf32> to vector<16xf32>
        %mul3A_1502 = arith.mulf %get3A_1501, %gather3A_1483 : vector<16xf32>
        %swap3A_1503 = arith.index_cast %add3A_1487 : i32 to index
        %swap3A_1504 = arith.constant 16 : index
        %swap3A_1505 = tpu.vector_load %arg11[%swap3A_1503, %swap3A_1504] {strides = array<i32>} : memref<128x128xf32, #tpu.memory_space<vmem>>, vector<1x16xf32>,
        %swap3A_1506 = vector.shape_cast %swap3A_1505 : vector<1x16xf32> to vector<16xf32>
        %swap3A_1507 = vector.shape_cast %mul3A_1502 : vector<16xf32> to vector<1x16xf32>
        tpu.vector_store %arg11[%swap3A_1503, %swap3A_1504], %swap3A_1507 {strides = array<i32>} : memref<128x128xf32, #tpu.memory_space<vmem>>, vector<1x16xf32>,
        %get3A_1508 = arith.index_cast %add3A_1487 : i32 to index
        %get3A_1509 = arith.constant 32 : index
        %get3A_1510 = tpu.vector_load %arg11[%get3A_1508, %get3A_1509] {strides = array<i32>} : memref<128x128xf32, #tpu.memory_space<vmem>>, vector<1x16xf32>,
        %get3A_1511 = vector.shape_cast %get3A_1510 : vector<1x16xf32> to vector<16xf32>
        %mul3A_1512 = arith.mulf %get3A_1511, %gather3A_1483 : vector<16xf32>
        %swap3A_1513 = arith.index_cast %add3A_1487 : i32 to index
        %swap3A_1514 = arith.constant 32 : index
        %swap3A_1515 = tpu.vector_load %arg11[%swap3A_1513, %swap3A_1514] {strides = array<i32>} : memref<128x128xf32, #tpu.memory_space<vmem>>, vector<1x16xf32>,
        %swap3A_1516 = vector.shape_cast %swap3A_1515 : vector<1x16xf32> to vector<16xf32>
        %swap3A_1517 = vector.shape_cast %mul3A_1512 : vector<16xf32> to vector<1x16xf32>
        tpu.vector_store %arg11[%swap3A_1513, %swap3A_1514], %swap3A_1517 {strides = array<i32>} : memref<128x128xf32, #tpu.memory_space<vmem>>, vector<1x16xf32>,
        %get3A_1518 = arith.index_cast %add3A_1487 : i32 to index
        %get3A_1519 = arith.constant 48 : index
        %get3A_1520 = tpu.vector_load %arg11[%get3A_1518, %get3A_1519] {strides = array<i32>} : memref<128x128xf32, #tpu.memory_space<vmem>>, vector<1x16xf32>,
        %get3A_1521 = vector.shape_cast %get3A_1520 : vector<1x16xf32> to vector<16xf32>
        %mul3A_1522 = arith.mulf %get3A_1521, %gather3A_1483 : vector<16xf32>
        %swap3A_1523 = arith.index_cast %add3A_1487 : i32 to index
        %swap3A_1524 = arith.constant 48 : index
        %swap3A_1525 = tpu.vector_load %arg11[%swap3A_1523, %swap3A_1524] {strides = array<i32>} : memref<128x128xf32, #tpu.memory_space<vmem>>, vector<1x16xf32>,
        %swap3A_1526 = vector.shape_cast %swap3A_1525 : vector<1x16xf32> to vector<16xf32>
        %swap3A_1527 = vector.shape_cast %mul3A_1522 : vector<16xf32> to vector<1x16xf32>
        tpu.vector_store %arg11[%swap3A_1523, %swap3A_1524], %swap3A_1527 {strides = array<i32>} : memref<128x128xf32, #tpu.memory_space<vmem>>, vector<1x16xf32>,
        %get3A_1528 = arith.index_cast %add3A_1487 : i32 to index
        %get3A_1529 = arith.constant 64 : index
        %get3A_1530 = tpu.vector_load %arg11[%get3A_1528, %get3A_1529] {strides = array<i32>} : memref<128x128xf32, #tpu.memory_space<vmem>>, vector<1x16xf32>,
        %get3A_1531 = vector.shape_cast %get3A_1530 : vector<1x16xf32> to vector<16xf32>
        %mul3A_1532 = arith.mulf %get3A_1531, %gather3A_1483 : vector<16xf32>
        %swap3A_1533 = arith.index_cast %add3A_1487 : i32 to index
        %swap3A_1534 = arith.constant 64 : index
        %swap3A_1535 = tpu.vector_load %arg11[%swap3A_1533, %swap3A_1534] {strides = array<i32>} : memref<128x128xf32, #tpu.memory_space<vmem>>, vector<1x16xf32>,
        %swap3A_1536 = vector.shape_cast %swap3A_1535 : vector<1x16xf32> to vector<16xf32>
        %swap3A_1537 = vector.shape_cast %mul3A_1532 : vector<16xf32> to vector<1x16xf32>
        tpu.vector_store %arg11[%swap3A_1533, %swap3A_1534], %swap3A_1537 {strides = array<i32>} : memref<128x128xf32, #tpu.memory_space<vmem>>, vector<1x16xf32>,
        %get3A_1538 = arith.index_cast %add3A_1487 : i32 to index
        %get3A_1539 = arith.constant 80 : index
        %get3A_1540 = tpu.vector_load %arg11[%get3A_1538, %get3A_1539] {strides = array<i32>} : memref<128x128xf32, #tpu.memory_space<vmem>>, vector<1x16xf32>,
        %get3A_1541 = vector.shape_cast %get3A_1540 : vector<1x16xf32> to vector<16xf32>
        %mul3A_1542 = arith.mulf %get3A_1541, %gather3A_1483 : vector<16xf32>
        %swap3A_1543 = arith.index_cast %add3A_1487 : i32 to index
        %swap3A_1544 = arith.constant 80 : index
        %swap3A_1545 = tpu.vector_load %arg11[%swap3A_1543, %swap3A_1544] {strides = array<i32>} : memref<128x128xf32, #tpu.memory_space<vmem>>, vector<1x16xf32>,
        %swap3A_1546 = vector.shape_cast %swap3A_1545 : vector<1x16xf32> to vector<16xf32>
        %swap3A_1547 = vector.shape_cast %mul3A_1542 : vector<16xf32> to vector<1x16xf32>
        tpu.vector_store %arg11[%swap3A_1543, %swap3A_1544], %swap3A_1547 {strides = array<i32>} : memref<128x128xf32, #tpu.memory_space<vmem>>, vector<1x16xf32>,
        %get3A_1548 = arith.index_cast %add3A_1487 : i32 to index
        %get3A_1549 = arith.constant 96 : index
        %get3A_1550 = tpu.vector_load %arg11[%get3A_1548, %get3A_1549] {strides = array<i32>} : memref<128x128xf32, #tpu.memory_space<vmem>>, vector<1x16xf32>,
        %get3A_1551 = vector.shape_cast %get3A_1550 : vector<1x16xf32> to vector<16xf32>
        %mul3A_1552 = arith.mulf %get3A_1551, %gather3A_1483 : vector<16xf32>
        %swap3A_1553 = arith.index_cast %add3A_1487 : i32 to index
        %swap3A_1554 = arith.constant 96 : index
        %swap3A_1555 = tpu.vector_load %arg11[%swap3A_1553, %swap3A_1554] {strides = array<i32>} : memref<128x128xf32, #tpu.memory_space<vmem>>, vector<1x16xf32>,
        %swap3A_1556 = vector.shape_cast %swap3A_1555 : vector<1x16xf32> to vector<16xf32>
        %swap3A_1557 = vector.shape_cast %mul3A_1552 : vector<16xf32> to vector<1x16xf32>
        tpu.vector_store %arg11[%swap3A_1553, %swap3A_1554], %swap3A_1557 {strides = array<i32>} : memref<128x128xf32, #tpu.memory_space<vmem>>, vector<1x16xf32>,
        %get3A_1558 = arith.index_cast %add3A_1487 : i32 to index
        %get3A_1559 = arith.constant 112 : index
        %get3A_1560 = tpu.vector_load %arg11[%get3A_1558, %get3A_1559] {strides = array<i32>} : memref<128x128xf32, #tpu.memory_space<vmem>>, vector<1x16xf32>,
        %get3A_1561 = vector.shape_cast %get3A_1560 : vector<1x16xf32> to vector<16xf32>
        %mul3A_1562 = arith.mulf %get3A_1561, %gather3A_1483 : vector<16xf32>
        %swap3A_1563 = arith.index_cast %add3A_1487 : i32 to index
        %swap3A_1564 = arith.constant 112 : index
        %swap3A_1565 = tpu.vector_load %arg11[%swap3A_1563, %swap3A_1564] {strides = array<i32>} : memref<128x128xf32, #tpu.memory_space<vmem>>, vector<1x16xf32>,
        %swap3A_1566 = vector.shape_cast %swap3A_1565 : vector<1x16xf32> to vector<16xf32>
        %swap3A_1567 = vector.shape_cast %mul3A_1562 : vector<16xf32> to vector<1x16xf32>
        tpu.vector_store %arg11[%swap3A_1563, %swap3A_1564], %swap3A_1567 {strides = array<i32>} : memref<128x128xf32, #tpu.memory_space<vmem>>, vector<1x16xf32>,
        %scan3A_1568 = arith.constant 0 : i32
        scf.yield %scan3A_1568 : i32
      }
      %scan3A_153 = arith.constant 8 : i32
      "tpu.region"() ({
        %run_scoped3A = tpu.sem_alloc : memref<!tpu.dma_semaphore, #tpu.memory_space<semaphore_mem>>
        %dma_start3A_155 = arith.constant 0 : i32
        %dma_start3A_156 = arith.constant 0 : i32
        %dma_start3A_157 = tpu.memref_slice %arg14[%dma_start3A_155, %dma_start3A_156] : memref<10000x128xf32, #tpu.memory_space<vmem_shared>> -> memref<10000x128xf32, #tpu.memory_space<vmem_shared>>
        tpu.enqueue_indirect_dma source(%arg11 : memref<128x128xf32, #tpu.memory_space<vmem>>) target(%dma_start3A_157 : memref<10000x128xf32, #tpu.memory_space<vmem_shared>>) offsets(%arg9 : memref<128xi32, #tpu.memory_space<vmem>>) semaphore(%run_scoped3A : memref<!tpu.dma_semaphore, #tpu.memory_space<semaphore_mem>>) {add = true}
        %dma_wait3A_158 = arith.constant 0 : i32
        %dma_wait3A_159 = arith.constant 0 : i32
        %dma_wait3A_160 = tpu.memref_slice %arg14[%dma_wait3A_158, %dma_wait3A_159] : memref<10000x128xf32, #tpu.memory_space<vmem_shared>> -> memref<10000x128xf32, #tpu.memory_space<vmem_shared>>
        tpu.wait_indirect_dma semaphore(%run_scoped3A : memref<!tpu.dma_semaphore, #tpu.memory_space<semaphore_mem>>) src(%arg11 : memref<128x128xf32, #tpu.memory_space<vmem>>) dst(%dma_wait3A_160 : memref<10000x128xf32, #tpu.memory_space<vmem_shared>>)
        tpu.yield
      }) : () -> ()
      %while3A_154 = arith.constant 0 : i32
      scf.yield %while3A_154 : i32
    }
    %while3A_50 = arith.constant 1 : i32
    %while3A_51 = scf.for %while3A_63 = %while3A_47 to %while3A_43 step %while3A_50 iter_args(%while3A_64 = %while3A_49) -> (i32)  : i32 {
      %mul3A_65 = arith.constant 16 : i32
      %mul3A_66 = arith.muli %while3A_63, %mul3A_65 : i32
      %add3A_67 = arith.addi %arg1, %mul3A_66 : i32
      %mul3A_68 = arith.constant 128 : i32
      %mul3A_69 = arith.muli %add3A_67, %mul3A_68 : i32
      "tpu.region"() ({
        %run_scoped3A = tpu.sem_alloc : memref<!tpu.dma_semaphore, #tpu.memory_space<semaphore_mem>>
        %dma_start3A_155 = tpu.memref_slice %arg3[%mul3A_69] : memref<160000xi32, #tpu.memory_space<hbm>> -> memref<128xi32, #tpu.memory_space<hbm>>
        %dma_start3A_156 = tpu.memref_slice %arg3[%mul3A_69] : memref<160000xi32, #tpu.memory_space<hbm>> -> memref<128xi32, #tpu.memory_space<hbm>>
        tpu.enqueue_dma source(%dma_start3A_156 : memref<128xi32, #tpu.memory_space<hbm>>) target(%arg8 : memref<128xi32, #tpu.memory_space<vmem>>) target_semaphore(%run_scoped3A : memref<!tpu.dma_semaphore, #tpu.memory_space<semaphore_mem>>)
        %dma_wait3A_157 = tpu.memref_slice %arg3[%mul3A_69] : memref<160000xi32, #tpu.memory_space<hbm>> -> memref<128xi32, #tpu.memory_space<hbm>>
        %dma_wait3A_158 = tpu.memref_slice %arg3[%mul3A_69] : memref<160000xi32, #tpu.memory_space<hbm>> -> memref<128xi32, #tpu.memory_space<hbm>>
        tpu.wait_dma2 semaphore(%run_scoped3A : memref<!tpu.dma_semaphore, #tpu.memory_space<semaphore_mem>>) src(%dma_wait3A_158 : memref<128xi32, #tpu.memory_space<hbm>>) dst(%arg8 : memref<128xi32, #tpu.memory_space<vmem>>)
        tpu.yield
      }) : () -> ()
      "tpu.region"() ({
        %run_scoped3A = tpu.sem_alloc : memref<!tpu.dma_semaphore, #tpu.memory_space<semaphore_mem>>
        %dma_start3A_155 = tpu.memref_slice %arg4[%mul3A_69] : memref<160000xi32, #tpu.memory_space<hbm>> -> memref<128xi32, #tpu.memory_space<hbm>>
        %dma_start3A_156 = tpu.memref_slice %arg4[%mul3A_69] : memref<160000xi32, #tpu.memory_space<hbm>> -> memref<128xi32, #tpu.memory_space<hbm>>
        tpu.enqueue_dma source(%dma_start3A_156 : memref<128xi32, #tpu.memory_space<hbm>>) target(%arg9 : memref<128xi32, #tpu.memory_space<vmem>>) target_semaphore(%run_scoped3A : memref<!tpu.dma_semaphore, #tpu.memory_space<semaphore_mem>>)
        %dma_wait3A_157 = tpu.memref_slice %arg4[%mul3A_69] : memref<160000xi32, #tpu.memory_space<hbm>> -> memref<128xi32, #tpu.memory_space<hbm>>
        %dma_wait3A_158 = tpu.memref_slice %arg4[%mul3A_69] : memref<160000xi32, #tpu.memory_space<hbm>> -> memref<128xi32, #tpu.memory_space<hbm>>
        tpu.wait_dma2 semaphore(%run_scoped3A : memref<!tpu.dma_semaphore, #tpu.memory_space<semaphore_mem>>) src(%dma_wait3A_158 : memref<128xi32, #tpu.memory_space<hbm>>) dst(%arg9 : memref<128xi32, #tpu.memory_space<vmem>>)
        tpu.yield
      }) : () -> ()
      "tpu.region"() ({
        %run_scoped3A = tpu.sem_alloc : memref<!tpu.dma_semaphore, #tpu.memory_space<semaphore_mem>>
        %dma_start3A_155 = tpu.memref_slice %arg5[%mul3A_69] : memref<160000xf32, #tpu.memory_space<hbm>> -> memref<128xf32, #tpu.memory_space<hbm>>
        %dma_start3A_156 = tpu.memref_slice %arg5[%mul3A_69] : memref<160000xf32, #tpu.memory_space<hbm>> -> memref<128xf32, #tpu.memory_space<hbm>>
        tpu.enqueue_dma source(%dma_start3A_156 : memref<128xf32, #tpu.memory_space<hbm>>) target(%arg10 : memref<128xf32, #tpu.memory_space<vmem>>) target_semaphore(%run_scoped3A : memref<!tpu.dma_semaphore, #tpu.memory_space<semaphore_mem>>)
        %dma_wait3A_157 = tpu.memref_slice %arg5[%mul3A_69] : memref<160000xf32, #tpu.memory_space<hbm>> -> memref<128xf32, #tpu.memory_space<hbm>>
        %dma_wait3A_158 = tpu.memref_slice %arg5[%mul3A_69] : memref<160000xf32, #tpu.memory_space<hbm>> -> memref<128xf32, #tpu.memory_space<hbm>>
        tpu.wait_dma2 semaphore(%run_scoped3A : memref<!tpu.dma_semaphore, #tpu.memory_space<semaphore_mem>>) src(%dma_wait3A_158 : memref<128xf32, #tpu.memory_space<hbm>>) dst(%arg10 : memref<128xf32, #tpu.memory_space<vmem>>)
        tpu.yield
      }) : () -> ()
      %mul3A_70 = arith.constant 10000 : i32
      %mul3A_71 = arith.muli %arg0, %mul3A_70 : i32
      %get3A_72 = arith.constant 0 : index
      %get3A_73 = tpu.vector_load %arg8[%get3A_72] {strides = array<i32>} : memref<128xi32, #tpu.memory_space<vmem>>, vector<16xi32>,
      %get3A_74 = vector.shape_cast %get3A_73 : vector<16xi32> to vector<16xi32>
      %add3A_75 = vector.broadcast %mul3A_71 : i32 to vector<16xi32>
      %add3A_76 = arith.addi %get3A_74, %add3A_75 : vector<16xi32>
      %swap3A = arith.constant 0 : index
      %swap3A_77 = tpu.vector_load %arg8[%swap3A] {strides = array<i32>} : memref<128xi32, #tpu.memory_space<vmem>>, vector<16xi32>,
      %swap3A_78 = vector.shape_cast %swap3A_77 : vector<16xi32> to vector<16xi32>
      %swap3A_79 = vector.shape_cast %add3A_76 : vector<16xi32> to vector<16xi32>
      tpu.vector_store %arg8[%swap3A], %swap3A_79 {strides = array<i32>} : memref<128xi32, #tpu.memory_space<vmem>>, vector<16xi32>,
      %get3A_80 = arith.constant 16 : index
      %get3A_81 = tpu.vector_load %arg8[%get3A_80] {strides = array<i32>} : memref<128xi32, #tpu.memory_space<vmem>>, vector<16xi32>,
      %get3A_82 = vector.shape_cast %get3A_81 : vector<16xi32> to vector<16xi32>
      %add3A_83 = vector.broadcast %mul3A_71 : i32 to vector<16xi32>
      %add3A_84 = arith.addi %get3A_82, %add3A_83 : vector<16xi32>
      %swap3A_85 = arith.constant 16 : index
      %swap3A_86 = tpu.vector_load %arg8[%swap3A_85] {strides = array<i32>} : memref<128xi32, #tpu.memory_space<vmem>>, vector<16xi32>,
      %swap3A_87 = vector.shape_cast %swap3A_86 : vector<16xi32> to vector<16xi32>
      %swap3A_88 = vector.shape_cast %add3A_84 : vector<16xi32> to vector<16xi32>
      tpu.vector_store %arg8[%swap3A_85], %swap3A_88 {strides = array<i32>} : memref<128xi32, #tpu.memory_space<vmem>>, vector<16xi32>,
      %get3A_89 = arith.constant 32 : index
      %get3A_90 = tpu.vector_load %arg8[%get3A_89] {strides = array<i32>} : memref<128xi32, #tpu.memory_space<vmem>>, vector<16xi32>,
      %get3A_91 = vector.shape_cast %get3A_90 : vector<16xi32> to vector<16xi32>
      %add3A_92 = vector.broadcast %mul3A_71 : i32 to vector<16xi32>
      %add3A_93 = arith.addi %get3A_91, %add3A_92 : vector<16xi32>
      %swap3A_94 = arith.constant 32 : index
      %swap3A_95 = tpu.vector_load %arg8[%swap3A_94] {strides = array<i32>} : memref<128xi32, #tpu.memory_space<vmem>>, vector<16xi32>,
      %swap3A_96 = vector.shape_cast %swap3A_95 : vector<16xi32> to vector<16xi32>
      %swap3A_97 = vector.shape_cast %add3A_93 : vector<16xi32> to vector<16xi32>
      tpu.vector_store %arg8[%swap3A_94], %swap3A_97 {strides = array<i32>} : memref<128xi32, #tpu.memory_space<vmem>>, vector<16xi32>,
      %get3A_98 = arith.constant 48 : index
      %get3A_99 = tpu.vector_load %arg8[%get3A_98] {strides = array<i32>} : memref<128xi32, #tpu.memory_space<vmem>>, vector<16xi32>,
      %get3A_100 = vector.shape_cast %get3A_99 : vector<16xi32> to vector<16xi32>
      %add3A_101 = vector.broadcast %mul3A_71 : i32 to vector<16xi32>
      %add3A_102 = arith.addi %get3A_100, %add3A_101 : vector<16xi32>
      %swap3A_103 = arith.constant 48 : index
      %swap3A_104 = tpu.vector_load %arg8[%swap3A_103] {strides = array<i32>} : memref<128xi32, #tpu.memory_space<vmem>>, vector<16xi32>,
      %swap3A_105 = vector.shape_cast %swap3A_104 : vector<16xi32> to vector<16xi32>
      %swap3A_106 = vector.shape_cast %add3A_102 : vector<16xi32> to vector<16xi32>
      tpu.vector_store %arg8[%swap3A_103], %swap3A_106 {strides = array<i32>} : memref<128xi32, #tpu.memory_space<vmem>>, vector<16xi32>,
      %get3A_107 = arith.constant 64 : index
      %get3A_108 = tpu.vector_load %arg8[%get3A_107] {strides = array<i32>} : memref<128xi32, #tpu.memory_space<vmem>>, vector<16xi32>,
      %get3A_109 = vector.shape_cast %get3A_108 : vector<16xi32> to vector<16xi32>
      %add3A_110 = vector.broadcast %mul3A_71 : i32 to vector<16xi32>
      %add3A_111 = arith.addi %get3A_109, %add3A_110 : vector<16xi32>
      %swap3A_112 = arith.constant 64 : index
      %swap3A_113 = tpu.vector_load %arg8[%swap3A_112] {strides = array<i32>} : memref<128xi32, #tpu.memory_space<vmem>>, vector<16xi32>,
      %swap3A_114 = vector.shape_cast %swap3A_113 : vector<16xi32> to vector<16xi32>
      %swap3A_115 = vector.shape_cast %add3A_111 : vector<16xi32> to vector<16xi32>
      tpu.vector_store %arg8[%swap3A_112], %swap3A_115 {strides = array<i32>} : memref<128xi32, #tpu.memory_space<vmem>>, vector<16xi32>,
      %get3A_116 = arith.constant 80 : index
      %get3A_117 = tpu.vector_load %arg8[%get3A_116] {strides = array<i32>} : memref<128xi32, #tpu.memory_space<vmem>>, vector<16xi32>,
      %get3A_118 = vector.shape_cast %get3A_117 : vector<16xi32> to vector<16xi32>
      %add3A_119 = vector.broadcast %mul3A_71 : i32 to vector<16xi32>
      %add3A_120 = arith.addi %get3A_118, %add3A_119 : vector<16xi32>
      %swap3A_121 = arith.constant 80 : index
      %swap3A_122 = tpu.vector_load %arg8[%swap3A_121] {strides = array<i32>} : memref<128xi32, #tpu.memory_space<vmem>>, vector<16xi32>,
      %swap3A_123 = vector.shape_cast %swap3A_122 : vector<16xi32> to vector<16xi32>
      %swap3A_124 = vector.shape_cast %add3A_120 : vector<16xi32> to vector<16xi32>
      tpu.vector_store %arg8[%swap3A_121], %swap3A_124 {strides = array<i32>} : memref<128xi32, #tpu.memory_space<vmem>>, vector<16xi32>,
      %get3A_125 = arith.constant 96 : index
      %get3A_126 = tpu.vector_load %arg8[%get3A_125] {strides = array<i32>} : memref<128xi32, #tpu.memory_space<vmem>>, vector<16xi32>,
      %get3A_127 = vector.shape_cast %get3A_126 : vector<16xi32> to vector<16xi32>
      %add3A_128 = vector.broadcast %mul3A_71 : i32 to vector<16xi32>
      %add3A_129 = arith.addi %get3A_127, %add3A_128 : vector<16xi32>
      %swap3A_130 = arith.constant 96 : index
      %swap3A_131 = tpu.vector_load %arg8[%swap3A_130] {strides = array<i32>} : memref<128xi32, #tpu.memory_space<vmem>>, vector<16xi32>,
      %swap3A_132 = vector.shape_cast %swap3A_131 : vector<16xi32> to vector<16xi32>
      %swap3A_133 = vector.shape_cast %add3A_129 : vector<16xi32> to vector<16xi32>
      tpu.vector_store %arg8[%swap3A_130], %swap3A_133 {strides = array<i32>} : memref<128xi32, #tpu.memory_space<vmem>>, vector<16xi32>,
      %get3A_134 = arith.constant 112 : index
      %get3A_135 = tpu.vector_load %arg8[%get3A_134] {strides = array<i32>} : memref<128xi32, #tpu.memory_space<vmem>>, vector<16xi32>,
      %get3A_136 = vector.shape_cast %get3A_135 : vector<16xi32> to vector<16xi32>
      %add3A_137 = vector.broadcast %mul3A_71 : i32 to vector<16xi32>
      %add3A_138 = arith.addi %get3A_136, %add3A_137 : vector<16xi32>
      %swap3A_139 = arith.constant 112 : index
      %swap3A_140 = tpu.vector_load %arg8[%swap3A_139] {strides = array<i32>} : memref<128xi32, #tpu.memory_space<vmem>>, vector<16xi32>,
      %swap3A_141 = vector.shape_cast %swap3A_140 : vector<16xi32> to vector<16xi32>
      %swap3A_142 = vector.shape_cast %add3A_138 : vector<16xi32> to vector<16xi32>
      tpu.vector_store %arg8[%swap3A_139], %swap3A_142 {strides = array<i32>} : memref<128xi32, #tpu.memory_space<vmem>>, vector<16xi32>,
      %dma_start3A = arith.constant 0 : i32
      %dma_start3A_143 = arith.constant 0 : i32
      %dma_start3A_144 = tpu.memref_slice %arg2[%dma_start3A, %dma_start3A_143] : memref<20000x128xf32, #tpu.memory_space<hbm>> -> memref<20000x128xf32, #tpu.memory_space<hbm>>
      tpu.enqueue_indirect_dma source(%dma_start3A_144 : memref<20000x128xf32, #tpu.memory_space<hbm>>) target(%arg11 : memref<128x128xf32, #tpu.memory_space<vmem>>) offsets(%arg8 : memref<128xi32, #tpu.memory_space<vmem>>) semaphore(%arg15 : memref<!tpu.dma_semaphore, #tpu.memory_space<semaphore_mem>>)
      %dma_wait3A = arith.constant 0 : i32
      %dma_wait3A_145 = arith.constant 0 : i32
      %dma_wait3A_146 = tpu.memref_slice %arg2[%dma_wait3A, %dma_wait3A_145] : memref<20000x128xf32, #tpu.memory_space<hbm>> -> memref<20000x128xf32, #tpu.memory_space<hbm>>
      tpu.wait_indirect_dma semaphore(%arg15 : memref<!tpu.dma_semaphore, #tpu.memory_space<semaphore_mem>>) src(%dma_wait3A_146 : memref<20000x128xf32, #tpu.memory_space<hbm>>) dst(%arg11 : memref<128x128xf32, #tpu.memory_space<vmem>>)
      %scan3A_147 = arith.constant 0 : i32
      %scan3A_148 = arith.constant 0 : i32
      %scan3A_149 = arith.constant 8 : i32
      %scan3A_150 = arith.addi %scan3A_148, %scan3A_149 : i32
      %scan3A_151 = arith.constant 1 : i32
      %scan3A_152 = scf.for %scan3A_155 = %scan3A_148 to %scan3A_150 step %scan3A_151 iter_args(%scan3A_156 = %scan3A_147) -> (i32)  : i32 {
        %mul3A_157 = arith.constant 16 : i32
        %mul3A_158 = arith.muli %scan3A_155, %mul3A_157 : i32
        %get3A_159 = arith.index_cast %mul3A_158 : i32 to index
        %get3A_160 = tpu.vector_load %arg10[%get3A_159] {strides = array<i32>} : memref<128xf32, #tpu.memory_space<vmem>>, vector<16xf32>,
        %get3A_161 = vector.shape_cast %get3A_160 : vector<16xf32> to vector<16xf32>
        %broadcast_in_dim3A = arith.constant 0 : i32
        %broadcast_in_dim3A_162 = vector.broadcast %broadcast_in_dim3A : i32 to vector<16x1xi32>
        %gather3A = vector.shape_cast %broadcast_in_dim3A_162 : vector<16x1xi32> to vector<16xi32>
        %gather3A_163 = tpu.dynamic_gather %get3A_161[%gather3A] in [0] : vector<16xf32>, vector<16xi32> -> vector<16xf32>
        %mul3A_164 = arith.constant 16 : i32
        %mul3A_165 = arith.muli %scan3A_155, %mul3A_164 : i32
        %add3A_166 = arith.constant 0 : i32
        %add3A_167 = arith.addi %mul3A_165, %add3A_166 : i32
        %get3A_168 = arith.index_cast %add3A_167 : i32 to index
        %get3A_169 = arith.constant 0 : index
        %get3A_170 = tpu.vector_load %arg11[%get3A_168, %get3A_169] {strides = array<i32>} : memref<128x128xf32, #tpu.memory_space<vmem>>, vector<1x16xf32>,
        %get3A_171 = vector.shape_cast %get3A_170 : vector<1x16xf32> to vector<16xf32>
        %mul3A_172 = arith.mulf %get3A_171, %gather3A_163 : vector<16xf32>
        %swap3A_173 = arith.index_cast %add3A_167 : i32 to index
        %swap3A_174 = arith.constant 0 : index
        %swap3A_175 = tpu.vector_load %arg11[%swap3A_173, %swap3A_174] {strides = array<i32>} : memref<128x128xf32, #tpu.memory_space<vmem>>, vector<1x16xf32>,
        %swap3A_176 = vector.shape_cast %swap3A_175 : vector<1x16xf32> to vector<16xf32>
        %swap3A_177 = vector.shape_cast %mul3A_172 : vector<16xf32> to vector<1x16xf32>
        tpu.vector_store %arg11[%swap3A_173, %swap3A_174], %swap3A_177 {strides = array<i32>} : memref<128x128xf32, #tpu.memory_space<vmem>>, vector<1x16xf32>,
        %get3A_178 = arith.index_cast %add3A_167 : i32 to index
        %get3A_179 = arith.constant 16 : index
        %get3A_180 = tpu.vector_load %arg11[%get3A_178, %get3A_179] {strides = array<i32>} : memref<128x128xf32, #tpu.memory_space<vmem>>, vector<1x16xf32>,
        %get3A_181 = vector.shape_cast %get3A_180 : vector<1x16xf32> to vector<16xf32>
        %mul3A_182 = arith.mulf %get3A_181, %gather3A_163 : vector<16xf32>
        %swap3A_183 = arith.index_cast %add3A_167 : i32 to index
        %swap3A_184 = arith.constant 16 : index
        %swap3A_185 = tpu.vector_load %arg11[%swap3A_183, %swap3A_184] {strides = array<i32>} : memref<128x128xf32, #tpu.memory_space<vmem>>, vector<1x16xf32>,
        %swap3A_186 = vector.shape_cast %swap3A_185 : vector<1x16xf32> to vector<16xf32>
        %swap3A_187 = vector.shape_cast %mul3A_182 : vector<16xf32> to vector<1x16xf32>
        tpu.vector_store %arg11[%swap3A_183, %swap3A_184], %swap3A_187 {strides = array<i32>} : memref<128x128xf32, #tpu.memory_space<vmem>>, vector<1x16xf32>,
        %get3A_188 = arith.index_cast %add3A_167 : i32 to index
        %get3A_189 = arith.constant 32 : index
        %get3A_190 = tpu.vector_load %arg11[%get3A_188, %get3A_189] {strides = array<i32>} : memref<128x128xf32, #tpu.memory_space<vmem>>, vector<1x16xf32>,
        %get3A_191 = vector.shape_cast %get3A_190 : vector<1x16xf32> to vector<16xf32>
        %mul3A_192 = arith.mulf %get3A_191, %gather3A_163 : vector<16xf32>
        %swap3A_193 = arith.index_cast %add3A_167 : i32 to index
        %swap3A_194 = arith.constant 32 : index
        %swap3A_195 = tpu.vector_load %arg11[%swap3A_193, %swap3A_194] {strides = array<i32>} : memref<128x128xf32, #tpu.memory_space<vmem>>, vector<1x16xf32>,
        %swap3A_196 = vector.shape_cast %swap3A_195 : vector<1x16xf32> to vector<16xf32>
        %swap3A_197 = vector.shape_cast %mul3A_192 : vector<16xf32> to vector<1x16xf32>
        tpu.vector_store %arg11[%swap3A_193, %swap3A_194], %swap3A_197 {strides = array<i32>} : memref<128x128xf32, #tpu.memory_space<vmem>>, vector<1x16xf32>,
        %get3A_198 = arith.index_cast %add3A_167 : i32 to index
        %get3A_199 = arith.constant 48 : index
        %get3A_200 = tpu.vector_load %arg11[%get3A_198, %get3A_199] {strides = array<i32>} : memref<128x128xf32, #tpu.memory_space<vmem>>, vector<1x16xf32>,
        %get3A_201 = vector.shape_cast %get3A_200 : vector<1x16xf32> to vector<16xf32>
        %mul3A_202 = arith.mulf %get3A_201, %gather3A_163 : vector<16xf32>
        %swap3A_203 = arith.index_cast %add3A_167 : i32 to index
        %swap3A_204 = arith.constant 48 : index
        %swap3A_205 = tpu.vector_load %arg11[%swap3A_203, %swap3A_204] {strides = array<i32>} : memref<128x128xf32, #tpu.memory_space<vmem>>, vector<1x16xf32>,
        %swap3A_206 = vector.shape_cast %swap3A_205 : vector<1x16xf32> to vector<16xf32>
        %swap3A_207 = vector.shape_cast %mul3A_202 : vector<16xf32> to vector<1x16xf32>
        tpu.vector_store %arg11[%swap3A_203, %swap3A_204], %swap3A_207 {strides = array<i32>} : memref<128x128xf32, #tpu.memory_space<vmem>>, vector<1x16xf32>,
        %get3A_208 = arith.index_cast %add3A_167 : i32 to index
        %get3A_209 = arith.constant 64 : index
        %get3A_210 = tpu.vector_load %arg11[%get3A_208, %get3A_209] {strides = array<i32>} : memref<128x128xf32, #tpu.memory_space<vmem>>, vector<1x16xf32>,
        %get3A_211 = vector.shape_cast %get3A_210 : vector<1x16xf32> to vector<16xf32>
        %mul3A_212 = arith.mulf %get3A_211, %gather3A_163 : vector<16xf32>
        %swap3A_213 = arith.index_cast %add3A_167 : i32 to index
        %swap3A_214 = arith.constant 64 : index
        %swap3A_215 = tpu.vector_load %arg11[%swap3A_213, %swap3A_214] {strides = array<i32>} : memref<128x128xf32, #tpu.memory_space<vmem>>, vector<1x16xf32>,
        %swap3A_216 = vector.shape_cast %swap3A_215 : vector<1x16xf32> to vector<16xf32>
        %swap3A_217 = vector.shape_cast %mul3A_212 : vector<16xf32> to vector<1x16xf32>
        tpu.vector_store %arg11[%swap3A_213, %swap3A_214], %swap3A_217 {strides = array<i32>} : memref<128x128xf32, #tpu.memory_space<vmem>>, vector<1x16xf32>,
        %get3A_218 = arith.index_cast %add3A_167 : i32 to index
        %get3A_219 = arith.constant 80 : index
        %get3A_220 = tpu.vector_load %arg11[%get3A_218, %get3A_219] {strides = array<i32>} : memref<128x128xf32, #tpu.memory_space<vmem>>, vector<1x16xf32>,
        %get3A_221 = vector.shape_cast %get3A_220 : vector<1x16xf32> to vector<16xf32>
        %mul3A_222 = arith.mulf %get3A_221, %gather3A_163 : vector<16xf32>
        %swap3A_223 = arith.index_cast %add3A_167 : i32 to index
        %swap3A_224 = arith.constant 80 : index
        %swap3A_225 = tpu.vector_load %arg11[%swap3A_223, %swap3A_224] {strides = array<i32>} : memref<128x128xf32, #tpu.memory_space<vmem>>, vector<1x16xf32>,
        %swap3A_226 = vector.shape_cast %swap3A_225 : vector<1x16xf32> to vector<16xf32>
        %swap3A_227 = vector.shape_cast %mul3A_222 : vector<16xf32> to vector<1x16xf32>
        tpu.vector_store %arg11[%swap3A_223, %swap3A_224], %swap3A_227 {strides = array<i32>} : memref<128x128xf32, #tpu.memory_space<vmem>>, vector<1x16xf32>,
        %get3A_228 = arith.index_cast %add3A_167 : i32 to index
        %get3A_229 = arith.constant 96 : index
        %get3A_230 = tpu.vector_load %arg11[%get3A_228, %get3A_229] {strides = array<i32>} : memref<128x128xf32, #tpu.memory_space<vmem>>, vector<1x16xf32>,
        %get3A_231 = vector.shape_cast %get3A_230 : vector<1x16xf32> to vector<16xf32>
        %mul3A_232 = arith.mulf %get3A_231, %gather3A_163 : vector<16xf32>
        %swap3A_233 = arith.index_cast %add3A_167 : i32 to index
        %swap3A_234 = arith.constant 96 : index
        %swap3A_235 = tpu.vector_load %arg11[%swap3A_233, %swap3A_234] {strides = array<i32>} : memref<128x128xf32, #tpu.memory_space<vmem>>, vector<1x16xf32>,
        %swap3A_236 = vector.shape_cast %swap3A_235 : vector<1x16xf32> to vector<16xf32>
        %swap3A_237 = vector.shape_cast %mul3A_232 : vector<16xf32> to vector<1x16xf32>
        tpu.vector_store %arg11[%swap3A_233, %swap3A_234], %swap3A_237 {strides = array<i32>} : memref<128x128xf32, #tpu.memory_space<vmem>>, vector<1x16xf32>,
        %get3A_238 = arith.index_cast %add3A_167 : i32 to index
        %get3A_239 = arith.constant 112 : index
        %get3A_240 = tpu.vector_load %arg11[%get3A_238, %get3A_239] {strides = array<i32>} : memref<128x128xf32, #tpu.memory_space<vmem>>, vector<1x16xf32>,
        %get3A_241 = vector.shape_cast %get3A_240 : vector<1x16xf32> to vector<16xf32>
        %mul3A_242 = arith.mulf %get3A_241, %gather3A_163 : vector<16xf32>
        %swap3A_243 = arith.index_cast %add3A_167 : i32 to index
        %swap3A_244 = arith.constant 112 : index
        %swap3A_245 = tpu.vector_load %arg11[%swap3A_243, %swap3A_244] {strides = array<i32>} : memref<128x128xf32, #tpu.memory_space<vmem>>, vector<1x16xf32>,
        %swap3A_246 = vector.shape_cast %swap3A_245 : vector<1x16xf32> to vector<16xf32>
        %swap3A_247 = vector.shape_cast %mul3A_242 : vector<16xf32> to vector<1x16xf32>
        tpu.vector_store %arg11[%swap3A_243, %swap3A_244], %swap3A_247 {strides = array<i32>} : memref<128x128xf32, #tpu.memory_space<vmem>>, vector<1x16xf32>,
        %broadcast_in_dim3A_248 = arith.constant 1 : i32
        %broadcast_in_dim3A_249 = vector.broadcast %broadcast_in_dim3A_248 : i32 to vector<16x1xi32>
        %gather3A_250 = vector.shape_cast %broadcast_in_dim3A_249 : vector<16x1xi32> to vector<16xi32>
        %gather3A_251 = tpu.dynamic_gather %get3A_161[%gather3A_250] in [0] : vector<16xf32>, vector<16xi32> -> vector<16xf32>
        %mul3A_252 = arith.constant 16 : i32
        %mul3A_253 = arith.muli %scan3A_155, %mul3A_252 : i32
        %add3A_254 = arith.constant 1 : i32
        %add3A_255 = arith.addi %mul3A_253, %add3A_254 : i32
        %get3A_256 = arith.index_cast %add3A_255 : i32 to index
        %get3A_257 = arith.constant 0 : index
        %get3A_258 = tpu.vector_load %arg11[%get3A_256, %get3A_257] {strides = array<i32>} : memref<128x128xf32, #tpu.memory_space<vmem>>, vector<1x16xf32>,
        %get3A_259 = vector.shape_cast %get3A_258 : vector<1x16xf32> to vector<16xf32>
        %mul3A_260 = arith.mulf %get3A_259, %gather3A_251 : vector<16xf32>
        %swap3A_261 = arith.index_cast %add3A_255 : i32 to index
        %swap3A_262 = arith.constant 0 : index
        %swap3A_263 = tpu.vector_load %arg11[%swap3A_261, %swap3A_262] {strides = array<i32>} : memref<128x128xf32, #tpu.memory_space<vmem>>, vector<1x16xf32>,
        %swap3A_264 = vector.shape_cast %swap3A_263 : vector<1x16xf32> to vector<16xf32>
        %swap3A_265 = vector.shape_cast %mul3A_260 : vector<16xf32> to vector<1x16xf32>
        tpu.vector_store %arg11[%swap3A_261, %swap3A_262], %swap3A_265 {strides = array<i32>} : memref<128x128xf32, #tpu.memory_space<vmem>>, vector<1x16xf32>,
        %get3A_266 = arith.index_cast %add3A_255 : i32 to index
        %get3A_267 = arith.constant 16 : index
        %get3A_268 = tpu.vector_load %arg11[%get3A_266, %get3A_267] {strides = array<i32>} : memref<128x128xf32, #tpu.memory_space<vmem>>, vector<1x16xf32>,
        %get3A_269 = vector.shape_cast %get3A_268 : vector<1x16xf32> to vector<16xf32>
        %mul3A_270 = arith.mulf %get3A_269, %gather3A_251 : vector<16xf32>
        %swap3A_271 = arith.index_cast %add3A_255 : i32 to index
        %swap3A_272 = arith.constant 16 : index
        %swap3A_273 = tpu.vector_load %arg11[%swap3A_271, %swap3A_272] {strides = array<i32>} : memref<128x128xf32, #tpu.memory_space<vmem>>, vector<1x16xf32>,
        %swap3A_274 = vector.shape_cast %swap3A_273 : vector<1x16xf32> to vector<16xf32>
        %swap3A_275 = vector.shape_cast %mul3A_270 : vector<16xf32> to vector<1x16xf32>
        tpu.vector_store %arg11[%swap3A_271, %swap3A_272], %swap3A_275 {strides = array<i32>} : memref<128x128xf32, #tpu.memory_space<vmem>>, vector<1x16xf32>,
        %get3A_276 = arith.index_cast %add3A_255 : i32 to index
        %get3A_277 = arith.constant 32 : index
        %get3A_278 = tpu.vector_load %arg11[%get3A_276, %get3A_277] {strides = array<i32>} : memref<128x128xf32, #tpu.memory_space<vmem>>, vector<1x16xf32>,
        %get3A_279 = vector.shape_cast %get3A_278 : vector<1x16xf32> to vector<16xf32>
        %mul3A_280 = arith.mulf %get3A_279, %gather3A_251 : vector<16xf32>
        %swap3A_281 = arith.index_cast %add3A_255 : i32 to index
        %swap3A_282 = arith.constant 32 : index
        %swap3A_283 = tpu.vector_load %arg11[%swap3A_281, %swap3A_282] {strides = array<i32>} : memref<128x128xf32, #tpu.memory_space<vmem>>, vector<1x16xf32>,
        %swap3A_284 = vector.shape_cast %swap3A_283 : vector<1x16xf32> to vector<16xf32>
        %swap3A_285 = vector.shape_cast %mul3A_280 : vector<16xf32> to vector<1x16xf32>
        tpu.vector_store %arg11[%swap3A_281, %swap3A_282], %swap3A_285 {strides = array<i32>} : memref<128x128xf32, #tpu.memory_space<vmem>>, vector<1x16xf32>,
        %get3A_286 = arith.index_cast %add3A_255 : i32 to index
        %get3A_287 = arith.constant 48 : index
        %get3A_288 = tpu.vector_load %arg11[%get3A_286, %get3A_287] {strides = array<i32>} : memref<128x128xf32, #tpu.memory_space<vmem>>, vector<1x16xf32>,
        %get3A_289 = vector.shape_cast %get3A_288 : vector<1x16xf32> to vector<16xf32>
        %mul3A_290 = arith.mulf %get3A_289, %gather3A_251 : vector<16xf32>
        %swap3A_291 = arith.index_cast %add3A_255 : i32 to index
        %swap3A_292 = arith.constant 48 : index
        %swap3A_293 = tpu.vector_load %arg11[%swap3A_291, %swap3A_292] {strides = array<i32>} : memref<128x128xf32, #tpu.memory_space<vmem>>, vector<1x16xf32>,
        %swap3A_294 = vector.shape_cast %swap3A_293 : vector<1x16xf32> to vector<16xf32>
        %swap3A_295 = vector.shape_cast %mul3A_290 : vector<16xf32> to vector<1x16xf32>
        tpu.vector_store %arg11[%swap3A_291, %swap3A_292], %swap3A_295 {strides = array<i32>} : memref<128x128xf32, #tpu.memory_space<vmem>>, vector<1x16xf32>,
        %get3A_296 = arith.index_cast %add3A_255 : i32 to index
        %get3A_297 = arith.constant 64 : index
        %get3A_298 = tpu.vector_load %arg11[%get3A_296, %get3A_297] {strides = array<i32>} : memref<128x128xf32, #tpu.memory_space<vmem>>, vector<1x16xf32>,
        %get3A_299 = vector.shape_cast %get3A_298 : vector<1x16xf32> to vector<16xf32>
        %mul3A_300 = arith.mulf %get3A_299, %gather3A_251 : vector<16xf32>
        %swap3A_301 = arith.index_cast %add3A_255 : i32 to index
        %swap3A_302 = arith.constant 64 : index
        %swap3A_303 = tpu.vector_load %arg11[%swap3A_301, %swap3A_302] {strides = array<i32>} : memref<128x128xf32, #tpu.memory_space<vmem>>, vector<1x16xf32>,
        %swap3A_304 = vector.shape_cast %swap3A_303 : vector<1x16xf32> to vector<16xf32>
        %swap3A_305 = vector.shape_cast %mul3A_300 : vector<16xf32> to vector<1x16xf32>
        tpu.vector_store %arg11[%swap3A_301, %swap3A_302], %swap3A_305 {strides = array<i32>} : memref<128x128xf32, #tpu.memory_space<vmem>>, vector<1x16xf32>,
        %get3A_306 = arith.index_cast %add3A_255 : i32 to index
        %get3A_307 = arith.constant 80 : index
        %get3A_308 = tpu.vector_load %arg11[%get3A_306, %get3A_307] {strides = array<i32>} : memref<128x128xf32, #tpu.memory_space<vmem>>, vector<1x16xf32>,
        %get3A_309 = vector.shape_cast %get3A_308 : vector<1x16xf32> to vector<16xf32>
        %mul3A_310 = arith.mulf %get3A_309, %gather3A_251 : vector<16xf32>
        %swap3A_311 = arith.index_cast %add3A_255 : i32 to index
        %swap3A_312 = arith.constant 80 : index
        %swap3A_313 = tpu.vector_load %arg11[%swap3A_311, %swap3A_312] {strides = array<i32>} : memref<128x128xf32, #tpu.memory_space<vmem>>, vector<1x16xf32>,
        %swap3A_314 = vector.shape_cast %swap3A_313 : vector<1x16xf32> to vector<16xf32>
        %swap3A_315 = vector.shape_cast %mul3A_310 : vector<16xf32> to vector<1x16xf32>
        tpu.vector_store %arg11[%swap3A_311, %swap3A_312], %swap3A_315 {strides = array<i32>} : memref<128x128xf32, #tpu.memory_space<vmem>>, vector<1x16xf32>,
        %get3A_316 = arith.index_cast %add3A_255 : i32 to index
        %get3A_317 = arith.constant 96 : index
        %get3A_318 = tpu.vector_load %arg11[%get3A_316, %get3A_317] {strides = array<i32>} : memref<128x128xf32, #tpu.memory_space<vmem>>, vector<1x16xf32>,
        %get3A_319 = vector.shape_cast %get3A_318 : vector<1x16xf32> to vector<16xf32>
        %mul3A_320 = arith.mulf %get3A_319, %gather3A_251 : vector<16xf32>
        %swap3A_321 = arith.index_cast %add3A_255 : i32 to index
        %swap3A_322 = arith.constant 96 : index
        %swap3A_323 = tpu.vector_load %arg11[%swap3A_321, %swap3A_322] {strides = array<i32>} : memref<128x128xf32, #tpu.memory_space<vmem>>, vector<1x16xf32>,
        %swap3A_324 = vector.shape_cast %swap3A_323 : vector<1x16xf32> to vector<16xf32>
        %swap3A_325 = vector.shape_cast %mul3A_320 : vector<16xf32> to vector<1x16xf32>
        tpu.vector_store %arg11[%swap3A_321, %swap3A_322], %swap3A_325 {strides = array<i32>} : memref<128x128xf32, #tpu.memory_space<vmem>>, vector<1x16xf32>,
        %get3A_326 = arith.index_cast %add3A_255 : i32 to index
        %get3A_327 = arith.constant 112 : index
        %get3A_328 = tpu.vector_load %arg11[%get3A_326, %get3A_327] {strides = array<i32>} : memref<128x128xf32, #tpu.memory_space<vmem>>, vector<1x16xf32>,
        %get3A_329 = vector.shape_cast %get3A_328 : vector<1x16xf32> to vector<16xf32>
        %mul3A_330 = arith.mulf %get3A_329, %gather3A_251 : vector<16xf32>
        %swap3A_331 = arith.index_cast %add3A_255 : i32 to index
        %swap3A_332 = arith.constant 112 : index
        %swap3A_333 = tpu.vector_load %arg11[%swap3A_331, %swap3A_332] {strides = array<i32>} : memref<128x128xf32, #tpu.memory_space<vmem>>, vector<1x16xf32>,
        %swap3A_334 = vector.shape_cast %swap3A_333 : vector<1x16xf32> to vector<16xf32>
        %swap3A_335 = vector.shape_cast %mul3A_330 : vector<16xf32> to vector<1x16xf32>
        tpu.vector_store %arg11[%swap3A_331, %swap3A_332], %swap3A_335 {strides = array<i32>} : memref<128x128xf32, #tpu.memory_space<vmem>>, vector<1x16xf32>,
        %broadcast_in_dim3A_336 = arith.constant 2 : i32
        %broadcast_in_dim3A_337 = vector.broadcast %broadcast_in_dim3A_336 : i32 to vector<16x1xi32>
        %gather3A_338 = vector.shape_cast %broadcast_in_dim3A_337 : vector<16x1xi32> to vector<16xi32>
        %gather3A_339 = tpu.dynamic_gather %get3A_161[%gather3A_338] in [0] : vector<16xf32>, vector<16xi32> -> vector<16xf32>
        %mul3A_340 = arith.constant 16 : i32
        %mul3A_341 = arith.muli %scan3A_155, %mul3A_340 : i32
        %add3A_342 = arith.constant 2 : i32
        %add3A_343 = arith.addi %mul3A_341, %add3A_342 : i32
        %get3A_344 = arith.index_cast %add3A_343 : i32 to index
        %get3A_345 = arith.constant 0 : index
        %get3A_346 = tpu.vector_load %arg11[%get3A_344, %get3A_345] {strides = array<i32>} : memref<128x128xf32, #tpu.memory_space<vmem>>, vector<1x16xf32>,
        %get3A_347 = vector.shape_cast %get3A_346 : vector<1x16xf32> to vector<16xf32>
        %mul3A_348 = arith.mulf %get3A_347, %gather3A_339 : vector<16xf32>
        %swap3A_349 = arith.index_cast %add3A_343 : i32 to index
        %swap3A_350 = arith.constant 0 : index
        %swap3A_351 = tpu.vector_load %arg11[%swap3A_349, %swap3A_350] {strides = array<i32>} : memref<128x128xf32, #tpu.memory_space<vmem>>, vector<1x16xf32>,
        %swap3A_352 = vector.shape_cast %swap3A_351 : vector<1x16xf32> to vector<16xf32>
        %swap3A_353 = vector.shape_cast %mul3A_348 : vector<16xf32> to vector<1x16xf32>
        tpu.vector_store %arg11[%swap3A_349, %swap3A_350], %swap3A_353 {strides = array<i32>} : memref<128x128xf32, #tpu.memory_space<vmem>>, vector<1x16xf32>,
        %get3A_354 = arith.index_cast %add3A_343 : i32 to index
        %get3A_355 = arith.constant 16 : index
        %get3A_356 = tpu.vector_load %arg11[%get3A_354, %get3A_355] {strides = array<i32>} : memref<128x128xf32, #tpu.memory_space<vmem>>, vector<1x16xf32>,
        %get3A_357 = vector.shape_cast %get3A_356 : vector<1x16xf32> to vector<16xf32>
        %mul3A_358 = arith.mulf %get3A_357, %gather3A_339 : vector<16xf32>
        %swap3A_359 = arith.index_cast %add3A_343 : i32 to index
        %swap3A_360 = arith.constant 16 : index
        %swap3A_361 = tpu.vector_load %arg11[%swap3A_359, %swap3A_360] {strides = array<i32>} : memref<128x128xf32, #tpu.memory_space<vmem>>, vector<1x16xf32>,
        %swap3A_362 = vector.shape_cast %swap3A_361 : vector<1x16xf32> to vector<16xf32>
        %swap3A_363 = vector.shape_cast %mul3A_358 : vector<16xf32> to vector<1x16xf32>
        tpu.vector_store %arg11[%swap3A_359, %swap3A_360], %swap3A_363 {strides = array<i32>} : memref<128x128xf32, #tpu.memory_space<vmem>>, vector<1x16xf32>,
        %get3A_364 = arith.index_cast %add3A_343 : i32 to index
        %get3A_365 = arith.constant 32 : index
        %get3A_366 = tpu.vector_load %arg11[%get3A_364, %get3A_365] {strides = array<i32>} : memref<128x128xf32, #tpu.memory_space<vmem>>, vector<1x16xf32>,
        %get3A_367 = vector.shape_cast %get3A_366 : vector<1x16xf32> to vector<16xf32>
        %mul3A_368 = arith.mulf %get3A_367, %gather3A_339 : vector<16xf32>
        %swap3A_369 = arith.index_cast %add3A_343 : i32 to index
        %swap3A_370 = arith.constant 32 : index
        %swap3A_371 = tpu.vector_load %arg11[%swap3A_369, %swap3A_370] {strides = array<i32>} : memref<128x128xf32, #tpu.memory_space<vmem>>, vector<1x16xf32>,
        %swap3A_372 = vector.shape_cast %swap3A_371 : vector<1x16xf32> to vector<16xf32>
        %swap3A_373 = vector.shape_cast %mul3A_368 : vector<16xf32> to vector<1x16xf32>
        tpu.vector_store %arg11[%swap3A_369, %swap3A_370], %swap3A_373 {strides = array<i32>} : memref<128x128xf32, #tpu.memory_space<vmem>>, vector<1x16xf32>,
        %get3A_374 = arith.index_cast %add3A_343 : i32 to index
        %get3A_375 = arith.constant 48 : index
        %get3A_376 = tpu.vector_load %arg11[%get3A_374, %get3A_375] {strides = array<i32>} : memref<128x128xf32, #tpu.memory_space<vmem>>, vector<1x16xf32>,
        %get3A_377 = vector.shape_cast %get3A_376 : vector<1x16xf32> to vector<16xf32>
        %mul3A_378 = arith.mulf %get3A_377, %gather3A_339 : vector<16xf32>
        %swap3A_379 = arith.index_cast %add3A_343 : i32 to index
        %swap3A_380 = arith.constant 48 : index
        %swap3A_381 = tpu.vector_load %arg11[%swap3A_379, %swap3A_380] {strides = array<i32>} : memref<128x128xf32, #tpu.memory_space<vmem>>, vector<1x16xf32>,
        %swap3A_382 = vector.shape_cast %swap3A_381 : vector<1x16xf32> to vector<16xf32>
        %swap3A_383 = vector.shape_cast %mul3A_378 : vector<16xf32> to vector<1x16xf32>
        tpu.vector_store %arg11[%swap3A_379, %swap3A_380], %swap3A_383 {strides = array<i32>} : memref<128x128xf32, #tpu.memory_space<vmem>>, vector<1x16xf32>,
        %get3A_384 = arith.index_cast %add3A_343 : i32 to index
        %get3A_385 = arith.constant 64 : index
        %get3A_386 = tpu.vector_load %arg11[%get3A_384, %get3A_385] {strides = array<i32>} : memref<128x128xf32, #tpu.memory_space<vmem>>, vector<1x16xf32>,
        %get3A_387 = vector.shape_cast %get3A_386 : vector<1x16xf32> to vector<16xf32>
        %mul3A_388 = arith.mulf %get3A_387, %gather3A_339 : vector<16xf32>
        %swap3A_389 = arith.index_cast %add3A_343 : i32 to index
        %swap3A_390 = arith.constant 64 : index
        %swap3A_391 = tpu.vector_load %arg11[%swap3A_389, %swap3A_390] {strides = array<i32>} : memref<128x128xf32, #tpu.memory_space<vmem>>, vector<1x16xf32>,
        %swap3A_392 = vector.shape_cast %swap3A_391 : vector<1x16xf32> to vector<16xf32>
        %swap3A_393 = vector.shape_cast %mul3A_388 : vector<16xf32> to vector<1x16xf32>
        tpu.vector_store %arg11[%swap3A_389, %swap3A_390], %swap3A_393 {strides = array<i32>} : memref<128x128xf32, #tpu.memory_space<vmem>>, vector<1x16xf32>,
        %get3A_394 = arith.index_cast %add3A_343 : i32 to index
        %get3A_395 = arith.constant 80 : index
        %get3A_396 = tpu.vector_load %arg11[%get3A_394, %get3A_395] {strides = array<i32>} : memref<128x128xf32, #tpu.memory_space<vmem>>, vector<1x16xf32>,
        %get3A_397 = vector.shape_cast %get3A_396 : vector<1x16xf32> to vector<16xf32>
        %mul3A_398 = arith.mulf %get3A_397, %gather3A_339 : vector<16xf32>
        %swap3A_399 = arith.index_cast %add3A_343 : i32 to index
        %swap3A_400 = arith.constant 80 : index
        %swap3A_401 = tpu.vector_load %arg11[%swap3A_399, %swap3A_400] {strides = array<i32>} : memref<128x128xf32, #tpu.memory_space<vmem>>, vector<1x16xf32>,
        %swap3A_402 = vector.shape_cast %swap3A_401 : vector<1x16xf32> to vector<16xf32>
        %swap3A_403 = vector.shape_cast %mul3A_398 : vector<16xf32> to vector<1x16xf32>
        tpu.vector_store %arg11[%swap3A_399, %swap3A_400], %swap3A_403 {strides = array<i32>} : memref<128x128xf32, #tpu.memory_space<vmem>>, vector<1x16xf32>,
        %get3A_404 = arith.index_cast %add3A_343 : i32 to index
        %get3A_405 = arith.constant 96 : index
        %get3A_406 = tpu.vector_load %arg11[%get3A_404, %get3A_405] {strides = array<i32>} : memref<128x128xf32, #tpu.memory_space<vmem>>, vector<1x16xf32>,
        %get3A_407 = vector.shape_cast %get3A_406 : vector<1x16xf32> to vector<16xf32>
        %mul3A_408 = arith.mulf %get3A_407, %gather3A_339 : vector<16xf32>
        %swap3A_409 = arith.index_cast %add3A_343 : i32 to index
        %swap3A_410 = arith.constant 96 : index
        %swap3A_411 = tpu.vector_load %arg11[%swap3A_409, %swap3A_410] {strides = array<i32>} : memref<128x128xf32, #tpu.memory_space<vmem>>, vector<1x16xf32>,
        %swap3A_412 = vector.shape_cast %swap3A_411 : vector<1x16xf32> to vector<16xf32>
        %swap3A_413 = vector.shape_cast %mul3A_408 : vector<16xf32> to vector<1x16xf32>
        tpu.vector_store %arg11[%swap3A_409, %swap3A_410], %swap3A_413 {strides = array<i32>} : memref<128x128xf32, #tpu.memory_space<vmem>>, vector<1x16xf32>,
        %get3A_414 = arith.index_cast %add3A_343 : i32 to index
        %get3A_415 = arith.constant 112 : index
        %get3A_416 = tpu.vector_load %arg11[%get3A_414, %get3A_415] {strides = array<i32>} : memref<128x128xf32, #tpu.memory_space<vmem>>, vector<1x16xf32>,
        %get3A_417 = vector.shape_cast %get3A_416 : vector<1x16xf32> to vector<16xf32>
        %mul3A_418 = arith.mulf %get3A_417, %gather3A_339 : vector<16xf32>
        %swap3A_419 = arith.index_cast %add3A_343 : i32 to index
        %swap3A_420 = arith.constant 112 : index
        %swap3A_421 = tpu.vector_load %arg11[%swap3A_419, %swap3A_420] {strides = array<i32>} : memref<128x128xf32, #tpu.memory_space<vmem>>, vector<1x16xf32>,
        %swap3A_422 = vector.shape_cast %swap3A_421 : vector<1x16xf32> to vector<16xf32>
        %swap3A_423 = vector.shape_cast %mul3A_418 : vector<16xf32> to vector<1x16xf32>
        tpu.vector_store %arg11[%swap3A_419, %swap3A_420], %swap3A_423 {strides = array<i32>} : memref<128x128xf32, #tpu.memory_space<vmem>>, vector<1x16xf32>,
        %broadcast_in_dim3A_424 = arith.constant 3 : i32
        %broadcast_in_dim3A_425 = vector.broadcast %broadcast_in_dim3A_424 : i32 to vector<16x1xi32>
        %gather3A_426 = vector.shape_cast %broadcast_in_dim3A_425 : vector<16x1xi32> to vector<16xi32>
        %gather3A_427 = tpu.dynamic_gather %get3A_161[%gather3A_426] in [0] : vector<16xf32>, vector<16xi32> -> vector<16xf32>
        %mul3A_428 = arith.constant 16 : i32
        %mul3A_429 = arith.muli %scan3A_155, %mul3A_428 : i32
        %add3A_430 = arith.constant 3 : i32
        %add3A_431 = arith.addi %mul3A_429, %add3A_430 : i32
        %get3A_432 = arith.index_cast %add3A_431 : i32 to index
        %get3A_433 = arith.constant 0 : index
        %get3A_434 = tpu.vector_load %arg11[%get3A_432, %get3A_433] {strides = array<i32>} : memref<128x128xf32, #tpu.memory_space<vmem>>, vector<1x16xf32>,
        %get3A_435 = vector.shape_cast %get3A_434 : vector<1x16xf32> to vector<16xf32>
        %mul3A_436 = arith.mulf %get3A_435, %gather3A_427 : vector<16xf32>
        %swap3A_437 = arith.index_cast %add3A_431 : i32 to index
        %swap3A_438 = arith.constant 0 : index
        %swap3A_439 = tpu.vector_load %arg11[%swap3A_437, %swap3A_438] {strides = array<i32>} : memref<128x128xf32, #tpu.memory_space<vmem>>, vector<1x16xf32>,
        %swap3A_440 = vector.shape_cast %swap3A_439 : vector<1x16xf32> to vector<16xf32>
        %swap3A_441 = vector.shape_cast %mul3A_436 : vector<16xf32> to vector<1x16xf32>
        tpu.vector_store %arg11[%swap3A_437, %swap3A_438], %swap3A_441 {strides = array<i32>} : memref<128x128xf32, #tpu.memory_space<vmem>>, vector<1x16xf32>,
        %get3A_442 = arith.index_cast %add3A_431 : i32 to index
        %get3A_443 = arith.constant 16 : index
        %get3A_444 = tpu.vector_load %arg11[%get3A_442, %get3A_443] {strides = array<i32>} : memref<128x128xf32, #tpu.memory_space<vmem>>, vector<1x16xf32>,
        %get3A_445 = vector.shape_cast %get3A_444 : vector<1x16xf32> to vector<16xf32>
        %mul3A_446 = arith.mulf %get3A_445, %gather3A_427 : vector<16xf32>
        %swap3A_447 = arith.index_cast %add3A_431 : i32 to index
        %swap3A_448 = arith.constant 16 : index
        %swap3A_449 = tpu.vector_load %arg11[%swap3A_447, %swap3A_448] {strides = array<i32>} : memref<128x128xf32, #tpu.memory_space<vmem>>, vector<1x16xf32>,
        %swap3A_450 = vector.shape_cast %swap3A_449 : vector<1x16xf32> to vector<16xf32>
        %swap3A_451 = vector.shape_cast %mul3A_446 : vector<16xf32> to vector<1x16xf32>
        tpu.vector_store %arg11[%swap3A_447, %swap3A_448], %swap3A_451 {strides = array<i32>} : memref<128x128xf32, #tpu.memory_space<vmem>>, vector<1x16xf32>,
        %get3A_452 = arith.index_cast %add3A_431 : i32 to index
        %get3A_453 = arith.constant 32 : index
        %get3A_454 = tpu.vector_load %arg11[%get3A_452, %get3A_453] {strides = array<i32>} : memref<128x128xf32, #tpu.memory_space<vmem>>, vector<1x16xf32>,
        %get3A_455 = vector.shape_cast %get3A_454 : vector<1x16xf32> to vector<16xf32>
        %mul3A_456 = arith.mulf %get3A_455, %gather3A_427 : vector<16xf32>
        %swap3A_457 = arith.index_cast %add3A_431 : i32 to index
        %swap3A_458 = arith.constant 32 : index
        %swap3A_459 = tpu.vector_load %arg11[%swap3A_457, %swap3A_458] {strides = array<i32>} : memref<128x128xf32, #tpu.memory_space<vmem>>, vector<1x16xf32>,
        %swap3A_460 = vector.shape_cast %swap3A_459 : vector<1x16xf32> to vector<16xf32>
        %swap3A_461 = vector.shape_cast %mul3A_456 : vector<16xf32> to vector<1x16xf32>
        tpu.vector_store %arg11[%swap3A_457, %swap3A_458], %swap3A_461 {strides = array<i32>} : memref<128x128xf32, #tpu.memory_space<vmem>>, vector<1x16xf32>,
        %get3A_462 = arith.index_cast %add3A_431 : i32 to index
        %get3A_463 = arith.constant 48 : index
        %get3A_464 = tpu.vector_load %arg11[%get3A_462, %get3A_463] {strides = array<i32>} : memref<128x128xf32, #tpu.memory_space<vmem>>, vector<1x16xf32>,
        %get3A_465 = vector.shape_cast %get3A_464 : vector<1x16xf32> to vector<16xf32>
        %mul3A_466 = arith.mulf %get3A_465, %gather3A_427 : vector<16xf32>
        %swap3A_467 = arith.index_cast %add3A_431 : i32 to index
        %swap3A_468 = arith.constant 48 : index
        %swap3A_469 = tpu.vector_load %arg11[%swap3A_467, %swap3A_468] {strides = array<i32>} : memref<128x128xf32, #tpu.memory_space<vmem>>, vector<1x16xf32>,
        %swap3A_470 = vector.shape_cast %swap3A_469 : vector<1x16xf32> to vector<16xf32>
        %swap3A_471 = vector.shape_cast %mul3A_466 : vector<16xf32> to vector<1x16xf32>
        tpu.vector_store %arg11[%swap3A_467, %swap3A_468], %swap3A_471 {strides = array<i32>} : memref<128x128xf32, #tpu.memory_space<vmem>>, vector<1x16xf32>,
        %get3A_472 = arith.index_cast %add3A_431 : i32 to index
        %get3A_473 = arith.constant 64 : index
        %get3A_474 = tpu.vector_load %arg11[%get3A_472, %get3A_473] {strides = array<i32>} : memref<128x128xf32, #tpu.memory_space<vmem>>, vector<1x16xf32>,
        %get3A_475 = vector.shape_cast %get3A_474 : vector<1x16xf32> to vector<16xf32>
        %mul3A_476 = arith.mulf %get3A_475, %gather3A_427 : vector<16xf32>
        %swap3A_477 = arith.index_cast %add3A_431 : i32 to index
        %swap3A_478 = arith.constant 64 : index
        %swap3A_479 = tpu.vector_load %arg11[%swap3A_477, %swap3A_478] {strides = array<i32>} : memref<128x128xf32, #tpu.memory_space<vmem>>, vector<1x16xf32>,
        %swap3A_480 = vector.shape_cast %swap3A_479 : vector<1x16xf32> to vector<16xf32>
        %swap3A_481 = vector.shape_cast %mul3A_476 : vector<16xf32> to vector<1x16xf32>
        tpu.vector_store %arg11[%swap3A_477, %swap3A_478], %swap3A_481 {strides = array<i32>} : memref<128x128xf32, #tpu.memory_space<vmem>>, vector<1x16xf32>,
        %get3A_482 = arith.index_cast %add3A_431 : i32 to index
        %get3A_483 = arith.constant 80 : index
        %get3A_484 = tpu.vector_load %arg11[%get3A_482, %get3A_483] {strides = array<i32>} : memref<128x128xf32, #tpu.memory_space<vmem>>, vector<1x16xf32>,
        %get3A_485 = vector.shape_cast %get3A_484 : vector<1x16xf32> to vector<16xf32>
        %mul3A_486 = arith.mulf %get3A_485, %gather3A_427 : vector<16xf32>
        %swap3A_487 = arith.index_cast %add3A_431 : i32 to index
        %swap3A_488 = arith.constant 80 : index
        %swap3A_489 = tpu.vector_load %arg11[%swap3A_487, %swap3A_488] {strides = array<i32>} : memref<128x128xf32, #tpu.memory_space<vmem>>, vector<1x16xf32>,
        %swap3A_490 = vector.shape_cast %swap3A_489 : vector<1x16xf32> to vector<16xf32>
        %swap3A_491 = vector.shape_cast %mul3A_486 : vector<16xf32> to vector<1x16xf32>
        tpu.vector_store %arg11[%swap3A_487, %swap3A_488], %swap3A_491 {strides = array<i32>} : memref<128x128xf32, #tpu.memory_space<vmem>>, vector<1x16xf32>,
        %get3A_492 = arith.index_cast %add3A_431 : i32 to index
        %get3A_493 = arith.constant 96 : index
        %get3A_494 = tpu.vector_load %arg11[%get3A_492, %get3A_493] {strides = array<i32>} : memref<128x128xf32, #tpu.memory_space<vmem>>, vector<1x16xf32>,
        %get3A_495 = vector.shape_cast %get3A_494 : vector<1x16xf32> to vector<16xf32>
        %mul3A_496 = arith.mulf %get3A_495, %gather3A_427 : vector<16xf32>
        %swap3A_497 = arith.index_cast %add3A_431 : i32 to index
        %swap3A_498 = arith.constant 96 : index
        %swap3A_499 = tpu.vector_load %arg11[%swap3A_497, %swap3A_498] {strides = array<i32>} : memref<128x128xf32, #tpu.memory_space<vmem>>, vector<1x16xf32>,
        %swap3A_500 = vector.shape_cast %swap3A_499 : vector<1x16xf32> to vector<16xf32>
        %swap3A_501 = vector.shape_cast %mul3A_496 : vector<16xf32> to vector<1x16xf32>
        tpu.vector_store %arg11[%swap3A_497, %swap3A_498], %swap3A_501 {strides = array<i32>} : memref<128x128xf32, #tpu.memory_space<vmem>>, vector<1x16xf32>,
        %get3A_502 = arith.index_cast %add3A_431 : i32 to index
        %get3A_503 = arith.constant 112 : index
        %get3A_504 = tpu.vector_load %arg11[%get3A_502, %get3A_503] {strides = array<i32>} : memref<128x128xf32, #tpu.memory_space<vmem>>, vector<1x16xf32>,
        %get3A_505 = vector.shape_cast %get3A_504 : vector<1x16xf32> to vector<16xf32>
        %mul3A_506 = arith.mulf %get3A_505, %gather3A_427 : vector<16xf32>
        %swap3A_507 = arith.index_cast %add3A_431 : i32 to index
        %swap3A_508 = arith.constant 112 : index
        %swap3A_509 = tpu.vector_load %arg11[%swap3A_507, %swap3A_508] {strides = array<i32>} : memref<128x128xf32, #tpu.memory_space<vmem>>, vector<1x16xf32>,
        %swap3A_510 = vector.shape_cast %swap3A_509 : vector<1x16xf32> to vector<16xf32>
        %swap3A_511 = vector.shape_cast %mul3A_506 : vector<16xf32> to vector<1x16xf32>
        tpu.vector_store %arg11[%swap3A_507, %swap3A_508], %swap3A_511 {strides = array<i32>} : memref<128x128xf32, #tpu.memory_space<vmem>>, vector<1x16xf32>,
        %broadcast_in_dim3A_512 = arith.constant 4 : i32
        %broadcast_in_dim3A_513 = vector.broadcast %broadcast_in_dim3A_512 : i32 to vector<16x1xi32>
        %gather3A_514 = vector.shape_cast %broadcast_in_dim3A_513 : vector<16x1xi32> to vector<16xi32>
        %gather3A_515 = tpu.dynamic_gather %get3A_161[%gather3A_514] in [0] : vector<16xf32>, vector<16xi32> -> vector<16xf32>
        %mul3A_516 = arith.constant 16 : i32
        %mul3A_517 = arith.muli %scan3A_155, %mul3A_516 : i32
        %add3A_518 = arith.constant 4 : i32
        %add3A_519 = arith.addi %mul3A_517, %add3A_518 : i32
        %get3A_520 = arith.index_cast %add3A_519 : i32 to index
        %get3A_521 = arith.constant 0 : index
        %get3A_522 = tpu.vector_load %arg11[%get3A_520, %get3A_521] {strides = array<i32>} : memref<128x128xf32, #tpu.memory_space<vmem>>, vector<1x16xf32>,
        %get3A_523 = vector.shape_cast %get3A_522 : vector<1x16xf32> to vector<16xf32>
        %mul3A_524 = arith.mulf %get3A_523, %gather3A_515 : vector<16xf32>
        %swap3A_525 = arith.index_cast %add3A_519 : i32 to index
        %swap3A_526 = arith.constant 0 : index
        %swap3A_527 = tpu.vector_load %arg11[%swap3A_525, %swap3A_526] {strides = array<i32>} : memref<128x128xf32, #tpu.memory_space<vmem>>, vector<1x16xf32>,
        %swap3A_528 = vector.shape_cast %swap3A_527 : vector<1x16xf32> to vector<16xf32>
        %swap3A_529 = vector.shape_cast %mul3A_524 : vector<16xf32> to vector<1x16xf32>
        tpu.vector_store %arg11[%swap3A_525, %swap3A_526], %swap3A_529 {strides = array<i32>} : memref<128x128xf32, #tpu.memory_space<vmem>>, vector<1x16xf32>,
        %get3A_530 = arith.index_cast %add3A_519 : i32 to index
        %get3A_531 = arith.constant 16 : index
        %get3A_532 = tpu.vector_load %arg11[%get3A_530, %get3A_531] {strides = array<i32>} : memref<128x128xf32, #tpu.memory_space<vmem>>, vector<1x16xf32>,
        %get3A_533 = vector.shape_cast %get3A_532 : vector<1x16xf32> to vector<16xf32>
        %mul3A_534 = arith.mulf %get3A_533, %gather3A_515 : vector<16xf32>
        %swap3A_535 = arith.index_cast %add3A_519 : i32 to index
        %swap3A_536 = arith.constant 16 : index
        %swap3A_537 = tpu.vector_load %arg11[%swap3A_535, %swap3A_536] {strides = array<i32>} : memref<128x128xf32, #tpu.memory_space<vmem>>, vector<1x16xf32>,
        %swap3A_538 = vector.shape_cast %swap3A_537 : vector<1x16xf32> to vector<16xf32>
        %swap3A_539 = vector.shape_cast %mul3A_534 : vector<16xf32> to vector<1x16xf32>
        tpu.vector_store %arg11[%swap3A_535, %swap3A_536], %swap3A_539 {strides = array<i32>} : memref<128x128xf32, #tpu.memory_space<vmem>>, vector<1x16xf32>,
        %get3A_540 = arith.index_cast %add3A_519 : i32 to index
        %get3A_541 = arith.constant 32 : index
        %get3A_542 = tpu.vector_load %arg11[%get3A_540, %get3A_541] {strides = array<i32>} : memref<128x128xf32, #tpu.memory_space<vmem>>, vector<1x16xf32>,
        %get3A_543 = vector.shape_cast %get3A_542 : vector<1x16xf32> to vector<16xf32>
        %mul3A_544 = arith.mulf %get3A_543, %gather3A_515 : vector<16xf32>
        %swap3A_545 = arith.index_cast %add3A_519 : i32 to index
        %swap3A_546 = arith.constant 32 : index
        %swap3A_547 = tpu.vector_load %arg11[%swap3A_545, %swap3A_546] {strides = array<i32>} : memref<128x128xf32, #tpu.memory_space<vmem>>, vector<1x16xf32>,
        %swap3A_548 = vector.shape_cast %swap3A_547 : vector<1x16xf32> to vector<16xf32>
        %swap3A_549 = vector.shape_cast %mul3A_544 : vector<16xf32> to vector<1x16xf32>
        tpu.vector_store %arg11[%swap3A_545, %swap3A_546], %swap3A_549 {strides = array<i32>} : memref<128x128xf32, #tpu.memory_space<vmem>>, vector<1x16xf32>,
        %get3A_550 = arith.index_cast %add3A_519 : i32 to index
        %get3A_551 = arith.constant 48 : index
        %get3A_552 = tpu.vector_load %arg11[%get3A_550, %get3A_551] {strides = array<i32>} : memref<128x128xf32, #tpu.memory_space<vmem>>, vector<1x16xf32>,
        %get3A_553 = vector.shape_cast %get3A_552 : vector<1x16xf32> to vector<16xf32>
        %mul3A_554 = arith.mulf %get3A_553, %gather3A_515 : vector<16xf32>
        %swap3A_555 = arith.index_cast %add3A_519 : i32 to index
        %swap3A_556 = arith.constant 48 : index
        %swap3A_557 = tpu.vector_load %arg11[%swap3A_555, %swap3A_556] {strides = array<i32>} : memref<128x128xf32, #tpu.memory_space<vmem>>, vector<1x16xf32>,
        %swap3A_558 = vector.shape_cast %swap3A_557 : vector<1x16xf32> to vector<16xf32>
        %swap3A_559 = vector.shape_cast %mul3A_554 : vector<16xf32> to vector<1x16xf32>
        tpu.vector_store %arg11[%swap3A_555, %swap3A_556], %swap3A_559 {strides = array<i32>} : memref<128x128xf32, #tpu.memory_space<vmem>>, vector<1x16xf32>,
        %get3A_560 = arith.index_cast %add3A_519 : i32 to index
        %get3A_561 = arith.constant 64 : index
        %get3A_562 = tpu.vector_load %arg11[%get3A_560, %get3A_561] {strides = array<i32>} : memref<128x128xf32, #tpu.memory_space<vmem>>, vector<1x16xf32>,
        %get3A_563 = vector.shape_cast %get3A_562 : vector<1x16xf32> to vector<16xf32>
        %mul3A_564 = arith.mulf %get3A_563, %gather3A_515 : vector<16xf32>
        %swap3A_565 = arith.index_cast %add3A_519 : i32 to index
        %swap3A_566 = arith.constant 64 : index
        %swap3A_567 = tpu.vector_load %arg11[%swap3A_565, %swap3A_566] {strides = array<i32>} : memref<128x128xf32, #tpu.memory_space<vmem>>, vector<1x16xf32>,
        %swap3A_568 = vector.shape_cast %swap3A_567 : vector<1x16xf32> to vector<16xf32>
        %swap3A_569 = vector.shape_cast %mul3A_564 : vector<16xf32> to vector<1x16xf32>
        tpu.vector_store %arg11[%swap3A_565, %swap3A_566], %swap3A_569 {strides = array<i32>} : memref<128x128xf32, #tpu.memory_space<vmem>>, vector<1x16xf32>,
        %get3A_570 = arith.index_cast %add3A_519 : i32 to index
        %get3A_571 = arith.constant 80 : index
        %get3A_572 = tpu.vector_load %arg11[%get3A_570, %get3A_571] {strides = array<i32>} : memref<128x128xf32, #tpu.memory_space<vmem>>, vector<1x16xf32>,
        %get3A_573 = vector.shape_cast %get3A_572 : vector<1x16xf32> to vector<16xf32>
        %mul3A_574 = arith.mulf %get3A_573, %gather3A_515 : vector<16xf32>
        %swap3A_575 = arith.index_cast %add3A_519 : i32 to index
        %swap3A_576 = arith.constant 80 : index
        %swap3A_577 = tpu.vector_load %arg11[%swap3A_575, %swap3A_576] {strides = array<i32>} : memref<128x128xf32, #tpu.memory_space<vmem>>, vector<1x16xf32>,
        %swap3A_578 = vector.shape_cast %swap3A_577 : vector<1x16xf32> to vector<16xf32>
        %swap3A_579 = vector.shape_cast %mul3A_574 : vector<16xf32> to vector<1x16xf32>
        tpu.vector_store %arg11[%swap3A_575, %swap3A_576], %swap3A_579 {strides = array<i32>} : memref<128x128xf32, #tpu.memory_space<vmem>>, vector<1x16xf32>,
        %get3A_580 = arith.index_cast %add3A_519 : i32 to index
        %get3A_581 = arith.constant 96 : index
        %get3A_582 = tpu.vector_load %arg11[%get3A_580, %get3A_581] {strides = array<i32>} : memref<128x128xf32, #tpu.memory_space<vmem>>, vector<1x16xf32>,
        %get3A_583 = vector.shape_cast %get3A_582 : vector<1x16xf32> to vector<16xf32>
        %mul3A_584 = arith.mulf %get3A_583, %gather3A_515 : vector<16xf32>
        %swap3A_585 = arith.index_cast %add3A_519 : i32 to index
        %swap3A_586 = arith.constant 96 : index
        %swap3A_587 = tpu.vector_load %arg11[%swap3A_585, %swap3A_586] {strides = array<i32>} : memref<128x128xf32, #tpu.memory_space<vmem>>, vector<1x16xf32>,
        %swap3A_588 = vector.shape_cast %swap3A_587 : vector<1x16xf32> to vector<16xf32>
        %swap3A_589 = vector.shape_cast %mul3A_584 : vector<16xf32> to vector<1x16xf32>
        tpu.vector_store %arg11[%swap3A_585, %swap3A_586], %swap3A_589 {strides = array<i32>} : memref<128x128xf32, #tpu.memory_space<vmem>>, vector<1x16xf32>,
        %get3A_590 = arith.index_cast %add3A_519 : i32 to index
        %get3A_591 = arith.constant 112 : index
        %get3A_592 = tpu.vector_load %arg11[%get3A_590, %get3A_591] {strides = array<i32>} : memref<128x128xf32, #tpu.memory_space<vmem>>, vector<1x16xf32>,
        %get3A_593 = vector.shape_cast %get3A_592 : vector<1x16xf32> to vector<16xf32>
        %mul3A_594 = arith.mulf %get3A_593, %gather3A_515 : vector<16xf32>
        %swap3A_595 = arith.index_cast %add3A_519 : i32 to index
        %swap3A_596 = arith.constant 112 : index
        %swap3A_597 = tpu.vector_load %arg11[%swap3A_595, %swap3A_596] {strides = array<i32>} : memref<128x128xf32, #tpu.memory_space<vmem>>, vector<1x16xf32>,
        %swap3A_598 = vector.shape_cast %swap3A_597 : vector<1x16xf32> to vector<16xf32>
        %swap3A_599 = vector.shape_cast %mul3A_594 : vector<16xf32> to vector<1x16xf32>
        tpu.vector_store %arg11[%swap3A_595, %swap3A_596], %swap3A_599 {strides = array<i32>} : memref<128x128xf32, #tpu.memory_space<vmem>>, vector<1x16xf32>,
        %broadcast_in_dim3A_600 = arith.constant 5 : i32
        %broadcast_in_dim3A_601 = vector.broadcast %broadcast_in_dim3A_600 : i32 to vector<16x1xi32>
        %gather3A_602 = vector.shape_cast %broadcast_in_dim3A_601 : vector<16x1xi32> to vector<16xi32>
        %gather3A_603 = tpu.dynamic_gather %get3A_161[%gather3A_602] in [0] : vector<16xf32>, vector<16xi32> -> vector<16xf32>
        %mul3A_604 = arith.constant 16 : i32
        %mul3A_605 = arith.muli %scan3A_155, %mul3A_604 : i32
        %add3A_606 = arith.constant 5 : i32
        %add3A_607 = arith.addi %mul3A_605, %add3A_606 : i32
        %get3A_608 = arith.index_cast %add3A_607 : i32 to index
        %get3A_609 = arith.constant 0 : index
        %get3A_610 = tpu.vector_load %arg11[%get3A_608, %get3A_609] {strides = array<i32>} : memref<128x128xf32, #tpu.memory_space<vmem>>, vector<1x16xf32>,
        %get3A_611 = vector.shape_cast %get3A_610 : vector<1x16xf32> to vector<16xf32>
        %mul3A_612 = arith.mulf %get3A_611, %gather3A_603 : vector<16xf32>
        %swap3A_613 = arith.index_cast %add3A_607 : i32 to index
        %swap3A_614 = arith.constant 0 : index
        %swap3A_615 = tpu.vector_load %arg11[%swap3A_613, %swap3A_614] {strides = array<i32>} : memref<128x128xf32, #tpu.memory_space<vmem>>, vector<1x16xf32>,
        %swap3A_616 = vector.shape_cast %swap3A_615 : vector<1x16xf32> to vector<16xf32>
        %swap3A_617 = vector.shape_cast %mul3A_612 : vector<16xf32> to vector<1x16xf32>
        tpu.vector_store %arg11[%swap3A_613, %swap3A_614], %swap3A_617 {strides = array<i32>} : memref<128x128xf32, #tpu.memory_space<vmem>>, vector<1x16xf32>,
        %get3A_618 = arith.index_cast %add3A_607 : i32 to index
        %get3A_619 = arith.constant 16 : index
        %get3A_620 = tpu.vector_load %arg11[%get3A_618, %get3A_619] {strides = array<i32>} : memref<128x128xf32, #tpu.memory_space<vmem>>, vector<1x16xf32>,
        %get3A_621 = vector.shape_cast %get3A_620 : vector<1x16xf32> to vector<16xf32>
        %mul3A_622 = arith.mulf %get3A_621, %gather3A_603 : vector<16xf32>
        %swap3A_623 = arith.index_cast %add3A_607 : i32 to index
        %swap3A_624 = arith.constant 16 : index
        %swap3A_625 = tpu.vector_load %arg11[%swap3A_623, %swap3A_624] {strides = array<i32>} : memref<128x128xf32, #tpu.memory_space<vmem>>, vector<1x16xf32>,
        %swap3A_626 = vector.shape_cast %swap3A_625 : vector<1x16xf32> to vector<16xf32>
        %swap3A_627 = vector.shape_cast %mul3A_622 : vector<16xf32> to vector<1x16xf32>
        tpu.vector_store %arg11[%swap3A_623, %swap3A_624], %swap3A_627 {strides = array<i32>} : memref<128x128xf32, #tpu.memory_space<vmem>>, vector<1x16xf32>,
        %get3A_628 = arith.index_cast %add3A_607 : i32 to index
        %get3A_629 = arith.constant 32 : index
        %get3A_630 = tpu.vector_load %arg11[%get3A_628, %get3A_629] {strides = array<i32>} : memref<128x128xf32, #tpu.memory_space<vmem>>, vector<1x16xf32>,
        %get3A_631 = vector.shape_cast %get3A_630 : vector<1x16xf32> to vector<16xf32>
        %mul3A_632 = arith.mulf %get3A_631, %gather3A_603 : vector<16xf32>
        %swap3A_633 = arith.index_cast %add3A_607 : i32 to index
        %swap3A_634 = arith.constant 32 : index
        %swap3A_635 = tpu.vector_load %arg11[%swap3A_633, %swap3A_634] {strides = array<i32>} : memref<128x128xf32, #tpu.memory_space<vmem>>, vector<1x16xf32>,
        %swap3A_636 = vector.shape_cast %swap3A_635 : vector<1x16xf32> to vector<16xf32>
        %swap3A_637 = vector.shape_cast %mul3A_632 : vector<16xf32> to vector<1x16xf32>
        tpu.vector_store %arg11[%swap3A_633, %swap3A_634], %swap3A_637 {strides = array<i32>} : memref<128x128xf32, #tpu.memory_space<vmem>>, vector<1x16xf32>,
        %get3A_638 = arith.index_cast %add3A_607 : i32 to index
        %get3A_639 = arith.constant 48 : index
        %get3A_640 = tpu.vector_load %arg11[%get3A_638, %get3A_639] {strides = array<i32>} : memref<128x128xf32, #tpu.memory_space<vmem>>, vector<1x16xf32>,
        %get3A_641 = vector.shape_cast %get3A_640 : vector<1x16xf32> to vector<16xf32>
        %mul3A_642 = arith.mulf %get3A_641, %gather3A_603 : vector<16xf32>
        %swap3A_643 = arith.index_cast %add3A_607 : i32 to index
        %swap3A_644 = arith.constant 48 : index
        %swap3A_645 = tpu.vector_load %arg11[%swap3A_643, %swap3A_644] {strides = array<i32>} : memref<128x128xf32, #tpu.memory_space<vmem>>, vector<1x16xf32>,
        %swap3A_646 = vector.shape_cast %swap3A_645 : vector<1x16xf32> to vector<16xf32>
        %swap3A_647 = vector.shape_cast %mul3A_642 : vector<16xf32> to vector<1x16xf32>
        tpu.vector_store %arg11[%swap3A_643, %swap3A_644], %swap3A_647 {strides = array<i32>} : memref<128x128xf32, #tpu.memory_space<vmem>>, vector<1x16xf32>,
        %get3A_648 = arith.index_cast %add3A_607 : i32 to index
        %get3A_649 = arith.constant 64 : index
        %get3A_650 = tpu.vector_load %arg11[%get3A_648, %get3A_649] {strides = array<i32>} : memref<128x128xf32, #tpu.memory_space<vmem>>, vector<1x16xf32>,
        %get3A_651 = vector.shape_cast %get3A_650 : vector<1x16xf32> to vector<16xf32>
        %mul3A_652 = arith.mulf %get3A_651, %gather3A_603 : vector<16xf32>
        %swap3A_653 = arith.index_cast %add3A_607 : i32 to index
        %swap3A_654 = arith.constant 64 : index
        %swap3A_655 = tpu.vector_load %arg11[%swap3A_653, %swap3A_654] {strides = array<i32>} : memref<128x128xf32, #tpu.memory_space<vmem>>, vector<1x16xf32>,
        %swap3A_656 = vector.shape_cast %swap3A_655 : vector<1x16xf32> to vector<16xf32>
        %swap3A_657 = vector.shape_cast %mul3A_652 : vector<16xf32> to vector<1x16xf32>
        tpu.vector_store %arg11[%swap3A_653, %swap3A_654], %swap3A_657 {strides = array<i32>} : memref<128x128xf32, #tpu.memory_space<vmem>>, vector<1x16xf32>,
        %get3A_658 = arith.index_cast %add3A_607 : i32 to index
        %get3A_659 = arith.constant 80 : index
        %get3A_660 = tpu.vector_load %arg11[%get3A_658, %get3A_659] {strides = array<i32>} : memref<128x128xf32, #tpu.memory_space<vmem>>, vector<1x16xf32>,
        %get3A_661 = vector.shape_cast %get3A_660 : vector<1x16xf32> to vector<16xf32>
        %mul3A_662 = arith.mulf %get3A_661, %gather3A_603 : vector<16xf32>
        %swap3A_663 = arith.index_cast %add3A_607 : i32 to index
        %swap3A_664 = arith.constant 80 : index
        %swap3A_665 = tpu.vector_load %arg11[%swap3A_663, %swap3A_664] {strides = array<i32>} : memref<128x128xf32, #tpu.memory_space<vmem>>, vector<1x16xf32>,
        %swap3A_666 = vector.shape_cast %swap3A_665 : vector<1x16xf32> to vector<16xf32>
        %swap3A_667 = vector.shape_cast %mul3A_662 : vector<16xf32> to vector<1x16xf32>
        tpu.vector_store %arg11[%swap3A_663, %swap3A_664], %swap3A_667 {strides = array<i32>} : memref<128x128xf32, #tpu.memory_space<vmem>>, vector<1x16xf32>,
        %get3A_668 = arith.index_cast %add3A_607 : i32 to index
        %get3A_669 = arith.constant 96 : index
        %get3A_670 = tpu.vector_load %arg11[%get3A_668, %get3A_669] {strides = array<i32>} : memref<128x128xf32, #tpu.memory_space<vmem>>, vector<1x16xf32>,
        %get3A_671 = vector.shape_cast %get3A_670 : vector<1x16xf32> to vector<16xf32>
        %mul3A_672 = arith.mulf %get3A_671, %gather3A_603 : vector<16xf32>
        %swap3A_673 = arith.index_cast %add3A_607 : i32 to index
        %swap3A_674 = arith.constant 96 : index
        %swap3A_675 = tpu.vector_load %arg11[%swap3A_673, %swap3A_674] {strides = array<i32>} : memref<128x128xf32, #tpu.memory_space<vmem>>, vector<1x16xf32>,
        %swap3A_676 = vector.shape_cast %swap3A_675 : vector<1x16xf32> to vector<16xf32>
        %swap3A_677 = vector.shape_cast %mul3A_672 : vector<16xf32> to vector<1x16xf32>
        tpu.vector_store %arg11[%swap3A_673, %swap3A_674], %swap3A_677 {strides = array<i32>} : memref<128x128xf32, #tpu.memory_space<vmem>>, vector<1x16xf32>,
        %get3A_678 = arith.index_cast %add3A_607 : i32 to index
        %get3A_679 = arith.constant 112 : index
        %get3A_680 = tpu.vector_load %arg11[%get3A_678, %get3A_679] {strides = array<i32>} : memref<128x128xf32, #tpu.memory_space<vmem>>, vector<1x16xf32>,
        %get3A_681 = vector.shape_cast %get3A_680 : vector<1x16xf32> to vector<16xf32>
        %mul3A_682 = arith.mulf %get3A_681, %gather3A_603 : vector<16xf32>
        %swap3A_683 = arith.index_cast %add3A_607 : i32 to index
        %swap3A_684 = arith.constant 112 : index
        %swap3A_685 = tpu.vector_load %arg11[%swap3A_683, %swap3A_684] {strides = array<i32>} : memref<128x128xf32, #tpu.memory_space<vmem>>, vector<1x16xf32>,
        %swap3A_686 = vector.shape_cast %swap3A_685 : vector<1x16xf32> to vector<16xf32>
        %swap3A_687 = vector.shape_cast %mul3A_682 : vector<16xf32> to vector<1x16xf32>
        tpu.vector_store %arg11[%swap3A_683, %swap3A_684], %swap3A_687 {strides = array<i32>} : memref<128x128xf32, #tpu.memory_space<vmem>>, vector<1x16xf32>,
        %broadcast_in_dim3A_688 = arith.constant 6 : i32
        %broadcast_in_dim3A_689 = vector.broadcast %broadcast_in_dim3A_688 : i32 to vector<16x1xi32>
        %gather3A_690 = vector.shape_cast %broadcast_in_dim3A_689 : vector<16x1xi32> to vector<16xi32>
        %gather3A_691 = tpu.dynamic_gather %get3A_161[%gather3A_690] in [0] : vector<16xf32>, vector<16xi32> -> vector<16xf32>
        %mul3A_692 = arith.constant 16 : i32
        %mul3A_693 = arith.muli %scan3A_155, %mul3A_692 : i32
        %add3A_694 = arith.constant 6 : i32
        %add3A_695 = arith.addi %mul3A_693, %add3A_694 : i32
        %get3A_696 = arith.index_cast %add3A_695 : i32 to index
        %get3A_697 = arith.constant 0 : index
        %get3A_698 = tpu.vector_load %arg11[%get3A_696, %get3A_697] {strides = array<i32>} : memref<128x128xf32, #tpu.memory_space<vmem>>, vector<1x16xf32>,
        %get3A_699 = vector.shape_cast %get3A_698 : vector<1x16xf32> to vector<16xf32>
        %mul3A_700 = arith.mulf %get3A_699, %gather3A_691 : vector<16xf32>
        %swap3A_701 = arith.index_cast %add3A_695 : i32 to index
        %swap3A_702 = arith.constant 0 : index
        %swap3A_703 = tpu.vector_load %arg11[%swap3A_701, %swap3A_702] {strides = array<i32>} : memref<128x128xf32, #tpu.memory_space<vmem>>, vector<1x16xf32>,
        %swap3A_704 = vector.shape_cast %swap3A_703 : vector<1x16xf32> to vector<16xf32>
        %swap3A_705 = vector.shape_cast %mul3A_700 : vector<16xf32> to vector<1x16xf32>
        tpu.vector_store %arg11[%swap3A_701, %swap3A_702], %swap3A_705 {strides = array<i32>} : memref<128x128xf32, #tpu.memory_space<vmem>>, vector<1x16xf32>,
        %get3A_706 = arith.index_cast %add3A_695 : i32 to index
        %get3A_707 = arith.constant 16 : index
        %get3A_708 = tpu.vector_load %arg11[%get3A_706, %get3A_707] {strides = array<i32>} : memref<128x128xf32, #tpu.memory_space<vmem>>, vector<1x16xf32>,
        %get3A_709 = vector.shape_cast %get3A_708 : vector<1x16xf32> to vector<16xf32>
        %mul3A_710 = arith.mulf %get3A_709, %gather3A_691 : vector<16xf32>
        %swap3A_711 = arith.index_cast %add3A_695 : i32 to index
        %swap3A_712 = arith.constant 16 : index
        %swap3A_713 = tpu.vector_load %arg11[%swap3A_711, %swap3A_712] {strides = array<i32>} : memref<128x128xf32, #tpu.memory_space<vmem>>, vector<1x16xf32>,
        %swap3A_714 = vector.shape_cast %swap3A_713 : vector<1x16xf32> to vector<16xf32>
        %swap3A_715 = vector.shape_cast %mul3A_710 : vector<16xf32> to vector<1x16xf32>
        tpu.vector_store %arg11[%swap3A_711, %swap3A_712], %swap3A_715 {strides = array<i32>} : memref<128x128xf32, #tpu.memory_space<vmem>>, vector<1x16xf32>,
        %get3A_716 = arith.index_cast %add3A_695 : i32 to index
        %get3A_717 = arith.constant 32 : index
        %get3A_718 = tpu.vector_load %arg11[%get3A_716, %get3A_717] {strides = array<i32>} : memref<128x128xf32, #tpu.memory_space<vmem>>, vector<1x16xf32>,
        %get3A_719 = vector.shape_cast %get3A_718 : vector<1x16xf32> to vector<16xf32>
        %mul3A_720 = arith.mulf %get3A_719, %gather3A_691 : vector<16xf32>
        %swap3A_721 = arith.index_cast %add3A_695 : i32 to index
        %swap3A_722 = arith.constant 32 : index
        %swap3A_723 = tpu.vector_load %arg11[%swap3A_721, %swap3A_722] {strides = array<i32>} : memref<128x128xf32, #tpu.memory_space<vmem>>, vector<1x16xf32>,
        %swap3A_724 = vector.shape_cast %swap3A_723 : vector<1x16xf32> to vector<16xf32>
        %swap3A_725 = vector.shape_cast %mul3A_720 : vector<16xf32> to vector<1x16xf32>
        tpu.vector_store %arg11[%swap3A_721, %swap3A_722], %swap3A_725 {strides = array<i32>} : memref<128x128xf32, #tpu.memory_space<vmem>>, vector<1x16xf32>,
        %get3A_726 = arith.index_cast %add3A_695 : i32 to index
        %get3A_727 = arith.constant 48 : index
        %get3A_728 = tpu.vector_load %arg11[%get3A_726, %get3A_727] {strides = array<i32>} : memref<128x128xf32, #tpu.memory_space<vmem>>, vector<1x16xf32>,
        %get3A_729 = vector.shape_cast %get3A_728 : vector<1x16xf32> to vector<16xf32>
        %mul3A_730 = arith.mulf %get3A_729, %gather3A_691 : vector<16xf32>
        %swap3A_731 = arith.index_cast %add3A_695 : i32 to index
        %swap3A_732 = arith.constant 48 : index
        %swap3A_733 = tpu.vector_load %arg11[%swap3A_731, %swap3A_732] {strides = array<i32>} : memref<128x128xf32, #tpu.memory_space<vmem>>, vector<1x16xf32>,
        %swap3A_734 = vector.shape_cast %swap3A_733 : vector<1x16xf32> to vector<16xf32>
        %swap3A_735 = vector.shape_cast %mul3A_730 : vector<16xf32> to vector<1x16xf32>
        tpu.vector_store %arg11[%swap3A_731, %swap3A_732], %swap3A_735 {strides = array<i32>} : memref<128x128xf32, #tpu.memory_space<vmem>>, vector<1x16xf32>,
        %get3A_736 = arith.index_cast %add3A_695 : i32 to index
        %get3A_737 = arith.constant 64 : index
        %get3A_738 = tpu.vector_load %arg11[%get3A_736, %get3A_737] {strides = array<i32>} : memref<128x128xf32, #tpu.memory_space<vmem>>, vector<1x16xf32>,
        %get3A_739 = vector.shape_cast %get3A_738 : vector<1x16xf32> to vector<16xf32>
        %mul3A_740 = arith.mulf %get3A_739, %gather3A_691 : vector<16xf32>
        %swap3A_741 = arith.index_cast %add3A_695 : i32 to index
        %swap3A_742 = arith.constant 64 : index
        %swap3A_743 = tpu.vector_load %arg11[%swap3A_741, %swap3A_742] {strides = array<i32>} : memref<128x128xf32, #tpu.memory_space<vmem>>, vector<1x16xf32>,
        %swap3A_744 = vector.shape_cast %swap3A_743 : vector<1x16xf32> to vector<16xf32>
        %swap3A_745 = vector.shape_cast %mul3A_740 : vector<16xf32> to vector<1x16xf32>
        tpu.vector_store %arg11[%swap3A_741, %swap3A_742], %swap3A_745 {strides = array<i32>} : memref<128x128xf32, #tpu.memory_space<vmem>>, vector<1x16xf32>,
        %get3A_746 = arith.index_cast %add3A_695 : i32 to index
        %get3A_747 = arith.constant 80 : index
        %get3A_748 = tpu.vector_load %arg11[%get3A_746, %get3A_747] {strides = array<i32>} : memref<128x128xf32, #tpu.memory_space<vmem>>, vector<1x16xf32>,
        %get3A_749 = vector.shape_cast %get3A_748 : vector<1x16xf32> to vector<16xf32>
        %mul3A_750 = arith.mulf %get3A_749, %gather3A_691 : vector<16xf32>
        %swap3A_751 = arith.index_cast %add3A_695 : i32 to index
        %swap3A_752 = arith.constant 80 : index
        %swap3A_753 = tpu.vector_load %arg11[%swap3A_751, %swap3A_752] {strides = array<i32>} : memref<128x128xf32, #tpu.memory_space<vmem>>, vector<1x16xf32>,
        %swap3A_754 = vector.shape_cast %swap3A_753 : vector<1x16xf32> to vector<16xf32>
        %swap3A_755 = vector.shape_cast %mul3A_750 : vector<16xf32> to vector<1x16xf32>
        tpu.vector_store %arg11[%swap3A_751, %swap3A_752], %swap3A_755 {strides = array<i32>} : memref<128x128xf32, #tpu.memory_space<vmem>>, vector<1x16xf32>,
        %get3A_756 = arith.index_cast %add3A_695 : i32 to index
        %get3A_757 = arith.constant 96 : index
        %get3A_758 = tpu.vector_load %arg11[%get3A_756, %get3A_757] {strides = array<i32>} : memref<128x128xf32, #tpu.memory_space<vmem>>, vector<1x16xf32>,
        %get3A_759 = vector.shape_cast %get3A_758 : vector<1x16xf32> to vector<16xf32>
        %mul3A_760 = arith.mulf %get3A_759, %gather3A_691 : vector<16xf32>
        %swap3A_761 = arith.index_cast %add3A_695 : i32 to index
        %swap3A_762 = arith.constant 96 : index
        %swap3A_763 = tpu.vector_load %arg11[%swap3A_761, %swap3A_762] {strides = array<i32>} : memref<128x128xf32, #tpu.memory_space<vmem>>, vector<1x16xf32>,
        %swap3A_764 = vector.shape_cast %swap3A_763 : vector<1x16xf32> to vector<16xf32>
        %swap3A_765 = vector.shape_cast %mul3A_760 : vector<16xf32> to vector<1x16xf32>
        tpu.vector_store %arg11[%swap3A_761, %swap3A_762], %swap3A_765 {strides = array<i32>} : memref<128x128xf32, #tpu.memory_space<vmem>>, vector<1x16xf32>,
        %get3A_766 = arith.index_cast %add3A_695 : i32 to index
        %get3A_767 = arith.constant 112 : index
        %get3A_768 = tpu.vector_load %arg11[%get3A_766, %get3A_767] {strides = array<i32>} : memref<128x128xf32, #tpu.memory_space<vmem>>, vector<1x16xf32>,
        %get3A_769 = vector.shape_cast %get3A_768 : vector<1x16xf32> to vector<16xf32>
        %mul3A_770 = arith.mulf %get3A_769, %gather3A_691 : vector<16xf32>
        %swap3A_771 = arith.index_cast %add3A_695 : i32 to index
        %swap3A_772 = arith.constant 112 : index
        %swap3A_773 = tpu.vector_load %arg11[%swap3A_771, %swap3A_772] {strides = array<i32>} : memref<128x128xf32, #tpu.memory_space<vmem>>, vector<1x16xf32>,
        %swap3A_774 = vector.shape_cast %swap3A_773 : vector<1x16xf32> to vector<16xf32>
        %swap3A_775 = vector.shape_cast %mul3A_770 : vector<16xf32> to vector<1x16xf32>
        tpu.vector_store %arg11[%swap3A_771, %swap3A_772], %swap3A_775 {strides = array<i32>} : memref<128x128xf32, #tpu.memory_space<vmem>>, vector<1x16xf32>,
        %broadcast_in_dim3A_776 = arith.constant 7 : i32
        %broadcast_in_dim3A_777 = vector.broadcast %broadcast_in_dim3A_776 : i32 to vector<16x1xi32>
        %gather3A_778 = vector.shape_cast %broadcast_in_dim3A_777 : vector<16x1xi32> to vector<16xi32>
        %gather3A_779 = tpu.dynamic_gather %get3A_161[%gather3A_778] in [0] : vector<16xf32>, vector<16xi32> -> vector<16xf32>
        %mul3A_780 = arith.constant 16 : i32
        %mul3A_781 = arith.muli %scan3A_155, %mul3A_780 : i32
        %add3A_782 = arith.constant 7 : i32
        %add3A_783 = arith.addi %mul3A_781, %add3A_782 : i32
        %get3A_784 = arith.index_cast %add3A_783 : i32 to index
        %get3A_785 = arith.constant 0 : index
        %get3A_786 = tpu.vector_load %arg11[%get3A_784, %get3A_785] {strides = array<i32>} : memref<128x128xf32, #tpu.memory_space<vmem>>, vector<1x16xf32>,
        %get3A_787 = vector.shape_cast %get3A_786 : vector<1x16xf32> to vector<16xf32>
        %mul3A_788 = arith.mulf %get3A_787, %gather3A_779 : vector<16xf32>
        %swap3A_789 = arith.index_cast %add3A_783 : i32 to index
        %swap3A_790 = arith.constant 0 : index
        %swap3A_791 = tpu.vector_load %arg11[%swap3A_789, %swap3A_790] {strides = array<i32>} : memref<128x128xf32, #tpu.memory_space<vmem>>, vector<1x16xf32>,
        %swap3A_792 = vector.shape_cast %swap3A_791 : vector<1x16xf32> to vector<16xf32>
        %swap3A_793 = vector.shape_cast %mul3A_788 : vector<16xf32> to vector<1x16xf32>
        tpu.vector_store %arg11[%swap3A_789, %swap3A_790], %swap3A_793 {strides = array<i32>} : memref<128x128xf32, #tpu.memory_space<vmem>>, vector<1x16xf32>,
        %get3A_794 = arith.index_cast %add3A_783 : i32 to index
        %get3A_795 = arith.constant 16 : index
        %get3A_796 = tpu.vector_load %arg11[%get3A_794, %get3A_795] {strides = array<i32>} : memref<128x128xf32, #tpu.memory_space<vmem>>, vector<1x16xf32>,
        %get3A_797 = vector.shape_cast %get3A_796 : vector<1x16xf32> to vector<16xf32>
        %mul3A_798 = arith.mulf %get3A_797, %gather3A_779 : vector<16xf32>
        %swap3A_799 = arith.index_cast %add3A_783 : i32 to index
        %swap3A_800 = arith.constant 16 : index
        %swap3A_801 = tpu.vector_load %arg11[%swap3A_799, %swap3A_800] {strides = array<i32>} : memref<128x128xf32, #tpu.memory_space<vmem>>, vector<1x16xf32>,
        %swap3A_802 = vector.shape_cast %swap3A_801 : vector<1x16xf32> to vector<16xf32>
        %swap3A_803 = vector.shape_cast %mul3A_798 : vector<16xf32> to vector<1x16xf32>
        tpu.vector_store %arg11[%swap3A_799, %swap3A_800], %swap3A_803 {strides = array<i32>} : memref<128x128xf32, #tpu.memory_space<vmem>>, vector<1x16xf32>,
        %get3A_804 = arith.index_cast %add3A_783 : i32 to index
        %get3A_805 = arith.constant 32 : index
        %get3A_806 = tpu.vector_load %arg11[%get3A_804, %get3A_805] {strides = array<i32>} : memref<128x128xf32, #tpu.memory_space<vmem>>, vector<1x16xf32>,
        %get3A_807 = vector.shape_cast %get3A_806 : vector<1x16xf32> to vector<16xf32>
        %mul3A_808 = arith.mulf %get3A_807, %gather3A_779 : vector<16xf32>
        %swap3A_809 = arith.index_cast %add3A_783 : i32 to index
        %swap3A_810 = arith.constant 32 : index
        %swap3A_811 = tpu.vector_load %arg11[%swap3A_809, %swap3A_810] {strides = array<i32>} : memref<128x128xf32, #tpu.memory_space<vmem>>, vector<1x16xf32>,
        %swap3A_812 = vector.shape_cast %swap3A_811 : vector<1x16xf32> to vector<16xf32>
        %swap3A_813 = vector.shape_cast %mul3A_808 : vector<16xf32> to vector<1x16xf32>
        tpu.vector_store %arg11[%swap3A_809, %swap3A_810], %swap3A_813 {strides = array<i32>} : memref<128x128xf32, #tpu.memory_space<vmem>>, vector<1x16xf32>,
        %get3A_814 = arith.index_cast %add3A_783 : i32 to index
        %get3A_815 = arith.constant 48 : index
        %get3A_816 = tpu.vector_load %arg11[%get3A_814, %get3A_815] {strides = array<i32>} : memref<128x128xf32, #tpu.memory_space<vmem>>, vector<1x16xf32>,
        %get3A_817 = vector.shape_cast %get3A_816 : vector<1x16xf32> to vector<16xf32>
        %mul3A_818 = arith.mulf %get3A_817, %gather3A_779 : vector<16xf32>
        %swap3A_819 = arith.index_cast %add3A_783 : i32 to index
        %swap3A_820 = arith.constant 48 : index
        %swap3A_821 = tpu.vector_load %arg11[%swap3A_819, %swap3A_820] {strides = array<i32>} : memref<128x128xf32, #tpu.memory_space<vmem>>, vector<1x16xf32>,
        %swap3A_822 = vector.shape_cast %swap3A_821 : vector<1x16xf32> to vector<16xf32>
        %swap3A_823 = vector.shape_cast %mul3A_818 : vector<16xf32> to vector<1x16xf32>
        tpu.vector_store %arg11[%swap3A_819, %swap3A_820], %swap3A_823 {strides = array<i32>} : memref<128x128xf32, #tpu.memory_space<vmem>>, vector<1x16xf32>,
        %get3A_824 = arith.index_cast %add3A_783 : i32 to index
        %get3A_825 = arith.constant 64 : index
        %get3A_826 = tpu.vector_load %arg11[%get3A_824, %get3A_825] {strides = array<i32>} : memref<128x128xf32, #tpu.memory_space<vmem>>, vector<1x16xf32>,
        %get3A_827 = vector.shape_cast %get3A_826 : vector<1x16xf32> to vector<16xf32>
        %mul3A_828 = arith.mulf %get3A_827, %gather3A_779 : vector<16xf32>
        %swap3A_829 = arith.index_cast %add3A_783 : i32 to index
        %swap3A_830 = arith.constant 64 : index
        %swap3A_831 = tpu.vector_load %arg11[%swap3A_829, %swap3A_830] {strides = array<i32>} : memref<128x128xf32, #tpu.memory_space<vmem>>, vector<1x16xf32>,
        %swap3A_832 = vector.shape_cast %swap3A_831 : vector<1x16xf32> to vector<16xf32>
        %swap3A_833 = vector.shape_cast %mul3A_828 : vector<16xf32> to vector<1x16xf32>
        tpu.vector_store %arg11[%swap3A_829, %swap3A_830], %swap3A_833 {strides = array<i32>} : memref<128x128xf32, #tpu.memory_space<vmem>>, vector<1x16xf32>,
        %get3A_834 = arith.index_cast %add3A_783 : i32 to index
        %get3A_835 = arith.constant 80 : index
        %get3A_836 = tpu.vector_load %arg11[%get3A_834, %get3A_835] {strides = array<i32>} : memref<128x128xf32, #tpu.memory_space<vmem>>, vector<1x16xf32>,
        %get3A_837 = vector.shape_cast %get3A_836 : vector<1x16xf32> to vector<16xf32>
        %mul3A_838 = arith.mulf %get3A_837, %gather3A_779 : vector<16xf32>
        %swap3A_839 = arith.index_cast %add3A_783 : i32 to index
        %swap3A_840 = arith.constant 80 : index
        %swap3A_841 = tpu.vector_load %arg11[%swap3A_839, %swap3A_840] {strides = array<i32>} : memref<128x128xf32, #tpu.memory_space<vmem>>, vector<1x16xf32>,
        %swap3A_842 = vector.shape_cast %swap3A_841 : vector<1x16xf32> to vector<16xf32>
        %swap3A_843 = vector.shape_cast %mul3A_838 : vector<16xf32> to vector<1x16xf32>
        tpu.vector_store %arg11[%swap3A_839, %swap3A_840], %swap3A_843 {strides = array<i32>} : memref<128x128xf32, #tpu.memory_space<vmem>>, vector<1x16xf32>,
        %get3A_844 = arith.index_cast %add3A_783 : i32 to index
        %get3A_845 = arith.constant 96 : index
        %get3A_846 = tpu.vector_load %arg11[%get3A_844, %get3A_845] {strides = array<i32>} : memref<128x128xf32, #tpu.memory_space<vmem>>, vector<1x16xf32>,
        %get3A_847 = vector.shape_cast %get3A_846 : vector<1x16xf32> to vector<16xf32>
        %mul3A_848 = arith.mulf %get3A_847, %gather3A_779 : vector<16xf32>
        %swap3A_849 = arith.index_cast %add3A_783 : i32 to index
        %swap3A_850 = arith.constant 96 : index
        %swap3A_851 = tpu.vector_load %arg11[%swap3A_849, %swap3A_850] {strides = array<i32>} : memref<128x128xf32, #tpu.memory_space<vmem>>, vector<1x16xf32>,
        %swap3A_852 = vector.shape_cast %swap3A_851 : vector<1x16xf32> to vector<16xf32>
        %swap3A_853 = vector.shape_cast %mul3A_848 : vector<16xf32> to vector<1x16xf32>
        tpu.vector_store %arg11[%swap3A_849, %swap3A_850], %swap3A_853 {strides = array<i32>} : memref<128x128xf32, #tpu.memory_space<vmem>>, vector<1x16xf32>,
        %get3A_854 = arith.index_cast %add3A_783 : i32 to index
        %get3A_855 = arith.constant 112 : index
        %get3A_856 = tpu.vector_load %arg11[%get3A_854, %get3A_855] {strides = array<i32>} : memref<128x128xf32, #tpu.memory_space<vmem>>, vector<1x16xf32>,
        %get3A_857 = vector.shape_cast %get3A_856 : vector<1x16xf32> to vector<16xf32>
        %mul3A_858 = arith.mulf %get3A_857, %gather3A_779 : vector<16xf32>
        %swap3A_859 = arith.index_cast %add3A_783 : i32 to index
        %swap3A_860 = arith.constant 112 : index
        %swap3A_861 = tpu.vector_load %arg11[%swap3A_859, %swap3A_860] {strides = array<i32>} : memref<128x128xf32, #tpu.memory_space<vmem>>, vector<1x16xf32>,
        %swap3A_862 = vector.shape_cast %swap3A_861 : vector<1x16xf32> to vector<16xf32>
        %swap3A_863 = vector.shape_cast %mul3A_858 : vector<16xf32> to vector<1x16xf32>
        tpu.vector_store %arg11[%swap3A_859, %swap3A_860], %swap3A_863 {strides = array<i32>} : memref<128x128xf32, #tpu.memory_space<vmem>>, vector<1x16xf32>,
        %broadcast_in_dim3A_864 = arith.constant 8 : i32
        %broadcast_in_dim3A_865 = vector.broadcast %broadcast_in_dim3A_864 : i32 to vector<16x1xi32>
        %gather3A_866 = vector.shape_cast %broadcast_in_dim3A_865 : vector<16x1xi32> to vector<16xi32>
        %gather3A_867 = tpu.dynamic_gather %get3A_161[%gather3A_866] in [0] : vector<16xf32>, vector<16xi32> -> vector<16xf32>
        %mul3A_868 = arith.constant 16 : i32
        %mul3A_869 = arith.muli %scan3A_155, %mul3A_868 : i32
        %add3A_870 = arith.constant 8 : i32
        %add3A_871 = arith.addi %mul3A_869, %add3A_870 : i32
        %get3A_872 = arith.index_cast %add3A_871 : i32 to index
        %get3A_873 = arith.constant 0 : index
        %get3A_874 = tpu.vector_load %arg11[%get3A_872, %get3A_873] {strides = array<i32>} : memref<128x128xf32, #tpu.memory_space<vmem>>, vector<1x16xf32>,
        %get3A_875 = vector.shape_cast %get3A_874 : vector<1x16xf32> to vector<16xf32>
        %mul3A_876 = arith.mulf %get3A_875, %gather3A_867 : vector<16xf32>
        %swap3A_877 = arith.index_cast %add3A_871 : i32 to index
        %swap3A_878 = arith.constant 0 : index
        %swap3A_879 = tpu.vector_load %arg11[%swap3A_877, %swap3A_878] {strides = array<i32>} : memref<128x128xf32, #tpu.memory_space<vmem>>, vector<1x16xf32>,
        %swap3A_880 = vector.shape_cast %swap3A_879 : vector<1x16xf32> to vector<16xf32>
        %swap3A_881 = vector.shape_cast %mul3A_876 : vector<16xf32> to vector<1x16xf32>
        tpu.vector_store %arg11[%swap3A_877, %swap3A_878], %swap3A_881 {strides = array<i32>} : memref<128x128xf32, #tpu.memory_space<vmem>>, vector<1x16xf32>,
        %get3A_882 = arith.index_cast %add3A_871 : i32 to index
        %get3A_883 = arith.constant 16 : index
        %get3A_884 = tpu.vector_load %arg11[%get3A_882, %get3A_883] {strides = array<i32>} : memref<128x128xf32, #tpu.memory_space<vmem>>, vector<1x16xf32>,
        %get3A_885 = vector.shape_cast %get3A_884 : vector<1x16xf32> to vector<16xf32>
        %mul3A_886 = arith.mulf %get3A_885, %gather3A_867 : vector<16xf32>
        %swap3A_887 = arith.index_cast %add3A_871 : i32 to index
        %swap3A_888 = arith.constant 16 : index
        %swap3A_889 = tpu.vector_load %arg11[%swap3A_887, %swap3A_888] {strides = array<i32>} : memref<128x128xf32, #tpu.memory_space<vmem>>, vector<1x16xf32>,
        %swap3A_890 = vector.shape_cast %swap3A_889 : vector<1x16xf32> to vector<16xf32>
        %swap3A_891 = vector.shape_cast %mul3A_886 : vector<16xf32> to vector<1x16xf32>
        tpu.vector_store %arg11[%swap3A_887, %swap3A_888], %swap3A_891 {strides = array<i32>} : memref<128x128xf32, #tpu.memory_space<vmem>>, vector<1x16xf32>,
        %get3A_892 = arith.index_cast %add3A_871 : i32 to index
        %get3A_893 = arith.constant 32 : index
        %get3A_894 = tpu.vector_load %arg11[%get3A_892, %get3A_893] {strides = array<i32>} : memref<128x128xf32, #tpu.memory_space<vmem>>, vector<1x16xf32>,
        %get3A_895 = vector.shape_cast %get3A_894 : vector<1x16xf32> to vector<16xf32>
        %mul3A_896 = arith.mulf %get3A_895, %gather3A_867 : vector<16xf32>
        %swap3A_897 = arith.index_cast %add3A_871 : i32 to index
        %swap3A_898 = arith.constant 32 : index
        %swap3A_899 = tpu.vector_load %arg11[%swap3A_897, %swap3A_898] {strides = array<i32>} : memref<128x128xf32, #tpu.memory_space<vmem>>, vector<1x16xf32>,
        %swap3A_900 = vector.shape_cast %swap3A_899 : vector<1x16xf32> to vector<16xf32>
        %swap3A_901 = vector.shape_cast %mul3A_896 : vector<16xf32> to vector<1x16xf32>
        tpu.vector_store %arg11[%swap3A_897, %swap3A_898], %swap3A_901 {strides = array<i32>} : memref<128x128xf32, #tpu.memory_space<vmem>>, vector<1x16xf32>,
        %get3A_902 = arith.index_cast %add3A_871 : i32 to index
        %get3A_903 = arith.constant 48 : index
        %get3A_904 = tpu.vector_load %arg11[%get3A_902, %get3A_903] {strides = array<i32>} : memref<128x128xf32, #tpu.memory_space<vmem>>, vector<1x16xf32>,
        %get3A_905 = vector.shape_cast %get3A_904 : vector<1x16xf32> to vector<16xf32>
        %mul3A_906 = arith.mulf %get3A_905, %gather3A_867 : vector<16xf32>
        %swap3A_907 = arith.index_cast %add3A_871 : i32 to index
        %swap3A_908 = arith.constant 48 : index
        %swap3A_909 = tpu.vector_load %arg11[%swap3A_907, %swap3A_908] {strides = array<i32>} : memref<128x128xf32, #tpu.memory_space<vmem>>, vector<1x16xf32>,
        %swap3A_910 = vector.shape_cast %swap3A_909 : vector<1x16xf32> to vector<16xf32>
        %swap3A_911 = vector.shape_cast %mul3A_906 : vector<16xf32> to vector<1x16xf32>
        tpu.vector_store %arg11[%swap3A_907, %swap3A_908], %swap3A_911 {strides = array<i32>} : memref<128x128xf32, #tpu.memory_space<vmem>>, vector<1x16xf32>,
        %get3A_912 = arith.index_cast %add3A_871 : i32 to index
        %get3A_913 = arith.constant 64 : index
        %get3A_914 = tpu.vector_load %arg11[%get3A_912, %get3A_913] {strides = array<i32>} : memref<128x128xf32, #tpu.memory_space<vmem>>, vector<1x16xf32>,
        %get3A_915 = vector.shape_cast %get3A_914 : vector<1x16xf32> to vector<16xf32>
        %mul3A_916 = arith.mulf %get3A_915, %gather3A_867 : vector<16xf32>
        %swap3A_917 = arith.index_cast %add3A_871 : i32 to index
        %swap3A_918 = arith.constant 64 : index
        %swap3A_919 = tpu.vector_load %arg11[%swap3A_917, %swap3A_918] {strides = array<i32>} : memref<128x128xf32, #tpu.memory_space<vmem>>, vector<1x16xf32>,
        %swap3A_920 = vector.shape_cast %swap3A_919 : vector<1x16xf32> to vector<16xf32>
        %swap3A_921 = vector.shape_cast %mul3A_916 : vector<16xf32> to vector<1x16xf32>
        tpu.vector_store %arg11[%swap3A_917, %swap3A_918], %swap3A_921 {strides = array<i32>} : memref<128x128xf32, #tpu.memory_space<vmem>>, vector<1x16xf32>,
        %get3A_922 = arith.index_cast %add3A_871 : i32 to index
        %get3A_923 = arith.constant 80 : index
        %get3A_924 = tpu.vector_load %arg11[%get3A_922, %get3A_923] {strides = array<i32>} : memref<128x128xf32, #tpu.memory_space<vmem>>, vector<1x16xf32>,
        %get3A_925 = vector.shape_cast %get3A_924 : vector<1x16xf32> to vector<16xf32>
        %mul3A_926 = arith.mulf %get3A_925, %gather3A_867 : vector<16xf32>
        %swap3A_927 = arith.index_cast %add3A_871 : i32 to index
        %swap3A_928 = arith.constant 80 : index
        %swap3A_929 = tpu.vector_load %arg11[%swap3A_927, %swap3A_928] {strides = array<i32>} : memref<128x128xf32, #tpu.memory_space<vmem>>, vector<1x16xf32>,
        %swap3A_930 = vector.shape_cast %swap3A_929 : vector<1x16xf32> to vector<16xf32>
        %swap3A_931 = vector.shape_cast %mul3A_926 : vector<16xf32> to vector<1x16xf32>
        tpu.vector_store %arg11[%swap3A_927, %swap3A_928], %swap3A_931 {strides = array<i32>} : memref<128x128xf32, #tpu.memory_space<vmem>>, vector<1x16xf32>,
        %get3A_932 = arith.index_cast %add3A_871 : i32 to index
        %get3A_933 = arith.constant 96 : index
        %get3A_934 = tpu.vector_load %arg11[%get3A_932, %get3A_933] {strides = array<i32>} : memref<128x128xf32, #tpu.memory_space<vmem>>, vector<1x16xf32>,
        %get3A_935 = vector.shape_cast %get3A_934 : vector<1x16xf32> to vector<16xf32>
        %mul3A_936 = arith.mulf %get3A_935, %gather3A_867 : vector<16xf32>
        %swap3A_937 = arith.index_cast %add3A_871 : i32 to index
        %swap3A_938 = arith.constant 96 : index
        %swap3A_939 = tpu.vector_load %arg11[%swap3A_937, %swap3A_938] {strides = array<i32>} : memref<128x128xf32, #tpu.memory_space<vmem>>, vector<1x16xf32>,
        %swap3A_940 = vector.shape_cast %swap3A_939 : vector<1x16xf32> to vector<16xf32>
        %swap3A_941 = vector.shape_cast %mul3A_936 : vector<16xf32> to vector<1x16xf32>
        tpu.vector_store %arg11[%swap3A_937, %swap3A_938], %swap3A_941 {strides = array<i32>} : memref<128x128xf32, #tpu.memory_space<vmem>>, vector<1x16xf32>,
        %get3A_942 = arith.index_cast %add3A_871 : i32 to index
        %get3A_943 = arith.constant 112 : index
        %get3A_944 = tpu.vector_load %arg11[%get3A_942, %get3A_943] {strides = array<i32>} : memref<128x128xf32, #tpu.memory_space<vmem>>, vector<1x16xf32>,
        %get3A_945 = vector.shape_cast %get3A_944 : vector<1x16xf32> to vector<16xf32>
        %mul3A_946 = arith.mulf %get3A_945, %gather3A_867 : vector<16xf32>
        %swap3A_947 = arith.index_cast %add3A_871 : i32 to index
        %swap3A_948 = arith.constant 112 : index
        %swap3A_949 = tpu.vector_load %arg11[%swap3A_947, %swap3A_948] {strides = array<i32>} : memref<128x128xf32, #tpu.memory_space<vmem>>, vector<1x16xf32>,
        %swap3A_950 = vector.shape_cast %swap3A_949 : vector<1x16xf32> to vector<16xf32>
        %swap3A_951 = vector.shape_cast %mul3A_946 : vector<16xf32> to vector<1x16xf32>
        tpu.vector_store %arg11[%swap3A_947, %swap3A_948], %swap3A_951 {strides = array<i32>} : memref<128x128xf32, #tpu.memory_space<vmem>>, vector<1x16xf32>,
        %broadcast_in_dim3A_952 = arith.constant 9 : i32
        %broadcast_in_dim3A_953 = vector.broadcast %broadcast_in_dim3A_952 : i32 to vector<16x1xi32>
        %gather3A_954 = vector.shape_cast %broadcast_in_dim3A_953 : vector<16x1xi32> to vector<16xi32>
        %gather3A_955 = tpu.dynamic_gather %get3A_161[%gather3A_954] in [0] : vector<16xf32>, vector<16xi32> -> vector<16xf32>
        %mul3A_956 = arith.constant 16 : i32
        %mul3A_957 = arith.muli %scan3A_155, %mul3A_956 : i32
        %add3A_958 = arith.constant 9 : i32
        %add3A_959 = arith.addi %mul3A_957, %add3A_958 : i32
        %get3A_960 = arith.index_cast %add3A_959 : i32 to index
        %get3A_961 = arith.constant 0 : index
        %get3A_962 = tpu.vector_load %arg11[%get3A_960, %get3A_961] {strides = array<i32>} : memref<128x128xf32, #tpu.memory_space<vmem>>, vector<1x16xf32>,
        %get3A_963 = vector.shape_cast %get3A_962 : vector<1x16xf32> to vector<16xf32>
        %mul3A_964 = arith.mulf %get3A_963, %gather3A_955 : vector<16xf32>
        %swap3A_965 = arith.index_cast %add3A_959 : i32 to index
        %swap3A_966 = arith.constant 0 : index
        %swap3A_967 = tpu.vector_load %arg11[%swap3A_965, %swap3A_966] {strides = array<i32>} : memref<128x128xf32, #tpu.memory_space<vmem>>, vector<1x16xf32>,
        %swap3A_968 = vector.shape_cast %swap3A_967 : vector<1x16xf32> to vector<16xf32>
        %swap3A_969 = vector.shape_cast %mul3A_964 : vector<16xf32> to vector<1x16xf32>
        tpu.vector_store %arg11[%swap3A_965, %swap3A_966], %swap3A_969 {strides = array<i32>} : memref<128x128xf32, #tpu.memory_space<vmem>>, vector<1x16xf32>,
        %get3A_970 = arith.index_cast %add3A_959 : i32 to index
        %get3A_971 = arith.constant 16 : index
        %get3A_972 = tpu.vector_load %arg11[%get3A_970, %get3A_971] {strides = array<i32>} : memref<128x128xf32, #tpu.memory_space<vmem>>, vector<1x16xf32>,
        %get3A_973 = vector.shape_cast %get3A_972 : vector<1x16xf32> to vector<16xf32>
        %mul3A_974 = arith.mulf %get3A_973, %gather3A_955 : vector<16xf32>
        %swap3A_975 = arith.index_cast %add3A_959 : i32 to index
        %swap3A_976 = arith.constant 16 : index
        %swap3A_977 = tpu.vector_load %arg11[%swap3A_975, %swap3A_976] {strides = array<i32>} : memref<128x128xf32, #tpu.memory_space<vmem>>, vector<1x16xf32>,
        %swap3A_978 = vector.shape_cast %swap3A_977 : vector<1x16xf32> to vector<16xf32>
        %swap3A_979 = vector.shape_cast %mul3A_974 : vector<16xf32> to vector<1x16xf32>
        tpu.vector_store %arg11[%swap3A_975, %swap3A_976], %swap3A_979 {strides = array<i32>} : memref<128x128xf32, #tpu.memory_space<vmem>>, vector<1x16xf32>,
        %get3A_980 = arith.index_cast %add3A_959 : i32 to index
        %get3A_981 = arith.constant 32 : index
        %get3A_982 = tpu.vector_load %arg11[%get3A_980, %get3A_981] {strides = array<i32>} : memref<128x128xf32, #tpu.memory_space<vmem>>, vector<1x16xf32>,
        %get3A_983 = vector.shape_cast %get3A_982 : vector<1x16xf32> to vector<16xf32>
        %mul3A_984 = arith.mulf %get3A_983, %gather3A_955 : vector<16xf32>
        %swap3A_985 = arith.index_cast %add3A_959 : i32 to index
        %swap3A_986 = arith.constant 32 : index
        %swap3A_987 = tpu.vector_load %arg11[%swap3A_985, %swap3A_986] {strides = array<i32>} : memref<128x128xf32, #tpu.memory_space<vmem>>, vector<1x16xf32>,
        %swap3A_988 = vector.shape_cast %swap3A_987 : vector<1x16xf32> to vector<16xf32>
        %swap3A_989 = vector.shape_cast %mul3A_984 : vector<16xf32> to vector<1x16xf32>
        tpu.vector_store %arg11[%swap3A_985, %swap3A_986], %swap3A_989 {strides = array<i32>} : memref<128x128xf32, #tpu.memory_space<vmem>>, vector<1x16xf32>,
        %get3A_990 = arith.index_cast %add3A_959 : i32 to index
        %get3A_991 = arith.constant 48 : index
        %get3A_992 = tpu.vector_load %arg11[%get3A_990, %get3A_991] {strides = array<i32>} : memref<128x128xf32, #tpu.memory_space<vmem>>, vector<1x16xf32>,
        %get3A_993 = vector.shape_cast %get3A_992 : vector<1x16xf32> to vector<16xf32>
        %mul3A_994 = arith.mulf %get3A_993, %gather3A_955 : vector<16xf32>
        %swap3A_995 = arith.index_cast %add3A_959 : i32 to index
        %swap3A_996 = arith.constant 48 : index
        %swap3A_997 = tpu.vector_load %arg11[%swap3A_995, %swap3A_996] {strides = array<i32>} : memref<128x128xf32, #tpu.memory_space<vmem>>, vector<1x16xf32>,
        %swap3A_998 = vector.shape_cast %swap3A_997 : vector<1x16xf32> to vector<16xf32>
        %swap3A_999 = vector.shape_cast %mul3A_994 : vector<16xf32> to vector<1x16xf32>
        tpu.vector_store %arg11[%swap3A_995, %swap3A_996], %swap3A_999 {strides = array<i32>} : memref<128x128xf32, #tpu.memory_space<vmem>>, vector<1x16xf32>,
        %get3A_1000 = arith.index_cast %add3A_959 : i32 to index
        %get3A_1001 = arith.constant 64 : index
        %get3A_1002 = tpu.vector_load %arg11[%get3A_1000, %get3A_1001] {strides = array<i32>} : memref<128x128xf32, #tpu.memory_space<vmem>>, vector<1x16xf32>,
        %get3A_1003 = vector.shape_cast %get3A_1002 : vector<1x16xf32> to vector<16xf32>
        %mul3A_1004 = arith.mulf %get3A_1003, %gather3A_955 : vector<16xf32>
        %swap3A_1005 = arith.index_cast %add3A_959 : i32 to index
        %swap3A_1006 = arith.constant 64 : index
        %swap3A_1007 = tpu.vector_load %arg11[%swap3A_1005, %swap3A_1006] {strides = array<i32>} : memref<128x128xf32, #tpu.memory_space<vmem>>, vector<1x16xf32>,
        %swap3A_1008 = vector.shape_cast %swap3A_1007 : vector<1x16xf32> to vector<16xf32>
        %swap3A_1009 = vector.shape_cast %mul3A_1004 : vector<16xf32> to vector<1x16xf32>
        tpu.vector_store %arg11[%swap3A_1005, %swap3A_1006], %swap3A_1009 {strides = array<i32>} : memref<128x128xf32, #tpu.memory_space<vmem>>, vector<1x16xf32>,
        %get3A_1010 = arith.index_cast %add3A_959 : i32 to index
        %get3A_1011 = arith.constant 80 : index
        %get3A_1012 = tpu.vector_load %arg11[%get3A_1010, %get3A_1011] {strides = array<i32>} : memref<128x128xf32, #tpu.memory_space<vmem>>, vector<1x16xf32>,
        %get3A_1013 = vector.shape_cast %get3A_1012 : vector<1x16xf32> to vector<16xf32>
        %mul3A_1014 = arith.mulf %get3A_1013, %gather3A_955 : vector<16xf32>
        %swap3A_1015 = arith.index_cast %add3A_959 : i32 to index
        %swap3A_1016 = arith.constant 80 : index
        %swap3A_1017 = tpu.vector_load %arg11[%swap3A_1015, %swap3A_1016] {strides = array<i32>} : memref<128x128xf32, #tpu.memory_space<vmem>>, vector<1x16xf32>,
        %swap3A_1018 = vector.shape_cast %swap3A_1017 : vector<1x16xf32> to vector<16xf32>
        %swap3A_1019 = vector.shape_cast %mul3A_1014 : vector<16xf32> to vector<1x16xf32>
        tpu.vector_store %arg11[%swap3A_1015, %swap3A_1016], %swap3A_1019 {strides = array<i32>} : memref<128x128xf32, #tpu.memory_space<vmem>>, vector<1x16xf32>,
        %get3A_1020 = arith.index_cast %add3A_959 : i32 to index
        %get3A_1021 = arith.constant 96 : index
        %get3A_1022 = tpu.vector_load %arg11[%get3A_1020, %get3A_1021] {strides = array<i32>} : memref<128x128xf32, #tpu.memory_space<vmem>>, vector<1x16xf32>,
        %get3A_1023 = vector.shape_cast %get3A_1022 : vector<1x16xf32> to vector<16xf32>
        %mul3A_1024 = arith.mulf %get3A_1023, %gather3A_955 : vector<16xf32>
        %swap3A_1025 = arith.index_cast %add3A_959 : i32 to index
        %swap3A_1026 = arith.constant 96 : index
        %swap3A_1027 = tpu.vector_load %arg11[%swap3A_1025, %swap3A_1026] {strides = array<i32>} : memref<128x128xf32, #tpu.memory_space<vmem>>, vector<1x16xf32>,
        %swap3A_1028 = vector.shape_cast %swap3A_1027 : vector<1x16xf32> to vector<16xf32>
        %swap3A_1029 = vector.shape_cast %mul3A_1024 : vector<16xf32> to vector<1x16xf32>
        tpu.vector_store %arg11[%swap3A_1025, %swap3A_1026], %swap3A_1029 {strides = array<i32>} : memref<128x128xf32, #tpu.memory_space<vmem>>, vector<1x16xf32>,
        %get3A_1030 = arith.index_cast %add3A_959 : i32 to index
        %get3A_1031 = arith.constant 112 : index
        %get3A_1032 = tpu.vector_load %arg11[%get3A_1030, %get3A_1031] {strides = array<i32>} : memref<128x128xf32, #tpu.memory_space<vmem>>, vector<1x16xf32>,
        %get3A_1033 = vector.shape_cast %get3A_1032 : vector<1x16xf32> to vector<16xf32>
        %mul3A_1034 = arith.mulf %get3A_1033, %gather3A_955 : vector<16xf32>
        %swap3A_1035 = arith.index_cast %add3A_959 : i32 to index
        %swap3A_1036 = arith.constant 112 : index
        %swap3A_1037 = tpu.vector_load %arg11[%swap3A_1035, %swap3A_1036] {strides = array<i32>} : memref<128x128xf32, #tpu.memory_space<vmem>>, vector<1x16xf32>,
        %swap3A_1038 = vector.shape_cast %swap3A_1037 : vector<1x16xf32> to vector<16xf32>
        %swap3A_1039 = vector.shape_cast %mul3A_1034 : vector<16xf32> to vector<1x16xf32>
        tpu.vector_store %arg11[%swap3A_1035, %swap3A_1036], %swap3A_1039 {strides = array<i32>} : memref<128x128xf32, #tpu.memory_space<vmem>>, vector<1x16xf32>,
        %broadcast_in_dim3A_1040 = arith.constant 10 : i32
        %broadcast_in_dim3A_1041 = vector.broadcast %broadcast_in_dim3A_1040 : i32 to vector<16x1xi32>
        %gather3A_1042 = vector.shape_cast %broadcast_in_dim3A_1041 : vector<16x1xi32> to vector<16xi32>
        %gather3A_1043 = tpu.dynamic_gather %get3A_161[%gather3A_1042] in [0] : vector<16xf32>, vector<16xi32> -> vector<16xf32>
        %mul3A_1044 = arith.constant 16 : i32
        %mul3A_1045 = arith.muli %scan3A_155, %mul3A_1044 : i32
        %add3A_1046 = arith.constant 10 : i32
        %add3A_1047 = arith.addi %mul3A_1045, %add3A_1046 : i32
        %get3A_1048 = arith.index_cast %add3A_1047 : i32 to index
        %get3A_1049 = arith.constant 0 : index
        %get3A_1050 = tpu.vector_load %arg11[%get3A_1048, %get3A_1049] {strides = array<i32>} : memref<128x128xf32, #tpu.memory_space<vmem>>, vector<1x16xf32>,
        %get3A_1051 = vector.shape_cast %get3A_1050 : vector<1x16xf32> to vector<16xf32>
        %mul3A_1052 = arith.mulf %get3A_1051, %gather3A_1043 : vector<16xf32>
        %swap3A_1053 = arith.index_cast %add3A_1047 : i32 to index
        %swap3A_1054 = arith.constant 0 : index
        %swap3A_1055 = tpu.vector_load %arg11[%swap3A_1053, %swap3A_1054] {strides = array<i32>} : memref<128x128xf32, #tpu.memory_space<vmem>>, vector<1x16xf32>,
        %swap3A_1056 = vector.shape_cast %swap3A_1055 : vector<1x16xf32> to vector<16xf32>
        %swap3A_1057 = vector.shape_cast %mul3A_1052 : vector<16xf32> to vector<1x16xf32>
        tpu.vector_store %arg11[%swap3A_1053, %swap3A_1054], %swap3A_1057 {strides = array<i32>} : memref<128x128xf32, #tpu.memory_space<vmem>>, vector<1x16xf32>,
        %get3A_1058 = arith.index_cast %add3A_1047 : i32 to index
        %get3A_1059 = arith.constant 16 : index
        %get3A_1060 = tpu.vector_load %arg11[%get3A_1058, %get3A_1059] {strides = array<i32>} : memref<128x128xf32, #tpu.memory_space<vmem>>, vector<1x16xf32>,
        %get3A_1061 = vector.shape_cast %get3A_1060 : vector<1x16xf32> to vector<16xf32>
        %mul3A_1062 = arith.mulf %get3A_1061, %gather3A_1043 : vector<16xf32>
        %swap3A_1063 = arith.index_cast %add3A_1047 : i32 to index
        %swap3A_1064 = arith.constant 16 : index
        %swap3A_1065 = tpu.vector_load %arg11[%swap3A_1063, %swap3A_1064] {strides = array<i32>} : memref<128x128xf32, #tpu.memory_space<vmem>>, vector<1x16xf32>,
        %swap3A_1066 = vector.shape_cast %swap3A_1065 : vector<1x16xf32> to vector<16xf32>
        %swap3A_1067 = vector.shape_cast %mul3A_1062 : vector<16xf32> to vector<1x16xf32>
        tpu.vector_store %arg11[%swap3A_1063, %swap3A_1064], %swap3A_1067 {strides = array<i32>} : memref<128x128xf32, #tpu.memory_space<vmem>>, vector<1x16xf32>,
        %get3A_1068 = arith.index_cast %add3A_1047 : i32 to index
        %get3A_1069 = arith.constant 32 : index
        %get3A_1070 = tpu.vector_load %arg11[%get3A_1068, %get3A_1069] {strides = array<i32>} : memref<128x128xf32, #tpu.memory_space<vmem>>, vector<1x16xf32>,
        %get3A_1071 = vector.shape_cast %get3A_1070 : vector<1x16xf32> to vector<16xf32>
        %mul3A_1072 = arith.mulf %get3A_1071, %gather3A_1043 : vector<16xf32>
        %swap3A_1073 = arith.index_cast %add3A_1047 : i32 to index
        %swap3A_1074 = arith.constant 32 : index
        %swap3A_1075 = tpu.vector_load %arg11[%swap3A_1073, %swap3A_1074] {strides = array<i32>} : memref<128x128xf32, #tpu.memory_space<vmem>>, vector<1x16xf32>,
        %swap3A_1076 = vector.shape_cast %swap3A_1075 : vector<1x16xf32> to vector<16xf32>
        %swap3A_1077 = vector.shape_cast %mul3A_1072 : vector<16xf32> to vector<1x16xf32>
        tpu.vector_store %arg11[%swap3A_1073, %swap3A_1074], %swap3A_1077 {strides = array<i32>} : memref<128x128xf32, #tpu.memory_space<vmem>>, vector<1x16xf32>,
        %get3A_1078 = arith.index_cast %add3A_1047 : i32 to index
        %get3A_1079 = arith.constant 48 : index
        %get3A_1080 = tpu.vector_load %arg11[%get3A_1078, %get3A_1079] {strides = array<i32>} : memref<128x128xf32, #tpu.memory_space<vmem>>, vector<1x16xf32>,
        %get3A_1081 = vector.shape_cast %get3A_1080 : vector<1x16xf32> to vector<16xf32>
        %mul3A_1082 = arith.mulf %get3A_1081, %gather3A_1043 : vector<16xf32>
        %swap3A_1083 = arith.index_cast %add3A_1047 : i32 to index
        %swap3A_1084 = arith.constant 48 : index
        %swap3A_1085 = tpu.vector_load %arg11[%swap3A_1083, %swap3A_1084] {strides = array<i32>} : memref<128x128xf32, #tpu.memory_space<vmem>>, vector<1x16xf32>,
        %swap3A_1086 = vector.shape_cast %swap3A_1085 : vector<1x16xf32> to vector<16xf32>
        %swap3A_1087 = vector.shape_cast %mul3A_1082 : vector<16xf32> to vector<1x16xf32>
        tpu.vector_store %arg11[%swap3A_1083, %swap3A_1084], %swap3A_1087 {strides = array<i32>} : memref<128x128xf32, #tpu.memory_space<vmem>>, vector<1x16xf32>,
        %get3A_1088 = arith.index_cast %add3A_1047 : i32 to index
        %get3A_1089 = arith.constant 64 : index
        %get3A_1090 = tpu.vector_load %arg11[%get3A_1088, %get3A_1089] {strides = array<i32>} : memref<128x128xf32, #tpu.memory_space<vmem>>, vector<1x16xf32>,
        %get3A_1091 = vector.shape_cast %get3A_1090 : vector<1x16xf32> to vector<16xf32>
        %mul3A_1092 = arith.mulf %get3A_1091, %gather3A_1043 : vector<16xf32>
        %swap3A_1093 = arith.index_cast %add3A_1047 : i32 to index
        %swap3A_1094 = arith.constant 64 : index
        %swap3A_1095 = tpu.vector_load %arg11[%swap3A_1093, %swap3A_1094] {strides = array<i32>} : memref<128x128xf32, #tpu.memory_space<vmem>>, vector<1x16xf32>,
        %swap3A_1096 = vector.shape_cast %swap3A_1095 : vector<1x16xf32> to vector<16xf32>
        %swap3A_1097 = vector.shape_cast %mul3A_1092 : vector<16xf32> to vector<1x16xf32>
        tpu.vector_store %arg11[%swap3A_1093, %swap3A_1094], %swap3A_1097 {strides = array<i32>} : memref<128x128xf32, #tpu.memory_space<vmem>>, vector<1x16xf32>,
        %get3A_1098 = arith.index_cast %add3A_1047 : i32 to index
        %get3A_1099 = arith.constant 80 : index
        %get3A_1100 = tpu.vector_load %arg11[%get3A_1098, %get3A_1099] {strides = array<i32>} : memref<128x128xf32, #tpu.memory_space<vmem>>, vector<1x16xf32>,
        %get3A_1101 = vector.shape_cast %get3A_1100 : vector<1x16xf32> to vector<16xf32>
        %mul3A_1102 = arith.mulf %get3A_1101, %gather3A_1043 : vector<16xf32>
        %swap3A_1103 = arith.index_cast %add3A_1047 : i32 to index
        %swap3A_1104 = arith.constant 80 : index
        %swap3A_1105 = tpu.vector_load %arg11[%swap3A_1103, %swap3A_1104] {strides = array<i32>} : memref<128x128xf32, #tpu.memory_space<vmem>>, vector<1x16xf32>,
        %swap3A_1106 = vector.shape_cast %swap3A_1105 : vector<1x16xf32> to vector<16xf32>
        %swap3A_1107 = vector.shape_cast %mul3A_1102 : vector<16xf32> to vector<1x16xf32>
        tpu.vector_store %arg11[%swap3A_1103, %swap3A_1104], %swap3A_1107 {strides = array<i32>} : memref<128x128xf32, #tpu.memory_space<vmem>>, vector<1x16xf32>,
        %get3A_1108 = arith.index_cast %add3A_1047 : i32 to index
        %get3A_1109 = arith.constant 96 : index
        %get3A_1110 = tpu.vector_load %arg11[%get3A_1108, %get3A_1109] {strides = array<i32>} : memref<128x128xf32, #tpu.memory_space<vmem>>, vector<1x16xf32>,
        %get3A_1111 = vector.shape_cast %get3A_1110 : vector<1x16xf32> to vector<16xf32>
        %mul3A_1112 = arith.mulf %get3A_1111, %gather3A_1043 : vector<16xf32>
        %swap3A_1113 = arith.index_cast %add3A_1047 : i32 to index
        %swap3A_1114 = arith.constant 96 : index
        %swap3A_1115 = tpu.vector_load %arg11[%swap3A_1113, %swap3A_1114] {strides = array<i32>} : memref<128x128xf32, #tpu.memory_space<vmem>>, vector<1x16xf32>,
        %swap3A_1116 = vector.shape_cast %swap3A_1115 : vector<1x16xf32> to vector<16xf32>
        %swap3A_1117 = vector.shape_cast %mul3A_1112 : vector<16xf32> to vector<1x16xf32>
        tpu.vector_store %arg11[%swap3A_1113, %swap3A_1114], %swap3A_1117 {strides = array<i32>} : memref<128x128xf32, #tpu.memory_space<vmem>>, vector<1x16xf32>,
        %get3A_1118 = arith.index_cast %add3A_1047 : i32 to index
        %get3A_1119 = arith.constant 112 : index
        %get3A_1120 = tpu.vector_load %arg11[%get3A_1118, %get3A_1119] {strides = array<i32>} : memref<128x128xf32, #tpu.memory_space<vmem>>, vector<1x16xf32>,
        %get3A_1121 = vector.shape_cast %get3A_1120 : vector<1x16xf32> to vector<16xf32>
        %mul3A_1122 = arith.mulf %get3A_1121, %gather3A_1043 : vector<16xf32>
        %swap3A_1123 = arith.index_cast %add3A_1047 : i32 to index
        %swap3A_1124 = arith.constant 112 : index
        %swap3A_1125 = tpu.vector_load %arg11[%swap3A_1123, %swap3A_1124] {strides = array<i32>} : memref<128x128xf32, #tpu.memory_space<vmem>>, vector<1x16xf32>,
        %swap3A_1126 = vector.shape_cast %swap3A_1125 : vector<1x16xf32> to vector<16xf32>
        %swap3A_1127 = vector.shape_cast %mul3A_1122 : vector<16xf32> to vector<1x16xf32>
        tpu.vector_store %arg11[%swap3A_1123, %swap3A_1124], %swap3A_1127 {strides = array<i32>} : memref<128x128xf32, #tpu.memory_space<vmem>>, vector<1x16xf32>,
        %broadcast_in_dim3A_1128 = arith.constant 11 : i32
        %broadcast_in_dim3A_1129 = vector.broadcast %broadcast_in_dim3A_1128 : i32 to vector<16x1xi32>
        %gather3A_1130 = vector.shape_cast %broadcast_in_dim3A_1129 : vector<16x1xi32> to vector<16xi32>
        %gather3A_1131 = tpu.dynamic_gather %get3A_161[%gather3A_1130] in [0] : vector<16xf32>, vector<16xi32> -> vector<16xf32>
        %mul3A_1132 = arith.constant 16 : i32
        %mul3A_1133 = arith.muli %scan3A_155, %mul3A_1132 : i32
        %add3A_1134 = arith.constant 11 : i32
        %add3A_1135 = arith.addi %mul3A_1133, %add3A_1134 : i32
        %get3A_1136 = arith.index_cast %add3A_1135 : i32 to index
        %get3A_1137 = arith.constant 0 : index
        %get3A_1138 = tpu.vector_load %arg11[%get3A_1136, %get3A_1137] {strides = array<i32>} : memref<128x128xf32, #tpu.memory_space<vmem>>, vector<1x16xf32>,
        %get3A_1139 = vector.shape_cast %get3A_1138 : vector<1x16xf32> to vector<16xf32>
        %mul3A_1140 = arith.mulf %get3A_1139, %gather3A_1131 : vector<16xf32>
        %swap3A_1141 = arith.index_cast %add3A_1135 : i32 to index
        %swap3A_1142 = arith.constant 0 : index
        %swap3A_1143 = tpu.vector_load %arg11[%swap3A_1141, %swap3A_1142] {strides = array<i32>} : memref<128x128xf32, #tpu.memory_space<vmem>>, vector<1x16xf32>,
        %swap3A_1144 = vector.shape_cast %swap3A_1143 : vector<1x16xf32> to vector<16xf32>
        %swap3A_1145 = vector.shape_cast %mul3A_1140 : vector<16xf32> to vector<1x16xf32>
        tpu.vector_store %arg11[%swap3A_1141, %swap3A_1142], %swap3A_1145 {strides = array<i32>} : memref<128x128xf32, #tpu.memory_space<vmem>>, vector<1x16xf32>,
        %get3A_1146 = arith.index_cast %add3A_1135 : i32 to index
        %get3A_1147 = arith.constant 16 : index
        %get3A_1148 = tpu.vector_load %arg11[%get3A_1146, %get3A_1147] {strides = array<i32>} : memref<128x128xf32, #tpu.memory_space<vmem>>, vector<1x16xf32>,
        %get3A_1149 = vector.shape_cast %get3A_1148 : vector<1x16xf32> to vector<16xf32>
        %mul3A_1150 = arith.mulf %get3A_1149, %gather3A_1131 : vector<16xf32>
        %swap3A_1151 = arith.index_cast %add3A_1135 : i32 to index
        %swap3A_1152 = arith.constant 16 : index
        %swap3A_1153 = tpu.vector_load %arg11[%swap3A_1151, %swap3A_1152] {strides = array<i32>} : memref<128x128xf32, #tpu.memory_space<vmem>>, vector<1x16xf32>,
        %swap3A_1154 = vector.shape_cast %swap3A_1153 : vector<1x16xf32> to vector<16xf32>
        %swap3A_1155 = vector.shape_cast %mul3A_1150 : vector<16xf32> to vector<1x16xf32>
        tpu.vector_store %arg11[%swap3A_1151, %swap3A_1152], %swap3A_1155 {strides = array<i32>} : memref<128x128xf32, #tpu.memory_space<vmem>>, vector<1x16xf32>,
        %get3A_1156 = arith.index_cast %add3A_1135 : i32 to index
        %get3A_1157 = arith.constant 32 : index
        %get3A_1158 = tpu.vector_load %arg11[%get3A_1156, %get3A_1157] {strides = array<i32>} : memref<128x128xf32, #tpu.memory_space<vmem>>, vector<1x16xf32>,
        %get3A_1159 = vector.shape_cast %get3A_1158 : vector<1x16xf32> to vector<16xf32>
        %mul3A_1160 = arith.mulf %get3A_1159, %gather3A_1131 : vector<16xf32>
        %swap3A_1161 = arith.index_cast %add3A_1135 : i32 to index
        %swap3A_1162 = arith.constant 32 : index
        %swap3A_1163 = tpu.vector_load %arg11[%swap3A_1161, %swap3A_1162] {strides = array<i32>} : memref<128x128xf32, #tpu.memory_space<vmem>>, vector<1x16xf32>,
        %swap3A_1164 = vector.shape_cast %swap3A_1163 : vector<1x16xf32> to vector<16xf32>
        %swap3A_1165 = vector.shape_cast %mul3A_1160 : vector<16xf32> to vector<1x16xf32>
        tpu.vector_store %arg11[%swap3A_1161, %swap3A_1162], %swap3A_1165 {strides = array<i32>} : memref<128x128xf32, #tpu.memory_space<vmem>>, vector<1x16xf32>,
        %get3A_1166 = arith.index_cast %add3A_1135 : i32 to index
        %get3A_1167 = arith.constant 48 : index
        %get3A_1168 = tpu.vector_load %arg11[%get3A_1166, %get3A_1167] {strides = array<i32>} : memref<128x128xf32, #tpu.memory_space<vmem>>, vector<1x16xf32>,
        %get3A_1169 = vector.shape_cast %get3A_1168 : vector<1x16xf32> to vector<16xf32>
        %mul3A_1170 = arith.mulf %get3A_1169, %gather3A_1131 : vector<16xf32>
        %swap3A_1171 = arith.index_cast %add3A_1135 : i32 to index
        %swap3A_1172 = arith.constant 48 : index
        %swap3A_1173 = tpu.vector_load %arg11[%swap3A_1171, %swap3A_1172] {strides = array<i32>} : memref<128x128xf32, #tpu.memory_space<vmem>>, vector<1x16xf32>,
        %swap3A_1174 = vector.shape_cast %swap3A_1173 : vector<1x16xf32> to vector<16xf32>
        %swap3A_1175 = vector.shape_cast %mul3A_1170 : vector<16xf32> to vector<1x16xf32>
        tpu.vector_store %arg11[%swap3A_1171, %swap3A_1172], %swap3A_1175 {strides = array<i32>} : memref<128x128xf32, #tpu.memory_space<vmem>>, vector<1x16xf32>,
        %get3A_1176 = arith.index_cast %add3A_1135 : i32 to index
        %get3A_1177 = arith.constant 64 : index
        %get3A_1178 = tpu.vector_load %arg11[%get3A_1176, %get3A_1177] {strides = array<i32>} : memref<128x128xf32, #tpu.memory_space<vmem>>, vector<1x16xf32>,
        %get3A_1179 = vector.shape_cast %get3A_1178 : vector<1x16xf32> to vector<16xf32>
        %mul3A_1180 = arith.mulf %get3A_1179, %gather3A_1131 : vector<16xf32>
        %swap3A_1181 = arith.index_cast %add3A_1135 : i32 to index
        %swap3A_1182 = arith.constant 64 : index
        %swap3A_1183 = tpu.vector_load %arg11[%swap3A_1181, %swap3A_1182] {strides = array<i32>} : memref<128x128xf32, #tpu.memory_space<vmem>>, vector<1x16xf32>,
        %swap3A_1184 = vector.shape_cast %swap3A_1183 : vector<1x16xf32> to vector<16xf32>
        %swap3A_1185 = vector.shape_cast %mul3A_1180 : vector<16xf32> to vector<1x16xf32>
        tpu.vector_store %arg11[%swap3A_1181, %swap3A_1182], %swap3A_1185 {strides = array<i32>} : memref<128x128xf32, #tpu.memory_space<vmem>>, vector<1x16xf32>,
        %get3A_1186 = arith.index_cast %add3A_1135 : i32 to index
        %get3A_1187 = arith.constant 80 : index
        %get3A_1188 = tpu.vector_load %arg11[%get3A_1186, %get3A_1187] {strides = array<i32>} : memref<128x128xf32, #tpu.memory_space<vmem>>, vector<1x16xf32>,
        %get3A_1189 = vector.shape_cast %get3A_1188 : vector<1x16xf32> to vector<16xf32>
        %mul3A_1190 = arith.mulf %get3A_1189, %gather3A_1131 : vector<16xf32>
        %swap3A_1191 = arith.index_cast %add3A_1135 : i32 to index
        %swap3A_1192 = arith.constant 80 : index
        %swap3A_1193 = tpu.vector_load %arg11[%swap3A_1191, %swap3A_1192] {strides = array<i32>} : memref<128x128xf32, #tpu.memory_space<vmem>>, vector<1x16xf32>,
        %swap3A_1194 = vector.shape_cast %swap3A_1193 : vector<1x16xf32> to vector<16xf32>
        %swap3A_1195 = vector.shape_cast %mul3A_1190 : vector<16xf32> to vector<1x16xf32>
        tpu.vector_store %arg11[%swap3A_1191, %swap3A_1192], %swap3A_1195 {strides = array<i32>} : memref<128x128xf32, #tpu.memory_space<vmem>>, vector<1x16xf32>,
        %get3A_1196 = arith.index_cast %add3A_1135 : i32 to index
        %get3A_1197 = arith.constant 96 : index
        %get3A_1198 = tpu.vector_load %arg11[%get3A_1196, %get3A_1197] {strides = array<i32>} : memref<128x128xf32, #tpu.memory_space<vmem>>, vector<1x16xf32>,
        %get3A_1199 = vector.shape_cast %get3A_1198 : vector<1x16xf32> to vector<16xf32>
        %mul3A_1200 = arith.mulf %get3A_1199, %gather3A_1131 : vector<16xf32>
        %swap3A_1201 = arith.index_cast %add3A_1135 : i32 to index
        %swap3A_1202 = arith.constant 96 : index
        %swap3A_1203 = tpu.vector_load %arg11[%swap3A_1201, %swap3A_1202] {strides = array<i32>} : memref<128x128xf32, #tpu.memory_space<vmem>>, vector<1x16xf32>,
        %swap3A_1204 = vector.shape_cast %swap3A_1203 : vector<1x16xf32> to vector<16xf32>
        %swap3A_1205 = vector.shape_cast %mul3A_1200 : vector<16xf32> to vector<1x16xf32>
        tpu.vector_store %arg11[%swap3A_1201, %swap3A_1202], %swap3A_1205 {strides = array<i32>} : memref<128x128xf32, #tpu.memory_space<vmem>>, vector<1x16xf32>,
        %get3A_1206 = arith.index_cast %add3A_1135 : i32 to index
        %get3A_1207 = arith.constant 112 : index
        %get3A_1208 = tpu.vector_load %arg11[%get3A_1206, %get3A_1207] {strides = array<i32>} : memref<128x128xf32, #tpu.memory_space<vmem>>, vector<1x16xf32>,
        %get3A_1209 = vector.shape_cast %get3A_1208 : vector<1x16xf32> to vector<16xf32>
        %mul3A_1210 = arith.mulf %get3A_1209, %gather3A_1131 : vector<16xf32>
        %swap3A_1211 = arith.index_cast %add3A_1135 : i32 to index
        %swap3A_1212 = arith.constant 112 : index
        %swap3A_1213 = tpu.vector_load %arg11[%swap3A_1211, %swap3A_1212] {strides = array<i32>} : memref<128x128xf32, #tpu.memory_space<vmem>>, vector<1x16xf32>,
        %swap3A_1214 = vector.shape_cast %swap3A_1213 : vector<1x16xf32> to vector<16xf32>
        %swap3A_1215 = vector.shape_cast %mul3A_1210 : vector<16xf32> to vector<1x16xf32>
        tpu.vector_store %arg11[%swap3A_1211, %swap3A_1212], %swap3A_1215 {strides = array<i32>} : memref<128x128xf32, #tpu.memory_space<vmem>>, vector<1x16xf32>,
        %broadcast_in_dim3A_1216 = arith.constant 12 : i32
        %broadcast_in_dim3A_1217 = vector.broadcast %broadcast_in_dim3A_1216 : i32 to vector<16x1xi32>
        %gather3A_1218 = vector.shape_cast %broadcast_in_dim3A_1217 : vector<16x1xi32> to vector<16xi32>
        %gather3A_1219 = tpu.dynamic_gather %get3A_161[%gather3A_1218] in [0] : vector<16xf32>, vector<16xi32> -> vector<16xf32>
        %mul3A_1220 = arith.constant 16 : i32
        %mul3A_1221 = arith.muli %scan3A_155, %mul3A_1220 : i32
        %add3A_1222 = arith.constant 12 : i32
        %add3A_1223 = arith.addi %mul3A_1221, %add3A_1222 : i32
        %get3A_1224 = arith.index_cast %add3A_1223 : i32 to index
        %get3A_1225 = arith.constant 0 : index
        %get3A_1226 = tpu.vector_load %arg11[%get3A_1224, %get3A_1225] {strides = array<i32>} : memref<128x128xf32, #tpu.memory_space<vmem>>, vector<1x16xf32>,
        %get3A_1227 = vector.shape_cast %get3A_1226 : vector<1x16xf32> to vector<16xf32>
        %mul3A_1228 = arith.mulf %get3A_1227, %gather3A_1219 : vector<16xf32>
        %swap3A_1229 = arith.index_cast %add3A_1223 : i32 to index
        %swap3A_1230 = arith.constant 0 : index
        %swap3A_1231 = tpu.vector_load %arg11[%swap3A_1229, %swap3A_1230] {strides = array<i32>} : memref<128x128xf32, #tpu.memory_space<vmem>>, vector<1x16xf32>,
        %swap3A_1232 = vector.shape_cast %swap3A_1231 : vector<1x16xf32> to vector<16xf32>
        %swap3A_1233 = vector.shape_cast %mul3A_1228 : vector<16xf32> to vector<1x16xf32>
        tpu.vector_store %arg11[%swap3A_1229, %swap3A_1230], %swap3A_1233 {strides = array<i32>} : memref<128x128xf32, #tpu.memory_space<vmem>>, vector<1x16xf32>,
        %get3A_1234 = arith.index_cast %add3A_1223 : i32 to index
        %get3A_1235 = arith.constant 16 : index
        %get3A_1236 = tpu.vector_load %arg11[%get3A_1234, %get3A_1235] {strides = array<i32>} : memref<128x128xf32, #tpu.memory_space<vmem>>, vector<1x16xf32>,
        %get3A_1237 = vector.shape_cast %get3A_1236 : vector<1x16xf32> to vector<16xf32>
        %mul3A_1238 = arith.mulf %get3A_1237, %gather3A_1219 : vector<16xf32>
        %swap3A_1239 = arith.index_cast %add3A_1223 : i32 to index
        %swap3A_1240 = arith.constant 16 : index
        %swap3A_1241 = tpu.vector_load %arg11[%swap3A_1239, %swap3A_1240] {strides = array<i32>} : memref<128x128xf32, #tpu.memory_space<vmem>>, vector<1x16xf32>,
        %swap3A_1242 = vector.shape_cast %swap3A_1241 : vector<1x16xf32> to vector<16xf32>
        %swap3A_1243 = vector.shape_cast %mul3A_1238 : vector<16xf32> to vector<1x16xf32>
        tpu.vector_store %arg11[%swap3A_1239, %swap3A_1240], %swap3A_1243 {strides = array<i32>} : memref<128x128xf32, #tpu.memory_space<vmem>>, vector<1x16xf32>,
        %get3A_1244 = arith.index_cast %add3A_1223 : i32 to index
        %get3A_1245 = arith.constant 32 : index
        %get3A_1246 = tpu.vector_load %arg11[%get3A_1244, %get3A_1245] {strides = array<i32>} : memref<128x128xf32, #tpu.memory_space<vmem>>, vector<1x16xf32>,
        %get3A_1247 = vector.shape_cast %get3A_1246 : vector<1x16xf32> to vector<16xf32>
        %mul3A_1248 = arith.mulf %get3A_1247, %gather3A_1219 : vector<16xf32>
        %swap3A_1249 = arith.index_cast %add3A_1223 : i32 to index
        %swap3A_1250 = arith.constant 32 : index
        %swap3A_1251 = tpu.vector_load %arg11[%swap3A_1249, %swap3A_1250] {strides = array<i32>} : memref<128x128xf32, #tpu.memory_space<vmem>>, vector<1x16xf32>,
        %swap3A_1252 = vector.shape_cast %swap3A_1251 : vector<1x16xf32> to vector<16xf32>
        %swap3A_1253 = vector.shape_cast %mul3A_1248 : vector<16xf32> to vector<1x16xf32>
        tpu.vector_store %arg11[%swap3A_1249, %swap3A_1250], %swap3A_1253 {strides = array<i32>} : memref<128x128xf32, #tpu.memory_space<vmem>>, vector<1x16xf32>,
        %get3A_1254 = arith.index_cast %add3A_1223 : i32 to index
        %get3A_1255 = arith.constant 48 : index
        %get3A_1256 = tpu.vector_load %arg11[%get3A_1254, %get3A_1255] {strides = array<i32>} : memref<128x128xf32, #tpu.memory_space<vmem>>, vector<1x16xf32>,
        %get3A_1257 = vector.shape_cast %get3A_1256 : vector<1x16xf32> to vector<16xf32>
        %mul3A_1258 = arith.mulf %get3A_1257, %gather3A_1219 : vector<16xf32>
        %swap3A_1259 = arith.index_cast %add3A_1223 : i32 to index
        %swap3A_1260 = arith.constant 48 : index
        %swap3A_1261 = tpu.vector_load %arg11[%swap3A_1259, %swap3A_1260] {strides = array<i32>} : memref<128x128xf32, #tpu.memory_space<vmem>>, vector<1x16xf32>,
        %swap3A_1262 = vector.shape_cast %swap3A_1261 : vector<1x16xf32> to vector<16xf32>
        %swap3A_1263 = vector.shape_cast %mul3A_1258 : vector<16xf32> to vector<1x16xf32>
        tpu.vector_store %arg11[%swap3A_1259, %swap3A_1260], %swap3A_1263 {strides = array<i32>} : memref<128x128xf32, #tpu.memory_space<vmem>>, vector<1x16xf32>,
        %get3A_1264 = arith.index_cast %add3A_1223 : i32 to index
        %get3A_1265 = arith.constant 64 : index
        %get3A_1266 = tpu.vector_load %arg11[%get3A_1264, %get3A_1265] {strides = array<i32>} : memref<128x128xf32, #tpu.memory_space<vmem>>, vector<1x16xf32>,
        %get3A_1267 = vector.shape_cast %get3A_1266 : vector<1x16xf32> to vector<16xf32>
        %mul3A_1268 = arith.mulf %get3A_1267, %gather3A_1219 : vector<16xf32>
        %swap3A_1269 = arith.index_cast %add3A_1223 : i32 to index
        %swap3A_1270 = arith.constant 64 : index
        %swap3A_1271 = tpu.vector_load %arg11[%swap3A_1269, %swap3A_1270] {strides = array<i32>} : memref<128x128xf32, #tpu.memory_space<vmem>>, vector<1x16xf32>,
        %swap3A_1272 = vector.shape_cast %swap3A_1271 : vector<1x16xf32> to vector<16xf32>
        %swap3A_1273 = vector.shape_cast %mul3A_1268 : vector<16xf32> to vector<1x16xf32>
        tpu.vector_store %arg11[%swap3A_1269, %swap3A_1270], %swap3A_1273 {strides = array<i32>} : memref<128x128xf32, #tpu.memory_space<vmem>>, vector<1x16xf32>,
        %get3A_1274 = arith.index_cast %add3A_1223 : i32 to index
        %get3A_1275 = arith.constant 80 : index
        %get3A_1276 = tpu.vector_load %arg11[%get3A_1274, %get3A_1275] {strides = array<i32>} : memref<128x128xf32, #tpu.memory_space<vmem>>, vector<1x16xf32>,
        %get3A_1277 = vector.shape_cast %get3A_1276 : vector<1x16xf32> to vector<16xf32>
        %mul3A_1278 = arith.mulf %get3A_1277, %gather3A_1219 : vector<16xf32>
        %swap3A_1279 = arith.index_cast %add3A_1223 : i32 to index
        %swap3A_1280 = arith.constant 80 : index
        %swap3A_1281 = tpu.vector_load %arg11[%swap3A_1279, %swap3A_1280] {strides = array<i32>} : memref<128x128xf32, #tpu.memory_space<vmem>>, vector<1x16xf32>,
        %swap3A_1282 = vector.shape_cast %swap3A_1281 : vector<1x16xf32> to vector<16xf32>
        %swap3A_1283 = vector.shape_cast %mul3A_1278 : vector<16xf32> to vector<1x16xf32>
        tpu.vector_store %arg11[%swap3A_1279, %swap3A_1280], %swap3A_1283 {strides = array<i32>} : memref<128x128xf32, #tpu.memory_space<vmem>>, vector<1x16xf32>,
        %get3A_1284 = arith.index_cast %add3A_1223 : i32 to index
        %get3A_1285 = arith.constant 96 : index
        %get3A_1286 = tpu.vector_load %arg11[%get3A_1284, %get3A_1285] {strides = array<i32>} : memref<128x128xf32, #tpu.memory_space<vmem>>, vector<1x16xf32>,
        %get3A_1287 = vector.shape_cast %get3A_1286 : vector<1x16xf32> to vector<16xf32>
        %mul3A_1288 = arith.mulf %get3A_1287, %gather3A_1219 : vector<16xf32>
        %swap3A_1289 = arith.index_cast %add3A_1223 : i32 to index
        %swap3A_1290 = arith.constant 96 : index
        %swap3A_1291 = tpu.vector_load %arg11[%swap3A_1289, %swap3A_1290] {strides = array<i32>} : memref<128x128xf32, #tpu.memory_space<vmem>>, vector<1x16xf32>,
        %swap3A_1292 = vector.shape_cast %swap3A_1291 : vector<1x16xf32> to vector<16xf32>
        %swap3A_1293 = vector.shape_cast %mul3A_1288 : vector<16xf32> to vector<1x16xf32>
        tpu.vector_store %arg11[%swap3A_1289, %swap3A_1290], %swap3A_1293 {strides = array<i32>} : memref<128x128xf32, #tpu.memory_space<vmem>>, vector<1x16xf32>,
        %get3A_1294 = arith.index_cast %add3A_1223 : i32 to index
        %get3A_1295 = arith.constant 112 : index
        %get3A_1296 = tpu.vector_load %arg11[%get3A_1294, %get3A_1295] {strides = array<i32>} : memref<128x128xf32, #tpu.memory_space<vmem>>, vector<1x16xf32>,
        %get3A_1297 = vector.shape_cast %get3A_1296 : vector<1x16xf32> to vector<16xf32>
        %mul3A_1298 = arith.mulf %get3A_1297, %gather3A_1219 : vector<16xf32>
        %swap3A_1299 = arith.index_cast %add3A_1223 : i32 to index
        %swap3A_1300 = arith.constant 112 : index
        %swap3A_1301 = tpu.vector_load %arg11[%swap3A_1299, %swap3A_1300] {strides = array<i32>} : memref<128x128xf32, #tpu.memory_space<vmem>>, vector<1x16xf32>,
        %swap3A_1302 = vector.shape_cast %swap3A_1301 : vector<1x16xf32> to vector<16xf32>
        %swap3A_1303 = vector.shape_cast %mul3A_1298 : vector<16xf32> to vector<1x16xf32>
        tpu.vector_store %arg11[%swap3A_1299, %swap3A_1300], %swap3A_1303 {strides = array<i32>} : memref<128x128xf32, #tpu.memory_space<vmem>>, vector<1x16xf32>,
        %broadcast_in_dim3A_1304 = arith.constant 13 : i32
        %broadcast_in_dim3A_1305 = vector.broadcast %broadcast_in_dim3A_1304 : i32 to vector<16x1xi32>
        %gather3A_1306 = vector.shape_cast %broadcast_in_dim3A_1305 : vector<16x1xi32> to vector<16xi32>
        %gather3A_1307 = tpu.dynamic_gather %get3A_161[%gather3A_1306] in [0] : vector<16xf32>, vector<16xi32> -> vector<16xf32>
        %mul3A_1308 = arith.constant 16 : i32
        %mul3A_1309 = arith.muli %scan3A_155, %mul3A_1308 : i32
        %add3A_1310 = arith.constant 13 : i32
        %add3A_1311 = arith.addi %mul3A_1309, %add3A_1310 : i32
        %get3A_1312 = arith.index_cast %add3A_1311 : i32 to index
        %get3A_1313 = arith.constant 0 : index
        %get3A_1314 = tpu.vector_load %arg11[%get3A_1312, %get3A_1313] {strides = array<i32>} : memref<128x128xf32, #tpu.memory_space<vmem>>, vector<1x16xf32>,
        %get3A_1315 = vector.shape_cast %get3A_1314 : vector<1x16xf32> to vector<16xf32>
        %mul3A_1316 = arith.mulf %get3A_1315, %gather3A_1307 : vector<16xf32>
        %swap3A_1317 = arith.index_cast %add3A_1311 : i32 to index
        %swap3A_1318 = arith.constant 0 : index
        %swap3A_1319 = tpu.vector_load %arg11[%swap3A_1317, %swap3A_1318] {strides = array<i32>} : memref<128x128xf32, #tpu.memory_space<vmem>>, vector<1x16xf32>,
        %swap3A_1320 = vector.shape_cast %swap3A_1319 : vector<1x16xf32> to vector<16xf32>
        %swap3A_1321 = vector.shape_cast %mul3A_1316 : vector<16xf32> to vector<1x16xf32>
        tpu.vector_store %arg11[%swap3A_1317, %swap3A_1318], %swap3A_1321 {strides = array<i32>} : memref<128x128xf32, #tpu.memory_space<vmem>>, vector<1x16xf32>,
        %get3A_1322 = arith.index_cast %add3A_1311 : i32 to index
        %get3A_1323 = arith.constant 16 : index
        %get3A_1324 = tpu.vector_load %arg11[%get3A_1322, %get3A_1323] {strides = array<i32>} : memref<128x128xf32, #tpu.memory_space<vmem>>, vector<1x16xf32>,
        %get3A_1325 = vector.shape_cast %get3A_1324 : vector<1x16xf32> to vector<16xf32>
        %mul3A_1326 = arith.mulf %get3A_1325, %gather3A_1307 : vector<16xf32>
        %swap3A_1327 = arith.index_cast %add3A_1311 : i32 to index
        %swap3A_1328 = arith.constant 16 : index
        %swap3A_1329 = tpu.vector_load %arg11[%swap3A_1327, %swap3A_1328] {strides = array<i32>} : memref<128x128xf32, #tpu.memory_space<vmem>>, vector<1x16xf32>,
        %swap3A_1330 = vector.shape_cast %swap3A_1329 : vector<1x16xf32> to vector<16xf32>
        %swap3A_1331 = vector.shape_cast %mul3A_1326 : vector<16xf32> to vector<1x16xf32>
        tpu.vector_store %arg11[%swap3A_1327, %swap3A_1328], %swap3A_1331 {strides = array<i32>} : memref<128x128xf32, #tpu.memory_space<vmem>>, vector<1x16xf32>,
        %get3A_1332 = arith.index_cast %add3A_1311 : i32 to index
        %get3A_1333 = arith.constant 32 : index
        %get3A_1334 = tpu.vector_load %arg11[%get3A_1332, %get3A_1333] {strides = array<i32>} : memref<128x128xf32, #tpu.memory_space<vmem>>, vector<1x16xf32>,
        %get3A_1335 = vector.shape_cast %get3A_1334 : vector<1x16xf32> to vector<16xf32>
        %mul3A_1336 = arith.mulf %get3A_1335, %gather3A_1307 : vector<16xf32>
        %swap3A_1337 = arith.index_cast %add3A_1311 : i32 to index
        %swap3A_1338 = arith.constant 32 : index
        %swap3A_1339 = tpu.vector_load %arg11[%swap3A_1337, %swap3A_1338] {strides = array<i32>} : memref<128x128xf32, #tpu.memory_space<vmem>>, vector<1x16xf32>,
        %swap3A_1340 = vector.shape_cast %swap3A_1339 : vector<1x16xf32> to vector<16xf32>
        %swap3A_1341 = vector.shape_cast %mul3A_1336 : vector<16xf32> to vector<1x16xf32>
        tpu.vector_store %arg11[%swap3A_1337, %swap3A_1338], %swap3A_1341 {strides = array<i32>} : memref<128x128xf32, #tpu.memory_space<vmem>>, vector<1x16xf32>,
        %get3A_1342 = arith.index_cast %add3A_1311 : i32 to index
        %get3A_1343 = arith.constant 48 : index
        %get3A_1344 = tpu.vector_load %arg11[%get3A_1342, %get3A_1343] {strides = array<i32>} : memref<128x128xf32, #tpu.memory_space<vmem>>, vector<1x16xf32>,
        %get3A_1345 = vector.shape_cast %get3A_1344 : vector<1x16xf32> to vector<16xf32>
        %mul3A_1346 = arith.mulf %get3A_1345, %gather3A_1307 : vector<16xf32>
        %swap3A_1347 = arith.index_cast %add3A_1311 : i32 to index
        %swap3A_1348 = arith.constant 48 : index
        %swap3A_1349 = tpu.vector_load %arg11[%swap3A_1347, %swap3A_1348] {strides = array<i32>} : memref<128x128xf32, #tpu.memory_space<vmem>>, vector<1x16xf32>,
        %swap3A_1350 = vector.shape_cast %swap3A_1349 : vector<1x16xf32> to vector<16xf32>
        %swap3A_1351 = vector.shape_cast %mul3A_1346 : vector<16xf32> to vector<1x16xf32>
        tpu.vector_store %arg11[%swap3A_1347, %swap3A_1348], %swap3A_1351 {strides = array<i32>} : memref<128x128xf32, #tpu.memory_space<vmem>>, vector<1x16xf32>,
        %get3A_1352 = arith.index_cast %add3A_1311 : i32 to index
        %get3A_1353 = arith.constant 64 : index
        %get3A_1354 = tpu.vector_load %arg11[%get3A_1352, %get3A_1353] {strides = array<i32>} : memref<128x128xf32, #tpu.memory_space<vmem>>, vector<1x16xf32>,
        %get3A_1355 = vector.shape_cast %get3A_1354 : vector<1x16xf32> to vector<16xf32>
        %mul3A_1356 = arith.mulf %get3A_1355, %gather3A_1307 : vector<16xf32>
        %swap3A_1357 = arith.index_cast %add3A_1311 : i32 to index
        %swap3A_1358 = arith.constant 64 : index
        %swap3A_1359 = tpu.vector_load %arg11[%swap3A_1357, %swap3A_1358] {strides = array<i32>} : memref<128x128xf32, #tpu.memory_space<vmem>>, vector<1x16xf32>,
        %swap3A_1360 = vector.shape_cast %swap3A_1359 : vector<1x16xf32> to vector<16xf32>
        %swap3A_1361 = vector.shape_cast %mul3A_1356 : vector<16xf32> to vector<1x16xf32>
        tpu.vector_store %arg11[%swap3A_1357, %swap3A_1358], %swap3A_1361 {strides = array<i32>} : memref<128x128xf32, #tpu.memory_space<vmem>>, vector<1x16xf32>,
        %get3A_1362 = arith.index_cast %add3A_1311 : i32 to index
        %get3A_1363 = arith.constant 80 : index
        %get3A_1364 = tpu.vector_load %arg11[%get3A_1362, %get3A_1363] {strides = array<i32>} : memref<128x128xf32, #tpu.memory_space<vmem>>, vector<1x16xf32>,
        %get3A_1365 = vector.shape_cast %get3A_1364 : vector<1x16xf32> to vector<16xf32>
        %mul3A_1366 = arith.mulf %get3A_1365, %gather3A_1307 : vector<16xf32>
        %swap3A_1367 = arith.index_cast %add3A_1311 : i32 to index
        %swap3A_1368 = arith.constant 80 : index
        %swap3A_1369 = tpu.vector_load %arg11[%swap3A_1367, %swap3A_1368] {strides = array<i32>} : memref<128x128xf32, #tpu.memory_space<vmem>>, vector<1x16xf32>,
        %swap3A_1370 = vector.shape_cast %swap3A_1369 : vector<1x16xf32> to vector<16xf32>
        %swap3A_1371 = vector.shape_cast %mul3A_1366 : vector<16xf32> to vector<1x16xf32>
        tpu.vector_store %arg11[%swap3A_1367, %swap3A_1368], %swap3A_1371 {strides = array<i32>} : memref<128x128xf32, #tpu.memory_space<vmem>>, vector<1x16xf32>,
        %get3A_1372 = arith.index_cast %add3A_1311 : i32 to index
        %get3A_1373 = arith.constant 96 : index
        %get3A_1374 = tpu.vector_load %arg11[%get3A_1372, %get3A_1373] {strides = array<i32>} : memref<128x128xf32, #tpu.memory_space<vmem>>, vector<1x16xf32>,
        %get3A_1375 = vector.shape_cast %get3A_1374 : vector<1x16xf32> to vector<16xf32>
        %mul3A_1376 = arith.mulf %get3A_1375, %gather3A_1307 : vector<16xf32>
        %swap3A_1377 = arith.index_cast %add3A_1311 : i32 to index
        %swap3A_1378 = arith.constant 96 : index
        %swap3A_1379 = tpu.vector_load %arg11[%swap3A_1377, %swap3A_1378] {strides = array<i32>} : memref<128x128xf32, #tpu.memory_space<vmem>>, vector<1x16xf32>,
        %swap3A_1380 = vector.shape_cast %swap3A_1379 : vector<1x16xf32> to vector<16xf32>
        %swap3A_1381 = vector.shape_cast %mul3A_1376 : vector<16xf32> to vector<1x16xf32>
        tpu.vector_store %arg11[%swap3A_1377, %swap3A_1378], %swap3A_1381 {strides = array<i32>} : memref<128x128xf32, #tpu.memory_space<vmem>>, vector<1x16xf32>,
        %get3A_1382 = arith.index_cast %add3A_1311 : i32 to index
        %get3A_1383 = arith.constant 112 : index
        %get3A_1384 = tpu.vector_load %arg11[%get3A_1382, %get3A_1383] {strides = array<i32>} : memref<128x128xf32, #tpu.memory_space<vmem>>, vector<1x16xf32>,
        %get3A_1385 = vector.shape_cast %get3A_1384 : vector<1x16xf32> to vector<16xf32>
        %mul3A_1386 = arith.mulf %get3A_1385, %gather3A_1307 : vector<16xf32>
        %swap3A_1387 = arith.index_cast %add3A_1311 : i32 to index
        %swap3A_1388 = arith.constant 112 : index
        %swap3A_1389 = tpu.vector_load %arg11[%swap3A_1387, %swap3A_1388] {strides = array<i32>} : memref<128x128xf32, #tpu.memory_space<vmem>>, vector<1x16xf32>,
        %swap3A_1390 = vector.shape_cast %swap3A_1389 : vector<1x16xf32> to vector<16xf32>
        %swap3A_1391 = vector.shape_cast %mul3A_1386 : vector<16xf32> to vector<1x16xf32>
        tpu.vector_store %arg11[%swap3A_1387, %swap3A_1388], %swap3A_1391 {strides = array<i32>} : memref<128x128xf32, #tpu.memory_space<vmem>>, vector<1x16xf32>,
        %broadcast_in_dim3A_1392 = arith.constant 14 : i32
        %broadcast_in_dim3A_1393 = vector.broadcast %broadcast_in_dim3A_1392 : i32 to vector<16x1xi32>
        %gather3A_1394 = vector.shape_cast %broadcast_in_dim3A_1393 : vector<16x1xi32> to vector<16xi32>
        %gather3A_1395 = tpu.dynamic_gather %get3A_161[%gather3A_1394] in [0] : vector<16xf32>, vector<16xi32> -> vector<16xf32>
        %mul3A_1396 = arith.constant 16 : i32
        %mul3A_1397 = arith.muli %scan3A_155, %mul3A_1396 : i32
        %add3A_1398 = arith.constant 14 : i32
        %add3A_1399 = arith.addi %mul3A_1397, %add3A_1398 : i32
        %get3A_1400 = arith.index_cast %add3A_1399 : i32 to index
        %get3A_1401 = arith.constant 0 : index
        %get3A_1402 = tpu.vector_load %arg11[%get3A_1400, %get3A_1401] {strides = array<i32>} : memref<128x128xf32, #tpu.memory_space<vmem>>, vector<1x16xf32>,
        %get3A_1403 = vector.shape_cast %get3A_1402 : vector<1x16xf32> to vector<16xf32>
        %mul3A_1404 = arith.mulf %get3A_1403, %gather3A_1395 : vector<16xf32>
        %swap3A_1405 = arith.index_cast %add3A_1399 : i32 to index
        %swap3A_1406 = arith.constant 0 : index
        %swap3A_1407 = tpu.vector_load %arg11[%swap3A_1405, %swap3A_1406] {strides = array<i32>} : memref<128x128xf32, #tpu.memory_space<vmem>>, vector<1x16xf32>,
        %swap3A_1408 = vector.shape_cast %swap3A_1407 : vector<1x16xf32> to vector<16xf32>
        %swap3A_1409 = vector.shape_cast %mul3A_1404 : vector<16xf32> to vector<1x16xf32>
        tpu.vector_store %arg11[%swap3A_1405, %swap3A_1406], %swap3A_1409 {strides = array<i32>} : memref<128x128xf32, #tpu.memory_space<vmem>>, vector<1x16xf32>,
        %get3A_1410 = arith.index_cast %add3A_1399 : i32 to index
        %get3A_1411 = arith.constant 16 : index
        %get3A_1412 = tpu.vector_load %arg11[%get3A_1410, %get3A_1411] {strides = array<i32>} : memref<128x128xf32, #tpu.memory_space<vmem>>, vector<1x16xf32>,
        %get3A_1413 = vector.shape_cast %get3A_1412 : vector<1x16xf32> to vector<16xf32>
        %mul3A_1414 = arith.mulf %get3A_1413, %gather3A_1395 : vector<16xf32>
        %swap3A_1415 = arith.index_cast %add3A_1399 : i32 to index
        %swap3A_1416 = arith.constant 16 : index
        %swap3A_1417 = tpu.vector_load %arg11[%swap3A_1415, %swap3A_1416] {strides = array<i32>} : memref<128x128xf32, #tpu.memory_space<vmem>>, vector<1x16xf32>,
        %swap3A_1418 = vector.shape_cast %swap3A_1417 : vector<1x16xf32> to vector<16xf32>
        %swap3A_1419 = vector.shape_cast %mul3A_1414 : vector<16xf32> to vector<1x16xf32>
        tpu.vector_store %arg11[%swap3A_1415, %swap3A_1416], %swap3A_1419 {strides = array<i32>} : memref<128x128xf32, #tpu.memory_space<vmem>>, vector<1x16xf32>,
        %get3A_1420 = arith.index_cast %add3A_1399 : i32 to index
        %get3A_1421 = arith.constant 32 : index
        %get3A_1422 = tpu.vector_load %arg11[%get3A_1420, %get3A_1421] {strides = array<i32>} : memref<128x128xf32, #tpu.memory_space<vmem>>, vector<1x16xf32>,
        %get3A_1423 = vector.shape_cast %get3A_1422 : vector<1x16xf32> to vector<16xf32>
        %mul3A_1424 = arith.mulf %get3A_1423, %gather3A_1395 : vector<16xf32>
        %swap3A_1425 = arith.index_cast %add3A_1399 : i32 to index
        %swap3A_1426 = arith.constant 32 : index
        %swap3A_1427 = tpu.vector_load %arg11[%swap3A_1425, %swap3A_1426] {strides = array<i32>} : memref<128x128xf32, #tpu.memory_space<vmem>>, vector<1x16xf32>,
        %swap3A_1428 = vector.shape_cast %swap3A_1427 : vector<1x16xf32> to vector<16xf32>
        %swap3A_1429 = vector.shape_cast %mul3A_1424 : vector<16xf32> to vector<1x16xf32>
        tpu.vector_store %arg11[%swap3A_1425, %swap3A_1426], %swap3A_1429 {strides = array<i32>} : memref<128x128xf32, #tpu.memory_space<vmem>>, vector<1x16xf32>,
        %get3A_1430 = arith.index_cast %add3A_1399 : i32 to index
        %get3A_1431 = arith.constant 48 : index
        %get3A_1432 = tpu.vector_load %arg11[%get3A_1430, %get3A_1431] {strides = array<i32>} : memref<128x128xf32, #tpu.memory_space<vmem>>, vector<1x16xf32>,
        %get3A_1433 = vector.shape_cast %get3A_1432 : vector<1x16xf32> to vector<16xf32>
        %mul3A_1434 = arith.mulf %get3A_1433, %gather3A_1395 : vector<16xf32>
        %swap3A_1435 = arith.index_cast %add3A_1399 : i32 to index
        %swap3A_1436 = arith.constant 48 : index
        %swap3A_1437 = tpu.vector_load %arg11[%swap3A_1435, %swap3A_1436] {strides = array<i32>} : memref<128x128xf32, #tpu.memory_space<vmem>>, vector<1x16xf32>,
        %swap3A_1438 = vector.shape_cast %swap3A_1437 : vector<1x16xf32> to vector<16xf32>
        %swap3A_1439 = vector.shape_cast %mul3A_1434 : vector<16xf32> to vector<1x16xf32>
        tpu.vector_store %arg11[%swap3A_1435, %swap3A_1436], %swap3A_1439 {strides = array<i32>} : memref<128x128xf32, #tpu.memory_space<vmem>>, vector<1x16xf32>,
        %get3A_1440 = arith.index_cast %add3A_1399 : i32 to index
        %get3A_1441 = arith.constant 64 : index
        %get3A_1442 = tpu.vector_load %arg11[%get3A_1440, %get3A_1441] {strides = array<i32>} : memref<128x128xf32, #tpu.memory_space<vmem>>, vector<1x16xf32>,
        %get3A_1443 = vector.shape_cast %get3A_1442 : vector<1x16xf32> to vector<16xf32>
        %mul3A_1444 = arith.mulf %get3A_1443, %gather3A_1395 : vector<16xf32>
        %swap3A_1445 = arith.index_cast %add3A_1399 : i32 to index
        %swap3A_1446 = arith.constant 64 : index
        %swap3A_1447 = tpu.vector_load %arg11[%swap3A_1445, %swap3A_1446] {strides = array<i32>} : memref<128x128xf32, #tpu.memory_space<vmem>>, vector<1x16xf32>,
        %swap3A_1448 = vector.shape_cast %swap3A_1447 : vector<1x16xf32> to vector<16xf32>
        %swap3A_1449 = vector.shape_cast %mul3A_1444 : vector<16xf32> to vector<1x16xf32>
        tpu.vector_store %arg11[%swap3A_1445, %swap3A_1446], %swap3A_1449 {strides = array<i32>} : memref<128x128xf32, #tpu.memory_space<vmem>>, vector<1x16xf32>,
        %get3A_1450 = arith.index_cast %add3A_1399 : i32 to index
        %get3A_1451 = arith.constant 80 : index
        %get3A_1452 = tpu.vector_load %arg11[%get3A_1450, %get3A_1451] {strides = array<i32>} : memref<128x128xf32, #tpu.memory_space<vmem>>, vector<1x16xf32>,
        %get3A_1453 = vector.shape_cast %get3A_1452 : vector<1x16xf32> to vector<16xf32>
        %mul3A_1454 = arith.mulf %get3A_1453, %gather3A_1395 : vector<16xf32>
        %swap3A_1455 = arith.index_cast %add3A_1399 : i32 to index
        %swap3A_1456 = arith.constant 80 : index
        %swap3A_1457 = tpu.vector_load %arg11[%swap3A_1455, %swap3A_1456] {strides = array<i32>} : memref<128x128xf32, #tpu.memory_space<vmem>>, vector<1x16xf32>,
        %swap3A_1458 = vector.shape_cast %swap3A_1457 : vector<1x16xf32> to vector<16xf32>
        %swap3A_1459 = vector.shape_cast %mul3A_1454 : vector<16xf32> to vector<1x16xf32>
        tpu.vector_store %arg11[%swap3A_1455, %swap3A_1456], %swap3A_1459 {strides = array<i32>} : memref<128x128xf32, #tpu.memory_space<vmem>>, vector<1x16xf32>,
        %get3A_1460 = arith.index_cast %add3A_1399 : i32 to index
        %get3A_1461 = arith.constant 96 : index
        %get3A_1462 = tpu.vector_load %arg11[%get3A_1460, %get3A_1461] {strides = array<i32>} : memref<128x128xf32, #tpu.memory_space<vmem>>, vector<1x16xf32>,
        %get3A_1463 = vector.shape_cast %get3A_1462 : vector<1x16xf32> to vector<16xf32>
        %mul3A_1464 = arith.mulf %get3A_1463, %gather3A_1395 : vector<16xf32>
        %swap3A_1465 = arith.index_cast %add3A_1399 : i32 to index
        %swap3A_1466 = arith.constant 96 : index
        %swap3A_1467 = tpu.vector_load %arg11[%swap3A_1465, %swap3A_1466] {strides = array<i32>} : memref<128x128xf32, #tpu.memory_space<vmem>>, vector<1x16xf32>,
        %swap3A_1468 = vector.shape_cast %swap3A_1467 : vector<1x16xf32> to vector<16xf32>
        %swap3A_1469 = vector.shape_cast %mul3A_1464 : vector<16xf32> to vector<1x16xf32>
        tpu.vector_store %arg11[%swap3A_1465, %swap3A_1466], %swap3A_1469 {strides = array<i32>} : memref<128x128xf32, #tpu.memory_space<vmem>>, vector<1x16xf32>,
        %get3A_1470 = arith.index_cast %add3A_1399 : i32 to index
        %get3A_1471 = arith.constant 112 : index
        %get3A_1472 = tpu.vector_load %arg11[%get3A_1470, %get3A_1471] {strides = array<i32>} : memref<128x128xf32, #tpu.memory_space<vmem>>, vector<1x16xf32>,
        %get3A_1473 = vector.shape_cast %get3A_1472 : vector<1x16xf32> to vector<16xf32>
        %mul3A_1474 = arith.mulf %get3A_1473, %gather3A_1395 : vector<16xf32>
        %swap3A_1475 = arith.index_cast %add3A_1399 : i32 to index
        %swap3A_1476 = arith.constant 112 : index
        %swap3A_1477 = tpu.vector_load %arg11[%swap3A_1475, %swap3A_1476] {strides = array<i32>} : memref<128x128xf32, #tpu.memory_space<vmem>>, vector<1x16xf32>,
        %swap3A_1478 = vector.shape_cast %swap3A_1477 : vector<1x16xf32> to vector<16xf32>
        %swap3A_1479 = vector.shape_cast %mul3A_1474 : vector<16xf32> to vector<1x16xf32>
        tpu.vector_store %arg11[%swap3A_1475, %swap3A_1476], %swap3A_1479 {strides = array<i32>} : memref<128x128xf32, #tpu.memory_space<vmem>>, vector<1x16xf32>,
        %broadcast_in_dim3A_1480 = arith.constant 15 : i32
        %broadcast_in_dim3A_1481 = vector.broadcast %broadcast_in_dim3A_1480 : i32 to vector<16x1xi32>
        %gather3A_1482 = vector.shape_cast %broadcast_in_dim3A_1481 : vector<16x1xi32> to vector<16xi32>
        %gather3A_1483 = tpu.dynamic_gather %get3A_161[%gather3A_1482] in [0] : vector<16xf32>, vector<16xi32> -> vector<16xf32>
        %mul3A_1484 = arith.constant 16 : i32
        %mul3A_1485 = arith.muli %scan3A_155, %mul3A_1484 : i32
        %add3A_1486 = arith.constant 15 : i32
        %add3A_1487 = arith.addi %mul3A_1485, %add3A_1486 : i32
        %get3A_1488 = arith.index_cast %add3A_1487 : i32 to index
        %get3A_1489 = arith.constant 0 : index
        %get3A_1490 = tpu.vector_load %arg11[%get3A_1488, %get3A_1489] {strides = array<i32>} : memref<128x128xf32, #tpu.memory_space<vmem>>, vector<1x16xf32>,
        %get3A_1491 = vector.shape_cast %get3A_1490 : vector<1x16xf32> to vector<16xf32>
        %mul3A_1492 = arith.mulf %get3A_1491, %gather3A_1483 : vector<16xf32>
        %swap3A_1493 = arith.index_cast %add3A_1487 : i32 to index
        %swap3A_1494 = arith.constant 0 : index
        %swap3A_1495 = tpu.vector_load %arg11[%swap3A_1493, %swap3A_1494] {strides = array<i32>} : memref<128x128xf32, #tpu.memory_space<vmem>>, vector<1x16xf32>,
        %swap3A_1496 = vector.shape_cast %swap3A_1495 : vector<1x16xf32> to vector<16xf32>
        %swap3A_1497 = vector.shape_cast %mul3A_1492 : vector<16xf32> to vector<1x16xf32>
        tpu.vector_store %arg11[%swap3A_1493, %swap3A_1494], %swap3A_1497 {strides = array<i32>} : memref<128x128xf32, #tpu.memory_space<vmem>>, vector<1x16xf32>,
        %get3A_1498 = arith.index_cast %add3A_1487 : i32 to index
        %get3A_1499 = arith.constant 16 : index
        %get3A_1500 = tpu.vector_load %arg11[%get3A_1498, %get3A_1499] {strides = array<i32>} : memref<128x128xf32, #tpu.memory_space<vmem>>, vector<1x16xf32>,
        %get3A_1501 = vector.shape_cast %get3A_1500 : vector<1x16xf32> to vector<16xf32>
        %mul3A_1502 = arith.mulf %get3A_1501, %gather3A_1483 : vector<16xf32>
        %swap3A_1503 = arith.index_cast %add3A_1487 : i32 to index
        %swap3A_1504 = arith.constant 16 : index
        %swap3A_1505 = tpu.vector_load %arg11[%swap3A_1503, %swap3A_1504] {strides = array<i32>} : memref<128x128xf32, #tpu.memory_space<vmem>>, vector<1x16xf32>,
        %swap3A_1506 = vector.shape_cast %swap3A_1505 : vector<1x16xf32> to vector<16xf32>
        %swap3A_1507 = vector.shape_cast %mul3A_1502 : vector<16xf32> to vector<1x16xf32>
        tpu.vector_store %arg11[%swap3A_1503, %swap3A_1504], %swap3A_1507 {strides = array<i32>} : memref<128x128xf32, #tpu.memory_space<vmem>>, vector<1x16xf32>,
        %get3A_1508 = arith.index_cast %add3A_1487 : i32 to index
        %get3A_1509 = arith.constant 32 : index
        %get3A_1510 = tpu.vector_load %arg11[%get3A_1508, %get3A_1509] {strides = array<i32>} : memref<128x128xf32, #tpu.memory_space<vmem>>, vector<1x16xf32>,
        %get3A_1511 = vector.shape_cast %get3A_1510 : vector<1x16xf32> to vector<16xf32>
        %mul3A_1512 = arith.mulf %get3A_1511, %gather3A_1483 : vector<16xf32>
        %swap3A_1513 = arith.index_cast %add3A_1487 : i32 to index
        %swap3A_1514 = arith.constant 32 : index
        %swap3A_1515 = tpu.vector_load %arg11[%swap3A_1513, %swap3A_1514] {strides = array<i32>} : memref<128x128xf32, #tpu.memory_space<vmem>>, vector<1x16xf32>,
        %swap3A_1516 = vector.shape_cast %swap3A_1515 : vector<1x16xf32> to vector<16xf32>
        %swap3A_1517 = vector.shape_cast %mul3A_1512 : vector<16xf32> to vector<1x16xf32>
        tpu.vector_store %arg11[%swap3A_1513, %swap3A_1514], %swap3A_1517 {strides = array<i32>} : memref<128x128xf32, #tpu.memory_space<vmem>>, vector<1x16xf32>,
        %get3A_1518 = arith.index_cast %add3A_1487 : i32 to index
        %get3A_1519 = arith.constant 48 : index
        %get3A_1520 = tpu.vector_load %arg11[%get3A_1518, %get3A_1519] {strides = array<i32>} : memref<128x128xf32, #tpu.memory_space<vmem>>, vector<1x16xf32>,
        %get3A_1521 = vector.shape_cast %get3A_1520 : vector<1x16xf32> to vector<16xf32>
        %mul3A_1522 = arith.mulf %get3A_1521, %gather3A_1483 : vector<16xf32>
        %swap3A_1523 = arith.index_cast %add3A_1487 : i32 to index
        %swap3A_1524 = arith.constant 48 : index
        %swap3A_1525 = tpu.vector_load %arg11[%swap3A_1523, %swap3A_1524] {strides = array<i32>} : memref<128x128xf32, #tpu.memory_space<vmem>>, vector<1x16xf32>,
        %swap3A_1526 = vector.shape_cast %swap3A_1525 : vector<1x16xf32> to vector<16xf32>
        %swap3A_1527 = vector.shape_cast %mul3A_1522 : vector<16xf32> to vector<1x16xf32>
        tpu.vector_store %arg11[%swap3A_1523, %swap3A_1524], %swap3A_1527 {strides = array<i32>} : memref<128x128xf32, #tpu.memory_space<vmem>>, vector<1x16xf32>,
        %get3A_1528 = arith.index_cast %add3A_1487 : i32 to index
        %get3A_1529 = arith.constant 64 : index
        %get3A_1530 = tpu.vector_load %arg11[%get3A_1528, %get3A_1529] {strides = array<i32>} : memref<128x128xf32, #tpu.memory_space<vmem>>, vector<1x16xf32>,
        %get3A_1531 = vector.shape_cast %get3A_1530 : vector<1x16xf32> to vector<16xf32>
        %mul3A_1532 = arith.mulf %get3A_1531, %gather3A_1483 : vector<16xf32>
        %swap3A_1533 = arith.index_cast %add3A_1487 : i32 to index
        %swap3A_1534 = arith.constant 64 : index
        %swap3A_1535 = tpu.vector_load %arg11[%swap3A_1533, %swap3A_1534] {strides = array<i32>} : memref<128x128xf32, #tpu.memory_space<vmem>>, vector<1x16xf32>,
        %swap3A_1536 = vector.shape_cast %swap3A_1535 : vector<1x16xf32> to vector<16xf32>
        %swap3A_1537 = vector.shape_cast %mul3A_1532 : vector<16xf32> to vector<1x16xf32>
        tpu.vector_store %arg11[%swap3A_1533, %swap3A_1534], %swap3A_1537 {strides = array<i32>} : memref<128x128xf32, #tpu.memory_space<vmem>>, vector<1x16xf32>,
        %get3A_1538 = arith.index_cast %add3A_1487 : i32 to index
        %get3A_1539 = arith.constant 80 : index
        %get3A_1540 = tpu.vector_load %arg11[%get3A_1538, %get3A_1539] {strides = array<i32>} : memref<128x128xf32, #tpu.memory_space<vmem>>, vector<1x16xf32>,
        %get3A_1541 = vector.shape_cast %get3A_1540 : vector<1x16xf32> to vector<16xf32>
        %mul3A_1542 = arith.mulf %get3A_1541, %gather3A_1483 : vector<16xf32>
        %swap3A_1543 = arith.index_cast %add3A_1487 : i32 to index
        %swap3A_1544 = arith.constant 80 : index
        %swap3A_1545 = tpu.vector_load %arg11[%swap3A_1543, %swap3A_1544] {strides = array<i32>} : memref<128x128xf32, #tpu.memory_space<vmem>>, vector<1x16xf32>,
        %swap3A_1546 = vector.shape_cast %swap3A_1545 : vector<1x16xf32> to vector<16xf32>
        %swap3A_1547 = vector.shape_cast %mul3A_1542 : vector<16xf32> to vector<1x16xf32>
        tpu.vector_store %arg11[%swap3A_1543, %swap3A_1544], %swap3A_1547 {strides = array<i32>} : memref<128x128xf32, #tpu.memory_space<vmem>>, vector<1x16xf32>,
        %get3A_1548 = arith.index_cast %add3A_1487 : i32 to index
        %get3A_1549 = arith.constant 96 : index
        %get3A_1550 = tpu.vector_load %arg11[%get3A_1548, %get3A_1549] {strides = array<i32>} : memref<128x128xf32, #tpu.memory_space<vmem>>, vector<1x16xf32>,
        %get3A_1551 = vector.shape_cast %get3A_1550 : vector<1x16xf32> to vector<16xf32>
        %mul3A_1552 = arith.mulf %get3A_1551, %gather3A_1483 : vector<16xf32>
        %swap3A_1553 = arith.index_cast %add3A_1487 : i32 to index
        %swap3A_1554 = arith.constant 96 : index
        %swap3A_1555 = tpu.vector_load %arg11[%swap3A_1553, %swap3A_1554] {strides = array<i32>} : memref<128x128xf32, #tpu.memory_space<vmem>>, vector<1x16xf32>,
        %swap3A_1556 = vector.shape_cast %swap3A_1555 : vector<1x16xf32> to vector<16xf32>
        %swap3A_1557 = vector.shape_cast %mul3A_1552 : vector<16xf32> to vector<1x16xf32>
        tpu.vector_store %arg11[%swap3A_1553, %swap3A_1554], %swap3A_1557 {strides = array<i32>} : memref<128x128xf32, #tpu.memory_space<vmem>>, vector<1x16xf32>,
        %get3A_1558 = arith.index_cast %add3A_1487 : i32 to index
        %get3A_1559 = arith.constant 112 : index
        %get3A_1560 = tpu.vector_load %arg11[%get3A_1558, %get3A_1559] {strides = array<i32>} : memref<128x128xf32, #tpu.memory_space<vmem>>, vector<1x16xf32>,
        %get3A_1561 = vector.shape_cast %get3A_1560 : vector<1x16xf32> to vector<16xf32>
        %mul3A_1562 = arith.mulf %get3A_1561, %gather3A_1483 : vector<16xf32>
        %swap3A_1563 = arith.index_cast %add3A_1487 : i32 to index
        %swap3A_1564 = arith.constant 112 : index
        %swap3A_1565 = tpu.vector_load %arg11[%swap3A_1563, %swap3A_1564] {strides = array<i32>} : memref<128x128xf32, #tpu.memory_space<vmem>>, vector<1x16xf32>,
        %swap3A_1566 = vector.shape_cast %swap3A_1565 : vector<1x16xf32> to vector<16xf32>
        %swap3A_1567 = vector.shape_cast %mul3A_1562 : vector<16xf32> to vector<1x16xf32>
        tpu.vector_store %arg11[%swap3A_1563, %swap3A_1564], %swap3A_1567 {strides = array<i32>} : memref<128x128xf32, #tpu.memory_space<vmem>>, vector<1x16xf32>,
        %scan3A_1568 = arith.constant 0 : i32
        scf.yield %scan3A_1568 : i32
      }
      %scan3A_153 = arith.constant 8 : i32
      "tpu.region"() ({
        %run_scoped3A = tpu.sem_alloc : memref<!tpu.dma_semaphore, #tpu.memory_space<semaphore_mem>>
        %dma_start3A_155 = arith.constant 0 : i32
        %dma_start3A_156 = arith.constant 0 : i32
        %dma_start3A_157 = tpu.memref_slice %arg14[%dma_start3A_155, %dma_start3A_156] : memref<10000x128xf32, #tpu.memory_space<vmem_shared>> -> memref<10000x128xf32, #tpu.memory_space<vmem_shared>>
        tpu.enqueue_indirect_dma source(%arg11 : memref<128x128xf32, #tpu.memory_space<vmem>>) target(%dma_start3A_157 : memref<10000x128xf32, #tpu.memory_space<vmem_shared>>) offsets(%arg9 : memref<128xi32, #tpu.memory_space<vmem>>) semaphore(%run_scoped3A : memref<!tpu.dma_semaphore, #tpu.memory_space<semaphore_mem>>) {add = true}
        %dma_wait3A_158 = arith.constant 0 : i32
        %dma_wait3A_159 = arith.constant 0 : i32
        %dma_wait3A_160 = tpu.memref_slice %arg14[%dma_wait3A_158, %dma_wait3A_159] : memref<10000x128xf32, #tpu.memory_space<vmem_shared>> -> memref<10000x128xf32, #tpu.memory_space<vmem_shared>>
        tpu.wait_indirect_dma semaphore(%run_scoped3A : memref<!tpu.dma_semaphore, #tpu.memory_space<semaphore_mem>>) src(%arg11 : memref<128x128xf32, #tpu.memory_space<vmem>>) dst(%dma_wait3A_160 : memref<10000x128xf32, #tpu.memory_space<vmem_shared>>)
        tpu.yield
      }) : () -> ()
      %while3A_154 = arith.constant 0 : i32
      scf.yield %while3A_154 : i32
    }
    %barrier3A_52 = arith.constant 0 : index
    tpu.barrier barrier_id(%barrier3A_52)
    %add3A_53 = arith.constant 0 : i32
    %add3A_54 = arith.addi %mul3A_0, %add3A_53 : i32
    "tpu.region"() ({
      %run_scoped3A = tpu.sem_alloc : memref<!tpu.dma_semaphore, #tpu.memory_space<semaphore_mem>>
      %dma_start3A = arith.constant 0 : i32
      %dma_start3A_63 = tpu.memref_slice %arg7[%add3A_54, %arg0, %dma_start3A] : memref<10000x2x128xf32, #tpu.memory_space<hbm>> -> memref<125x1x128xf32, #tpu.memory_space<hbm>>
      %dma_start3A_64 = tpu.memref_squeeze %dma_start3A_63 : memref<125x1x128xf32, #tpu.memory_space<hbm>> -> memref<125x128xf32, #tpu.memory_space<hbm>>
      %dma_start3A_65 = arith.constant 0 : i32
      %dma_start3A_66 = tpu.memref_slice %arg14[%add3A_54, %dma_start3A_65] : memref<10000x128xf32, #tpu.memory_space<vmem_shared>> -> memref<125x128xf32, #tpu.memory_space<vmem_shared>>
      tpu.enqueue_dma source(%dma_start3A_66 : memref<125x128xf32, #tpu.memory_space<vmem_shared>>) target(%dma_start3A_64 : memref<125x128xf32, #tpu.memory_space<hbm>>) target_semaphore(%run_scoped3A : memref<!tpu.dma_semaphore, #tpu.memory_space<semaphore_mem>>)
      %dma_wait3A = arith.constant 0 : i32
      %dma_wait3A_67 = tpu.memref_slice %arg7[%add3A_54, %arg0, %dma_wait3A] : memref<10000x2x128xf32, #tpu.memory_space<hbm>> -> memref<125x1x128xf32, #tpu.memory_space<hbm>>
      %dma_wait3A_68 = tpu.memref_squeeze %dma_wait3A_67 : memref<125x1x128xf32, #tpu.memory_space<hbm>> -> memref<125x128xf32, #tpu.memory_space<hbm>>
      %dma_wait3A_69 = arith.constant 0 : i32
      %dma_wait3A_70 = tpu.memref_slice %arg14[%add3A_54, %dma_wait3A_69] : memref<10000x128xf32, #tpu.memory_space<vmem_shared>> -> memref<125x128xf32, #tpu.memory_space<vmem_shared>>
      tpu.wait_dma2 semaphore(%run_scoped3A : memref<!tpu.dma_semaphore, #tpu.memory_space<semaphore_mem>>) src(%dma_wait3A_70 : memref<125x128xf32, #tpu.memory_space<vmem_shared>>) dst(%dma_wait3A_68 : memref<125x128xf32, #tpu.memory_space<hbm>>)
      tpu.yield
    }) : () -> ()
    %add3A_55 = arith.constant 125 : i32
    %add3A_56 = arith.addi %mul3A_0, %add3A_55 : i32
    "tpu.region"() ({
      %run_scoped3A = tpu.sem_alloc : memref<!tpu.dma_semaphore, #tpu.memory_space<semaphore_mem>>
      %dma_start3A = arith.constant 0 : i32
      %dma_start3A_63 = tpu.memref_slice %arg7[%add3A_56, %arg0, %dma_start3A] : memref<10000x2x128xf32, #tpu.memory_space<hbm>> -> memref<125x1x128xf32, #tpu.memory_space<hbm>>
      %dma_start3A_64 = tpu.memref_squeeze %dma_start3A_63 : memref<125x1x128xf32, #tpu.memory_space<hbm>> -> memref<125x128xf32, #tpu.memory_space<hbm>>
      %dma_start3A_65 = arith.constant 0 : i32
      %dma_start3A_66 = tpu.memref_slice %arg14[%add3A_56, %dma_start3A_65] : memref<10000x128xf32, #tpu.memory_space<vmem_shared>> -> memref<125x128xf32, #tpu.memory_space<vmem_shared>>
      tpu.enqueue_dma source(%dma_start3A_66 : memref<125x128xf32, #tpu.memory_space<vmem_shared>>) target(%dma_start3A_64 : memref<125x128xf32, #tpu.memory_space<hbm>>) target_semaphore(%run_scoped3A : memref<!tpu.dma_semaphore, #tpu.memory_space<semaphore_mem>>)
      %dma_wait3A = arith.constant 0 : i32
      %dma_wait3A_67 = tpu.memref_slice %arg7[%add3A_56, %arg0, %dma_wait3A] : memref<10000x2x128xf32, #tpu.memory_space<hbm>> -> memref<125x1x128xf32, #tpu.memory_space<hbm>>
      %dma_wait3A_68 = tpu.memref_squeeze %dma_wait3A_67 : memref<125x1x128xf32, #tpu.memory_space<hbm>> -> memref<125x128xf32, #tpu.memory_space<hbm>>
      %dma_wait3A_69 = arith.constant 0 : i32
      %dma_wait3A_70 = tpu.memref_slice %arg14[%add3A_56, %dma_wait3A_69] : memref<10000x128xf32, #tpu.memory_space<vmem_shared>> -> memref<125x128xf32, #tpu.memory_space<vmem_shared>>
      tpu.wait_dma2 semaphore(%run_scoped3A : memref<!tpu.dma_semaphore, #tpu.memory_space<semaphore_mem>>) src(%dma_wait3A_70 : memref<125x128xf32, #tpu.memory_space<vmem_shared>>) dst(%dma_wait3A_68 : memref<125x128xf32, #tpu.memory_space<hbm>>)
      tpu.yield
    }) : () -> ()
    %add3A_57 = arith.constant 250 : i32
    %add3A_58 = arith.addi %mul3A_0, %add3A_57 : i32
    "tpu.region"() ({
      %run_scoped3A = tpu.sem_alloc : memref<!tpu.dma_semaphore, #tpu.memory_space<semaphore_mem>>
      %dma_start3A = arith.constant 0 : i32
      %dma_start3A_63 = tpu.memref_slice %arg7[%add3A_58, %arg0, %dma_start3A] : memref<10000x2x128xf32, #tpu.memory_space<hbm>> -> memref<125x1x128xf32, #tpu.memory_space<hbm>>
      %dma_start3A_64 = tpu.memref_squeeze %dma_start3A_63 : memref<125x1x128xf32, #tpu.memory_space<hbm>> -> memref<125x128xf32, #tpu.memory_space<hbm>>
      %dma_start3A_65 = arith.constant 0 : i32
      %dma_start3A_66 = tpu.memref_slice %arg14[%add3A_58, %dma_start3A_65] : memref<10000x128xf32, #tpu.memory_space<vmem_shared>> -> memref<125x128xf32, #tpu.memory_space<vmem_shared>>
      tpu.enqueue_dma source(%dma_start3A_66 : memref<125x128xf32, #tpu.memory_space<vmem_shared>>) target(%dma_start3A_64 : memref<125x128xf32, #tpu.memory_space<hbm>>) target_semaphore(%run_scoped3A : memref<!tpu.dma_semaphore, #tpu.memory_space<semaphore_mem>>)
      %dma_wait3A = arith.constant 0 : i32
      %dma_wait3A_67 = tpu.memref_slice %arg7[%add3A_58, %arg0, %dma_wait3A] : memref<10000x2x128xf32, #tpu.memory_space<hbm>> -> memref<125x1x128xf32, #tpu.memory_space<hbm>>
      %dma_wait3A_68 = tpu.memref_squeeze %dma_wait3A_67 : memref<125x1x128xf32, #tpu.memory_space<hbm>> -> memref<125x128xf32, #tpu.memory_space<hbm>>
      %dma_wait3A_69 = arith.constant 0 : i32
      %dma_wait3A_70 = tpu.memref_slice %arg14[%add3A_58, %dma_wait3A_69] : memref<10000x128xf32, #tpu.memory_space<vmem_shared>> -> memref<125x128xf32, #tpu.memory_space<vmem_shared>>
      tpu.wait_dma2 semaphore(%run_scoped3A : memref<!tpu.dma_semaphore, #tpu.memory_space<semaphore_mem>>) src(%dma_wait3A_70 : memref<125x128xf32, #tpu.memory_space<vmem_shared>>) dst(%dma_wait3A_68 : memref<125x128xf32, #tpu.memory_space<hbm>>)
      tpu.yield
    }) : () -> ()
    %add3A_59 = arith.constant 375 : i32
    %add3A_60 = arith.addi %mul3A_0, %add3A_59 : i32
    "tpu.region"() ({
      %run_scoped3A = tpu.sem_alloc : memref<!tpu.dma_semaphore, #tpu.memory_space<semaphore_mem>>
      %dma_start3A = arith.constant 0 : i32
      %dma_start3A_63 = tpu.memref_slice %arg7[%add3A_60, %arg0, %dma_start3A] : memref<10000x2x128xf32, #tpu.memory_space<hbm>> -> memref<125x1x128xf32, #tpu.memory_space<hbm>>
      %dma_start3A_64 = tpu.memref_squeeze %dma_start3A_63 : memref<125x1x128xf32, #tpu.memory_space<hbm>> -> memref<125x128xf32, #tpu.memory_space<hbm>>
      %dma_start3A_65 = arith.constant 0 : i32
      %dma_start3A_66 = tpu.memref_slice %arg14[%add3A_60, %dma_start3A_65] : memref<10000x128xf32, #tpu.memory_space<vmem_shared>> -> memref<125x128xf32, #tpu.memory_space<vmem_shared>>
      tpu.enqueue_dma source(%dma_start3A_66 : memref<125x128xf32, #tpu.memory_space<vmem_shared>>) target(%dma_start3A_64 : memref<125x128xf32, #tpu.memory_space<hbm>>) target_semaphore(%run_scoped3A : memref<!tpu.dma_semaphore, #tpu.memory_space<semaphore_mem>>)
      %dma_wait3A = arith.constant 0 : i32
      %dma_wait3A_67 = tpu.memref_slice %arg7[%add3A_60, %arg0, %dma_wait3A] : memref<10000x2x128xf32, #tpu.memory_space<hbm>> -> memref<125x1x128xf32, #tpu.memory_space<hbm>>
      %dma_wait3A_68 = tpu.memref_squeeze %dma_wait3A_67 : memref<125x1x128xf32, #tpu.memory_space<hbm>> -> memref<125x128xf32, #tpu.memory_space<hbm>>
      %dma_wait3A_69 = arith.constant 0 : i32
      %dma_wait3A_70 = tpu.memref_slice %arg14[%add3A_60, %dma_wait3A_69] : memref<10000x128xf32, #tpu.memory_space<vmem_shared>> -> memref<125x128xf32, #tpu.memory_space<vmem_shared>>
      tpu.wait_dma2 semaphore(%run_scoped3A : memref<!tpu.dma_semaphore, #tpu.memory_space<semaphore_mem>>) src(%dma_wait3A_70 : memref<125x128xf32, #tpu.memory_space<vmem_shared>>) dst(%dma_wait3A_68 : memref<125x128xf32, #tpu.memory_space<hbm>>)
      tpu.yield
    }) : () -> ()
    %add3A_61 = arith.constant 500 : i32
    %add3A_62 = arith.addi %mul3A_0, %add3A_61 : i32
    "tpu.region"() ({
      %run_scoped3A = tpu.sem_alloc : memref<!tpu.dma_semaphore, #tpu.memory_space<semaphore_mem>>
      %dma_start3A = arith.constant 0 : i32
      %dma_start3A_63 = tpu.memref_slice %arg7[%add3A_62, %arg0, %dma_start3A] : memref<10000x2x128xf32, #tpu.memory_space<hbm>> -> memref<125x1x128xf32, #tpu.memory_space<hbm>>
      %dma_start3A_64 = tpu.memref_squeeze %dma_start3A_63 : memref<125x1x128xf32, #tpu.memory_space<hbm>> -> memref<125x128xf32, #tpu.memory_space<hbm>>
      %dma_start3A_65 = arith.constant 0 : i32
      %dma_start3A_66 = tpu.memref_slice %arg14[%add3A_62, %dma_start3A_65] : memref<10000x128xf32, #tpu.memory_space<vmem_shared>> -> memref<125x128xf32, #tpu.memory_space<vmem_shared>>
      tpu.enqueue_dma source(%dma_start3A_66 : memref<125x128xf32, #tpu.memory_space<vmem_shared>>) target(%dma_start3A_64 : memref<125x128xf32, #tpu.memory_space<hbm>>) target_semaphore(%run_scoped3A : memref<!tpu.dma_semaphore, #tpu.memory_space<semaphore_mem>>)
      %dma_wait3A = arith.constant 0 : i32
      %dma_wait3A_67 = tpu.memref_slice %arg7[%add3A_62, %arg0, %dma_wait3A] : memref<10000x2x128xf32, #tpu.memory_space<hbm>> -> memref<125x1x128xf32, #tpu.memory_space<hbm>>
      %dma_wait3A_68 = tpu.memref_squeeze %dma_wait3A_67 : memref<125x1x128xf32, #tpu.memory_space<hbm>> -> memref<125x128xf32, #tpu.memory_space<hbm>>
      %dma_wait3A_69 = arith.constant 0 : i32
      %dma_wait3A_70 = tpu.memref_slice %arg14[%add3A_62, %dma_wait3A_69] : memref<10000x128xf32, #tpu.memory_space<vmem_shared>> -> memref<125x128xf32, #tpu.memory_space<vmem_shared>>
      tpu.wait_dma2 semaphore(%run_scoped3A : memref<!tpu.dma_semaphore, #tpu.memory_space<semaphore_mem>>) src(%dma_wait3A_70 : memref<125x128xf32, #tpu.memory_space<vmem_shared>>) dst(%dma_wait3A_68 : memref<125x128xf32, #tpu.memory_space<hbm>>)
      tpu.yield
    }) : () -> ()
    return
  }
}

module attributes {stable_mosaic.version = 14 : i64} {
  func.func @_matmul_body(%arg0: i32, %arg1: i32, %arg2: memref<1000x256xf32, #tpu.memory_space<vmem>>, %arg3: memref<256x128xf32, #tpu.memory_space<vmem>>, %arg4: memref<1x1000x128xf32, #tpu.memory_space<vmem>>) attributes {dimension_semantics = [#tpu.dimension_semantics<arbitrary>, #tpu.dimension_semantics<arbitrary>], iteration_bounds = array<i64: 2, 10>, scalar_prefetch = 0 : i64, scratch_operands = 0 : i64, tpu.core_type = #tpu.core_type<tc>, window_params = [{transform_indices = @transform_0, window_bounds = array<i64: 1000, 256>}, {transform_indices = @transform_1, window_bounds = array<i64: 256, 128>}, {transform_indices = @transform_2, window_bounds = array<i64: 1, 1000, 128>}]} {
    %get3A = arith.constant 0 : index
    %get3A_0 = arith.constant 0 : index
    %get3A_1 = vector.load %arg2[%get3A, %get3A_0] : memref<1000x256xf32, #tpu.memory_space<vmem>>, vector<1000x256xf32>
    %get3A_2 = arith.constant 0 : index
    %get3A_3 = arith.constant 0 : index
    %get3A_4 = vector.load %arg3[%get3A_2, %get3A_3] : memref<256x128xf32, #tpu.memory_space<vmem>>, vector<256x128xf32>
    %dot_general3A = arith.constant dense<0.000000e+00> : vector<1000x128xf32>
    %dot_general3A_5 = tpu.matmul %get3A_1, %get3A_4, %dot_general3A {dimension_numbers = #tpu.dot_dimension_numbers<[1], [0], [0], [1], [0, 0, 1, 1], [], []>, transpose_lhs_hint = false} : vector<1000x256xf32>, vector<256x128xf32>, vector<1000x128xf32> -> vector<1000x128xf32>
    %swap3A = arith.constant 0 : index
    %swap3A_6 = arith.constant 0 : index
    %swap3A_7 = arith.constant 0 : index
    %swap3A_8 = vector.load %arg4[%swap3A, %swap3A_6, %swap3A_7] : memref<1x1000x128xf32, #tpu.memory_space<vmem>>, vector<1x1000x128xf32>
    %swap3A_9 = vector.shape_cast %swap3A_8 : vector<1x1000x128xf32> to vector<1000x128xf32>
    %swap3A_10 = vector.shape_cast %dot_general3A_5 : vector<1000x128xf32> to vector<1x1000x128xf32>
    tpu.vector_store %arg4[%swap3A, %swap3A_6, %swap3A_7], %swap3A_10 {strides = array<i32>} : memref<1x1000x128xf32, #tpu.memory_space<vmem>>, vector<1x1000x128xf32>,
    return
  }
  func.func @transform_0(%arg0: i32, %arg1: i32) -> (i32, i32) {
    %c0_i32 = arith.constant 0 : i32
    %c0_i32_0 = arith.constant 0 : i32
    return %arg1, %c0_i32 : i32, i32
  }
  func.func @transform_1(%arg0: i32, %arg1: i32) -> (i32, i32) {
    %c0_i32 = arith.constant 0 : i32
    %c0_i32_0 = arith.constant 0 : i32
    return %c0_i32, %arg0 : i32, i32
  }
  func.func @transform_2(%arg0: i32, %arg1: i32) -> (i32, i32, i32) {
    %c0_i32 = arith.constant 0 : i32
    %c0_i32_0 = arith.constant 0 : i32
    return %arg0, %arg1, %c0_i32 : i32, i32, i32
  }
}

</mosaic_0001>

<sc_bundles>
// kernel: kernel.4.cloned.1.call-start
scs
__scs_entry_jumppad:
0x0: {  	(pc) =	sbr.rel $0x88, $3  }
0x1: {  	(tag) =	ssettag $0x0;
	lr =	simm.s32 $0x1  }
0x2: {  	[smem:$0x3F9C] =	sst lr;
	_ =	strace $0xD0000000  }
0x3: {  	_ = 	snop  }
0x4: {  	_ = 	snop  }
0x5: {  	_ = 	snop  }
0x6: {  	_ = 	snop  }
0x7: {  	_ = 	snop  }
__scs_overlays_trampoline_lowered:
0x8: {  	[smem:$0x3FAB] =	sst s0  }
0x9: {  	[smem:$0x3FAC] =	sst s1  }
0xa: {  	[smem:$0x3FAD] =	sst s2  }
0xb: {  	[smem:$0x3FAE] =	sst s3  }
0xc: {  	[smem:$0x3FAF] =	sst s4  }
0xd: {  	[smem:$0x3FB0] =	sst s5  }
0xe: {  	[smem:$0x3FB1] =	sst s6  }
0xf: {  	[smem:$0x3FB2] =	sst s7  }
0x10: {  	[smem:$0x3FB3] =	sst s8  }
0x11: {  	[smem:$0x3FB4] =	sst s9;
	s0 =	simm.s32 @!p0 $0x0  }
0x12: {  	s1 =	sld [smem:$0x3F9A];
	s0 =	simm.s32 @p0 $0x1  }
0x13: {  	[smem:$0x3FB5] =	sst s0;
	s0 =	simm.s32 @!p1 $0x0  }
0x14: {  	s2 =	sld [smem:$0x3F99];
	s0 =	simm.s32 @p1 $0x1  }
0x15: {  	[smem:$0x3FB6] =	sst s0;
	s0 =	simm.s32 @!p2 $0x0  }
0x16: {  	s3 =	sld [smem:$0x3FDB];
	s0 =	simm.s32 @p2 $0x1  }
0x17: {  	s4 =	simm.s32 $0x1BF5;
	[smem:$0x3FB8] =	sst s0  }
0x18: {  	s0 =	sld [smem:$0x3F9B];
	_ =	swait.ge [sflag:s4], $0x0  }
0x19: {  	s7 =	sld [smem:$0x3F9C]  }
0x1a: {  	s8 =	sadd.s32 $0xFFFFE003, lr  }
0x1b: {  	s9 =	sadd.s32 $0xFFFFFEF7, lr;
	s5 =	simm.s32 $0xFFFFFFFF;
	p2 =	slt.u32 s8, $0xFFFFF086  }
0x1c: {  	p1 =	slt.u32 s9, $0xF7A;
	s5 =	simm.s32 @!p2 $0x0  }
0x1d: {  	s5 =	simm.s32 @p1 $0x1;
	p0 =	seq.s32 s7, s2  }
0x1e: {  	s7 =	smul.u32 @!p0 $0xF7A, s2;
	p2 =	seq.s32 @!p0 s5, $0x0  }
0x1f: {  	s9 =	smul.u32 $0xF7A, s1;
	s8 =	simm.s32 @!p0 $0x1BF5;
	p2 =	por !p2, p0  }
0x20: {  	[sflag:s8] =	ssyncset.s32 @!p0 $0xFFFFF086;
	s6 =	sadd.s32 @!p0 s3, s7;
	s7 =	simm.s32 @!p0 $0x108  }
0x21: {  	s3 =	sadd.s32 s3, s9;
	s6 =	sadd.s32 @!p0 $0x88, s6;
	s7 =	simm.s32 @p2 $0x1082  }
0x22: {  	[simem:s7], [sflag:s8] =	dma.local @!p0 [hbm:s6], $0xF7A  }
0x23: {  	s9 =	sor.u32 $0xD0000000, s2;
	s6 =	simm.s32 $0x108;
	_ =	swait.ge @!p0 [sflag:s8], $0x0  }
0x24: {  	s3 =	sadd.s32 $0x88, s3;
	s6 =	simm.s32 @!p1 $0x1082;
	[sflag:s4] =	ssyncset.s32 $0xFFFFF086  }
0x25: {  	[simem:s6], [sflag:s4] =	dma.local [hbm:s3], $0xF7A  }
0x26: {  	[smem:$0x3F9C] =	sst s1;
	(tag) =	ssettag s2;
	_ =	strace s9  }
0x27: {  	s1 =	sld [smem:$0x3FAC]  }
0x28: {  	s2 =	sld [smem:$0x3FAD]  }
0x29: {  	s4 =	sld [smem:$0x3FAF]  }
0x2a: {  	p0 =	seq.s32 s5, $0x0;
	s5 =	sld [smem:$0x3FB0]  }
0x2b: {  	s6 =	sld [smem:$0x3FB1]  }
0x2c: {  	s7 =	sld [smem:$0x3FB2]  }
0x2d: {  	s3 =	simm.s32 $0x108;
	s8 =	sld [smem:$0x3FB3]  }
0x2e: {  	s3 =	simm.s32 @!p0 $0x1082;
	s9 =	sld [smem:$0x3FB4]  }
0x2f: {  	lr =	sadd.s32 s0, s3;
	s0 =	sld [smem:$0x3FAB]  }
0x30: {  	s3 =	sld [smem:$0x3FAE]  }
0x31: {  	[smem:$0x3FB7] =	sst s10  }
0x32: {  	s10 =	sld [smem:$0x3FB5];
	_ =	sdelay $0x3  }
0x33: {  	p0 =	seq.s32 s10, $0x1;
	s10 =	sld [smem:$0x3FB7];
	_ =	sdelay $0x3  }
0x34: {  	[smem:$0x3FB7] =	sst s10  }
0x35: {  	s10 =	sld [smem:$0x3FB6];
	_ =	sdelay $0x3  }
0x36: {  	p1 =	seq.s32 s10, $0x1;
	s10 =	sld [smem:$0x3FB7];
	_ =	sdelay $0x3  }
0x37: {  	[smem:$0x3FB7] =	sst s10  }
0x38: {  	s10 =	sld [smem:$0x3FB8]  }
0x39: {  	_ = 	snop;
	(pc) =	sbr.ind lr, $3  }
0x3a: {  	_ = 	snop  }
0x3b: {  	_ = 	snop  }
0x3c: {  	p2 =	seq.s32 s10, $0x1;
	s10 =	sld [smem:$0x3FB7]  }
0x3d: {  	_ =	shalt  }
0x3e: {  	_ =	shalt  }
0x3f: {  	_ =	shalt  }
0x40: {  	_ =	shalt  }
0x41: {  	_ =	shalt  }
0x42: {  	_ =	shalt  }
0x43: {  	_ =	shalt  }
0x44: {  	_ =	shalt  }
0x45: {  	_ =	shalt  }
0x46: {  	_ =	shalt  }
0x47: {  	_ =	shalt  }
0x48: {  	_ =	shalt  }
0x49: {  	_ =	shalt  }
0x4a: {  	_ =	shalt  }
0x4b: {  	_ =	shalt  }
0x4c: {  	_ =	shalt  }
0x4d: {  	_ =	shalt  }
0x4e: {  	_ =	shalt  }
0x4f: {  	_ =	shalt  }
0x50: {  	_ =	shalt  }
0x51: {  	_ =	shalt  }
0x52: {  	_ =	shalt  }
0x53: {  	_ =	shalt  }
0x54: {  	_ =	shalt  }
0x55: {  	_ =	shalt  }
0x56: {  	_ =	shalt  }
0x57: {  	_ =	shalt  }
0x58: {  	_ =	shalt  }
0x59: {  	_ =	shalt  }
0x5a: {  	_ =	shalt  }
0x5b: {  	_ =	shalt  }
0x5c: {  	_ =	shalt  }
0x5d: {  	_ =	shalt  }
0x5e: {  	_ =	shalt  }
0x5f: {  	_ =	shalt  }
0x60: {  	_ =	shalt  }
0x61: {  	_ =	shalt  }
0x62: {  	_ =	shalt  }
0x63: {  	_ =	shalt  }
0x64: {  	_ =	shalt  }
0x65: {  	_ =	shalt  }
0x66: {  	_ =	shalt  }
0x67: {  	_ =	shalt  }
0x68: {  	_ =	shalt  }
0x69: {  	_ =	shalt  }
0x6a: {  	_ =	shalt  }
0x6b: {  	_ =	shalt  }
0x6c: {  	_ =	shalt  }
0x6d: {  	_ =	shalt  }
0x6e: {  	_ =	shalt  }
0x6f: {  	_ =	shalt  }
0x70: {  	_ =	shalt  }
0x71: {  	_ =	shalt  }
0x72: {  	_ =	shalt  }
0x73: {  	_ =	shalt  }
0x74: {  	_ =	shalt  }
0x75: {  	_ =	shalt  }
0x76: {  	_ =	shalt  }
0x77: {  	_ =	shalt  }
0x78: {  	_ =	shalt  }
0x79: {  	_ =	shalt  }
0x7a: {  	_ =	shalt  }
0x7b: {  	_ =	shalt  }
0x7c: {  	_ =	shalt  }
0x7d: {  	_ =	shalt  }
0x7e: {  	_ =	shalt  }
0x7f: {  	_ =	shalt  }
0x80: {  	_ =	shalt  }
0x81: {  	_ =	shalt  }
0x82: {  	_ =	shalt  }
0x83: {  	_ =	shalt  }
0x84: {  	_ =	shalt  }
0x85: {  	_ =	shalt  }
0x86: {  	_ =	shalt  }
0x87: {  	_ =	shalt  }
.Lfunc_end0:
.L_simem_size_0:
called_computation_lowered:
.L_overlay_start_0:
0x88: {  	s2 =	sld [smem:$0x3FD9]  }
0x89: {  	s3 =	sld [smem:$0x3FFE];
	_ =	sdelay $0x1  }
0x8a: {  	s1 =	srdreg.scid  }
0x8b: {  	s0 =	sand.u32 $0x1, s1  }
0x8c: {  	s17 =	sshll.u32 s0, $0xA;
	s2 =	sadd.s32 s3, s2  }
0x8d: {  	s2 =	sadd.s32 s2, s17  }
0x8e: {  	[smem:$0x3FC3] =	sst s2  }
0x8f: {  	_ = 	snop  }
0x90: {  	s2 =	sld [smem:$0x3FC8]  }
0x91: {  	s18 =	sld [smem:$0x3FC5]  }
0x92: {  	s4 =	sld [smem:$0x3FD0];
	(tm) =	ssettm $0x1  }
0x93: {  	s5 =	sld [smem:$0x3FFB];
	_ =	sdelay $0x3  }
0x94: {  	_ =	strace s5  }
0x95: {  	s5 =	sld [smem:$0x3FFC];
	_ =	sdelay $0x3  }
0x96: {  	_ =	strace s5  }
0x97: {  	s5 =	sld [smem:$0x3FFD];
	_ =	sdelay $0x3  }
0x98: {  	_ =	strace s5  }
0x99: {  	_ =	strace $0x8FFFFFFF  }
0x9a: {  	s19 =	sld [smem:$0x3FDB];
	_ =	sdelay $0x1  }
0x9b: {  	s6 =	simm.s32 $_scs_section_size  }
0x9c: {  	s7 =	simm.s32 $_size__tile_overlayer_lowered;
	s8 =	simm.s32 $_tile_overlayer_lowered  }
0x9d: {  	s22 =	simm.s32 $0x1BFF;
	s21 =	sshll.u32 s8, $0x1;
	s5 =	sadd.s32 s6, s19  }
0x9e: {  	s9 =	simm.s32 $0x0;
	s20 =	sshll.u32 s7, $0x1;
	s7 =	sadd.s32 s21, s5  }
0x9f: {  	[timem:s9], [sflag:s22] =	dma.local [hbm:s7], s20  }
0xa0: {  	_ =	swait.ge [sflag:s22], s20  }
0xa1: {  	s6 =	ssub.s32 $0x0, s20;
	[sflag:s22] =	ssyncset.done $0x0  }
0xa2: {  	[sflag:s22] =	ssyncadd.s32 s6;
	_ =	sdelay $0x1  }
0xa3: {  	s23 =	simm.s32 $0x1B8B  }
0xa4: {  	_ =	swait.ge [sflag:s23], $0x1  }
0xa5: {  	[sflag:s23] =	ssyncset.done $0x0  }
0xa6: {  	s25 =	simm.s32 $0x1B8E;
	s24 =	sld [smem:$0x3FFE];
	[sflag:s23] =	ssyncadd.s32 $0xFFFFFFFF  }
0xa7: {  	s26 =	simm.s32 $execute0_lowered;
	[smem:$0x3FD2] =	sst s25  }
0xa8: {  	s7 =	sshll.u32 s26, $0x1;
	_ =	strace $0x80000046;
	[dreg:$0x1] =	wrdreg $0xFFFFFFFF  }
0xa9: {  	s28 =	simm.s32 $_size_execute0_lowered;
	s5 =	sadd.s32 s5, s7;
	[dreg:$0x0] =	wrdreg $0x0  }
0xaa: {  	s7 =	sshll.u32 s28, $0x1;
	[dreg:$0x2] =	wrdreg s5  }
0xab: {  	[dreg:$0x3] =	wrdreg s7  }
0xac: {  	[dreg:$0x4] =	wrdreg $0xC0  }
0xad: {  	_ =	task [dreg:s9], $0x5FFFF  }
0xae: {  	[dreg:$0x1] =	wrdreg $0xFFFFFFFF  }
0xaf: {  	[dreg:$0x0] =	wrdreg $0x60  }
0xb0: {  	[dreg:$0x2] =	wrdreg s4  }
0xb1: {  	[dreg:$0x3] =	wrdreg s24  }
0xb2: {  	[dreg:$0x4] =	wrdreg s2  }
0xb3: {  	[dreg:$0x5] =	wrdreg s18  }
0xb4: {  	[dreg:$0x6] =	wrdreg $0x82000  }
0xb5: {  	[dreg:$0x7] =	wrdreg $0x9  }
0xb6: {  	_ =	task.clear_ibuf [dreg:s9], $0x8FFFF;
	_ =	strace $0x90000046  }
0xb7: {  	s29 =	simm.s32 $0x9;
	_ =	strace $0x80000048  }
0xb8: {  	_ =	swait.ge [sflag:s29], $0x1  }
0xb9: {  	[sflag:s29] =	ssyncadd.s32 $0xFFFFFFFF  }
0xba: {  	_ =	strace $0x90000048  }
0xbb: {  	_ =	sfence  }
0xbc: {  	s30 =	sld [smem:$0x0];
	_ =	sdelay $0x2  }
0xbd: {  	s31 =	sshll.u32 s1, $0xD;
	s1 =	sshrl.u32 s1, $0x2  }
0xbe: {  	s3 =	sand.u32 $0x4000, s31;
	s1 =	sadd.s32 s1, s30  }
0xbf: {  	s0 =	sor.u32 s3, s0;
	s1 =	sshll.u32 s1, $0x11  }
0xc0: {  	s0 =	sor.u32 s1, s0  }
0xc1: {  	s0 =	sadd.s32 $0x8F2B, s0  }
0xc2: {  	[sflag:s0] =	ssyncadd.remote.s32 $0x1  }
0xc3: {  	_ =	sfence.sel $0xFFFF  }
0xc4: {  	[dreg:$0x0] =	wrdreg $0xFFFFFFFF;
	(pc) =	sbr.abs _section_cstart, $3  }
0xc5: {  	[dreg:$0x1] =	wrdreg $0xFFFFFFFF  }
0xc6: {  	_ =	task.clear_ibuf [dreg:s9], $0x2FFFF;
	_ =	strace $0x9FFFFFFF  }
0xc7: {  	(tm) =	ssettm $0x7FFFFFFF  }
tec
execute0_lowered:
.L_overlay_start_1:
0x0: {  	(tag) =	ssettag $0x1  }
0x1: {  	s1 =	rddreg [dreg:$0x0]  }
0x2: {  	s0 =	rddreg [dreg:$0x1]  }
0x3: {  	s2 =	rddreg [dreg:$0x2]  }
0x4: {  	s4 =	rddreg [dreg:$0x3]  }
0x5: {  	s3 =	rddreg [dreg:$0x4];
	s5 =	simm.s32 $0x0  }
0x6: {  	s15 =	srdreg.scid;
	s17 =	stileid.u32;
	s14 =	simm.s32 $0x4F  }
0x7: {  	s28 =	simm.s32 $0x180;
	s29 =	simm.s32 $0x1;
	s30 =	simm.s32 $0x20  }
0x8: {  	s31 =	simm.s32 $0x10;
	[smem:$0x7FF] =	sst s5;
	s6 =	sadd.s32 $0x5200, s0  }
0x9: {  	s5 =	sand.u32 $0x1, s15;
	s7 =	sadd.s32 $0x200, s0;
	s12 =	smul.u32 $0x271, s17  }
0xa: {  	s0 =	sadd.s32 $0xA200, s0;
	s10 =	smul.u32 $0x4E200, s17;
	p0 =	slt.u32 s17, $0x2  }
0xb: {  	_ =	strace $0x80000047;
	s8 =	ssub.s32 $0x2, s5;
	s18 =	sshll.u32 s5, $0x7  }
0xc: {  	s16 =	sshll.u32 s5, $0x4;
	s14 =	simm.s32 @!p0 $0x4E;
	s5 =	smul.u32 $0x2710, s5  }
0xd: {  	s9 =	sshrl.u32 s8, $0x1;
	s4 =	sadd.s32 s4, s16;
	s19 =	sshrl.u32 s10, $0x2  }
0xe: {  	s15 =	sadd.s32 $0x7D, s12;
	s16 =	smul.u32 $0x27100, s17;
	s8 =	ssub.s32 s8, s9  }
0xf: {  	[dreg:$0x6] =	wrdreg s4;
	s9 =	sadd.s32 s19, s3;
	s20 =	sshll.u32 s15, $0x7  }
0x10: {  	s19 =	sadd.s32 $0xFA, s12;
	s25 =	sshll.u32 s15, $0x8;
	s15 =	sshll.u32 s17, $0x7  }
0x11: {  	s10 =	sadd.s32 s20, s3;
	s21 =	sshll.u32 s19, $0x7;
	s20 =	sadd.s32 $0x177, s12  }
0x12: {  	s24 =	sor.u32 s18, s16;
	s26 =	sor.u32 s18, s25;
	s11 =	sadd.s32 s21, s3  }
0x13: {  	s22 =	sshll.u32 s20, $0x7;
	s21 =	sadd.s32 $0x1F4, s12;
	s4 =	sshrl.u32 s24, $0x3  }
0x14: {  	s17 =	sshrl.u32 s26, $0x3;
	s12 =	sadd.s32 s22, s3;
	s23 =	sshll.u32 s21, $0x7  }
0x15: {  	s16 =	sadd.s32 s0, s4;
	s17 =	sadd.s32 s0, s17;
	s22 =	sshll.u32 s19, $0x8  }
0x16: {  	v1 =	vimm.s32 $0x0;
	v2 =	vimm.s32 $0x1;
	s24 =	sshll.u32 s21, $0x8;
	s21 =	smax.u32 s8, $0x1;
	s13 =	sadd.s32 s23, s3  }
0x17: {  	v3 =	vimm.s32 $0x2;
	v4 =	vimm.s32 $0x3;
	v5 =	vimm.s32 $0x4;
	s23 =	sshll.u32 s20, $0x8;
	s4 =	sor.u32 s18, s22;
	s20 =	sor.u32 s18, s24  }
0x18: {  	v6 =	vimm.s32 $0x5;
	v7 =	vimm.s32 $0x6;
	v8 =	vimm.s32 $0x7;
	s24 =	simm.s32 $0x4200;
	s19 =	sor.u32 s18, s23;
	s4 =	sshrl.u32 s4, $0x3  }
0x19: {  	v9 =	vimm.s32 $0x8;
	v10 =	vimm.s32 $0x9;
	v11 =	vimm.s32 $0xA;
	s26 =	sshrl.u32 s20, $0x3;
	s23 =	simm.s32 $0x2;
	s25 =	sshrl.u32 s19, $0x3  }
0x1a: {  	v12 =	vimm.s32 $0xB;
	v13 =	vimm.s32 $0xC;
	v14 =	vimm.s32 $0xD;
	s18 =	sadd.s32 s0, s4;
	s20 =	sadd.s32 s0, s26;
	s26 =	simm.s32 $0x100  }
0x1b: {  	v15 =	vimm.s32 $0xE;
	v16 =	vimm.s32 $0xF;
	v0 =	vmov s5;
	s19 =	sadd.s32 s0, s25;
	s25 =	simm.s32 $0x80;
	s0 =	simm.s32 $0x0  }
.LBB2_1:
0x1c: {  	s4 =	simm.s32 $0x0;
	s5 =	rddreg [dreg:$0x6];
	s8 =	simm.s32 $0x4180  }
0x1d: {  	[tilespmem:s8], [sflag:$0x2] =	stream.linear.gather [hbm4b:s5+s4], $0x80, $0x38;
	[tilespmem:$0x1BA80] =	vst v63  }
0x1e: {  	_ =	swait.ge [sflag:s23], $0x80  }
0x1f: {  	[sflag:s23] =	ssyncset.done $0x0  }
0x20: {  	[sflag:s23] =	ssyncadd.s32 $0xFFFFFF80  }
0x21: {  	v17 =	vld [tilespmem:$0x4180]  }
0x22: {  	v18 =	vld [tilespmem:$0x4190]  }
0x23: {  	v19 =	vld [tilespmem:$0x41A0]  }
0x24: {  	v24 =	vld [tilespmem:$0x41F0]  }
0x25: {  	v20 =	vld [tilespmem:$0x41B0]  }
0x26: {  	v21 =	vld [tilespmem:$0x41C0]  }
0x27: {  	v22 =	vld [tilespmem:$0x41D0]  }
0x28: {  	s4 =	simm.s32 $0x0;
	s5 =	simm.s32 $0x200;
	v23 =	vld [tilespmem:$0x41E0]  }
.LBB2_2:
0x29: {  	p0 =	sne.s32 s5, $0xF800;
	[tilespmem:s4+$0x4270] =	vst v24  }
0x2a: {  	[tilespmem:s4+$0x4200] =	vst v17  }
0x2b: {  	[tilespmem:s4+$0x4210] =	vst v18  }
.Ltmp0:
0x2c: {  	[tilespmem:s4+$0x4220] =	vst v19;
	(pc) =	sbr.rel @p0 .LBB2_2-.Ltmp0, $4  }
0x2d: {  	[tilespmem:s4+$0x4230] =	vst v20  }
0x2e: {  	[tilespmem:s4+$0x4240] =	vst v21  }
0x2f: {  	[tilespmem:s4+$0x4250] =	vst v22  }
0x30: {  	[tilespmem:s4+$0x4260] =	vst v23;
	s4 =	sshra.s32 s5, $0x2;
	s5 =	sadd.s32 $0x200, s5  }
0x31: {  	[tilespmem:s4+$0x4270] =	vst v24  }
0x32: {  	[tilespmem:s4+$0x4200] =	vst v17  }
0x33: {  	[tilespmem:s4+$0x4210] =	vst v18  }
0x34: {  	[tilespmem:s4+$0x4220] =	vst v19  }
0x35: {  	[tilespmem:s4+$0x4230] =	vst v20  }
0x36: {  	[tilespmem:s4+$0x4240] =	vst v21  }
0x37: {  	[tilespmem:s4+$0x4250] =	vst v22  }
0x38: {  	[tilespmem:s4+$0x4260] =	vst v23  }
0x39: {  	[spmem:s9] =	stream.linear.scatter [tilespmem:s24], [sflag:$0x2], $0x3E80, $0x38;
	[tilespmem:$0x1BA80] =	vst v63  }
0x3a: {  	_ =	swait.ge [sflag:s23], $0x3E80  }
0x3b: {  	[sflag:s23] =	ssyncset.done $0x0  }
0x3c: {  	[sflag:s23] =	ssyncadd.s32 $0xFFFFC180  }
0x3d: {  	[spmem:s10] =	stream.linear.scatter [tilespmem:s24], [sflag:$0x2], $0x3E80, $0x38;
	[tilespmem:$0x1BA80] =	vst v63  }
0x3e: {  	_ =	swait.ge [sflag:s23], $0x3E80  }
0x3f: {  	[sflag:s23] =	ssyncset.done $0x0  }
0x40: {  	[sflag:s23] =	ssyncadd.s32 $0xFFFFC180  }
0x41: {  	[spmem:s11] =	stream.linear.scatter [tilespmem:s24], [sflag:$0x2], $0x3E80, $0x38;
	[tilespmem:$0x1BA80] =	vst v63  }
0x42: {  	_ =	swait.ge [sflag:s23], $0x3E80  }
0x43: {  	[sflag:s23] =	ssyncset.done $0x0  }
0x44: {  	[sflag:s23] =	ssyncadd.s32 $0xFFFFC180  }
0x45: {  	[spmem:s12] =	stream.linear.scatter [tilespmem:s24], [sflag:$0x2], $0x3E80, $0x38;
	[tilespmem:$0x1BA80] =	vst v63  }
0x46: {  	_ =	swait.ge [sflag:s23], $0x3E80  }
0x47: {  	[sflag:s23] =	ssyncset.done $0x0  }
0x48: {  	[sflag:s23] =	ssyncadd.s32 $0xFFFFC180  }
0x49: {  	[spmem:s13] =	stream.linear.scatter [tilespmem:s24], [sflag:$0x2], $0x3E80, $0x38;
	[tilespmem:$0x1BA80] =	vst v63  }
0x4a: {  	_ =	swait.ge [sflag:s23], $0x3E80  }
0x4b: {  	[sflag:s23] =	ssyncset.done $0x0  }
0x4c: {  	[sflag:s23] =	ssyncadd.s32 $0xFFFFC180  }
0x4d: {  	s4 =	simm.s32 $0x0;
	s22 =	simm.s32 $0x0;
	[bflag:$0x0] =	sbarrier.arrive $0xFFFF  }
.LBB2_4:
0x4e: {  	s5 =	sshll.u32 s22, $0xB  }
0x4f: {  	s5 =	sor.u32 s15, s5  }
0x50: {  	s5 =	sshrl.u32 s5, $0x3  }
0x51: {  	s8 =	sadd.s32 s6, s5  }
0x52: {  	[tilespmem:s4], [sflag:$0x2] =	stream.linear.gather [hbm4b:s8+s4], $0x80, $0x38;
	[tilespmem:$0x1BA80] =	vst v63  }
0x53: {  	_ =	swait.ge [sflag:s23], $0x80  }
0x54: {  	[sflag:s23] =	ssyncset.done $0x0  }
0x55: {  	s8 =	sadd.s32 s7, s5;
	[sflag:s23] =	ssyncadd.s32 $0xFFFFFF80  }
0x56: {  	[tilespmem:s25], [sflag:$0x2] =	stream.linear.gather [hbm4b:s8+s4], $0x80, $0x38;
	[tilespmem:$0x1BA80] =	vst v63  }
0x57: {  	_ =	swait.ge [sflag:s23], $0x80  }
0x58: {  	[sflag:s23] =	ssyncset.done $0x0  }
0x59: {  	s5 =	sadd.s32 s2, s5;
	[sflag:s23] =	ssyncadd.s32 $0xFFFFFF80  }
0x5a: {  	[tilespmem:s26], [sflag:$0x2] =	stream.linear.gather [hbm4b:s5+s4], $0x80, $0x38;
	[tilespmem:$0x1BA80] =	vst v63  }
0x5b: {  	_ =	swait.ge [sflag:s23], $0x80  }
0x5c: {  	[sflag:s23] =	ssyncset.done $0x0  }
0x5d: {  	[sflag:s23] =	ssyncadd.s32 $0xFFFFFF80  }
0x5e: {  	v17 =	vld [tilespmem:$0x0]  }
0x5f: {  	v18 =	vld [tilespmem:$0x10]  }
0x60: {  	v19 =	vld [tilespmem:$0x20]  }
0x61: {  	v20 =	vld [tilespmem:$0x30]  }
0x62: {  	v21 =	vld [tilespmem:$0x40]  }
0x63: {  	v22 =	vld [tilespmem:$0x50];
	v17 =	vadd.s32 v0, v17  }
0x64: {  	[tilespmem:$0x0] =	vst v17;
	v17 =	vadd.s32 v0, v18;
	v18 =	vld [tilespmem:$0x60]  }
0x65: {  	[tilespmem:$0x10] =	vst v17;
	v17 =	vadd.s32 v0, v19;
	v19 =	vld [tilespmem:$0x70]  }
0x66: {  	[tilespmem:$0x20] =	vst v17;
	v17 =	vadd.s32 v0, v20  }
0x67: {  	[tilespmem:$0x30] =	vst v17;
	v17 =	vadd.s32 v0, v21  }
0x68: {  	[tilespmem:$0x40] =	vst v17;
	v17 =	vadd.s32 v0, v22  }
0x69: {  	[tilespmem:$0x50] =	vst v17;
	v17 =	vadd.s32 v0, v18  }
0x6a: {  	[tilespmem:$0x60] =	vst v17;
	v17 =	vadd.s32 v0, v19  }
0x6b: {  	[tilespmem:$0x70] =	vst v17  }
0x6c: {  	[tilespmem:s28], [sflag:$0x1] =	stream.indirect.gather [hbm4b:s1+s25], $0x80, s4, s25, $0xb8;
	[tilespmem:$0x1BA80] =	vst v63  }
0x6d: {  	_ =	swait.ge [sflag:s29], $0x4000  }
0x6e: {  	[sflag:s29] =	ssyncset.done $0x0  }
0x6f: {  	s5 =	simm.s32 $0x0;
	[sflag:s29] =	ssyncadd.s32 $0xFFFFC000  }
.LBB2_5:
0x70: {  	s8 =	sshll.u32 s5, $0x4  }
0x71: {  	s8 =	sand.u32 $0x3FFFFFF0, s8  }
0x72: {  	v17 =	vld [tilespmem:s8+$0x100];
	s8 =	sshll.u32 s5, $0xB  }
0x73: {  	s8 =	sand.u32 $0x3FFFF800, s8  }
0x74: {  	v18 =	vld [tilespmem:s8+$0x180]  }
0x75: {  	v19 =	vld [tilespmem:s8+$0x190]  }
0x76: {  	v20 =	vld [tilespmem:s8+$0x1A0]  }
0x77: {  	v22 =	vld [tilespmem:s8+$0x1B0];
	v21 =	vperm.xlane v17, v1  }
0x78: {  	v23 =	vld [tilespmem:s8+$0x1C0]  }
0x79: {  	v24 =	vld [tilespmem:s8+$0x1D0];
	v18 =	vmul.f32 v18, v21  }
0x7a: {  	v25 =	vld [tilespmem:s8+$0x1E0];
	v19 =	vmul.f32 v19, v21  }
0x7b: {  	v38 =	vld [tilespmem:s8+$0x1F0];
	[tilespmem:s8+$0x180] =	vst v18;
	v18 =	vmul.f32 v20, v21  }
0x7c: {  	v39 =	vld [tilespmem:s8+$0x200];
	[tilespmem:s8+$0x190] =	vst v19;
	v19 =	vmul.f32 v22, v21  }
0x7d: {  	v40 =	vld [tilespmem:s8+$0x210];
	[tilespmem:s8+$0x1A0] =	vst v18;
	v18 =	vmul.f32 v23, v21  }
0x7e: {  	v41 =	vld [tilespmem:s8+$0x220];
	[tilespmem:s8+$0x1B0] =	vst v19;
	v19 =	vmul.f32 v24, v21  }
0x7f: {  	v26 =	vld [tilespmem:s8+$0x230];
	v42 =	vperm.xlane v17, v2;
	[tilespmem:s8+$0x1C0] =	vst v18;
	v18 =	vmul.f32 v25, v21  }
0x80: {  	v43 =	vld [tilespmem:s8+$0x240];
	[tilespmem:s8+$0x1D0] =	vst v19;
	v19 =	vmul.f32 v38, v21  }
0x81: {  	v44 =	vld [tilespmem:s8+$0x250];
	[tilespmem:s8+$0x1E0] =	vst v18;
	v18 =	vmul.f32 v39, v42  }
0x82: {  	v45 =	vld [tilespmem:s8+$0x260];
	[tilespmem:s8+$0x1F0] =	vst v19;
	v19 =	vmul.f32 v40, v42  }
0x83: {  	v46 =	vld [tilespmem:s8+$0x270];
	[tilespmem:s8+$0x200] =	vst v18;
	v18 =	vmul.f32 v41, v42  }
0x84: {  	v47 =	vld [tilespmem:s8+$0x280];
	[tilespmem:s8+$0x210] =	vst v19;
	v19 =	vmul.f32 v26, v42  }
0x85: {  	v48 =	vld [tilespmem:s8+$0x290];
	[tilespmem:s8+$0x220] =	vst v18;
	v18 =	vmul.f32 v43, v42  }
0x86: {  	v49 =	vld [tilespmem:s8+$0x2A0];
	[tilespmem:s8+$0x230] =	vst v19;
	v19 =	vmul.f32 v44, v42  }
0x87: {  	v51 =	vld [tilespmem:s8+$0x2B0];
	v50 =	vperm.xlane v17, v3;
	[tilespmem:s8+$0x240] =	vst v18;
	v18 =	vmul.f32 v45, v42  }
0x88: {  	v52 =	vld [tilespmem:s8+$0x2C0];
	[tilespmem:s8+$0x250] =	vst v19;
	v19 =	vmul.f32 v46, v42  }
0x89: {  	v53 =	vld [tilespmem:s8+$0x2D0];
	[tilespmem:s8+$0x260] =	vst v18;
	v18 =	vmul.f32 v47, v50  }
0x8a: {  	v54 =	vld [tilespmem:s8+$0x2E0];
	[tilespmem:s8+$0x270] =	vst v19;
	v19 =	vmul.f32 v48, v50  }
0x8b: {  	v55 =	vld [tilespmem:s8+$0x2F0];
	[tilespmem:s8+$0x280] =	vst v18;
	v18 =	vmul.f32 v49, v50  }
0x8c: {  	v56 =	vld [tilespmem:s8+$0x300];
	[tilespmem:s8+$0x290] =	vst v19;
	v19 =	vmul.f32 v51, v50  }
0x8d: {  	v57 =	vld [tilespmem:s8+$0x310];
	[tilespmem:s8+$0x2A0] =	vst v18;
	v18 =	vmul.f32 v52, v50  }
0x8e: {  	v58 =	vld [tilespmem:s8+$0x320];
	[tilespmem:s8+$0x2B0] =	vst v19;
	v19 =	vmul.f32 v53, v50  }
0x8f: {  	v60 =	vld [tilespmem:s8+$0x330];
	v59 =	vperm.xlane v17, v4;
	[tilespmem:s8+$0x2C0] =	vst v18;
	v18 =	vmul.f32 v54, v50  }
0x90: {  	v61 =	vld [tilespmem:s8+$0x340];
	[tilespmem:s8+$0x2D0] =	vst v19;
	v19 =	vmul.f32 v55, v50  }
0x91: {  	v62 =	vld [tilespmem:s8+$0x350];
	[tilespmem:s8+$0x2E0] =	vst v18;
	v18 =	vmul.f32 v56, v59  }
0x92: {  	v63 =	vld [tilespmem:s8+$0x360];
	[tilespmem:s8+$0x2F0] =	vst v19;
	v19 =	vmul.f32 v57, v59  }
0x93: {  	v28 =	vld [tilespmem:s8+$0x370];
	[tilespmem:s8+$0x300] =	vst v18;
	v18 =	vmul.f32 v58, v59  }
0x94: {  	v29 =	vld [tilespmem:s8+$0x380];
	[tilespmem:s8+$0x310] =	vst v19;
	v19 =	vmul.f32 v60, v59  }
0x95: {  	v30 =	vld [tilespmem:s8+$0x390];
	[tilespmem:s8+$0x320] =	vst v18;
	v18 =	vmul.f32 v61, v59  }
0x96: {  	v31 =	vld [tilespmem:s8+$0x3A0];
	[tilespmem:s8+$0x330] =	vst v19;
	v19 =	vmul.f32 v62, v59  }
0x97: {  	v33 =	vld [tilespmem:s8+$0x3B0];
	v32 =	vperm.xlane v17, v5;
	[tilespmem:s8+$0x340] =	vst v18;
	v18 =	vmul.f32 v63, v59  }
0x98: {  	v34 =	vld [tilespmem:s8+$0x3C0];
	[tilespmem:s8+$0x350] =	vst v19;
	v19 =	vmul.f32 v28, v59  }
0x99: {  	v35 =	vld [tilespmem:s8+$0x3D0];
	[tilespmem:s8+$0x360] =	vst v18;
	v18 =	vmul.f32 v29, v32  }
0x9a: {  	v36 =	vld [tilespmem:s8+$0x3E0];
	[tilespmem:s8+$0x370] =	vst v19;
	v19 =	vmul.f32 v30, v32  }
0x9b: {  	v37 =	vld [tilespmem:s8+$0x3F0];
	[tilespmem:s8+$0x380] =	vst v18;
	v18 =	vmul.f32 v31, v32  }
0x9c: {  	v38 =	vld [tilespmem:s8+$0x400];
	[tilespmem:s8+$0x390] =	vst v19;
	v19 =	vmul.f32 v33, v32  }
0x9d: {  	v39 =	vld [tilespmem:s8+$0x410];
	[tilespmem:s8+$0x3A0] =	vst v18;
	v18 =	vmul.f32 v34, v32  }
0x9e: {  	v40 =	vld [tilespmem:s8+$0x420];
	[tilespmem:s8+$0x3B0] =	vst v19;
	v19 =	vmul.f32 v35, v32  }
0x9f: {  	v41 =	vperm.xlane v17, v6;
	v42 =	vld [tilespmem:s8+$0x430];
	[tilespmem:s8+$0x3C0] =	vst v18;
	v18 =	vmul.f32 v36, v32  }
0xa0: {  	v43 =	vld [tilespmem:s8+$0x440];
	[tilespmem:s8+$0x3D0] =	vst v19;
	v19 =	vmul.f32 v37, v32  }
0xa1: {  	v44 =	vld [tilespmem:s8+$0x450];
	[tilespmem:s8+$0x3E0] =	vst v18;
	v18 =	vmul.f32 v38, v41  }
0xa2: {  	v45 =	vld [tilespmem:s8+$0x460];
	[tilespmem:s8+$0x3F0] =	vst v19;
	v19 =	vmul.f32 v39, v41  }
0xa3: {  	v46 =	vld [tilespmem:s8+$0x470];
	[tilespmem:s8+$0x400] =	vst v18;
	v18 =	vmul.f32 v40, v41  }
0xa4: {  	v47 =	vld [tilespmem:s8+$0x480];
	[tilespmem:s8+$0x410] =	vst v19;
	v19 =	vmul.f32 v42, v41  }
0xa5: {  	v48 =	vld [tilespmem:s8+$0x490];
	[tilespmem:s8+$0x420] =	vst v18;
	v18 =	vmul.f32 v43, v41  }
0xa6: {  	v49 =	vld [tilespmem:s8+$0x4A0];
	[tilespmem:s8+$0x430] =	vst v19;
	v19 =	vmul.f32 v44, v41  }
0xa7: {  	v51 =	vld [tilespmem:s8+$0x4B0];
	v50 =	vperm.xlane v17, v7;
	[tilespmem:s8+$0x440] =	vst v18;
	v18 =	vmul.f32 v45, v41  }
0xa8: {  	v52 =	vld [tilespmem:s8+$0x4C0];
	[tilespmem:s8+$0x450] =	vst v19;
	v19 =	vmul.f32 v46, v41  }
0xa9: {  	v53 =	vld [tilespmem:s8+$0x4D0];
	[tilespmem:s8+$0x460] =	vst v18;
	v18 =	vmul.f32 v47, v50  }
0xaa: {  	v54 =	vld [tilespmem:s8+$0x4E0];
	[tilespmem:s8+$0x470] =	vst v19;
	v19 =	vmul.f32 v48, v50  }
0xab: {  	v55 =	vld [tilespmem:s8+$0x4F0];
	[tilespmem:s8+$0x480] =	vst v18;
	v18 =	vmul.f32 v49, v50  }
0xac: {  	v56 =	vld [tilespmem:s8+$0x500];
	[tilespmem:s8+$0x490] =	vst v19;
	v19 =	vmul.f32 v51, v50  }
0xad: {  	v57 =	vld [tilespmem:s8+$0x510];
	[tilespmem:s8+$0x4A0] =	vst v18;
	v18 =	vmul.f32 v52, v50  }
0xae: {  	v58 =	vld [tilespmem:s8+$0x520];
	[tilespmem:s8+$0x4B0] =	vst v19;
	v19 =	vmul.f32 v53, v50  }
0xaf: {  	v60 =	vld [tilespmem:s8+$0x530];
	v59 =	vperm.xlane v17, v8;
	[tilespmem:s8+$0x4C0] =	vst v18;
	v18 =	vmul.f32 v54, v50  }
0xb0: {  	v61 =	vld [tilespmem:s8+$0x540];
	[tilespmem:s8+$0x4D0] =	vst v19;
	v19 =	vmul.f32 v55, v50  }
0xb1: {  	v62 =	vld [tilespmem:s8+$0x550];
	[tilespmem:s8+$0x4E0] =	vst v18;
	v18 =	vmul.f32 v56, v59  }
0xb2: {  	v63 =	vld [tilespmem:s8+$0x560];
	[tilespmem:s8+$0x4F0] =	vst v19;
	v19 =	vmul.f32 v57, v59  }
0xb3: {  	v28 =	vld [tilespmem:s8+$0x570];
	[tilespmem:s8+$0x500] =	vst v18;
	v18 =	vmul.f32 v58, v59  }
0xb4: {  	v29 =	vld [tilespmem:s8+$0x580];
	[tilespmem:s8+$0x510] =	vst v19;
	v19 =	vmul.f32 v60, v59  }
0xb5: {  	v30 =	vld [tilespmem:s8+$0x590];
	[tilespmem:s8+$0x520] =	vst v18;
	v18 =	vmul.f32 v61, v59  }
0xb6: {  	v31 =	vld [tilespmem:s8+$0x5A0];
	[tilespmem:s8+$0x530] =	vst v19;
	v19 =	vmul.f32 v62, v59  }
0xb7: {  	v33 =	vld [tilespmem:s8+$0x5B0];
	v32 =	vperm.xlane v17, v9;
	[tilespmem:s8+$0x540] =	vst v18;
	v18 =	vmul.f32 v63, v59  }
0xb8: {  	v34 =	vld [tilespmem:s8+$0x5C0];
	[tilespmem:s8+$0x550] =	vst v19;
	v19 =	vmul.f32 v28, v59  }
0xb9: {  	v35 =	vld [tilespmem:s8+$0x5D0];
	[tilespmem:s8+$0x560] =	vst v18;
	v18 =	vmul.f32 v29, v32  }
0xba: {  	v36 =	vld [tilespmem:s8+$0x5E0];
	[tilespmem:s8+$0x570] =	vst v19;
	v19 =	vmul.f32 v30, v32  }
0xbb: {  	v37 =	vld [tilespmem:s8+$0x5F0];
	[tilespmem:s8+$0x580] =	vst v18;
	v18 =	vmul.f32 v31, v32  }
0xbc: {  	v38 =	vld [tilespmem:s8+$0x600];
	[tilespmem:s8+$0x590] =	vst v19;
	v19 =	vmul.f32 v33, v32  }
0xbd: {  	v39 =	vld [tilespmem:s8+$0x610];
	[tilespmem:s8+$0x5A0] =	vst v18;
	v18 =	vmul.f32 v34, v32  }
0xbe: {  	v40 =	vld [tilespmem:s8+$0x620];
	[tilespmem:s8+$0x5B0] =	vst v19;
	v19 =	vmul.f32 v35, v32  }
0xbf: {  	v42 =	vld [tilespmem:s8+$0x630];
	v41 =	vperm.xlane v17, v10;
	[tilespmem:s8+$0x5C0] =	vst v18;
	v18 =	vmul.f32 v36, v32  }
0xc0: {  	v43 =	vld [tilespmem:s8+$0x640];
	[tilespmem:s8+$0x5D0] =	vst v19;
	v19 =	vmul.f32 v37, v32  }
0xc1: {  	v44 =	vld [tilespmem:s8+$0x650];
	[tilespmem:s8+$0x5E0] =	vst v18;
	v18 =	vmul.f32 v38, v41  }
0xc2: {  	v45 =	vld [tilespmem:s8+$0x660];
	[tilespmem:s8+$0x5F0] =	vst v19;
	v19 =	vmul.f32 v39, v41  }
0xc3: {  	v46 =	vld [tilespmem:s8+$0x670];
	[tilespmem:s8+$0x600] =	vst v18;
	v18 =	vmul.f32 v40, v41  }
0xc4: {  	v47 =	vld [tilespmem:s8+$0x680];
	[tilespmem:s8+$0x610] =	vst v19;
	v19 =	vmul.f32 v42, v41  }
0xc5: {  	v48 =	vld [tilespmem:s8+$0x690];
	[tilespmem:s8+$0x620] =	vst v18;
	v18 =	vmul.f32 v43, v41  }
0xc6: {  	v49 =	vld [tilespmem:s8+$0x6A0];
	[tilespmem:s8+$0x630] =	vst v19;
	v19 =	vmul.f32 v44, v41  }
0xc7: {  	v51 =	vld [tilespmem:s8+$0x6B0];
	v50 =	vperm.xlane v17, v11;
	[tilespmem:s8+$0x640] =	vst v18;
	v18 =	vmul.f32 v45, v41  }
0xc8: {  	v52 =	vld [tilespmem:s8+$0x6C0];
	[tilespmem:s8+$0x650] =	vst v19;
	v19 =	vmul.f32 v46, v41  }
0xc9: {  	v53 =	vld [tilespmem:s8+$0x6D0];
	[tilespmem:s8+$0x660] =	vst v18;
	v18 =	vmul.f32 v47, v50  }
0xca: {  	v54 =	vld [tilespmem:s8+$0x6E0];
	[tilespmem:s8+$0x670] =	vst v19;
	v19 =	vmul.f32 v48, v50  }
0xcb: {  	v55 =	vld [tilespmem:s8+$0x6F0];
	[tilespmem:s8+$0x680] =	vst v18;
	v18 =	vmul.f32 v49, v50  }
0xcc: {  	v56 =	vld [tilespmem:s8+$0x700];
	[tilespmem:s8+$0x690] =	vst v19;
	v19 =	vmul.f32 v51, v50  }
0xcd: {  	v57 =	vld [tilespmem:s8+$0x710];
	[tilespmem:s8+$0x6A0] =	vst v18;
	v18 =	vmul.f32 v52, v50  }
0xce: {  	v58 =	vld [tilespmem:s8+$0x720];
	[tilespmem:s8+$0x6B0] =	vst v19;
	v19 =	vmul.f32 v53, v50  }
0xcf: {  	v60 =	vld [tilespmem:s8+$0x730];
	v59 =	vperm.xlane v17, v12;
	[tilespmem:s8+$0x6C0] =	vst v18;
	v18 =	vmul.f32 v54, v50  }
0xd0: {  	v61 =	vld [tilespmem:s8+$0x740];
	[tilespmem:s8+$0x6D0] =	vst v19;
	v19 =	vmul.f32 v55, v50  }
0xd1: {  	v62 =	vld [tilespmem:s8+$0x750];
	[tilespmem:s8+$0x6E0] =	vst v18;
	v18 =	vmul.f32 v56, v59  }
0xd2: {  	v63 =	vld [tilespmem:s8+$0x760];
	[tilespmem:s8+$0x6F0] =	vst v19;
	v19 =	vmul.f32 v57, v59  }
0xd3: {  	v28 =	vld [tilespmem:s8+$0x770];
	[tilespmem:s8+$0x700] =	vst v18;
	v18 =	vmul.f32 v58, v59  }
0xd4: {  	v29 =	vld [tilespmem:s8+$0x780];
	[tilespmem:s8+$0x710] =	vst v19;
	v19 =	vmul.f32 v60, v59  }
0xd5: {  	v30 =	vld [tilespmem:s8+$0x790];
	[tilespmem:s8+$0x720] =	vst v18;
	v18 =	vmul.f32 v61, v59  }
0xd6: {  	v31 =	vld [tilespmem:s8+$0x7A0];
	[tilespmem:s8+$0x730] =	vst v19;
	v19 =	vmul.f32 v62, v59  }
0xd7: {  	v33 =	vld [tilespmem:s8+$0x7B0];
	v32 =	vperm.xlane v17, v13;
	[tilespmem:s8+$0x740] =	vst v18;
	v18 =	vmul.f32 v63, v59  }
0xd8: {  	v34 =	vld [tilespmem:s8+$0x7C0];
	[tilespmem:s8+$0x750] =	vst v19;
	v19 =	vmul.f32 v28, v59  }
0xd9: {  	v35 =	vld [tilespmem:s8+$0x7D0];
	[tilespmem:s8+$0x760] =	vst v18;
	v18 =	vmul.f32 v29, v32  }
0xda: {  	v36 =	vld [tilespmem:s8+$0x7E0];
	[tilespmem:s8+$0x770] =	vst v19;
	v19 =	vmul.f32 v30, v32  }
0xdb: {  	v37 =	vld [tilespmem:s8+$0x7F0];
	[tilespmem:s8+$0x780] =	vst v18;
	v18 =	vmul.f32 v31, v32  }
0xdc: {  	v38 =	vld [tilespmem:s8+$0x800];
	[tilespmem:s8+$0x790] =	vst v19;
	v19 =	vmul.f32 v33, v32  }
0xdd: {  	v39 =	vld [tilespmem:s8+$0x810];
	[tilespmem:s8+$0x7A0] =	vst v18;
	v18 =	vmul.f32 v34, v32  }
0xde: {  	v40 =	vld [tilespmem:s8+$0x820];
	[tilespmem:s8+$0x7B0] =	vst v19;
	v19 =	vmul.f32 v35, v32  }
0xdf: {  	v42 =	vld [tilespmem:s8+$0x830];
	v41 =	vperm.xlane v17, v14;
	[tilespmem:s8+$0x7C0] =	vst v18;
	v18 =	vmul.f32 v36, v32  }
0xe0: {  	v43 =	vld [tilespmem:s8+$0x840];
	[tilespmem:s8+$0x7D0] =	vst v19;
	v19 =	vmul.f32 v37, v32  }
0xe1: {  	v44 =	vld [tilespmem:s8+$0x850];
	[tilespmem:s8+$0x7E0] =	vst v18;
	v18 =	vmul.f32 v38, v41  }
0xe2: {  	v45 =	vld [tilespmem:s8+$0x860];
	[tilespmem:s8+$0x7F0] =	vst v19;
	v19 =	vmul.f32 v39, v41  }
0xe3: {  	v46 =	vld [tilespmem:s8+$0x870];
	[tilespmem:s8+$0x800] =	vst v18;
	v18 =	vmul.f32 v40, v41  }
0xe4: {  	v47 =	vld [tilespmem:s8+$0x880];
	[tilespmem:s8+$0x810] =	vst v19;
	v19 =	vmul.f32 v42, v41  }
0xe5: {  	v48 =	vld [tilespmem:s8+$0x890];
	[tilespmem:s8+$0x820] =	vst v18;
	v18 =	vmul.f32 v43, v41  }
0xe6: {  	v49 =	vld [tilespmem:s8+$0x8A0];
	[tilespmem:s8+$0x830] =	vst v19;
	v19 =	vmul.f32 v44, v41  }
0xe7: {  	v51 =	vld [tilespmem:s8+$0x8B0];
	v50 =	vperm.xlane v17, v15;
	[tilespmem:s8+$0x840] =	vst v18;
	v18 =	vmul.f32 v45, v41  }
0xe8: {  	v52 =	vld [tilespmem:s8+$0x8C0];
	[tilespmem:s8+$0x850] =	vst v19;
	v19 =	vmul.f32 v46, v41  }
0xe9: {  	v53 =	vld [tilespmem:s8+$0x8D0];
	[tilespmem:s8+$0x860] =	vst v18;
	v18 =	vmul.f32 v47, v50  }
0xea: {  	v54 =	vld [tilespmem:s8+$0x8E0];
	[tilespmem:s8+$0x870] =	vst v19;
	v19 =	vmul.f32 v48, v50  }
0xeb: {  	v55 =	vld [tilespmem:s8+$0x8F0];
	[tilespmem:s8+$0x880] =	vst v18;
	v18 =	vmul.f32 v49, v50  }
0xec: {  	v56 =	vld [tilespmem:s8+$0x900];
	[tilespmem:s8+$0x890] =	vst v19;
	v19 =	vmul.f32 v51, v50  }
0xed: {  	v57 =	vld [tilespmem:s8+$0x910];
	[tilespmem:s8+$0x8A0] =	vst v18;
	v18 =	vmul.f32 v52, v50  }
0xee: {  	v58 =	vld [tilespmem:s8+$0x920];
	[tilespmem:s8+$0x8B0] =	vst v19;
	v19 =	vmul.f32 v53, v50  }
0xef: {  	v17 =	vperm.xlane v17, v16;
	v59 =	vld [tilespmem:s8+$0x930];
	[tilespmem:s8+$0x8C0] =	vst v18;
	v18 =	vmul.f32 v54, v50  }
0xf0: {  	v60 =	vld [tilespmem:s8+$0x940];
	[tilespmem:s8+$0x8D0] =	vst v19;
	v19 =	vmul.f32 v55, v50  }
0xf1: {  	v61 =	vld [tilespmem:s8+$0x950];
	[tilespmem:s8+$0x8E0] =	vst v18;
	v18 =	vmul.f32 v56, v17  }
0xf2: {  	v62 =	vld [tilespmem:s8+$0x960];
	[tilespmem:s8+$0x8F0] =	vst v19;
	v19 =	vmul.f32 v57, v17  }
0xf3: {  	v63 =	vld [tilespmem:s8+$0x970];
	[tilespmem:s8+$0x900] =	vst v18;
	v18 =	vmul.f32 v58, v17  }
0xf4: {  	[tilespmem:s8+$0x910] =	vst v19;
	v19 =	vmul.f32 v59, v17  }
0xf5: {  	p0 =	sne.s32 s5, $0x7;
	[tilespmem:s8+$0x920] =	vst v18;
	v18 =	vmul.f32 v60, v17  }
.Ltmp1:
0xf6: {  	[tilespmem:s8+$0x930] =	vst v19;
	v19 =	vmul.f32 v61, v17;
	(pc) =	sbr.rel @p0 .LBB2_5-.Ltmp1, $4  }
0xf7: {  	[tilespmem:s8+$0x940] =	vst v18;
	v18 =	vmul.f32 v62, v17  }
0xf8: {  	[tilespmem:s8+$0x950] =	vst v19;
	v17 =	vmul.f32 v63, v17  }
0xf9: {  	[tilespmem:s8+$0x960] =	vst v18  }
0xfa: {  	s5 =	sadd.s32 $0x1, s5;
	[tilespmem:s8+$0x970] =	vst v17  }
0xfb: {  	s22 =	sadd.s32 $0x1, s22  }
0xfc: {  	p0 =	sne.s32 s22, s14  }
.Ltmp2:
0xfd: {  	_ = 	snop;
	(pc) =	sbr.rel @p0 .LBB2_4-.Ltmp2, $4  }
0xfe: {  	[spmem:s3] =	stream.indirect.scatter.add.f32 [tilespmem:s28], [sflag:$0x2], $0x80, s25, s25, $0xb8;
	[tilespmem:$0x1BA80] =	vst v63  }
0xff: {  	_ =	swait.ge [sflag:s23], $0x4000  }
0x100: {  	[sflag:s23] =	ssyncset.done $0x0  }
0x101: {  	[sflag:s23] =	ssyncadd.s32 $0xFFFFC000  }
0x102: {  	s4 =	stileid.u32  }
0x103: {  	s4 =	sshll.u32 s4, $0x6  }
0x104: {  	[bflag:$0x0] =	sbarrier.arrive $0xFFFF;
	s5 =	sshrl.u32 s9, $0x3;
	s4 =	sor.u32 $0x1C02, s4  }
0x105: {  	[hbm:s16@s30], [sflag:s4] =	dma.strided [spmem:s5@s31], $0x7D0, s29, $0x10   }
0x106: {  	_ =	swait.ge [sflag:s23], $0x7D0  }
0x107: {  	[sflag:s23] =	ssyncset.done $0x0  }
0x108: {  	s8 =	sshrl.u32 s10, $0x3;
	[sflag:s23] =	ssyncadd.s32 $0xFFFFF830  }
0x109: {  	[hbm:s17@s30], [sflag:s4] =	dma.strided [spmem:s8@s31], $0x7D0, s29, $0x10   }
0x10a: {  	_ =	swait.ge [sflag:s23], $0x7D0  }
0x10b: {  	[sflag:s23] =	ssyncset.done $0x0  }
0x10c: {  	s22 =	sshrl.u32 s11, $0x3;
	[sflag:s23] =	ssyncadd.s32 $0xFFFFF830  }
0x10d: {  	[hbm:s18@s30], [sflag:s4] =	dma.strided [spmem:s22@s31], $0x7D0, s29, $0x10   }
0x10e: {  	_ =	swait.ge [sflag:s23], $0x7D0  }
0x10f: {  	[sflag:s23] =	ssyncset.done $0x0  }
0x110: {  	s8 =	sshrl.u32 s12, $0x3;
	[sflag:s23] =	ssyncadd.s32 $0xFFFFF830  }
0x111: {  	[hbm:s19@s30], [sflag:s4] =	dma.strided [spmem:s8@s31], $0x7D0, s29, $0x10   }
0x112: {  	s0 =	sadd.s32 $0x1, s0;
	_ =	swait.ge [sflag:s23], $0x7D0  }
0x113: {  	p0 =	sne.s32 s0, s21;
	[sflag:s23] =	ssyncset.done $0x0  }
.Ltmp3:
0x114: {  	s22 =	sshrl.u32 s13, $0x3;
	[sflag:s23] =	ssyncadd.s32 $0xFFFFF830;
	(pc) =	sbr.rel @p0 .LBB2_1-.Ltmp3, $4  }
0x115: {  	[hbm:s20@s30], [sflag:s4] =	dma.strided [spmem:s22@s31], $0x7D0, s29, $0x10   }
0x116: {  	_ =	swait.ge [sflag:s23], $0x7D0  }
0x117: {  	[sflag:s23] =	ssyncset.done $0x0  }
0x118: {  	[sflag:s23] =	ssyncadd.s32 $0xFFFFF830  }
0x119: {  	_ =	sfence.sel $0x180000  }
0x11a: {  	[bflag:$0x0] =	sbarrier.arrive $0xFFFF  }
0x11b: {  	_ =	strace $0x90000047  }
0x11c: {  	s0 =	stileid.u32;
	[bflag:$0x2] =	sbarrier.arrive $0xFFFF  }
0x11d: {  	p0 =	sne.s32 s0, $0x0;
	s0 =	rddreg [dreg:$0x5]  }
0x11e: {  	s0 =	sadd.s32 @!p0 $0x100000, s0  }
0x11f: {  	[sflag:s0] =	ssyncadd.tile.s32 @!p0 $0x1;
	_ =	shalt  }
.Lfunc_end2:
_tile_overlayer_lowered:
.L_overlay_start_2:
0x120: {  	(tag) =	ssettag $0x2  }
0x121: {  	s0 =	rddreg [dreg:$0x0];
	s2 =	stileid.u32  }
0x122: {  	s1 =	rddreg [dreg:$0x1];
	p0 =	sne.s32 s2, $0x0  }
0x123: {  	s3 =	rddreg [dreg:$0x2];
	[bflag:$0x3] =	sbarrier.arrive $0xFFFF;
	s2 =	simm.s32 @!p0 $0x1C02  }
0x124: {  	[timem:s3], [sflag:s2] =	dma.local @!p0 [hbm:s0], s1  }
0x125: {  	s0 =	simm.s32 @!p0 $0x2  }
0x126: {  	_ =	swait.ge @!p0 [sflag:s0], s1  }
0x127: {  	s1 =	ssub.s32 @!p0 $0x0, s1;
	[sflag:s0] =	ssyncset.done @!p0 $0x0  }
0x128: {  	[sflag:s0] =	ssyncadd.s32 @!p0 s1  }
0x129: {  	[bflag:$0x3] =	sbarrier.arrive $0xFFFF  }
0x12a: {  	_ =	shalt  }

</sc_bundles>
